<compile_context>
chip_gen: v7x
topology: tpu7x:2x2x1
jax: 0.10.2.dev20260603
libtpu: 0.0.44.dev20260713+nightly
codegen_flags: <defaults>
</compile_context>

<pallas_src>
import functools

import jax
import jax.numpy as jnp
import numpy as np
from jax import lax
from jax.experimental import pallas as pl
from jax.experimental.pallas import tpu as pltpu
from jax.experimental.pallas import tpu_sc as plsc

N = 3276800
NTILES = 32
PER_TILE = N // NTILES
PIECE = 2048
NPIECES = PER_TILE // PIECE

BP_BITS = 14
BP = 1 << BP_BITS
BT = 1 << 15
CP = BP // 32
CT = BT // 32

LN2 = 0.6931471805599453

_f = 1.0 / np.log2(np.arange(N, dtype=np.float64) + 2.0)
_phi = np.zeros(N + 16, dtype=np.float64)
_phi[1:N + 1] = np.cumsum(_f)
_phi[N + 1:] = _phi[N]
_PHI = _phi.astype(np.float32)

_mesh = plsc.VectorSubcoreMesh(core_axis_name="c", subcore_axis_name="s")

f32 = jnp.float32
i32 = jnp.int32


def _zero_ref(ref, size):
    z = jnp.zeros((16,), f32)

    def body(i, _):
        ref[pl.ds(i * 16, 16)] = z
        return 0

    lax.fori_loop(0, size // 16, body, 0, unroll=4)


@functools.partial(
    pl.kernel,
    out_type=(
        jax.ShapeDtypeStruct((NTILES, BP), f32),
        jax.ShapeDtypeStruct((NTILES, BP), f32),
        jax.ShapeDtypeStruct((NTILES, BT), f32),
        jax.ShapeDtypeStruct((NTILES, BT), f32),
    ),
    mesh=_mesh,
    scratch_types=[
        pltpu.VMEM((BP,), f32),
        pltpu.VMEM((BP,), f32),
        pltpu.VMEM((BT,), f32),
        pltpu.VMEM((BT,), f32),
        pltpu.VMEM((2, PIECE), i32),
        pltpu.VMEM((2, PIECE), f32),
        pltpu.SemaphoreType.DMA,
        pltpu.SemaphoreType.DMA,
    ],
    compiler_params=pltpu.CompilerParams(needs_layout_passes=False),
)
def _hist_kernel(pbits, targs, ocp, ogp, oct_, ogt, hcp, hgp, hct, hgt,
                 pbuf, tbuf, sem0, sem1):
    cid = lax.axis_index("c")
    sid = lax.axis_index("s")
    wid = sid * 2 + cid
    base = wid * PER_TILE
    sems = (sem0, sem1)

    _zero_ref(hcp, BP)
    _zero_ref(hgp, BP)
    _zero_ref(hct, BT)
    _zero_ref(hgt, BT)

    ones = jnp.ones((16,), f32)

    def start(pi, b):
        off = base + pi * PIECE
        pltpu.async_copy(pbits.at[pl.ds(off, PIECE)], pbuf.at[b], sems[b])
        pltpu.async_copy(targs.at[pl.ds(off, PIECE)], tbuf.at[b], sems[b])

    start(0, 0)
    start(1, 1)

    def super_body(si, _):
        for b in range(2):
            pi = si * 2 + b
            pltpu.make_async_copy(pbits.at[pl.ds(0, PIECE)], pbuf.at[b],
                                  sems[b]).wait()
            pltpu.make_async_copy(targs.at[pl.ds(0, PIECE)], tbuf.at[b],
                                  sems[b]).wait()

            @plsc.parallel_loop(0, PIECE // 16, unroll=4)
            def vec_body(vi, b=b):
                u = pbuf[b, pl.ds(vi * 16, 16)]
                t = tbuf[b, pl.ds(vi * 16, 16)]
                dkey = jnp.where(u < 0, u,
                                 jnp.bitwise_and(jnp.bitwise_not(u),
                                                 jnp.int32(0x7FFFFFFF)))
                bp_idx = lax.shift_right_logical(dkey, 32 - BP_BITS)
                ti = jnp.clip((t * f32(BT)).astype(i32), 0, BT - 1)
                bt_idx = (BT - 1) - ti
                g = jnp.exp(t * f32(LN2)) - 1.0
                plsc.addupdate_scatter(hcp, [bp_idx], ones)
                plsc.addupdate_scatter(hgp, [bp_idx], g)
                plsc.addupdate_scatter(hct, [bt_idx], ones)
                plsc.addupdate_scatter(hgt, [bt_idx], g)

            @pl.when(pi + 2 < NPIECES)
            def _(pi=pi, b=b):
                start(pi + 2, b)
        return 0

    lax.fori_loop(0, NPIECES // 2, super_body, 0)

    pltpu.sync_copy(hcp, ocp.at[wid])
    pltpu.sync_copy(hgp, ogp.at[wid])
    pltpu.sync_copy(hct, oct_.at[wid])
    pltpu.sync_copy(hgt, ogt.at[wid])


def _reduce_rows(buf, acc, width):

    def body(vi, _):
        s = jnp.zeros((16,), f32)
        for r in range(NTILES):
            s = s + buf[r, pl.ds(vi * 16, 16)]
        acc[pl.ds(vi * 16, 16)] = s
        return 0

    lax.fori_loop(0, width // 16, body, 0)


def _vec_total(acc, width):

    def body(vi, s):
        return s + acc[pl.ds(vi * 16, 16)]

    return lax.fori_loop(0, width // 16, body, jnp.zeros((16,), f32))


def _prefix_and_index(acc_c, sidx_a, width, off):

    def body(vi, carry):
        c = acc_c[pl.ds(vi * 16, 16)]
        inc = plsc.cumsum(c)
        excl = inc - c + carry
        sidx_a[pl.ds(vi * 16, 16)] = excl.astype(i32)
        return carry + jnp.sum(c)

    end = lax.fori_loop(0, width // 16, body, off)
    endv = jnp.full((16,), 1.0, f32) * end
    for j in range(8):
        sidx_a[pl.ds(width + j * 16, 16)] = endv.astype(i32)


def _fire_gather_phi(phi, sidx, dst, width, sem):
    return [pltpu.async_copy(phi.at[sidx.at[pl.ds(j * 128, 128)]],
                             dst.at[pl.ds(j * 128, 128)], sem)
            for j in range(width // 128)]


def _dcg_accum(acc_c, acc_g, phi_a, width):
    def body(vi, s):
        sl = pl.ds(vi * 16, 16)
        c = acc_c[sl]
        g = acc_g[sl]
        pb = phi_a[pl.ds(vi * 16 + 1, 16)]
        w = (pb - phi_a[sl]) / jnp.maximum(c, 1.0)
        return s + g * w

    return lax.fori_loop(0, width // 16, body, jnp.zeros((16,), f32))


@functools.partial(
    pl.kernel,
    out_type=(
        jax.ShapeDtypeStruct((BP,), f32),
        jax.ShapeDtypeStruct((BP,), f32),
        jax.ShapeDtypeStruct((BT,), f32),
        jax.ShapeDtypeStruct((BT,), f32),
        jax.ShapeDtypeStruct((32, 32), f32),
    ),
    mesh=_mesh,
    scratch_types=[
        pltpu.VMEM((NTILES, CP), f32),
        pltpu.VMEM((NTILES, CT), f32),
        pltpu.VMEM((CP,), f32),
        pltpu.VMEM((CP,), f32),
        pltpu.VMEM((CT,), f32),
        pltpu.VMEM((CT,), f32),
        pltpu.VMEM((32,), f32),
    ],
    compiler_params=pltpu.CompilerParams(needs_layout_passes=False),
)
def _merge_kernel(hcp, hgp, hct, hgt, ocp, ogp, oct_, ogt, otot,
                  buf_p, buf_t, czp, gzp, czt, gzt, pub):
    cid = lax.axis_index("c")
    sid = lax.axis_index("s")
    wid = sid * 2 + cid

    pltpu.sync_copy(hcp.at[:, pl.ds(wid * CP, CP)], buf_p)
    _reduce_rows(buf_p, czp, CP)
    pltpu.sync_copy(hgp.at[:, pl.ds(wid * CP, CP)], buf_p)
    _reduce_rows(buf_p, gzp, CP)
    pltpu.sync_copy(hct.at[:, pl.ds(wid * CT, CT)], buf_t)
    _reduce_rows(buf_t, czt, CT)
    pltpu.sync_copy(hgt.at[:, pl.ds(wid * CT, CT)], buf_t)
    _reduce_rows(buf_t, gzt, CT)
    pltpu.sync_copy(czp, ocp.at[pl.ds(wid * CP, CP)])
    pltpu.sync_copy(gzp, ogp.at[pl.ds(wid * CP, CP)])
    pltpu.sync_copy(czt, oct_.at[pl.ds(wid * CT, CT)])
    pltpu.sync_copy(gzt, ogt.at[pl.ds(wid * CT, CT)])
    pub[pl.ds(0, 16)] = _vec_total(czp, CP)
    pub[pl.ds(16, 16)] = _vec_total(czt, CT)
    pltpu.sync_copy(pub, otot.at[wid])


@functools.partial(
    pl.kernel,
    out_type=(
        jax.ShapeDtypeStruct((32, 16), f32),
        jax.ShapeDtypeStruct((32, 16), f32),
    ),
    mesh=_mesh,
    scratch_types=[
        pltpu.VMEM((CP,), f32),
        pltpu.VMEM((CP,), f32),
        pltpu.VMEM((CT,), f32),
        pltpu.VMEM((CT,), f32),
        pltpu.VMEM((CP + 128,), i32),
        pltpu.VMEM((CT + 128,), i32),
        pltpu.VMEM((CP + 128,), f32),
        pltpu.VMEM((CT + 128,), f32),
        pltpu.VMEM((32, 32), f32),
        pltpu.VMEM((16,), f32),
        pltpu.SemaphoreType.DMA,
    ],
    compiler_params=pltpu.CompilerParams(needs_layout_passes=False),
)
def _rank_kernel(cph, gph, cth, gth, tot, phi, odp, odt,
                 czp, gzp, czt, gzt,
                 sidx_pa, sidx_ta, phi_pa, phi_ta,
                 totals, orow, sem):
    cid = lax.axis_index("c")
    sid = lax.axis_index("s")
    wid = sid * 2 + cid

    pltpu.sync_copy(tot, totals)
    offp_v = jnp.zeros((16,), f32)
    offt_v = jnp.zeros((16,), f32)
    for r in range(32):
        flag = jnp.where(r < wid, f32(1.0), f32(0.0))
        offp_v = offp_v + totals[r, pl.ds(0, 16)] * flag
        offt_v = offt_v + totals[r, pl.ds(16, 16)] * flag
    offp = jnp.sum(offp_v)
    offt = jnp.sum(offt_v)

    loads = [
        pltpu.async_copy(cph.at[pl.ds(wid * CP, CP)], czp, sem),
        pltpu.async_copy(gph.at[pl.ds(wid * CP, CP)], gzp, sem),
        pltpu.async_copy(cth.at[pl.ds(wid * CT, CT)], czt, sem),
        pltpu.async_copy(gth.at[pl.ds(wid * CT, CT)], gzt, sem),
    ]
    for c in loads:
        c.wait()

    _prefix_and_index(czp, sidx_pa, CP, offp)
    _prefix_and_index(czt, sidx_ta, CT, offt)
    copies = (
        _fire_gather_phi(phi, sidx_pa, phi_pa, CP + 128, sem)
        + _fire_gather_phi(phi, sidx_ta, phi_ta, CT + 128, sem)
    )
    for c in copies:
        c.wait()

    orow[...] = _dcg_accum(czp, gzp, phi_pa, CP)
    pltpu.sync_copy(orow, odp.at[wid])
    orow[...] = _dcg_accum(czt, gzt, phi_ta, CT)
    pltpu.sync_copy(orow, odt.at[wid])


ROWS = N // 128
BROWS = 512
GRID = ROWS // BROWS


def _bce_body(p_ref, t_ref, out_ref, acc_ref):
    i = pl.program_id(0)

    @pl.when(i == 0)
    def _():
        acc_ref[0] = f32(0.0)

    x = p_ref[...]
    t = t_ref[...]
    bce = jnp.sum(jnp.maximum(x, 0.0) - x * t + jnp.log1p(jnp.exp(-jnp.abs(x))))
    acc_ref[0] += bce

    @pl.when(i == GRID - 1)
    def _():
        out_ref[0, 0] = acc_ref[0]


_bce_call = pl.pallas_call(
    _bce_body,
    grid=(GRID,),
    in_specs=[
        pl.BlockSpec((BROWS, 128), lambda i: (i, 0)),
        pl.BlockSpec((BROWS, 128), lambda i: (i, 0)),
    ],
    out_specs=pl.BlockSpec(memory_space=pltpu.SMEM),
    out_shape=jax.ShapeDtypeStruct((1, 1), f32),
    scratch_shapes=[pltpu.SMEM((1,), f32)],
)


def _combine_body(dp_ref, dt_ref, bce_ref, out_ref):
    dcg = jnp.sum(dp_ref[...])
    ideal = jnp.sum(dt_ref[...])
    xe = bce_ref[0, 0] / f32(N)
    ndcg = dcg / (ideal + f32(1e-8))
    out_ref[0, 0] = xe * (1.0 - ndcg)


_combine_call = pl.pallas_call(
    _combine_body,
    in_specs=[
        pl.BlockSpec((32, 16), lambda: (0, 0)),
        pl.BlockSpec((32, 16), lambda: (0, 0)),
        pl.BlockSpec(memory_space=pltpu.SMEM),
    ],
    out_specs=pl.BlockSpec(memory_space=pltpu.SMEM),
    out_shape=jax.ShapeDtypeStruct((1, 1), f32),
)


def kernel(predictions, targets):
    pbits = lax.bitcast_convert_type(predictions, i32)
    bce = _bce_call(predictions.reshape(ROWS, 128),
                    targets.reshape(ROWS, 128))
    cp, gp, ct, gt = _hist_kernel(pbits, targets)
    cpm, gpm, ctm, gtm, tot = _merge_kernel(cp, gp, ct, gt)
    dp, dt = _rank_kernel(cpm, gpm, ctm, gtm, tot, _PHI)
    out = _combine_call(dp, dt, bce)
    return out.reshape(())

# --- scband reference (transcript-rebuilt; emitter-appended) ---
"""Pipeline reference for scband-xendcgloss-36799279792869 (READ-ONLY COPY).

The authoritative reference and input builder live on the scoring server;
editing this copy changes nothing except your own understanding.
"""

import jax, jax.numpy as jnp
import numpy as np

N = 3276800  # RECSYS: batch=16384 * hist_len=200 flattened into one ranking list


def setup_inputs(seed: int = 0) -> dict:
    key = jax.random.key(seed)
    k1, k2 = jax.random.split(key)
    predictions = jax.random.normal(k1, (N,), dtype=jnp.float32)
    targets = jax.random.uniform(k2, (N,), dtype=jnp.float32)
    return {"predictions": predictions, "targets": targets}


def _dcg(scores):
    gains = 2.0 ** scores - 1.0
    discounts = jnp.log2(jnp.arange(scores.shape[0], dtype=jnp.float32) + 2.0)
    return jnp.sum(gains / discounts)


def _ndcg(predictions, targets, k=None):
    if k is not None:
        predictions = predictions[:k]
        targets = targets[:k]
    sorted_preds_indices = jnp.argsort(-predictions)  # descending
    sorted_targets_by_preds = targets[sorted_preds_indices]
    ideal_sorted_targets = -jnp.sort(-targets)  # descending
    dcg_val = _dcg(sorted_targets_by_preds)
    ideal_dcg_val = _dcg(ideal_sorted_targets)
    return dcg_val / (ideal_dcg_val + 1e-08)


def reference(predictions, targets):
    x = predictions
    t = targets
    # binary_cross_entropy_with_logits, reduction='mean'
    xe_loss = jnp.mean(jnp.maximum(x, 0.0) - x * t + jnp.log1p(jnp.exp(-jnp.abs(x))))
    pred_scores = jax.nn.sigmoid(predictions)
    ndcg_weight = _ndcg(pred_scores, jax.lax.stop_gradient(targets), k=None)
    loss = xe_loss * (1.0 - ndcg_weight)
    return loss

if __name__ == "__main__":
    import jax
    _d = setup_inputs()
    print(jax.jit(kernel)(*tuple(_d.values())))

</pallas_src>

<mosaic_0001>
#map = affine_map<(d0, d1) -> (0)>
#map1 = affine_map<(d0, d1) -> (0, 0)>
module attributes {stable_mosaic.version = 14 : i64} {
  func.func @_rank_kernel(%arg0: i32, %arg1: i32, %arg2: memref<16384xf32, #tpu.memory_space<hbm>>, %arg3: memref<16384xf32, #tpu.memory_space<hbm>>, %arg4: memref<32768xf32, #tpu.memory_space<hbm>>, %arg5: memref<32768xf32, #tpu.memory_space<hbm>>, %arg6: memref<32x32xf32, #tpu.memory_space<hbm>>, %arg7: memref<3276816xf32, #tpu.memory_space<hbm>>, %arg8: memref<32x16xf32, #tpu.memory_space<hbm>>, %arg9: memref<32x16xf32, #tpu.memory_space<hbm>>, %arg10: memref<512xf32, #tpu.memory_space<vmem>>, %arg11: memref<512xf32, #tpu.memory_space<vmem>>, %arg12: memref<1024xf32, #tpu.memory_space<vmem>>, %arg13: memref<1024xf32, #tpu.memory_space<vmem>>, %arg14: memref<640xi32, #tpu.memory_space<vmem>>, %arg15: memref<1152xi32, #tpu.memory_space<vmem>>, %arg16: memref<640xf32, #tpu.memory_space<vmem>>, %arg17: memref<1152xf32, #tpu.memory_space<vmem>>, %arg18: memref<32x32xf32, #tpu.memory_space<vmem>>, %arg19: memref<16xf32, #tpu.memory_space<vmem>>, %arg20: memref<!tpu.dma_semaphore, #tpu.memory_space<semaphore_mem>>) attributes {dimension_semantics = [#tpu.dimension_semantics<core_parallel>, #tpu.dimension_semantics<subcore_parallel>], iteration_bounds = array<i64: 2, 16>, scalar_prefetch = 0 : i64, scratch_operands = 11 : i64, tpu.core_type = #tpu.core_type<sc_vector_subcore>, window_params = [{transform_indices = #map}, {transform_indices = #map}, {transform_indices = #map}, {transform_indices = #map}, {transform_indices = #map1}, {transform_indices = #map}, {transform_indices = #map1}, {transform_indices = #map1}]} {
    %mul3A = arith.constant 2 : i32
    %mul3A_0 = arith.muli %arg1, %mul3A : i32
    %add3A = arith.addi %mul3A_0, %arg0 : i32
    "tpu.region"() ({
      %run_scoped3A = tpu.sem_alloc : memref<!tpu.dma_semaphore, #tpu.memory_space<semaphore_mem>>
      tpu.enqueue_dma source(%arg6 : memref<32x32xf32, #tpu.memory_space<hbm>>) target(%arg18 : memref<32x32xf32, #tpu.memory_space<vmem>>) target_semaphore(%run_scoped3A : memref<!tpu.dma_semaphore, #tpu.memory_space<semaphore_mem>>)
      tpu.wait_dma2 semaphore(%run_scoped3A : memref<!tpu.dma_semaphore, #tpu.memory_space<semaphore_mem>>) src(%arg6 : memref<32x32xf32, #tpu.memory_space<hbm>>) dst(%arg18 : memref<32x32xf32, #tpu.memory_space<vmem>>)
      tpu.yield
    }) : () -> ()
    %broadcast_in_dim3A = arith.constant 0.000000e+00 : f32
    %broadcast_in_dim3A_1 = vector.broadcast %broadcast_in_dim3A : f32 to vector<16xf32>
    %broadcast_in_dim3A_2 = arith.constant 0.000000e+00 : f32
    %broadcast_in_dim3A_3 = vector.broadcast %broadcast_in_dim3A_2 : f32 to vector<16xf32>
    %gt3A = arith.constant 0 : i32
    %gt3A_4 = arith.cmpi sgt, %add3A, %gt3A : i32
    %jit3A = arith.constant 1.000000e+00 : f32
    %jit3A_5 = arith.constant 0.000000e+00 : f32
    %select_n3A = arith.select %gt3A_4, %jit3A, %jit3A_5 : f32
    %get3A = arith.constant 0 : i32
    %get3A_6 = arith.index_cast %get3A : i32 to index
    %get3A_7 = arith.constant 0 : index
    %get3A_8 = tpu.vector_load %arg18[%get3A_6, %get3A_7] {strides = array<i32>} : memref<32x32xf32, #tpu.memory_space<vmem>>, vector<16xf32>,
    %mul3A_9 = vector.broadcast %select_n3A : f32 to vector<16xf32>
    %mul3A_10 = arith.mulf %get3A_8, %mul3A_9 : vector<16xf32>
    %add3A_11 = arith.addf %broadcast_in_dim3A_1, %mul3A_10 : vector<16xf32>
    %get3A_12 = arith.constant 0 : i32
    %get3A_13 = arith.index_cast %get3A_12 : i32 to index
    %get3A_14 = arith.constant 16 : index
    %get3A_15 = tpu.vector_load %arg18[%get3A_13, %get3A_14] {strides = array<i32>} : memref<32x32xf32, #tpu.memory_space<vmem>>, vector<16xf32>,
    %mul3A_16 = vector.broadcast %select_n3A : f32 to vector<16xf32>
    %mul3A_17 = arith.mulf %get3A_15, %mul3A_16 : vector<16xf32>
    %add3A_18 = arith.addf %broadcast_in_dim3A_3, %mul3A_17 : vector<16xf32>
    %gt3A_19 = arith.constant 1 : i32
    %gt3A_20 = arith.cmpi sgt, %add3A, %gt3A_19 : i32
    %jit3A_21 = arith.constant 1.000000e+00 : f32
    %jit3A_22 = arith.constant 0.000000e+00 : f32
    %select_n3A_23 = arith.select %gt3A_20, %jit3A_21, %jit3A_22 : f32
    %get3A_24 = arith.constant 1 : i32
    %get3A_25 = arith.index_cast %get3A_24 : i32 to index
    %get3A_26 = arith.constant 0 : index
    %get3A_27 = tpu.vector_load %arg18[%get3A_25, %get3A_26] {strides = array<i32>} : memref<32x32xf32, #tpu.memory_space<vmem>>, vector<16xf32>,
    %mul3A_28 = vector.broadcast %select_n3A_23 : f32 to vector<16xf32>
    %mul3A_29 = arith.mulf %get3A_27, %mul3A_28 : vector<16xf32>
    %add3A_30 = arith.addf %add3A_11, %mul3A_29 : vector<16xf32>
    %get3A_31 = arith.constant 1 : i32
    %get3A_32 = arith.index_cast %get3A_31 : i32 to index
    %get3A_33 = arith.constant 16 : index
    %get3A_34 = tpu.vector_load %arg18[%get3A_32, %get3A_33] {strides = array<i32>} : memref<32x32xf32, #tpu.memory_space<vmem>>, vector<16xf32>,
    %mul3A_35 = vector.broadcast %select_n3A_23 : f32 to vector<16xf32>
    %mul3A_36 = arith.mulf %get3A_34, %mul3A_35 : vector<16xf32>
    %add3A_37 = arith.addf %add3A_18, %mul3A_36 : vector<16xf32>
    %gt3A_38 = arith.constant 2 : i32
    %gt3A_39 = arith.cmpi sgt, %add3A, %gt3A_38 : i32
    %jit3A_40 = arith.constant 1.000000e+00 : f32
    %jit3A_41 = arith.constant 0.000000e+00 : f32
    %select_n3A_42 = arith.select %gt3A_39, %jit3A_40, %jit3A_41 : f32
    %get3A_43 = arith.constant 2 : i32
    %get3A_44 = arith.index_cast %get3A_43 : i32 to index
    %get3A_45 = arith.constant 0 : index
    %get3A_46 = tpu.vector_load %arg18[%get3A_44, %get3A_45] {strides = array<i32>} : memref<32x32xf32, #tpu.memory_space<vmem>>, vector<16xf32>,
    %mul3A_47 = vector.broadcast %select_n3A_42 : f32 to vector<16xf32>
    %mul3A_48 = arith.mulf %get3A_46, %mul3A_47 : vector<16xf32>
    %add3A_49 = arith.addf %add3A_30, %mul3A_48 : vector<16xf32>
    %get3A_50 = arith.constant 2 : i32
    %get3A_51 = arith.index_cast %get3A_50 : i32 to index
    %get3A_52 = arith.constant 16 : index
    %get3A_53 = tpu.vector_load %arg18[%get3A_51, %get3A_52] {strides = array<i32>} : memref<32x32xf32, #tpu.memory_space<vmem>>, vector<16xf32>,
    %mul3A_54 = vector.broadcast %select_n3A_42 : f32 to vector<16xf32>
    %mul3A_55 = arith.mulf %get3A_53, %mul3A_54 : vector<16xf32>
    %add3A_56 = arith.addf %add3A_37, %mul3A_55 : vector<16xf32>
    %gt3A_57 = arith.constant 3 : i32
    %gt3A_58 = arith.cmpi sgt, %add3A, %gt3A_57 : i32
    %jit3A_59 = arith.constant 1.000000e+00 : f32
    %jit3A_60 = arith.constant 0.000000e+00 : f32
    %select_n3A_61 = arith.select %gt3A_58, %jit3A_59, %jit3A_60 : f32
    %get3A_62 = arith.constant 3 : i32
    %get3A_63 = arith.index_cast %get3A_62 : i32 to index
    %get3A_64 = arith.constant 0 : index
    %get3A_65 = tpu.vector_load %arg18[%get3A_63, %get3A_64] {strides = array<i32>} : memref<32x32xf32, #tpu.memory_space<vmem>>, vector<16xf32>,
    %mul3A_66 = vector.broadcast %select_n3A_61 : f32 to vector<16xf32>
    %mul3A_67 = arith.mulf %get3A_65, %mul3A_66 : vector<16xf32>
    %add3A_68 = arith.addf %add3A_49, %mul3A_67 : vector<16xf32>
    %get3A_69 = arith.constant 3 : i32
    %get3A_70 = arith.index_cast %get3A_69 : i32 to index
    %get3A_71 = arith.constant 16 : index
    %get3A_72 = tpu.vector_load %arg18[%get3A_70, %get3A_71] {strides = array<i32>} : memref<32x32xf32, #tpu.memory_space<vmem>>, vector<16xf32>,
    %mul3A_73 = vector.broadcast %select_n3A_61 : f32 to vector<16xf32>
    %mul3A_74 = arith.mulf %get3A_72, %mul3A_73 : vector<16xf32>
    %add3A_75 = arith.addf %add3A_56, %mul3A_74 : vector<16xf32>
    %gt3A_76 = arith.constant 4 : i32
    %gt3A_77 = arith.cmpi sgt, %add3A, %gt3A_76 : i32
    %jit3A_78 = arith.constant 1.000000e+00 : f32
    %jit3A_79 = arith.constant 0.000000e+00 : f32
    %select_n3A_80 = arith.select %gt3A_77, %jit3A_78, %jit3A_79 : f32
    %get3A_81 = arith.constant 4 : i32
    %get3A_82 = arith.index_cast %get3A_81 : i32 to index
    %get3A_83 = arith.constant 0 : index
    %get3A_84 = tpu.vector_load %arg18[%get3A_82, %get3A_83] {strides = array<i32>} : memref<32x32xf32, #tpu.memory_space<vmem>>, vector<16xf32>,
    %mul3A_85 = vector.broadcast %select_n3A_80 : f32 to vector<16xf32>
    %mul3A_86 = arith.mulf %get3A_84, %mul3A_85 : vector<16xf32>
    %add3A_87 = arith.addf %add3A_68, %mul3A_86 : vector<16xf32>
    %get3A_88 = arith.constant 4 : i32
    %get3A_89 = arith.index_cast %get3A_88 : i32 to index
    %get3A_90 = arith.constant 16 : index
    %get3A_91 = tpu.vector_load %arg18[%get3A_89, %get3A_90] {strides = array<i32>} : memref<32x32xf32, #tpu.memory_space<vmem>>, vector<16xf32>,
    %mul3A_92 = vector.broadcast %select_n3A_80 : f32 to vector<16xf32>
    %mul3A_93 = arith.mulf %get3A_91, %mul3A_92 : vector<16xf32>
    %add3A_94 = arith.addf %add3A_75, %mul3A_93 : vector<16xf32>
    %gt3A_95 = arith.constant 5 : i32
    %gt3A_96 = arith.cmpi sgt, %add3A, %gt3A_95 : i32
    %jit3A_97 = arith.constant 1.000000e+00 : f32
    %jit3A_98 = arith.constant 0.000000e+00 : f32
    %select_n3A_99 = arith.select %gt3A_96, %jit3A_97, %jit3A_98 : f32
    %get3A_100 = arith.constant 5 : i32
    %get3A_101 = arith.index_cast %get3A_100 : i32 to index
    %get3A_102 = arith.constant 0 : index
    %get3A_103 = tpu.vector_load %arg18[%get3A_101, %get3A_102] {strides = array<i32>} : memref<32x32xf32, #tpu.memory_space<vmem>>, vector<16xf32>,
    %mul3A_104 = vector.broadcast %select_n3A_99 : f32 to vector<16xf32>
    %mul3A_105 = arith.mulf %get3A_103, %mul3A_104 : vector<16xf32>
    %add3A_106 = arith.addf %add3A_87, %mul3A_105 : vector<16xf32>
    %get3A_107 = arith.constant 5 : i32
    %get3A_108 = arith.index_cast %get3A_107 : i32 to index
    %get3A_109 = arith.constant 16 : index
    %get3A_110 = tpu.vector_load %arg18[%get3A_108, %get3A_109] {strides = array<i32>} : memref<32x32xf32, #tpu.memory_space<vmem>>, vector<16xf32>,
    %mul3A_111 = vector.broadcast %select_n3A_99 : f32 to vector<16xf32>
    %mul3A_112 = arith.mulf %get3A_110, %mul3A_111 : vector<16xf32>
    %add3A_113 = arith.addf %add3A_94, %mul3A_112 : vector<16xf32>
    %gt3A_114 = arith.constant 6 : i32
    %gt3A_115 = arith.cmpi sgt, %add3A, %gt3A_114 : i32
    %jit3A_116 = arith.constant 1.000000e+00 : f32
    %jit3A_117 = arith.constant 0.000000e+00 : f32
    %select_n3A_118 = arith.select %gt3A_115, %jit3A_116, %jit3A_117 : f32
    %get3A_119 = arith.constant 6 : i32
    %get3A_120 = arith.index_cast %get3A_119 : i32 to index
    %get3A_121 = arith.constant 0 : index
    %get3A_122 = tpu.vector_load %arg18[%get3A_120, %get3A_121] {strides = array<i32>} : memref<32x32xf32, #tpu.memory_space<vmem>>, vector<16xf32>,
    %mul3A_123 = vector.broadcast %select_n3A_118 : f32 to vector<16xf32>
    %mul3A_124 = arith.mulf %get3A_122, %mul3A_123 : vector<16xf32>
    %add3A_125 = arith.addf %add3A_106, %mul3A_124 : vector<16xf32>
    %get3A_126 = arith.constant 6 : i32
    %get3A_127 = arith.index_cast %get3A_126 : i32 to index
    %get3A_128 = arith.constant 16 : index
    %get3A_129 = tpu.vector_load %arg18[%get3A_127, %get3A_128] {strides = array<i32>} : memref<32x32xf32, #tpu.memory_space<vmem>>, vector<16xf32>,
    %mul3A_130 = vector.broadcast %select_n3A_118 : f32 to vector<16xf32>
    %mul3A_131 = arith.mulf %get3A_129, %mul3A_130 : vector<16xf32>
    %add3A_132 = arith.addf %add3A_113, %mul3A_131 : vector<16xf32>
    %gt3A_133 = arith.constant 7 : i32
    %gt3A_134 = arith.cmpi sgt, %add3A, %gt3A_133 : i32
    %jit3A_135 = arith.constant 1.000000e+00 : f32
    %jit3A_136 = arith.constant 0.000000e+00 : f32
    %select_n3A_137 = arith.select %gt3A_134, %jit3A_135, %jit3A_136 : f32
    %get3A_138 = arith.constant 7 : i32
    %get3A_139 = arith.index_cast %get3A_138 : i32 to index
    %get3A_140 = arith.constant 0 : index
    %get3A_141 = tpu.vector_load %arg18[%get3A_139, %get3A_140] {strides = array<i32>} : memref<32x32xf32, #tpu.memory_space<vmem>>, vector<16xf32>,
    %mul3A_142 = vector.broadcast %select_n3A_137 : f32 to vector<16xf32>
    %mul3A_143 = arith.mulf %get3A_141, %mul3A_142 : vector<16xf32>
    %add3A_144 = arith.addf %add3A_125, %mul3A_143 : vector<16xf32>
    %get3A_145 = arith.constant 7 : i32
    %get3A_146 = arith.index_cast %get3A_145 : i32 to index
    %get3A_147 = arith.constant 16 : index
    %get3A_148 = tpu.vector_load %arg18[%get3A_146, %get3A_147] {strides = array<i32>} : memref<32x32xf32, #tpu.memory_space<vmem>>, vector<16xf32>,
    %mul3A_149 = vector.broadcast %select_n3A_137 : f32 to vector<16xf32>
    %mul3A_150 = arith.mulf %get3A_148, %mul3A_149 : vector<16xf32>
    %add3A_151 = arith.addf %add3A_132, %mul3A_150 : vector<16xf32>
    %gt3A_152 = arith.constant 8 : i32
    %gt3A_153 = arith.cmpi sgt, %add3A, %gt3A_152 : i32
    %jit3A_154 = arith.constant 1.000000e+00 : f32
    %jit3A_155 = arith.constant 0.000000e+00 : f32
    %select_n3A_156 = arith.select %gt3A_153, %jit3A_154, %jit3A_155 : f32
    %get3A_157 = arith.constant 8 : i32
    %get3A_158 = arith.index_cast %get3A_157 : i32 to index
    %get3A_159 = arith.constant 0 : index
    %get3A_160 = tpu.vector_load %arg18[%get3A_158, %get3A_159] {strides = array<i32>} : memref<32x32xf32, #tpu.memory_space<vmem>>, vector<16xf32>,
    %mul3A_161 = vector.broadcast %select_n3A_156 : f32 to vector<16xf32>
    %mul3A_162 = arith.mulf %get3A_160, %mul3A_161 : vector<16xf32>
    %add3A_163 = arith.addf %add3A_144, %mul3A_162 : vector<16xf32>
    %get3A_164 = arith.constant 8 : i32
    %get3A_165 = arith.index_cast %get3A_164 : i32 to index
    %get3A_166 = arith.constant 16 : index
    %get3A_167 = tpu.vector_load %arg18[%get3A_165, %get3A_166] {strides = array<i32>} : memref<32x32xf32, #tpu.memory_space<vmem>>, vector<16xf32>,
    %mul3A_168 = vector.broadcast %select_n3A_156 : f32 to vector<16xf32>
    %mul3A_169 = arith.mulf %get3A_167, %mul3A_168 : vector<16xf32>
    %add3A_170 = arith.addf %add3A_151, %mul3A_169 : vector<16xf32>
    %gt3A_171 = arith.constant 9 : i32
    %gt3A_172 = arith.cmpi sgt, %add3A, %gt3A_171 : i32
    %jit3A_173 = arith.constant 1.000000e+00 : f32
    %jit3A_174 = arith.constant 0.000000e+00 : f32
    %select_n3A_175 = arith.select %gt3A_172, %jit3A_173, %jit3A_174 : f32
    %get3A_176 = arith.constant 9 : i32
    %get3A_177 = arith.index_cast %get3A_176 : i32 to index
    %get3A_178 = arith.constant 0 : index
    %get3A_179 = tpu.vector_load %arg18[%get3A_177, %get3A_178] {strides = array<i32>} : memref<32x32xf32, #tpu.memory_space<vmem>>, vector<16xf32>,
    %mul3A_180 = vector.broadcast %select_n3A_175 : f32 to vector<16xf32>
    %mul3A_181 = arith.mulf %get3A_179, %mul3A_180 : vector<16xf32>
    %add3A_182 = arith.addf %add3A_163, %mul3A_181 : vector<16xf32>
    %get3A_183 = arith.constant 9 : i32
    %get3A_184 = arith.index_cast %get3A_183 : i32 to index
    %get3A_185 = arith.constant 16 : index
    %get3A_186 = tpu.vector_load %arg18[%get3A_184, %get3A_185] {strides = array<i32>} : memref<32x32xf32, #tpu.memory_space<vmem>>, vector<16xf32>,
    %mul3A_187 = vector.broadcast %select_n3A_175 : f32 to vector<16xf32>
    %mul3A_188 = arith.mulf %get3A_186, %mul3A_187 : vector<16xf32>
    %add3A_189 = arith.addf %add3A_170, %mul3A_188 : vector<16xf32>
    %gt3A_190 = arith.constant 10 : i32
    %gt3A_191 = arith.cmpi sgt, %add3A, %gt3A_190 : i32
    %jit3A_192 = arith.constant 1.000000e+00 : f32
    %jit3A_193 = arith.constant 0.000000e+00 : f32
    %select_n3A_194 = arith.select %gt3A_191, %jit3A_192, %jit3A_193 : f32
    %get3A_195 = arith.constant 10 : i32
    %get3A_196 = arith.index_cast %get3A_195 : i32 to index
    %get3A_197 = arith.constant 0 : index
    %get3A_198 = tpu.vector_load %arg18[%get3A_196, %get3A_197] {strides = array<i32>} : memref<32x32xf32, #tpu.memory_space<vmem>>, vector<16xf32>,
    %mul3A_199 = vector.broadcast %select_n3A_194 : f32 to vector<16xf32>
    %mul3A_200 = arith.mulf %get3A_198, %mul3A_199 : vector<16xf32>
    %add3A_201 = arith.addf %add3A_182, %mul3A_200 : vector<16xf32>
    %get3A_202 = arith.constant 10 : i32
    %get3A_203 = arith.index_cast %get3A_202 : i32 to index
    %get3A_204 = arith.constant 16 : index
    %get3A_205 = tpu.vector_load %arg18[%get3A_203, %get3A_204] {strides = array<i32>} : memref<32x32xf32, #tpu.memory_space<vmem>>, vector<16xf32>,
    %mul3A_206 = vector.broadcast %select_n3A_194 : f32 to vector<16xf32>
    %mul3A_207 = arith.mulf %get3A_205, %mul3A_206 : vector<16xf32>
    %add3A_208 = arith.addf %add3A_189, %mul3A_207 : vector<16xf32>
    %gt3A_209 = arith.constant 11 : i32
    %gt3A_210 = arith.cmpi sgt, %add3A, %gt3A_209 : i32
    %jit3A_211 = arith.constant 1.000000e+00 : f32
    %jit3A_212 = arith.constant 0.000000e+00 : f32
    %select_n3A_213 = arith.select %gt3A_210, %jit3A_211, %jit3A_212 : f32
    %get3A_214 = arith.constant 11 : i32
    %get3A_215 = arith.index_cast %get3A_214 : i32 to index
    %get3A_216 = arith.constant 0 : index
    %get3A_217 = tpu.vector_load %arg18[%get3A_215, %get3A_216] {strides = array<i32>} : memref<32x32xf32, #tpu.memory_space<vmem>>, vector<16xf32>,
    %mul3A_218 = vector.broadcast %select_n3A_213 : f32 to vector<16xf32>
    %mul3A_219 = arith.mulf %get3A_217, %mul3A_218 : vector<16xf32>
    %add3A_220 = arith.addf %add3A_201, %mul3A_219 : vector<16xf32>
    %get3A_221 = arith.constant 11 : i32
    %get3A_222 = arith.index_cast %get3A_221 : i32 to index
    %get3A_223 = arith.constant 16 : index
    %get3A_224 = tpu.vector_load %arg18[%get3A_222, %get3A_223] {strides = array<i32>} : memref<32x32xf32, #tpu.memory_space<vmem>>, vector<16xf32>,
    %mul3A_225 = vector.broadcast %select_n3A_213 : f32 to vector<16xf32>
    %mul3A_226 = arith.mulf %get3A_224, %mul3A_225 : vector<16xf32>
    %add3A_227 = arith.addf %add3A_208, %mul3A_226 : vector<16xf32>
    %gt3A_228 = arith.constant 12 : i32
    %gt3A_229 = arith.cmpi sgt, %add3A, %gt3A_228 : i32
    %jit3A_230 = arith.constant 1.000000e+00 : f32
    %jit3A_231 = arith.constant 0.000000e+00 : f32
    %select_n3A_232 = arith.select %gt3A_229, %jit3A_230, %jit3A_231 : f32
    %get3A_233 = arith.constant 12 : i32
    %get3A_234 = arith.index_cast %get3A_233 : i32 to index
    %get3A_235 = arith.constant 0 : index
    %get3A_236 = tpu.vector_load %arg18[%get3A_234, %get3A_235] {strides = array<i32>} : memref<32x32xf32, #tpu.memory_space<vmem>>, vector<16xf32>,
    %mul3A_237 = vector.broadcast %select_n3A_232 : f32 to vector<16xf32>
    %mul3A_238 = arith.mulf %get3A_236, %mul3A_237 : vector<16xf32>
    %add3A_239 = arith.addf %add3A_220, %mul3A_238 : vector<16xf32>
    %get3A_240 = arith.constant 12 : i32
    %get3A_241 = arith.index_cast %get3A_240 : i32 to index
    %get3A_242 = arith.constant 16 : index
    %get3A_243 = tpu.vector_load %arg18[%get3A_241, %get3A_242] {strides = array<i32>} : memref<32x32xf32, #tpu.memory_space<vmem>>, vector<16xf32>,
    %mul3A_244 = vector.broadcast %select_n3A_232 : f32 to vector<16xf32>
    %mul3A_245 = arith.mulf %get3A_243, %mul3A_244 : vector<16xf32>
    %add3A_246 = arith.addf %add3A_227, %mul3A_245 : vector<16xf32>
    %gt3A_247 = arith.constant 13 : i32
    %gt3A_248 = arith.cmpi sgt, %add3A, %gt3A_247 : i32
    %jit3A_249 = arith.constant 1.000000e+00 : f32
    %jit3A_250 = arith.constant 0.000000e+00 : f32
    %select_n3A_251 = arith.select %gt3A_248, %jit3A_249, %jit3A_250 : f32
    %get3A_252 = arith.constant 13 : i32
    %get3A_253 = arith.index_cast %get3A_252 : i32 to index
    %get3A_254 = arith.constant 0 : index
    %get3A_255 = tpu.vector_load %arg18[%get3A_253, %get3A_254] {strides = array<i32>} : memref<32x32xf32, #tpu.memory_space<vmem>>, vector<16xf32>,
    %mul3A_256 = vector.broadcast %select_n3A_251 : f32 to vector<16xf32>
    %mul3A_257 = arith.mulf %get3A_255, %mul3A_256 : vector<16xf32>
    %add3A_258 = arith.addf %add3A_239, %mul3A_257 : vector<16xf32>
    %get3A_259 = arith.constant 13 : i32
    %get3A_260 = arith.index_cast %get3A_259 : i32 to index
    %get3A_261 = arith.constant 16 : index
    %get3A_262 = tpu.vector_load %arg18[%get3A_260, %get3A_261] {strides = array<i32>} : memref<32x32xf32, #tpu.memory_space<vmem>>, vector<16xf32>,
    %mul3A_263 = vector.broadcast %select_n3A_251 : f32 to vector<16xf32>
    %mul3A_264 = arith.mulf %get3A_262, %mul3A_263 : vector<16xf32>
    %add3A_265 = arith.addf %add3A_246, %mul3A_264 : vector<16xf32>
    %gt3A_266 = arith.constant 14 : i32
    %gt3A_267 = arith.cmpi sgt, %add3A, %gt3A_266 : i32
    %jit3A_268 = arith.constant 1.000000e+00 : f32
    %jit3A_269 = arith.constant 0.000000e+00 : f32
    %select_n3A_270 = arith.select %gt3A_267, %jit3A_268, %jit3A_269 : f32
    %get3A_271 = arith.constant 14 : i32
    %get3A_272 = arith.index_cast %get3A_271 : i32 to index
    %get3A_273 = arith.constant 0 : index
    %get3A_274 = tpu.vector_load %arg18[%get3A_272, %get3A_273] {strides = array<i32>} : memref<32x32xf32, #tpu.memory_space<vmem>>, vector<16xf32>,
    %mul3A_275 = vector.broadcast %select_n3A_270 : f32 to vector<16xf32>
    %mul3A_276 = arith.mulf %get3A_274, %mul3A_275 : vector<16xf32>
    %add3A_277 = arith.addf %add3A_258, %mul3A_276 : vector<16xf32>
    %get3A_278 = arith.constant 14 : i32
    %get3A_279 = arith.index_cast %get3A_278 : i32 to index
    %get3A_280 = arith.constant 16 : index
    %get3A_281 = tpu.vector_load %arg18[%get3A_279, %get3A_280] {strides = array<i32>} : memref<32x32xf32, #tpu.memory_space<vmem>>, vector<16xf32>,
    %mul3A_282 = vector.broadcast %select_n3A_270 : f32 to vector<16xf32>
    %mul3A_283 = arith.mulf %get3A_281, %mul3A_282 : vector<16xf32>
    %add3A_284 = arith.addf %add3A_265, %mul3A_283 : vector<16xf32>
    %gt3A_285 = arith.constant 15 : i32
    %gt3A_286 = arith.cmpi sgt, %add3A, %gt3A_285 : i32
    %jit3A_287 = arith.constant 1.000000e+00 : f32
    %jit3A_288 = arith.constant 0.000000e+00 : f32
    %select_n3A_289 = arith.select %gt3A_286, %jit3A_287, %jit3A_288 : f32
    %get3A_290 = arith.constant 15 : i32
    %get3A_291 = arith.index_cast %get3A_290 : i32 to index
    %get3A_292 = arith.constant 0 : index
    %get3A_293 = tpu.vector_load %arg18[%get3A_291, %get3A_292] {strides = array<i32>} : memref<32x32xf32, #tpu.memory_space<vmem>>, vector<16xf32>,
    %mul3A_294 = vector.broadcast %select_n3A_289 : f32 to vector<16xf32>
    %mul3A_295 = arith.mulf %get3A_293, %mul3A_294 : vector<16xf32>
    %add3A_296 = arith.addf %add3A_277, %mul3A_295 : vector<16xf32>
    %get3A_297 = arith.constant 15 : i32
    %get3A_298 = arith.index_cast %get3A_297 : i32 to index
    %get3A_299 = arith.constant 16 : index
    %get3A_300 = tpu.vector_load %arg18[%get3A_298, %get3A_299] {strides = array<i32>} : memref<32x32xf32, #tpu.memory_space<vmem>>, vector<16xf32>,
    %mul3A_301 = vector.broadcast %select_n3A_289 : f32 to vector<16xf32>
    %mul3A_302 = arith.mulf %get3A_300, %mul3A_301 : vector<16xf32>
    %add3A_303 = arith.addf %add3A_284, %mul3A_302 : vector<16xf32>
    %gt3A_304 = arith.constant 16 : i32
    %gt3A_305 = arith.cmpi sgt, %add3A, %gt3A_304 : i32
    %jit3A_306 = arith.constant 1.000000e+00 : f32
    %jit3A_307 = arith.constant 0.000000e+00 : f32
    %select_n3A_308 = arith.select %gt3A_305, %jit3A_306, %jit3A_307 : f32
    %get3A_309 = arith.constant 16 : i32
    %get3A_310 = arith.index_cast %get3A_309 : i32 to index
    %get3A_311 = arith.constant 0 : index
    %get3A_312 = tpu.vector_load %arg18[%get3A_310, %get3A_311] {strides = array<i32>} : memref<32x32xf32, #tpu.memory_space<vmem>>, vector<16xf32>,
    %mul3A_313 = vector.broadcast %select_n3A_308 : f32 to vector<16xf32>
    %mul3A_314 = arith.mulf %get3A_312, %mul3A_313 : vector<16xf32>
    %add3A_315 = arith.addf %add3A_296, %mul3A_314 : vector<16xf32>
    %get3A_316 = arith.constant 16 : i32
    %get3A_317 = arith.index_cast %get3A_316 : i32 to index
    %get3A_318 = arith.constant 16 : index
    %get3A_319 = tpu.vector_load %arg18[%get3A_317, %get3A_318] {strides = array<i32>} : memref<32x32xf32, #tpu.memory_space<vmem>>, vector<16xf32>,
    %mul3A_320 = vector.broadcast %select_n3A_308 : f32 to vector<16xf32>
    %mul3A_321 = arith.mulf %get3A_319, %mul3A_320 : vector<16xf32>
    %add3A_322 = arith.addf %add3A_303, %mul3A_321 : vector<16xf32>
    %gt3A_323 = arith.constant 17 : i32
    %gt3A_324 = arith.cmpi sgt, %add3A, %gt3A_323 : i32
    %jit3A_325 = arith.constant 1.000000e+00 : f32
    %jit3A_326 = arith.constant 0.000000e+00 : f32
    %select_n3A_327 = arith.select %gt3A_324, %jit3A_325, %jit3A_326 : f32
    %get3A_328 = arith.constant 17 : i32
    %get3A_329 = arith.index_cast %get3A_328 : i32 to index
    %get3A_330 = arith.constant 0 : index
    %get3A_331 = tpu.vector_load %arg18[%get3A_329, %get3A_330] {strides = array<i32>} : memref<32x32xf32, #tpu.memory_space<vmem>>, vector<16xf32>,
    %mul3A_332 = vector.broadcast %select_n3A_327 : f32 to vector<16xf32>
    %mul3A_333 = arith.mulf %get3A_331, %mul3A_332 : vector<16xf32>
    %add3A_334 = arith.addf %add3A_315, %mul3A_333 : vector<16xf32>
    %get3A_335 = arith.constant 17 : i32
    %get3A_336 = arith.index_cast %get3A_335 : i32 to index
    %get3A_337 = arith.constant 16 : index
    %get3A_338 = tpu.vector_load %arg18[%get3A_336, %get3A_337] {strides = array<i32>} : memref<32x32xf32, #tpu.memory_space<vmem>>, vector<16xf32>,
    %mul3A_339 = vector.broadcast %select_n3A_327 : f32 to vector<16xf32>
    %mul3A_340 = arith.mulf %get3A_338, %mul3A_339 : vector<16xf32>
    %add3A_341 = arith.addf %add3A_322, %mul3A_340 : vector<16xf32>
    %gt3A_342 = arith.constant 18 : i32
    %gt3A_343 = arith.cmpi sgt, %add3A, %gt3A_342 : i32
    %jit3A_344 = arith.constant 1.000000e+00 : f32
    %jit3A_345 = arith.constant 0.000000e+00 : f32
    %select_n3A_346 = arith.select %gt3A_343, %jit3A_344, %jit3A_345 : f32
    %get3A_347 = arith.constant 18 : i32
    %get3A_348 = arith.index_cast %get3A_347 : i32 to index
    %get3A_349 = arith.constant 0 : index
    %get3A_350 = tpu.vector_load %arg18[%get3A_348, %get3A_349] {strides = array<i32>} : memref<32x32xf32, #tpu.memory_space<vmem>>, vector<16xf32>,
    %mul3A_351 = vector.broadcast %select_n3A_346 : f32 to vector<16xf32>
    %mul3A_352 = arith.mulf %get3A_350, %mul3A_351 : vector<16xf32>
    %add3A_353 = arith.addf %add3A_334, %mul3A_352 : vector<16xf32>
    %get3A_354 = arith.constant 18 : i32
    %get3A_355 = arith.index_cast %get3A_354 : i32 to index
    %get3A_356 = arith.constant 16 : index
    %get3A_357 = tpu.vector_load %arg18[%get3A_355, %get3A_356] {strides = array<i32>} : memref<32x32xf32, #tpu.memory_space<vmem>>, vector<16xf32>,
    %mul3A_358 = vector.broadcast %select_n3A_346 : f32 to vector<16xf32>
    %mul3A_359 = arith.mulf %get3A_357, %mul3A_358 : vector<16xf32>
    %add3A_360 = arith.addf %add3A_341, %mul3A_359 : vector<16xf32>
    %gt3A_361 = arith.constant 19 : i32
    %gt3A_362 = arith.cmpi sgt, %add3A, %gt3A_361 : i32
    %jit3A_363 = arith.constant 1.000000e+00 : f32
    %jit3A_364 = arith.constant 0.000000e+00 : f32
    %select_n3A_365 = arith.select %gt3A_362, %jit3A_363, %jit3A_364 : f32
    %get3A_366 = arith.constant 19 : i32
    %get3A_367 = arith.index_cast %get3A_366 : i32 to index
    %get3A_368 = arith.constant 0 : index
    %get3A_369 = tpu.vector_load %arg18[%get3A_367, %get3A_368] {strides = array<i32>} : memref<32x32xf32, #tpu.memory_space<vmem>>, vector<16xf32>,
    %mul3A_370 = vector.broadcast %select_n3A_365 : f32 to vector<16xf32>
    %mul3A_371 = arith.mulf %get3A_369, %mul3A_370 : vector<16xf32>
    %add3A_372 = arith.addf %add3A_353, %mul3A_371 : vector<16xf32>
    %get3A_373 = arith.constant 19 : i32
    %get3A_374 = arith.index_cast %get3A_373 : i32 to index
    %get3A_375 = arith.constant 16 : index
    %get3A_376 = tpu.vector_load %arg18[%get3A_374, %get3A_375] {strides = array<i32>} : memref<32x32xf32, #tpu.memory_space<vmem>>, vector<16xf32>,
    %mul3A_377 = vector.broadcast %select_n3A_365 : f32 to vector<16xf32>
    %mul3A_378 = arith.mulf %get3A_376, %mul3A_377 : vector<16xf32>
    %add3A_379 = arith.addf %add3A_360, %mul3A_378 : vector<16xf32>
    %gt3A_380 = arith.constant 20 : i32
    %gt3A_381 = arith.cmpi sgt, %add3A, %gt3A_380 : i32
    %jit3A_382 = arith.constant 1.000000e+00 : f32
    %jit3A_383 = arith.constant 0.000000e+00 : f32
    %select_n3A_384 = arith.select %gt3A_381, %jit3A_382, %jit3A_383 : f32
    %get3A_385 = arith.constant 20 : i32
    %get3A_386 = arith.index_cast %get3A_385 : i32 to index
    %get3A_387 = arith.constant 0 : index
    %get3A_388 = tpu.vector_load %arg18[%get3A_386, %get3A_387] {strides = array<i32>} : memref<32x32xf32, #tpu.memory_space<vmem>>, vector<16xf32>,
    %mul3A_389 = vector.broadcast %select_n3A_384 : f32 to vector<16xf32>
    %mul3A_390 = arith.mulf %get3A_388, %mul3A_389 : vector<16xf32>
    %add3A_391 = arith.addf %add3A_372, %mul3A_390 : vector<16xf32>
    %get3A_392 = arith.constant 20 : i32
    %get3A_393 = arith.index_cast %get3A_392 : i32 to index
    %get3A_394 = arith.constant 16 : index
    %get3A_395 = tpu.vector_load %arg18[%get3A_393, %get3A_394] {strides = array<i32>} : memref<32x32xf32, #tpu.memory_space<vmem>>, vector<16xf32>,
    %mul3A_396 = vector.broadcast %select_n3A_384 : f32 to vector<16xf32>
    %mul3A_397 = arith.mulf %get3A_395, %mul3A_396 : vector<16xf32>
    %add3A_398 = arith.addf %add3A_379, %mul3A_397 : vector<16xf32>
    %gt3A_399 = arith.constant 21 : i32
    %gt3A_400 = arith.cmpi sgt, %add3A, %gt3A_399 : i32
    %jit3A_401 = arith.constant 1.000000e+00 : f32
    %jit3A_402 = arith.constant 0.000000e+00 : f32
    %select_n3A_403 = arith.select %gt3A_400, %jit3A_401, %jit3A_402 : f32
    %get3A_404 = arith.constant 21 : i32
    %get3A_405 = arith.index_cast %get3A_404 : i32 to index
    %get3A_406 = arith.constant 0 : index
    %get3A_407 = tpu.vector_load %arg18[%get3A_405, %get3A_406] {strides = array<i32>} : memref<32x32xf32, #tpu.memory_space<vmem>>, vector<16xf32>,
    %mul3A_408 = vector.broadcast %select_n3A_403 : f32 to vector<16xf32>
    %mul3A_409 = arith.mulf %get3A_407, %mul3A_408 : vector<16xf32>
    %add3A_410 = arith.addf %add3A_391, %mul3A_409 : vector<16xf32>
    %get3A_411 = arith.constant 21 : i32
    %get3A_412 = arith.index_cast %get3A_411 : i32 to index
    %get3A_413 = arith.constant 16 : index
    %get3A_414 = tpu.vector_load %arg18[%get3A_412, %get3A_413] {strides = array<i32>} : memref<32x32xf32, #tpu.memory_space<vmem>>, vector<16xf32>,
    %mul3A_415 = vector.broadcast %select_n3A_403 : f32 to vector<16xf32>
    %mul3A_416 = arith.mulf %get3A_414, %mul3A_415 : vector<16xf32>
    %add3A_417 = arith.addf %add3A_398, %mul3A_416 : vector<16xf32>
    %gt3A_418 = arith.constant 22 : i32
    %gt3A_419 = arith.cmpi sgt, %add3A, %gt3A_418 : i32
    %jit3A_420 = arith.constant 1.000000e+00 : f32
    %jit3A_421 = arith.constant 0.000000e+00 : f32
    %select_n3A_422 = arith.select %gt3A_419, %jit3A_420, %jit3A_421 : f32
    %get3A_423 = arith.constant 22 : i32
    %get3A_424 = arith.index_cast %get3A_423 : i32 to index
    %get3A_425 = arith.constant 0 : index
    %get3A_426 = tpu.vector_load %arg18[%get3A_424, %get3A_425] {strides = array<i32>} : memref<32x32xf32, #tpu.memory_space<vmem>>, vector<16xf32>,
    %mul3A_427 = vector.broadcast %select_n3A_422 : f32 to vector<16xf32>
    %mul3A_428 = arith.mulf %get3A_426, %mul3A_427 : vector<16xf32>
    %add3A_429 = arith.addf %add3A_410, %mul3A_428 : vector<16xf32>
    %get3A_430 = arith.constant 22 : i32
    %get3A_431 = arith.index_cast %get3A_430 : i32 to index
    %get3A_432 = arith.constant 16 : index
    %get3A_433 = tpu.vector_load %arg18[%get3A_431, %get3A_432] {strides = array<i32>} : memref<32x32xf32, #tpu.memory_space<vmem>>, vector<16xf32>,
    %mul3A_434 = vector.broadcast %select_n3A_422 : f32 to vector<16xf32>
    %mul3A_435 = arith.mulf %get3A_433, %mul3A_434 : vector<16xf32>
    %add3A_436 = arith.addf %add3A_417, %mul3A_435 : vector<16xf32>
    %gt3A_437 = arith.constant 23 : i32
    %gt3A_438 = arith.cmpi sgt, %add3A, %gt3A_437 : i32
    %jit3A_439 = arith.constant 1.000000e+00 : f32
    %jit3A_440 = arith.constant 0.000000e+00 : f32
    %select_n3A_441 = arith.select %gt3A_438, %jit3A_439, %jit3A_440 : f32
    %get3A_442 = arith.constant 23 : i32
    %get3A_443 = arith.index_cast %get3A_442 : i32 to index
    %get3A_444 = arith.constant 0 : index
    %get3A_445 = tpu.vector_load %arg18[%get3A_443, %get3A_444] {strides = array<i32>} : memref<32x32xf32, #tpu.memory_space<vmem>>, vector<16xf32>,
    %mul3A_446 = vector.broadcast %select_n3A_441 : f32 to vector<16xf32>
    %mul3A_447 = arith.mulf %get3A_445, %mul3A_446 : vector<16xf32>
    %add3A_448 = arith.addf %add3A_429, %mul3A_447 : vector<16xf32>
    %get3A_449 = arith.constant 23 : i32
    %get3A_450 = arith.index_cast %get3A_449 : i32 to index
    %get3A_451 = arith.constant 16 : index
    %get3A_452 = tpu.vector_load %arg18[%get3A_450, %get3A_451] {strides = array<i32>} : memref<32x32xf32, #tpu.memory_space<vmem>>, vector<16xf32>,
    %mul3A_453 = vector.broadcast %select_n3A_441 : f32 to vector<16xf32>
    %mul3A_454 = arith.mulf %get3A_452, %mul3A_453 : vector<16xf32>
    %add3A_455 = arith.addf %add3A_436, %mul3A_454 : vector<16xf32>
    %gt3A_456 = arith.constant 24 : i32
    %gt3A_457 = arith.cmpi sgt, %add3A, %gt3A_456 : i32
    %jit3A_458 = arith.constant 1.000000e+00 : f32
    %jit3A_459 = arith.constant 0.000000e+00 : f32
    %select_n3A_460 = arith.select %gt3A_457, %jit3A_458, %jit3A_459 : f32
    %get3A_461 = arith.constant 24 : i32
    %get3A_462 = arith.index_cast %get3A_461 : i32 to index
    %get3A_463 = arith.constant 0 : index
    %get3A_464 = tpu.vector_load %arg18[%get3A_462, %get3A_463] {strides = array<i32>} : memref<32x32xf32, #tpu.memory_space<vmem>>, vector<16xf32>,
    %mul3A_465 = vector.broadcast %select_n3A_460 : f32 to vector<16xf32>
    %mul3A_466 = arith.mulf %get3A_464, %mul3A_465 : vector<16xf32>
    %add3A_467 = arith.addf %add3A_448, %mul3A_466 : vector<16xf32>
    %get3A_468 = arith.constant 24 : i32
    %get3A_469 = arith.index_cast %get3A_468 : i32 to index
    %get3A_470 = arith.constant 16 : index
    %get3A_471 = tpu.vector_load %arg18[%get3A_469, %get3A_470] {strides = array<i32>} : memref<32x32xf32, #tpu.memory_space<vmem>>, vector<16xf32>,
    %mul3A_472 = vector.broadcast %select_n3A_460 : f32 to vector<16xf32>
    %mul3A_473 = arith.mulf %get3A_471, %mul3A_472 : vector<16xf32>
    %add3A_474 = arith.addf %add3A_455, %mul3A_473 : vector<16xf32>
    %gt3A_475 = arith.constant 25 : i32
    %gt3A_476 = arith.cmpi sgt, %add3A, %gt3A_475 : i32
    %jit3A_477 = arith.constant 1.000000e+00 : f32
    %jit3A_478 = arith.constant 0.000000e+00 : f32
    %select_n3A_479 = arith.select %gt3A_476, %jit3A_477, %jit3A_478 : f32
    %get3A_480 = arith.constant 25 : i32
    %get3A_481 = arith.index_cast %get3A_480 : i32 to index
    %get3A_482 = arith.constant 0 : index
    %get3A_483 = tpu.vector_load %arg18[%get3A_481, %get3A_482] {strides = array<i32>} : memref<32x32xf32, #tpu.memory_space<vmem>>, vector<16xf32>,
    %mul3A_484 = vector.broadcast %select_n3A_479 : f32 to vector<16xf32>
    %mul3A_485 = arith.mulf %get3A_483, %mul3A_484 : vector<16xf32>
    %add3A_486 = arith.addf %add3A_467, %mul3A_485 : vector<16xf32>
    %get3A_487 = arith.constant 25 : i32
    %get3A_488 = arith.index_cast %get3A_487 : i32 to index
    %get3A_489 = arith.constant 16 : index
    %get3A_490 = tpu.vector_load %arg18[%get3A_488, %get3A_489] {strides = array<i32>} : memref<32x32xf32, #tpu.memory_space<vmem>>, vector<16xf32>,
    %mul3A_491 = vector.broadcast %select_n3A_479 : f32 to vector<16xf32>
    %mul3A_492 = arith.mulf %get3A_490, %mul3A_491 : vector<16xf32>
    %add3A_493 = arith.addf %add3A_474, %mul3A_492 : vector<16xf32>
    %gt3A_494 = arith.constant 26 : i32
    %gt3A_495 = arith.cmpi sgt, %add3A, %gt3A_494 : i32
    %jit3A_496 = arith.constant 1.000000e+00 : f32
    %jit3A_497 = arith.constant 0.000000e+00 : f32
    %select_n3A_498 = arith.select %gt3A_495, %jit3A_496, %jit3A_497 : f32
    %get3A_499 = arith.constant 26 : i32
    %get3A_500 = arith.index_cast %get3A_499 : i32 to index
    %get3A_501 = arith.constant 0 : index
    %get3A_502 = tpu.vector_load %arg18[%get3A_500, %get3A_501] {strides = array<i32>} : memref<32x32xf32, #tpu.memory_space<vmem>>, vector<16xf32>,
    %mul3A_503 = vector.broadcast %select_n3A_498 : f32 to vector<16xf32>
    %mul3A_504 = arith.mulf %get3A_502, %mul3A_503 : vector<16xf32>
    %add3A_505 = arith.addf %add3A_486, %mul3A_504 : vector<16xf32>
    %get3A_506 = arith.constant 26 : i32
    %get3A_507 = arith.index_cast %get3A_506 : i32 to index
    %get3A_508 = arith.constant 16 : index
    %get3A_509 = tpu.vector_load %arg18[%get3A_507, %get3A_508] {strides = array<i32>} : memref<32x32xf32, #tpu.memory_space<vmem>>, vector<16xf32>,
    %mul3A_510 = vector.broadcast %select_n3A_498 : f32 to vector<16xf32>
    %mul3A_511 = arith.mulf %get3A_509, %mul3A_510 : vector<16xf32>
    %add3A_512 = arith.addf %add3A_493, %mul3A_511 : vector<16xf32>
    %gt3A_513 = arith.constant 27 : i32
    %gt3A_514 = arith.cmpi sgt, %add3A, %gt3A_513 : i32
    %jit3A_515 = arith.constant 1.000000e+00 : f32
    %jit3A_516 = arith.constant 0.000000e+00 : f32
    %select_n3A_517 = arith.select %gt3A_514, %jit3A_515, %jit3A_516 : f32
    %get3A_518 = arith.constant 27 : i32
    %get3A_519 = arith.index_cast %get3A_518 : i32 to index
    %get3A_520 = arith.constant 0 : index
    %get3A_521 = tpu.vector_load %arg18[%get3A_519, %get3A_520] {strides = array<i32>} : memref<32x32xf32, #tpu.memory_space<vmem>>, vector<16xf32>,
    %mul3A_522 = vector.broadcast %select_n3A_517 : f32 to vector<16xf32>
    %mul3A_523 = arith.mulf %get3A_521, %mul3A_522 : vector<16xf32>
    %add3A_524 = arith.addf %add3A_505, %mul3A_523 : vector<16xf32>
    %get3A_525 = arith.constant 27 : i32
    %get3A_526 = arith.index_cast %get3A_525 : i32 to index
    %get3A_527 = arith.constant 16 : index
    %get3A_528 = tpu.vector_load %arg18[%get3A_526, %get3A_527] {strides = array<i32>} : memref<32x32xf32, #tpu.memory_space<vmem>>, vector<16xf32>,
    %mul3A_529 = vector.broadcast %select_n3A_517 : f32 to vector<16xf32>
    %mul3A_530 = arith.mulf %get3A_528, %mul3A_529 : vector<16xf32>
    %add3A_531 = arith.addf %add3A_512, %mul3A_530 : vector<16xf32>
    %gt3A_532 = arith.constant 28 : i32
    %gt3A_533 = arith.cmpi sgt, %add3A, %gt3A_532 : i32
    %jit3A_534 = arith.constant 1.000000e+00 : f32
    %jit3A_535 = arith.constant 0.000000e+00 : f32
    %select_n3A_536 = arith.select %gt3A_533, %jit3A_534, %jit3A_535 : f32
    %get3A_537 = arith.constant 28 : i32
    %get3A_538 = arith.index_cast %get3A_537 : i32 to index
    %get3A_539 = arith.constant 0 : index
    %get3A_540 = tpu.vector_load %arg18[%get3A_538, %get3A_539] {strides = array<i32>} : memref<32x32xf32, #tpu.memory_space<vmem>>, vector<16xf32>,
    %mul3A_541 = vector.broadcast %select_n3A_536 : f32 to vector<16xf32>
    %mul3A_542 = arith.mulf %get3A_540, %mul3A_541 : vector<16xf32>
    %add3A_543 = arith.addf %add3A_524, %mul3A_542 : vector<16xf32>
    %get3A_544 = arith.constant 28 : i32
    %get3A_545 = arith.index_cast %get3A_544 : i32 to index
    %get3A_546 = arith.constant 16 : index
    %get3A_547 = tpu.vector_load %arg18[%get3A_545, %get3A_546] {strides = array<i32>} : memref<32x32xf32, #tpu.memory_space<vmem>>, vector<16xf32>,
    %mul3A_548 = vector.broadcast %select_n3A_536 : f32 to vector<16xf32>
    %mul3A_549 = arith.mulf %get3A_547, %mul3A_548 : vector<16xf32>
    %add3A_550 = arith.addf %add3A_531, %mul3A_549 : vector<16xf32>
    %gt3A_551 = arith.constant 29 : i32
    %gt3A_552 = arith.cmpi sgt, %add3A, %gt3A_551 : i32
    %jit3A_553 = arith.constant 1.000000e+00 : f32
    %jit3A_554 = arith.constant 0.000000e+00 : f32
    %select_n3A_555 = arith.select %gt3A_552, %jit3A_553, %jit3A_554 : f32
    %get3A_556 = arith.constant 29 : i32
    %get3A_557 = arith.index_cast %get3A_556 : i32 to index
    %get3A_558 = arith.constant 0 : index
    %get3A_559 = tpu.vector_load %arg18[%get3A_557, %get3A_558] {strides = array<i32>} : memref<32x32xf32, #tpu.memory_space<vmem>>, vector<16xf32>,
    %mul3A_560 = vector.broadcast %select_n3A_555 : f32 to vector<16xf32>
    %mul3A_561 = arith.mulf %get3A_559, %mul3A_560 : vector<16xf32>
    %add3A_562 = arith.addf %add3A_543, %mul3A_561 : vector<16xf32>
    %get3A_563 = arith.constant 29 : i32
    %get3A_564 = arith.index_cast %get3A_563 : i32 to index
    %get3A_565 = arith.constant 16 : index
    %get3A_566 = tpu.vector_load %arg18[%get3A_564, %get3A_565] {strides = array<i32>} : memref<32x32xf32, #tpu.memory_space<vmem>>, vector<16xf32>,
    %mul3A_567 = vector.broadcast %select_n3A_555 : f32 to vector<16xf32>
    %mul3A_568 = arith.mulf %get3A_566, %mul3A_567 : vector<16xf32>
    %add3A_569 = arith.addf %add3A_550, %mul3A_568 : vector<16xf32>
    %gt3A_570 = arith.constant 30 : i32
    %gt3A_571 = arith.cmpi sgt, %add3A, %gt3A_570 : i32
    %jit3A_572 = arith.constant 1.000000e+00 : f32
    %jit3A_573 = arith.constant 0.000000e+00 : f32
    %select_n3A_574 = arith.select %gt3A_571, %jit3A_572, %jit3A_573 : f32
    %get3A_575 = arith.constant 30 : i32
    %get3A_576 = arith.index_cast %get3A_575 : i32 to index
    %get3A_577 = arith.constant 0 : index
    %get3A_578 = tpu.vector_load %arg18[%get3A_576, %get3A_577] {strides = array<i32>} : memref<32x32xf32, #tpu.memory_space<vmem>>, vector<16xf32>,
    %mul3A_579 = vector.broadcast %select_n3A_574 : f32 to vector<16xf32>
    %mul3A_580 = arith.mulf %get3A_578, %mul3A_579 : vector<16xf32>
    %add3A_581 = arith.addf %add3A_562, %mul3A_580 : vector<16xf32>
    %get3A_582 = arith.constant 30 : i32
    %get3A_583 = arith.index_cast %get3A_582 : i32 to index
    %get3A_584 = arith.constant 16 : index
    %get3A_585 = tpu.vector_load %arg18[%get3A_583, %get3A_584] {strides = array<i32>} : memref<32x32xf32, #tpu.memory_space<vmem>>, vector<16xf32>,
    %mul3A_586 = vector.broadcast %select_n3A_574 : f32 to vector<16xf32>
    %mul3A_587 = arith.mulf %get3A_585, %mul3A_586 : vector<16xf32>
    %add3A_588 = arith.addf %add3A_569, %mul3A_587 : vector<16xf32>
    %gt3A_589 = arith.constant 31 : i32
    %gt3A_590 = arith.cmpi sgt, %add3A, %gt3A_589 : i32
    %jit3A_591 = arith.constant 1.000000e+00 : f32
    %jit3A_592 = arith.constant 0.000000e+00 : f32
    %select_n3A_593 = arith.select %gt3A_590, %jit3A_591, %jit3A_592 : f32
    %get3A_594 = arith.constant 31 : i32
    %get3A_595 = arith.index_cast %get3A_594 : i32 to index
    %get3A_596 = arith.constant 0 : index
    %get3A_597 = tpu.vector_load %arg18[%get3A_595, %get3A_596] {strides = array<i32>} : memref<32x32xf32, #tpu.memory_space<vmem>>, vector<16xf32>,
    %mul3A_598 = vector.broadcast %select_n3A_593 : f32 to vector<16xf32>
    %mul3A_599 = arith.mulf %get3A_597, %mul3A_598 : vector<16xf32>
    %add3A_600 = arith.addf %add3A_581, %mul3A_599 : vector<16xf32>
    %get3A_601 = arith.constant 31 : i32
    %get3A_602 = arith.index_cast %get3A_601 : i32 to index
    %get3A_603 = arith.constant 16 : index
    %get3A_604 = tpu.vector_load %arg18[%get3A_602, %get3A_603] {strides = array<i32>} : memref<32x32xf32, #tpu.memory_space<vmem>>, vector<16xf32>,
    %mul3A_605 = vector.broadcast %select_n3A_593 : f32 to vector<16xf32>
    %mul3A_606 = arith.mulf %get3A_604, %mul3A_605 : vector<16xf32>
    %add3A_607 = arith.addf %add3A_588, %mul3A_606 : vector<16xf32>
    %reduce_sum3A = arith.constant true
    %reduce_sum3A_608 = vector.broadcast %reduce_sum3A : i1 to vector<16xi1>
    %reduce_sum3A_609 = tpu.scan <sum>, %add3A_600 masked %reduce_sum3A_608 : vector<16xf32>, vector<16xi1> -> vector<16xf32>
    %reduce_sum3A_610 = vector.extract %reduce_sum3A_609[15] : f32 from vector<16xf32>
    %reduce_sum3A_611 = arith.constant true
    %reduce_sum3A_612 = vector.broadcast %reduce_sum3A_611 : i1 to vector<16xi1>
    %reduce_sum3A_613 = tpu.scan <sum>, %add3A_607 masked %reduce_sum3A_612 : vector<16xf32>, vector<16xi1> -> vector<16xf32>
    %reduce_sum3A_614 = vector.extract %reduce_sum3A_613[15] : f32 from vector<16xf32>
    %mul3A_615 = arith.constant 512 : i32
    %mul3A_616 = arith.muli %add3A, %mul3A_615 : i32
    %dma_start3A = tpu.memref_slice %arg2[%mul3A_616] : memref<16384xf32, #tpu.memory_space<hbm>> -> memref<512xf32, #tpu.memory_space<hbm>>
    %dma_start3A_617 = tpu.memref_slice %arg2[%mul3A_616] : memref<16384xf32, #tpu.memory_space<hbm>> -> memref<512xf32, #tpu.memory_space<hbm>>
    tpu.enqueue_dma source(%dma_start3A_617 : memref<512xf32, #tpu.memory_space<hbm>>) target(%arg10 : memref<512xf32, #tpu.memory_space<vmem>>) target_semaphore(%arg20 : memref<!tpu.dma_semaphore, #tpu.memory_space<semaphore_mem>>)
    %mul3A_618 = arith.constant 512 : i32
    %mul3A_619 = arith.muli %add3A, %mul3A_618 : i32
    %dma_start3A_620 = tpu.memref_slice %arg3[%mul3A_619] : memref<16384xf32, #tpu.memory_space<hbm>> -> memref<512xf32, #tpu.memory_space<hbm>>
    %dma_start3A_621 = tpu.memref_slice %arg3[%mul3A_619] : memref<16384xf32, #tpu.memory_space<hbm>> -> memref<512xf32, #tpu.memory_space<hbm>>
    tpu.enqueue_dma source(%dma_start3A_621 : memref<512xf32, #tpu.memory_space<hbm>>) target(%arg11 : memref<512xf32, #tpu.memory_space<vmem>>) target_semaphore(%arg20 : memref<!tpu.dma_semaphore, #tpu.memory_space<semaphore_mem>>)
    %mul3A_622 = arith.constant 1024 : i32
    %mul3A_623 = arith.muli %add3A, %mul3A_622 : i32
    %dma_start3A_624 = tpu.memref_slice %arg4[%mul3A_623] : memref<32768xf32, #tpu.memory_space<hbm>> -> memref<1024xf32, #tpu.memory_space<hbm>>
    %dma_start3A_625 = tpu.memref_slice %arg4[%mul3A_623] : memref<32768xf32, #tpu.memory_space<hbm>> -> memref<1024xf32, #tpu.memory_space<hbm>>
    tpu.enqueue_dma source(%dma_start3A_625 : memref<1024xf32, #tpu.memory_space<hbm>>) target(%arg12 : memref<1024xf32, #tpu.memory_space<vmem>>) target_semaphore(%arg20 : memref<!tpu.dma_semaphore, #tpu.memory_space<semaphore_mem>>)
    %mul3A_626 = arith.constant 1024 : i32
    %mul3A_627 = arith.muli %add3A, %mul3A_626 : i32
    %dma_start3A_628 = tpu.memref_slice %arg5[%mul3A_627] : memref<32768xf32, #tpu.memory_space<hbm>> -> memref<1024xf32, #tpu.memory_space<hbm>>
    %dma_start3A_629 = tpu.memref_slice %arg5[%mul3A_627] : memref<32768xf32, #tpu.memory_space<hbm>> -> memref<1024xf32, #tpu.memory_space<hbm>>
    tpu.enqueue_dma source(%dma_start3A_629 : memref<1024xf32, #tpu.memory_space<hbm>>) target(%arg13 : memref<1024xf32, #tpu.memory_space<vmem>>) target_semaphore(%arg20 : memref<!tpu.dma_semaphore, #tpu.memory_space<semaphore_mem>>)
    %dma_wait3A = tpu.memref_slice %arg2[%mul3A_616] : memref<16384xf32, #tpu.memory_space<hbm>> -> memref<512xf32, #tpu.memory_space<hbm>>
    %dma_wait3A_630 = tpu.memref_slice %arg2[%mul3A_616] : memref<16384xf32, #tpu.memory_space<hbm>> -> memref<512xf32, #tpu.memory_space<hbm>>
    tpu.wait_dma2 semaphore(%arg20 : memref<!tpu.dma_semaphore, #tpu.memory_space<semaphore_mem>>) src(%dma_wait3A_630 : memref<512xf32, #tpu.memory_space<hbm>>) dst(%arg10 : memref<512xf32, #tpu.memory_space<vmem>>)
    %dma_wait3A_631 = tpu.memref_slice %arg3[%mul3A_619] : memref<16384xf32, #tpu.memory_space<hbm>> -> memref<512xf32, #tpu.memory_space<hbm>>
    %dma_wait3A_632 = tpu.memref_slice %arg3[%mul3A_619] : memref<16384xf32, #tpu.memory_space<hbm>> -> memref<512xf32, #tpu.memory_space<hbm>>
    tpu.wait_dma2 semaphore(%arg20 : memref<!tpu.dma_semaphore, #tpu.memory_space<semaphore_mem>>) src(%dma_wait3A_632 : memref<512xf32, #tpu.memory_space<hbm>>) dst(%arg11 : memref<512xf32, #tpu.memory_space<vmem>>)
    %dma_wait3A_633 = tpu.memref_slice %arg4[%mul3A_623] : memref<32768xf32, #tpu.memory_space<hbm>> -> memref<1024xf32, #tpu.memory_space<hbm>>
    %dma_wait3A_634 = tpu.memref_slice %arg4[%mul3A_623] : memref<32768xf32, #tpu.memory_space<hbm>> -> memref<1024xf32, #tpu.memory_space<hbm>>
    tpu.wait_dma2 semaphore(%arg20 : memref<!tpu.dma_semaphore, #tpu.memory_space<semaphore_mem>>) src(%dma_wait3A_634 : memref<1024xf32, #tpu.memory_space<hbm>>) dst(%arg12 : memref<1024xf32, #tpu.memory_space<vmem>>)
    %dma_wait3A_635 = tpu.memref_slice %arg5[%mul3A_627] : memref<32768xf32, #tpu.memory_space<hbm>> -> memref<1024xf32, #tpu.memory_space<hbm>>
    %dma_wait3A_636 = tpu.memref_slice %arg5[%mul3A_627] : memref<32768xf32, #tpu.memory_space<hbm>> -> memref<1024xf32, #tpu.memory_space<hbm>>
    tpu.wait_dma2 semaphore(%arg20 : memref<!tpu.dma_semaphore, #tpu.memory_space<semaphore_mem>>) src(%dma_wait3A_636 : memref<1024xf32, #tpu.memory_space<hbm>>) dst(%arg13 : memref<1024xf32, #tpu.memory_space<vmem>>)
    %scan3A = arith.constant 0 : i32
    %scan3A_637 = arith.constant 32 : i32
    %scan3A_638 = arith.addi %scan3A, %scan3A_637 : i32
    %scan3A_639 = arith.constant 1 : i32
    %scan3A_640 = scf.for %scan3A_890 = %scan3A to %scan3A_638 step %scan3A_639 iter_args(%scan3A_891 = %reduce_sum3A_610) -> (f32)  : i32 {
      %mul3A_892 = arith.constant 16 : i32
      %mul3A_893 = arith.muli %scan3A_890, %mul3A_892 : i32
      %get3A_894 = arith.index_cast %mul3A_893 : i32 to index
      %get3A_895 = tpu.vector_load %arg10[%get3A_894] {strides = array<i32>} : memref<512xf32, #tpu.memory_space<vmem>>, vector<16xf32>,
      %broadcast_in_dim3A_896 = arith.constant true
      %broadcast_in_dim3A_897 = vector.broadcast %broadcast_in_dim3A_896 : i1 to vector<16xi1>
      %masked_cumsum3A = tpu.scan <sum>, %get3A_895 masked %broadcast_in_dim3A_897 : vector<16xf32>, vector<16xi1> -> vector<16xf32>
      %sub3A = arith.subf %masked_cumsum3A, %get3A_895 : vector<16xf32>
      %add3A_898 = vector.broadcast %scan3A_891 : f32 to vector<16xf32>
      %add3A_899 = arith.addf %sub3A, %add3A_898 : vector<16xf32>
      %convert_element_type3A_900 = arith.fptosi %add3A_899 : vector<16xf32> to vector<16xi32>
      %mul3A_901 = arith.constant 16 : i32
      %mul3A_902 = arith.muli %scan3A_890, %mul3A_901 : i32
      %swap3A_903 = arith.index_cast %mul3A_902 : i32 to index
      %swap3A_904 = tpu.vector_load %arg14[%swap3A_903] {strides = array<i32>} : memref<640xi32, #tpu.memory_space<vmem>>, vector<16xi32>,
      tpu.vector_store %arg14[%swap3A_903], %convert_element_type3A_900 {strides = array<i32>} : memref<640xi32, #tpu.memory_space<vmem>>, vector<16xi32>,
      %reduce_sum3A_905 = arith.constant true
      %reduce_sum3A_906 = vector.broadcast %reduce_sum3A_905 : i1 to vector<16xi1>
      %reduce_sum3A_907 = tpu.scan <sum>, %get3A_895 masked %reduce_sum3A_906 : vector<16xf32>, vector<16xi1> -> vector<16xf32>
      %reduce_sum3A_908 = vector.extract %reduce_sum3A_907[15] : f32 from vector<16xf32>
      %add3A_909 = arith.addf %scan3A_891, %reduce_sum3A_908 : f32
      scf.yield %add3A_909 : f32
    }
    %scan3A_641 = arith.constant 32 : i32
    %broadcast_in_dim3A_642 = arith.constant 1.000000e+00 : f32
    %broadcast_in_dim3A_643 = vector.broadcast %broadcast_in_dim3A_642 : f32 to vector<16xf32>
    %mul3A_644 = vector.broadcast %scan3A_640 : f32 to vector<16xf32>
    %mul3A_645 = arith.mulf %broadcast_in_dim3A_643, %mul3A_644 : vector<16xf32>
    %convert_element_type3A = arith.fptosi %mul3A_645 : vector<16xf32> to vector<16xi32>
    %swap3A = arith.constant 512 : index
    %swap3A_646 = tpu.vector_load %arg14[%swap3A] {strides = array<i32>} : memref<640xi32, #tpu.memory_space<vmem>>, vector<16xi32>,
    tpu.vector_store %arg14[%swap3A], %convert_element_type3A {strides = array<i32>} : memref<640xi32, #tpu.memory_space<vmem>>, vector<16xi32>,
    %convert_element_type3A_647 = arith.fptosi %mul3A_645 : vector<16xf32> to vector<16xi32>
    %swap3A_648 = arith.constant 528 : index
    %swap3A_649 = tpu.vector_load %arg14[%swap3A_648] {strides = array<i32>} : memref<640xi32, #tpu.memory_space<vmem>>, vector<16xi32>,
    tpu.vector_store %arg14[%swap3A_648], %convert_element_type3A_647 {strides = array<i32>} : memref<640xi32, #tpu.memory_space<vmem>>, vector<16xi32>,
    %convert_element_type3A_650 = arith.fptosi %mul3A_645 : vector<16xf32> to vector<16xi32>
    %swap3A_651 = arith.constant 544 : index
    %swap3A_652 = tpu.vector_load %arg14[%swap3A_651] {strides = array<i32>} : memref<640xi32, #tpu.memory_space<vmem>>, vector<16xi32>,
    tpu.vector_store %arg14[%swap3A_651], %convert_element_type3A_650 {strides = array<i32>} : memref<640xi32, #tpu.memory_space<vmem>>, vector<16xi32>,
    %convert_element_type3A_653 = arith.fptosi %mul3A_645 : vector<16xf32> to vector<16xi32>
    %swap3A_654 = arith.constant 560 : index
    %swap3A_655 = tpu.vector_load %arg14[%swap3A_654] {strides = array<i32>} : memref<640xi32, #tpu.memory_space<vmem>>, vector<16xi32>,
    tpu.vector_store %arg14[%swap3A_654], %convert_element_type3A_653 {strides = array<i32>} : memref<640xi32, #tpu.memory_space<vmem>>, vector<16xi32>,
    %convert_element_type3A_656 = arith.fptosi %mul3A_645 : vector<16xf32> to vector<16xi32>
    %swap3A_657 = arith.constant 576 : index
    %swap3A_658 = tpu.vector_load %arg14[%swap3A_657] {strides = array<i32>} : memref<640xi32, #tpu.memory_space<vmem>>, vector<16xi32>,
    tpu.vector_store %arg14[%swap3A_657], %convert_element_type3A_656 {strides = array<i32>} : memref<640xi32, #tpu.memory_space<vmem>>, vector<16xi32>,
    %convert_element_type3A_659 = arith.fptosi %mul3A_645 : vector<16xf32> to vector<16xi32>
    %swap3A_660 = arith.constant 592 : index
    %swap3A_661 = tpu.vector_load %arg14[%swap3A_660] {strides = array<i32>} : memref<640xi32, #tpu.memory_space<vmem>>, vector<16xi32>,
    tpu.vector_store %arg14[%swap3A_660], %convert_element_type3A_659 {strides = array<i32>} : memref<640xi32, #tpu.memory_space<vmem>>, vector<16xi32>,
    %convert_element_type3A_662 = arith.fptosi %mul3A_645 : vector<16xf32> to vector<16xi32>
    %swap3A_663 = arith.constant 608 : index
    %swap3A_664 = tpu.vector_load %arg14[%swap3A_663] {strides = array<i32>} : memref<640xi32, #tpu.memory_space<vmem>>, vector<16xi32>,
    tpu.vector_store %arg14[%swap3A_663], %convert_element_type3A_662 {strides = array<i32>} : memref<640xi32, #tpu.memory_space<vmem>>, vector<16xi32>,
    %convert_element_type3A_665 = arith.fptosi %mul3A_645 : vector<16xf32> to vector<16xi32>
    %swap3A_666 = arith.constant 624 : index
    %swap3A_667 = tpu.vector_load %arg14[%swap3A_666] {strides = array<i32>} : memref<640xi32, #tpu.memory_space<vmem>>, vector<16xi32>,
    tpu.vector_store %arg14[%swap3A_666], %convert_element_type3A_665 {strides = array<i32>} : memref<640xi32, #tpu.memory_space<vmem>>, vector<16xi32>,
    %scan3A_668 = arith.constant 0 : i32
    %scan3A_669 = arith.constant 64 : i32
    %scan3A_670 = arith.addi %scan3A_668, %scan3A_669 : i32
    %scan3A_671 = arith.constant 1 : i32
    %scan3A_672 = scf.for %scan3A_890 = %scan3A_668 to %scan3A_670 step %scan3A_671 iter_args(%scan3A_891 = %reduce_sum3A_614) -> (f32)  : i32 {
      %mul3A_892 = arith.constant 16 : i32
      %mul3A_893 = arith.muli %scan3A_890, %mul3A_892 : i32
      %get3A_894 = arith.index_cast %mul3A_893 : i32 to index
      %get3A_895 = tpu.vector_load %arg12[%get3A_894] {strides = array<i32>} : memref<1024xf32, #tpu.memory_space<vmem>>, vector<16xf32>,
      %broadcast_in_dim3A_896 = arith.constant true
      %broadcast_in_dim3A_897 = vector.broadcast %broadcast_in_dim3A_896 : i1 to vector<16xi1>
      %masked_cumsum3A = tpu.scan <sum>, %get3A_895 masked %broadcast_in_dim3A_897 : vector<16xf32>, vector<16xi1> -> vector<16xf32>
      %sub3A = arith.subf %masked_cumsum3A, %get3A_895 : vector<16xf32>
      %add3A_898 = vector.broadcast %scan3A_891 : f32 to vector<16xf32>
      %add3A_899 = arith.addf %sub3A, %add3A_898 : vector<16xf32>
      %convert_element_type3A_900 = arith.fptosi %add3A_899 : vector<16xf32> to vector<16xi32>
      %mul3A_901 = arith.constant 16 : i32
      %mul3A_902 = arith.muli %scan3A_890, %mul3A_901 : i32
      %swap3A_903 = arith.index_cast %mul3A_902 : i32 to index
      %swap3A_904 = tpu.vector_load %arg15[%swap3A_903] {strides = array<i32>} : memref<1152xi32, #tpu.memory_space<vmem>>, vector<16xi32>,
      tpu.vector_store %arg15[%swap3A_903], %convert_element_type3A_900 {strides = array<i32>} : memref<1152xi32, #tpu.memory_space<vmem>>, vector<16xi32>,
      %reduce_sum3A_905 = arith.constant true
      %reduce_sum3A_906 = vector.broadcast %reduce_sum3A_905 : i1 to vector<16xi1>
      %reduce_sum3A_907 = tpu.scan <sum>, %get3A_895 masked %reduce_sum3A_906 : vector<16xf32>, vector<16xi1> -> vector<16xf32>
      %reduce_sum3A_908 = vector.extract %reduce_sum3A_907[15] : f32 from vector<16xf32>
      %add3A_909 = arith.addf %scan3A_891, %reduce_sum3A_908 : f32
      scf.yield %add3A_909 : f32
    }
    %scan3A_673 = arith.constant 64 : i32
    %broadcast_in_dim3A_674 = arith.constant 1.000000e+00 : f32
    %broadcast_in_dim3A_675 = vector.broadcast %broadcast_in_dim3A_674 : f32 to vector<16xf32>
    %mul3A_676 = vector.broadcast %scan3A_672 : f32 to vector<16xf32>
    %mul3A_677 = arith.mulf %broadcast_in_dim3A_675, %mul3A_676 : vector<16xf32>
    %convert_element_type3A_678 = arith.fptosi %mul3A_677 : vector<16xf32> to vector<16xi32>
    %swap3A_679 = arith.constant 1024 : index
    %swap3A_680 = tpu.vector_load %arg15[%swap3A_679] {strides = array<i32>} : memref<1152xi32, #tpu.memory_space<vmem>>, vector<16xi32>,
    tpu.vector_store %arg15[%swap3A_679], %convert_element_type3A_678 {strides = array<i32>} : memref<1152xi32, #tpu.memory_space<vmem>>, vector<16xi32>,
    %convert_element_type3A_681 = arith.fptosi %mul3A_677 : vector<16xf32> to vector<16xi32>
    %swap3A_682 = arith.constant 1040 : index
    %swap3A_683 = tpu.vector_load %arg15[%swap3A_682] {strides = array<i32>} : memref<1152xi32, #tpu.memory_space<vmem>>, vector<16xi32>,
    tpu.vector_store %arg15[%swap3A_682], %convert_element_type3A_681 {strides = array<i32>} : memref<1152xi32, #tpu.memory_space<vmem>>, vector<16xi32>,
    %convert_element_type3A_684 = arith.fptosi %mul3A_677 : vector<16xf32> to vector<16xi32>
    %swap3A_685 = arith.constant 1056 : index
    %swap3A_686 = tpu.vector_load %arg15[%swap3A_685] {strides = array<i32>} : memref<1152xi32, #tpu.memory_space<vmem>>, vector<16xi32>,
    tpu.vector_store %arg15[%swap3A_685], %convert_element_type3A_684 {strides = array<i32>} : memref<1152xi32, #tpu.memory_space<vmem>>, vector<16xi32>,
    %convert_element_type3A_687 = arith.fptosi %mul3A_677 : vector<16xf32> to vector<16xi32>
    %swap3A_688 = arith.constant 1072 : index
    %swap3A_689 = tpu.vector_load %arg15[%swap3A_688] {strides = array<i32>} : memref<1152xi32, #tpu.memory_space<vmem>>, vector<16xi32>,
    tpu.vector_store %arg15[%swap3A_688], %convert_element_type3A_687 {strides = array<i32>} : memref<1152xi32, #tpu.memory_space<vmem>>, vector<16xi32>,
    %convert_element_type3A_690 = arith.fptosi %mul3A_677 : vector<16xf32> to vector<16xi32>
    %swap3A_691 = arith.constant 1088 : index
    %swap3A_692 = tpu.vector_load %arg15[%swap3A_691] {strides = array<i32>} : memref<1152xi32, #tpu.memory_space<vmem>>, vector<16xi32>,
    tpu.vector_store %arg15[%swap3A_691], %convert_element_type3A_690 {strides = array<i32>} : memref<1152xi32, #tpu.memory_space<vmem>>, vector<16xi32>,
    %convert_element_type3A_693 = arith.fptosi %mul3A_677 : vector<16xf32> to vector<16xi32>
    %swap3A_694 = arith.constant 1104 : index
    %swap3A_695 = tpu.vector_load %arg15[%swap3A_694] {strides = array<i32>} : memref<1152xi32, #tpu.memory_space<vmem>>, vector<16xi32>,
    tpu.vector_store %arg15[%swap3A_694], %convert_element_type3A_693 {strides = array<i32>} : memref<1152xi32, #tpu.memory_space<vmem>>, vector<16xi32>,
    %convert_element_type3A_696 = arith.fptosi %mul3A_677 : vector<16xf32> to vector<16xi32>
    %swap3A_697 = arith.constant 1120 : index
    %swap3A_698 = tpu.vector_load %arg15[%swap3A_697] {strides = array<i32>} : memref<1152xi32, #tpu.memory_space<vmem>>, vector<16xi32>,
    tpu.vector_store %arg15[%swap3A_697], %convert_element_type3A_696 {strides = array<i32>} : memref<1152xi32, #tpu.memory_space<vmem>>, vector<16xi32>,
    %convert_element_type3A_699 = arith.fptosi %mul3A_677 : vector<16xf32> to vector<16xi32>
    %swap3A_700 = arith.constant 1136 : index
    %swap3A_701 = tpu.vector_load %arg15[%swap3A_700] {strides = array<i32>} : memref<1152xi32, #tpu.memory_space<vmem>>, vector<16xi32>,
    tpu.vector_store %arg15[%swap3A_700], %convert_element_type3A_699 {strides = array<i32>} : memref<1152xi32, #tpu.memory_space<vmem>>, vector<16xi32>,
    %dma_start3A_702 = arith.constant 0 : i32
    %dma_start3A_703 = tpu.memref_slice %arg16[%dma_start3A_702] : memref<640xf32, #tpu.memory_space<vmem>> -> memref<128xf32, #tpu.memory_space<vmem>>
    %dma_start3A_704 = arith.constant 0 : i32
    %dma_start3A_705 = tpu.memref_slice %arg14[%dma_start3A_704] : memref<640xi32, #tpu.memory_space<vmem>> -> memref<128xi32, #tpu.memory_space<vmem>>
    %dma_start3A_706 = arith.constant 0 : i32
    %dma_start3A_707 = tpu.memref_slice %arg7[%dma_start3A_706] : memref<3276816xf32, #tpu.memory_space<hbm>> -> memref<3276816xf32, #tpu.memory_space<hbm>>
    tpu.enqueue_indirect_dma source(%dma_start3A_707 : memref<3276816xf32, #tpu.memory_space<hbm>>) target(%dma_start3A_703 : memref<128xf32, #tpu.memory_space<vmem>>) offsets(%dma_start3A_705 : memref<128xi32, #tpu.memory_space<vmem>>) semaphore(%arg20 : memref<!tpu.dma_semaphore, #tpu.memory_space<semaphore_mem>>)
    %dma_start3A_708 = arith.constant 128 : i32
    %dma_start3A_709 = tpu.memref_slice %arg16[%dma_start3A_708] : memref<640xf32, #tpu.memory_space<vmem>> -> memref<128xf32, #tpu.memory_space<vmem>>
    %dma_start3A_710 = arith.constant 128 : i32
    %dma_start3A_711 = tpu.memref_slice %arg14[%dma_start3A_710] : memref<640xi32, #tpu.memory_space<vmem>> -> memref<128xi32, #tpu.memory_space<vmem>>
    %dma_start3A_712 = arith.constant 0 : i32
    %dma_start3A_713 = tpu.memref_slice %arg7[%dma_start3A_712] : memref<3276816xf32, #tpu.memory_space<hbm>> -> memref<3276816xf32, #tpu.memory_space<hbm>>
    tpu.enqueue_indirect_dma source(%dma_start3A_713 : memref<3276816xf32, #tpu.memory_space<hbm>>) target(%dma_start3A_709 : memref<128xf32, #tpu.memory_space<vmem>>) offsets(%dma_start3A_711 : memref<128xi32, #tpu.memory_space<vmem>>) semaphore(%arg20 : memref<!tpu.dma_semaphore, #tpu.memory_space<semaphore_mem>>)
    %dma_start3A_714 = arith.constant 256 : i32
    %dma_start3A_715 = tpu.memref_slice %arg16[%dma_start3A_714] : memref<640xf32, #tpu.memory_space<vmem>> -> memref<128xf32, #tpu.memory_space<vmem>>
    %dma_start3A_716 = arith.constant 256 : i32
    %dma_start3A_717 = tpu.memref_slice %arg14[%dma_start3A_716] : memref<640xi32, #tpu.memory_space<vmem>> -> memref<128xi32, #tpu.memory_space<vmem>>
    %dma_start3A_718 = arith.constant 0 : i32
    %dma_start3A_719 = tpu.memref_slice %arg7[%dma_start3A_718] : memref<3276816xf32, #tpu.memory_space<hbm>> -> memref<3276816xf32, #tpu.memory_space<hbm>>
    tpu.enqueue_indirect_dma source(%dma_start3A_719 : memref<3276816xf32, #tpu.memory_space<hbm>>) target(%dma_start3A_715 : memref<128xf32, #tpu.memory_space<vmem>>) offsets(%dma_start3A_717 : memref<128xi32, #tpu.memory_space<vmem>>) semaphore(%arg20 : memref<!tpu.dma_semaphore, #tpu.memory_space<semaphore_mem>>)
    %dma_start3A_720 = arith.constant 384 : i32
    %dma_start3A_721 = tpu.memref_slice %arg16[%dma_start3A_720] : memref<640xf32, #tpu.memory_space<vmem>> -> memref<128xf32, #tpu.memory_space<vmem>>
    %dma_start3A_722 = arith.constant 384 : i32
    %dma_start3A_723 = tpu.memref_slice %arg14[%dma_start3A_722] : memref<640xi32, #tpu.memory_space<vmem>> -> memref<128xi32, #tpu.memory_space<vmem>>
    %dma_start3A_724 = arith.constant 0 : i32
    %dma_start3A_725 = tpu.memref_slice %arg7[%dma_start3A_724] : memref<3276816xf32, #tpu.memory_space<hbm>> -> memref<3276816xf32, #tpu.memory_space<hbm>>
    tpu.enqueue_indirect_dma source(%dma_start3A_725 : memref<3276816xf32, #tpu.memory_space<hbm>>) target(%dma_start3A_721 : memref<128xf32, #tpu.memory_space<vmem>>) offsets(%dma_start3A_723 : memref<128xi32, #tpu.memory_space<vmem>>) semaphore(%arg20 : memref<!tpu.dma_semaphore, #tpu.memory_space<semaphore_mem>>)
    %dma_start3A_726 = arith.constant 512 : i32
    %dma_start3A_727 = tpu.memref_slice %arg16[%dma_start3A_726] : memref<640xf32, #tpu.memory_space<vmem>> -> memref<128xf32, #tpu.memory_space<vmem>>
    %dma_start3A_728 = arith.constant 512 : i32
    %dma_start3A_729 = tpu.memref_slice %arg14[%dma_start3A_728] : memref<640xi32, #tpu.memory_space<vmem>> -> memref<128xi32, #tpu.memory_space<vmem>>
    %dma_start3A_730 = arith.constant 0 : i32
    %dma_start3A_731 = tpu.memref_slice %arg7[%dma_start3A_730] : memref<3276816xf32, #tpu.memory_space<hbm>> -> memref<3276816xf32, #tpu.memory_space<hbm>>
    tpu.enqueue_indirect_dma source(%dma_start3A_731 : memref<3276816xf32, #tpu.memory_space<hbm>>) target(%dma_start3A_727 : memref<128xf32, #tpu.memory_space<vmem>>) offsets(%dma_start3A_729 : memref<128xi32, #tpu.memory_space<vmem>>) semaphore(%arg20 : memref<!tpu.dma_semaphore, #tpu.memory_space<semaphore_mem>>)
    %dma_start3A_732 = arith.constant 0 : i32
    %dma_start3A_733 = tpu.memref_slice %arg17[%dma_start3A_732] : memref<1152xf32, #tpu.memory_space<vmem>> -> memref<128xf32, #tpu.memory_space<vmem>>
    %dma_start3A_734 = arith.constant 0 : i32
    %dma_start3A_735 = tpu.memref_slice %arg15[%dma_start3A_734] : memref<1152xi32, #tpu.memory_space<vmem>> -> memref<128xi32, #tpu.memory_space<vmem>>
    %dma_start3A_736 = arith.constant 0 : i32
    %dma_start3A_737 = tpu.memref_slice %arg7[%dma_start3A_736] : memref<3276816xf32, #tpu.memory_space<hbm>> -> memref<3276816xf32, #tpu.memory_space<hbm>>
    tpu.enqueue_indirect_dma source(%dma_start3A_737 : memref<3276816xf32, #tpu.memory_space<hbm>>) target(%dma_start3A_733 : memref<128xf32, #tpu.memory_space<vmem>>) offsets(%dma_start3A_735 : memref<128xi32, #tpu.memory_space<vmem>>) semaphore(%arg20 : memref<!tpu.dma_semaphore, #tpu.memory_space<semaphore_mem>>)
    %dma_start3A_738 = arith.constant 128 : i32
    %dma_start3A_739 = tpu.memref_slice %arg17[%dma_start3A_738] : memref<1152xf32, #tpu.memory_space<vmem>> -> memref<128xf32, #tpu.memory_space<vmem>>
    %dma_start3A_740 = arith.constant 128 : i32
    %dma_start3A_741 = tpu.memref_slice %arg15[%dma_start3A_740] : memref<1152xi32, #tpu.memory_space<vmem>> -> memref<128xi32, #tpu.memory_space<vmem>>
    %dma_start3A_742 = arith.constant 0 : i32
    %dma_start3A_743 = tpu.memref_slice %arg7[%dma_start3A_742] : memref<3276816xf32, #tpu.memory_space<hbm>> -> memref<3276816xf32, #tpu.memory_space<hbm>>
    tpu.enqueue_indirect_dma source(%dma_start3A_743 : memref<3276816xf32, #tpu.memory_space<hbm>>) target(%dma_start3A_739 : memref<128xf32, #tpu.memory_space<vmem>>) offsets(%dma_start3A_741 : memref<128xi32, #tpu.memory_space<vmem>>) semaphore(%arg20 : memref<!tpu.dma_semaphore, #tpu.memory_space<semaphore_mem>>)
    %dma_start3A_744 = arith.constant 256 : i32
    %dma_start3A_745 = tpu.memref_slice %arg17[%dma_start3A_744] : memref<1152xf32, #tpu.memory_space<vmem>> -> memref<128xf32, #tpu.memory_space<vmem>>
    %dma_start3A_746 = arith.constant 256 : i32
    %dma_start3A_747 = tpu.memref_slice %arg15[%dma_start3A_746] : memref<1152xi32, #tpu.memory_space<vmem>> -> memref<128xi32, #tpu.memory_space<vmem>>
    %dma_start3A_748 = arith.constant 0 : i32
    %dma_start3A_749 = tpu.memref_slice %arg7[%dma_start3A_748] : memref<3276816xf32, #tpu.memory_space<hbm>> -> memref<3276816xf32, #tpu.memory_space<hbm>>
    tpu.enqueue_indirect_dma source(%dma_start3A_749 : memref<3276816xf32, #tpu.memory_space<hbm>>) target(%dma_start3A_745 : memref<128xf32, #tpu.memory_space<vmem>>) offsets(%dma_start3A_747 : memref<128xi32, #tpu.memory_space<vmem>>) semaphore(%arg20 : memref<!tpu.dma_semaphore, #tpu.memory_space<semaphore_mem>>)
    %dma_start3A_750 = arith.constant 384 : i32
    %dma_start3A_751 = tpu.memref_slice %arg17[%dma_start3A_750] : memref<1152xf32, #tpu.memory_space<vmem>> -> memref<128xf32, #tpu.memory_space<vmem>>
    %dma_start3A_752 = arith.constant 384 : i32
    %dma_start3A_753 = tpu.memref_slice %arg15[%dma_start3A_752] : memref<1152xi32, #tpu.memory_space<vmem>> -> memref<128xi32, #tpu.memory_space<vmem>>
    %dma_start3A_754 = arith.constant 0 : i32
    %dma_start3A_755 = tpu.memref_slice %arg7[%dma_start3A_754] : memref<3276816xf32, #tpu.memory_space<hbm>> -> memref<3276816xf32, #tpu.memory_space<hbm>>
    tpu.enqueue_indirect_dma source(%dma_start3A_755 : memref<3276816xf32, #tpu.memory_space<hbm>>) target(%dma_start3A_751 : memref<128xf32, #tpu.memory_space<vmem>>) offsets(%dma_start3A_753 : memref<128xi32, #tpu.memory_space<vmem>>) semaphore(%arg20 : memref<!tpu.dma_semaphore, #tpu.memory_space<semaphore_mem>>)
    %dma_start3A_756 = arith.constant 512 : i32
    %dma_start3A_757 = tpu.memref_slice %arg17[%dma_start3A_756] : memref<1152xf32, #tpu.memory_space<vmem>> -> memref<128xf32, #tpu.memory_space<vmem>>
    %dma_start3A_758 = arith.constant 512 : i32
    %dma_start3A_759 = tpu.memref_slice %arg15[%dma_start3A_758] : memref<1152xi32, #tpu.memory_space<vmem>> -> memref<128xi32, #tpu.memory_space<vmem>>
    %dma_start3A_760 = arith.constant 0 : i32
    %dma_start3A_761 = tpu.memref_slice %arg7[%dma_start3A_760] : memref<3276816xf32, #tpu.memory_space<hbm>> -> memref<3276816xf32, #tpu.memory_space<hbm>>
    tpu.enqueue_indirect_dma source(%dma_start3A_761 : memref<3276816xf32, #tpu.memory_space<hbm>>) target(%dma_start3A_757 : memref<128xf32, #tpu.memory_space<vmem>>) offsets(%dma_start3A_759 : memref<128xi32, #tpu.memory_space<vmem>>) semaphore(%arg20 : memref<!tpu.dma_semaphore, #tpu.memory_space<semaphore_mem>>)
    %dma_start3A_762 = arith.constant 640 : i32
    %dma_start3A_763 = tpu.memref_slice %arg17[%dma_start3A_762] : memref<1152xf32, #tpu.memory_space<vmem>> -> memref<128xf32, #tpu.memory_space<vmem>>
    %dma_start3A_764 = arith.constant 640 : i32
    %dma_start3A_765 = tpu.memref_slice %arg15[%dma_start3A_764] : memref<1152xi32, #tpu.memory_space<vmem>> -> memref<128xi32, #tpu.memory_space<vmem>>
    %dma_start3A_766 = arith.constant 0 : i32
    %dma_start3A_767 = tpu.memref_slice %arg7[%dma_start3A_766] : memref<3276816xf32, #tpu.memory_space<hbm>> -> memref<3276816xf32, #tpu.memory_space<hbm>>
    tpu.enqueue_indirect_dma source(%dma_start3A_767 : memref<3276816xf32, #tpu.memory_space<hbm>>) target(%dma_start3A_763 : memref<128xf32, #tpu.memory_space<vmem>>) offsets(%dma_start3A_765 : memref<128xi32, #tpu.memory_space<vmem>>) semaphore(%arg20 : memref<!tpu.dma_semaphore, #tpu.memory_space<semaphore_mem>>)
    %dma_start3A_768 = arith.constant 768 : i32
    %dma_start3A_769 = tpu.memref_slice %arg17[%dma_start3A_768] : memref<1152xf32, #tpu.memory_space<vmem>> -> memref<128xf32, #tpu.memory_space<vmem>>
    %dma_start3A_770 = arith.constant 768 : i32
    %dma_start3A_771 = tpu.memref_slice %arg15[%dma_start3A_770] : memref<1152xi32, #tpu.memory_space<vmem>> -> memref<128xi32, #tpu.memory_space<vmem>>
    %dma_start3A_772 = arith.constant 0 : i32
    %dma_start3A_773 = tpu.memref_slice %arg7[%dma_start3A_772] : memref<3276816xf32, #tpu.memory_space<hbm>> -> memref<3276816xf32, #tpu.memory_space<hbm>>
    tpu.enqueue_indirect_dma source(%dma_start3A_773 : memref<3276816xf32, #tpu.memory_space<hbm>>) target(%dma_start3A_769 : memref<128xf32, #tpu.memory_space<vmem>>) offsets(%dma_start3A_771 : memref<128xi32, #tpu.memory_space<vmem>>) semaphore(%arg20 : memref<!tpu.dma_semaphore, #tpu.memory_space<semaphore_mem>>)
    %dma_start3A_774 = arith.constant 896 : i32
    %dma_start3A_775 = tpu.memref_slice %arg17[%dma_start3A_774] : memref<1152xf32, #tpu.memory_space<vmem>> -> memref<128xf32, #tpu.memory_space<vmem>>
    %dma_start3A_776 = arith.constant 896 : i32
    %dma_start3A_777 = tpu.memref_slice %arg15[%dma_start3A_776] : memref<1152xi32, #tpu.memory_space<vmem>> -> memref<128xi32, #tpu.memory_space<vmem>>
    %dma_start3A_778 = arith.constant 0 : i32
    %dma_start3A_779 = tpu.memref_slice %arg7[%dma_start3A_778] : memref<3276816xf32, #tpu.memory_space<hbm>> -> memref<3276816xf32, #tpu.memory_space<hbm>>
    tpu.enqueue_indirect_dma source(%dma_start3A_779 : memref<3276816xf32, #tpu.memory_space<hbm>>) target(%dma_start3A_775 : memref<128xf32, #tpu.memory_space<vmem>>) offsets(%dma_start3A_777 : memref<128xi32, #tpu.memory_space<vmem>>) semaphore(%arg20 : memref<!tpu.dma_semaphore, #tpu.memory_space<semaphore_mem>>)
    %dma_start3A_780 = arith.constant 1024 : i32
    %dma_start3A_781 = tpu.memref_slice %arg17[%dma_start3A_780] : memref<1152xf32, #tpu.memory_space<vmem>> -> memref<128xf32, #tpu.memory_space<vmem>>
    %dma_start3A_782 = arith.constant 1024 : i32
    %dma_start3A_783 = tpu.memref_slice %arg15[%dma_start3A_782] : memref<1152xi32, #tpu.memory_space<vmem>> -> memref<128xi32, #tpu.memory_space<vmem>>
    %dma_start3A_784 = arith.constant 0 : i32
    %dma_start3A_785 = tpu.memref_slice %arg7[%dma_start3A_784] : memref<3276816xf32, #tpu.memory_space<hbm>> -> memref<3276816xf32, #tpu.memory_space<hbm>>
    tpu.enqueue_indirect_dma source(%dma_start3A_785 : memref<3276816xf32, #tpu.memory_space<hbm>>) target(%dma_start3A_781 : memref<128xf32, #tpu.memory_space<vmem>>) offsets(%dma_start3A_783 : memref<128xi32, #tpu.memory_space<vmem>>) semaphore(%arg20 : memref<!tpu.dma_semaphore, #tpu.memory_space<semaphore_mem>>)
    %dma_wait3A_786 = arith.constant 0 : i32
    %dma_wait3A_787 = tpu.memref_slice %arg16[%dma_wait3A_786] : memref<640xf32, #tpu.memory_space<vmem>> -> memref<128xf32, #tpu.memory_space<vmem>>
    %dma_wait3A_788 = arith.constant 0 : i32
    %dma_wait3A_789 = tpu.memref_slice %arg14[%dma_wait3A_788] : memref<640xi32, #tpu.memory_space<vmem>> -> memref<128xi32, #tpu.memory_space<vmem>>
    %dma_wait3A_790 = arith.constant 0 : i32
    %dma_wait3A_791 = tpu.memref_slice %arg7[%dma_wait3A_790] : memref<3276816xf32, #tpu.memory_space<hbm>> -> memref<3276816xf32, #tpu.memory_space<hbm>>
    tpu.wait_indirect_dma semaphore(%arg20 : memref<!tpu.dma_semaphore, #tpu.memory_space<semaphore_mem>>) src(%dma_wait3A_791 : memref<3276816xf32, #tpu.memory_space<hbm>>) dst(%dma_wait3A_787 : memref<128xf32, #tpu.memory_space<vmem>>)
    %dma_wait3A_792 = arith.constant 128 : i32
    %dma_wait3A_793 = tpu.memref_slice %arg16[%dma_wait3A_792] : memref<640xf32, #tpu.memory_space<vmem>> -> memref<128xf32, #tpu.memory_space<vmem>>
    %dma_wait3A_794 = arith.constant 128 : i32
    %dma_wait3A_795 = tpu.memref_slice %arg14[%dma_wait3A_794] : memref<640xi32, #tpu.memory_space<vmem>> -> memref<128xi32, #tpu.memory_space<vmem>>
    %dma_wait3A_796 = arith.constant 0 : i32
    %dma_wait3A_797 = tpu.memref_slice %arg7[%dma_wait3A_796] : memref<3276816xf32, #tpu.memory_space<hbm>> -> memref<3276816xf32, #tpu.memory_space<hbm>>
    tpu.wait_indirect_dma semaphore(%arg20 : memref<!tpu.dma_semaphore, #tpu.memory_space<semaphore_mem>>) src(%dma_wait3A_797 : memref<3276816xf32, #tpu.memory_space<hbm>>) dst(%dma_wait3A_793 : memref<128xf32, #tpu.memory_space<vmem>>)
    %dma_wait3A_798 = arith.constant 256 : i32
    %dma_wait3A_799 = tpu.memref_slice %arg16[%dma_wait3A_798] : memref<640xf32, #tpu.memory_space<vmem>> -> memref<128xf32, #tpu.memory_space<vmem>>
    %dma_wait3A_800 = arith.constant 256 : i32
    %dma_wait3A_801 = tpu.memref_slice %arg14[%dma_wait3A_800] : memref<640xi32, #tpu.memory_space<vmem>> -> memref<128xi32, #tpu.memory_space<vmem>>
    %dma_wait3A_802 = arith.constant 0 : i32
    %dma_wait3A_803 = tpu.memref_slice %arg7[%dma_wait3A_802] : memref<3276816xf32, #tpu.memory_space<hbm>> -> memref<3276816xf32, #tpu.memory_space<hbm>>
    tpu.wait_indirect_dma semaphore(%arg20 : memref<!tpu.dma_semaphore, #tpu.memory_space<semaphore_mem>>) src(%dma_wait3A_803 : memref<3276816xf32, #tpu.memory_space<hbm>>) dst(%dma_wait3A_799 : memref<128xf32, #tpu.memory_space<vmem>>)
    %dma_wait3A_804 = arith.constant 384 : i32
    %dma_wait3A_805 = tpu.memref_slice %arg16[%dma_wait3A_804] : memref<640xf32, #tpu.memory_space<vmem>> -> memref<128xf32, #tpu.memory_space<vmem>>
    %dma_wait3A_806 = arith.constant 384 : i32
    %dma_wait3A_807 = tpu.memref_slice %arg14[%dma_wait3A_806] : memref<640xi32, #tpu.memory_space<vmem>> -> memref<128xi32, #tpu.memory_space<vmem>>
    %dma_wait3A_808 = arith.constant 0 : i32
    %dma_wait3A_809 = tpu.memref_slice %arg7[%dma_wait3A_808] : memref<3276816xf32, #tpu.memory_space<hbm>> -> memref<3276816xf32, #tpu.memory_space<hbm>>
    tpu.wait_indirect_dma semaphore(%arg20 : memref<!tpu.dma_semaphore, #tpu.memory_space<semaphore_mem>>) src(%dma_wait3A_809 : memref<3276816xf32, #tpu.memory_space<hbm>>) dst(%dma_wait3A_805 : memref<128xf32, #tpu.memory_space<vmem>>)
    %dma_wait3A_810 = arith.constant 512 : i32
    %dma_wait3A_811 = tpu.memref_slice %arg16[%dma_wait3A_810] : memref<640xf32, #tpu.memory_space<vmem>> -> memref<128xf32, #tpu.memory_space<vmem>>
    %dma_wait3A_812 = arith.constant 512 : i32
    %dma_wait3A_813 = tpu.memref_slice %arg14[%dma_wait3A_812] : memref<640xi32, #tpu.memory_space<vmem>> -> memref<128xi32, #tpu.memory_space<vmem>>
    %dma_wait3A_814 = arith.constant 0 : i32
    %dma_wait3A_815 = tpu.memref_slice %arg7[%dma_wait3A_814] : memref<3276816xf32, #tpu.memory_space<hbm>> -> memref<3276816xf32, #tpu.memory_space<hbm>>
    tpu.wait_indirect_dma semaphore(%arg20 : memref<!tpu.dma_semaphore, #tpu.memory_space<semaphore_mem>>) src(%dma_wait3A_815 : memref<3276816xf32, #tpu.memory_space<hbm>>) dst(%dma_wait3A_811 : memref<128xf32, #tpu.memory_space<vmem>>)
    %dma_wait3A_816 = arith.constant 0 : i32
    %dma_wait3A_817 = tpu.memref_slice %arg17[%dma_wait3A_816] : memref<1152xf32, #tpu.memory_space<vmem>> -> memref<128xf32, #tpu.memory_space<vmem>>
    %dma_wait3A_818 = arith.constant 0 : i32
    %dma_wait3A_819 = tpu.memref_slice %arg15[%dma_wait3A_818] : memref<1152xi32, #tpu.memory_space<vmem>> -> memref<128xi32, #tpu.memory_space<vmem>>
    %dma_wait3A_820 = arith.constant 0 : i32
    %dma_wait3A_821 = tpu.memref_slice %arg7[%dma_wait3A_820] : memref<3276816xf32, #tpu.memory_space<hbm>> -> memref<3276816xf32, #tpu.memory_space<hbm>>
    tpu.wait_indirect_dma semaphore(%arg20 : memref<!tpu.dma_semaphore, #tpu.memory_space<semaphore_mem>>) src(%dma_wait3A_821 : memref<3276816xf32, #tpu.memory_space<hbm>>) dst(%dma_wait3A_817 : memref<128xf32, #tpu.memory_space<vmem>>)
    %dma_wait3A_822 = arith.constant 128 : i32
    %dma_wait3A_823 = tpu.memref_slice %arg17[%dma_wait3A_822] : memref<1152xf32, #tpu.memory_space<vmem>> -> memref<128xf32, #tpu.memory_space<vmem>>
    %dma_wait3A_824 = arith.constant 128 : i32
    %dma_wait3A_825 = tpu.memref_slice %arg15[%dma_wait3A_824] : memref<1152xi32, #tpu.memory_space<vmem>> -> memref<128xi32, #tpu.memory_space<vmem>>
    %dma_wait3A_826 = arith.constant 0 : i32
    %dma_wait3A_827 = tpu.memref_slice %arg7[%dma_wait3A_826] : memref<3276816xf32, #tpu.memory_space<hbm>> -> memref<3276816xf32, #tpu.memory_space<hbm>>
    tpu.wait_indirect_dma semaphore(%arg20 : memref<!tpu.dma_semaphore, #tpu.memory_space<semaphore_mem>>) src(%dma_wait3A_827 : memref<3276816xf32, #tpu.memory_space<hbm>>) dst(%dma_wait3A_823 : memref<128xf32, #tpu.memory_space<vmem>>)
    %dma_wait3A_828 = arith.constant 256 : i32
    %dma_wait3A_829 = tpu.memref_slice %arg17[%dma_wait3A_828] : memref<1152xf32, #tpu.memory_space<vmem>> -> memref<128xf32, #tpu.memory_space<vmem>>
    %dma_wait3A_830 = arith.constant 256 : i32
    %dma_wait3A_831 = tpu.memref_slice %arg15[%dma_wait3A_830] : memref<1152xi32, #tpu.memory_space<vmem>> -> memref<128xi32, #tpu.memory_space<vmem>>
    %dma_wait3A_832 = arith.constant 0 : i32
    %dma_wait3A_833 = tpu.memref_slice %arg7[%dma_wait3A_832] : memref<3276816xf32, #tpu.memory_space<hbm>> -> memref<3276816xf32, #tpu.memory_space<hbm>>
    tpu.wait_indirect_dma semaphore(%arg20 : memref<!tpu.dma_semaphore, #tpu.memory_space<semaphore_mem>>) src(%dma_wait3A_833 : memref<3276816xf32, #tpu.memory_space<hbm>>) dst(%dma_wait3A_829 : memref<128xf32, #tpu.memory_space<vmem>>)
    %dma_wait3A_834 = arith.constant 384 : i32
    %dma_wait3A_835 = tpu.memref_slice %arg17[%dma_wait3A_834] : memref<1152xf32, #tpu.memory_space<vmem>> -> memref<128xf32, #tpu.memory_space<vmem>>
    %dma_wait3A_836 = arith.constant 384 : i32
    %dma_wait3A_837 = tpu.memref_slice %arg15[%dma_wait3A_836] : memref<1152xi32, #tpu.memory_space<vmem>> -> memref<128xi32, #tpu.memory_space<vmem>>
    %dma_wait3A_838 = arith.constant 0 : i32
    %dma_wait3A_839 = tpu.memref_slice %arg7[%dma_wait3A_838] : memref<3276816xf32, #tpu.memory_space<hbm>> -> memref<3276816xf32, #tpu.memory_space<hbm>>
    tpu.wait_indirect_dma semaphore(%arg20 : memref<!tpu.dma_semaphore, #tpu.memory_space<semaphore_mem>>) src(%dma_wait3A_839 : memref<3276816xf32, #tpu.memory_space<hbm>>) dst(%dma_wait3A_835 : memref<128xf32, #tpu.memory_space<vmem>>)
    %dma_wait3A_840 = arith.constant 512 : i32
    %dma_wait3A_841 = tpu.memref_slice %arg17[%dma_wait3A_840] : memref<1152xf32, #tpu.memory_space<vmem>> -> memref<128xf32, #tpu.memory_space<vmem>>
    %dma_wait3A_842 = arith.constant 512 : i32
    %dma_wait3A_843 = tpu.memref_slice %arg15[%dma_wait3A_842] : memref<1152xi32, #tpu.memory_space<vmem>> -> memref<128xi32, #tpu.memory_space<vmem>>
    %dma_wait3A_844 = arith.constant 0 : i32
    %dma_wait3A_845 = tpu.memref_slice %arg7[%dma_wait3A_844] : memref<3276816xf32, #tpu.memory_space<hbm>> -> memref<3276816xf32, #tpu.memory_space<hbm>>
    tpu.wait_indirect_dma semaphore(%arg20 : memref<!tpu.dma_semaphore, #tpu.memory_space<semaphore_mem>>) src(%dma_wait3A_845 : memref<3276816xf32, #tpu.memory_space<hbm>>) dst(%dma_wait3A_841 : memref<128xf32, #tpu.memory_space<vmem>>)
    %dma_wait3A_846 = arith.constant 640 : i32
    %dma_wait3A_847 = tpu.memref_slice %arg17[%dma_wait3A_846] : memref<1152xf32, #tpu.memory_space<vmem>> -> memref<128xf32, #tpu.memory_space<vmem>>
    %dma_wait3A_848 = arith.constant 640 : i32
    %dma_wait3A_849 = tpu.memref_slice %arg15[%dma_wait3A_848] : memref<1152xi32, #tpu.memory_space<vmem>> -> memref<128xi32, #tpu.memory_space<vmem>>
    %dma_wait3A_850 = arith.constant 0 : i32
    %dma_wait3A_851 = tpu.memref_slice %arg7[%dma_wait3A_850] : memref<3276816xf32, #tpu.memory_space<hbm>> -> memref<3276816xf32, #tpu.memory_space<hbm>>
    tpu.wait_indirect_dma semaphore(%arg20 : memref<!tpu.dma_semaphore, #tpu.memory_space<semaphore_mem>>) src(%dma_wait3A_851 : memref<3276816xf32, #tpu.memory_space<hbm>>) dst(%dma_wait3A_847 : memref<128xf32, #tpu.memory_space<vmem>>)
    %dma_wait3A_852 = arith.constant 768 : i32
    %dma_wait3A_853 = tpu.memref_slice %arg17[%dma_wait3A_852] : memref<1152xf32, #tpu.memory_space<vmem>> -> memref<128xf32, #tpu.memory_space<vmem>>
    %dma_wait3A_854 = arith.constant 768 : i32
    %dma_wait3A_855 = tpu.memref_slice %arg15[%dma_wait3A_854] : memref<1152xi32, #tpu.memory_space<vmem>> -> memref<128xi32, #tpu.memory_space<vmem>>
    %dma_wait3A_856 = arith.constant 0 : i32
    %dma_wait3A_857 = tpu.memref_slice %arg7[%dma_wait3A_856] : memref<3276816xf32, #tpu.memory_space<hbm>> -> memref<3276816xf32, #tpu.memory_space<hbm>>
    tpu.wait_indirect_dma semaphore(%arg20 : memref<!tpu.dma_semaphore, #tpu.memory_space<semaphore_mem>>) src(%dma_wait3A_857 : memref<3276816xf32, #tpu.memory_space<hbm>>) dst(%dma_wait3A_853 : memref<128xf32, #tpu.memory_space<vmem>>)
    %dma_wait3A_858 = arith.constant 896 : i32
    %dma_wait3A_859 = tpu.memref_slice %arg17[%dma_wait3A_858] : memref<1152xf32, #tpu.memory_space<vmem>> -> memref<128xf32, #tpu.memory_space<vmem>>
    %dma_wait3A_860 = arith.constant 896 : i32
    %dma_wait3A_861 = tpu.memref_slice %arg15[%dma_wait3A_860] : memref<1152xi32, #tpu.memory_space<vmem>> -> memref<128xi32, #tpu.memory_space<vmem>>
    %dma_wait3A_862 = arith.constant 0 : i32
    %dma_wait3A_863 = tpu.memref_slice %arg7[%dma_wait3A_862] : memref<3276816xf32, #tpu.memory_space<hbm>> -> memref<3276816xf32, #tpu.memory_space<hbm>>
    tpu.wait_indirect_dma semaphore(%arg20 : memref<!tpu.dma_semaphore, #tpu.memory_space<semaphore_mem>>) src(%dma_wait3A_863 : memref<3276816xf32, #tpu.memory_space<hbm>>) dst(%dma_wait3A_859 : memref<128xf32, #tpu.memory_space<vmem>>)
    %dma_wait3A_864 = arith.constant 1024 : i32
    %dma_wait3A_865 = tpu.memref_slice %arg17[%dma_wait3A_864] : memref<1152xf32, #tpu.memory_space<vmem>> -> memref<128xf32, #tpu.memory_space<vmem>>
    %dma_wait3A_866 = arith.constant 1024 : i32
    %dma_wait3A_867 = tpu.memref_slice %arg15[%dma_wait3A_866] : memref<1152xi32, #tpu.memory_space<vmem>> -> memref<128xi32, #tpu.memory_space<vmem>>
    %dma_wait3A_868 = arith.constant 0 : i32
    %dma_wait3A_869 = tpu.memref_slice %arg7[%dma_wait3A_868] : memref<3276816xf32, #tpu.memory_space<hbm>> -> memref<3276816xf32, #tpu.memory_space<hbm>>
    tpu.wait_indirect_dma semaphore(%arg20 : memref<!tpu.dma_semaphore, #tpu.memory_space<semaphore_mem>>) src(%dma_wait3A_869 : memref<3276816xf32, #tpu.memory_space<hbm>>) dst(%dma_wait3A_865 : memref<128xf32, #tpu.memory_space<vmem>>)
    %broadcast_in_dim3A_870 = arith.constant 0.000000e+00 : f32
    %broadcast_in_dim3A_871 = vector.broadcast %broadcast_in_dim3A_870 : f32 to vector<16xf32>
    %scan3A_872 = arith.constant 0 : i32
    %scan3A_873 = arith.constant 32 : i32
    %scan3A_874 = arith.addi %scan3A_872, %scan3A_873 : i32
    %scan3A_875 = arith.constant 1 : i32
    %scan3A_876 = scf.for %scan3A_890 = %scan3A_872 to %scan3A_874 step %scan3A_875 iter_args(%scan3A_891 = %broadcast_in_dim3A_871) -> (vector<16xf32>)  : i32 {
      %mul3A_892 = arith.constant 16 : i32
      %mul3A_893 = arith.muli %scan3A_890, %mul3A_892 : i32
      %get3A_894 = arith.index_cast %mul3A_893 : i32 to index
      %get3A_895 = tpu.vector_load %arg10[%get3A_894] {strides = array<i32>} : memref<512xf32, #tpu.memory_space<vmem>>, vector<16xf32>,
      %get3A_896 = arith.index_cast %mul3A_893 : i32 to index
      %get3A_897 = tpu.vector_load %arg11[%get3A_896] {strides = array<i32>} : memref<512xf32, #tpu.memory_space<vmem>>, vector<16xf32>,
      %mul3A_898 = arith.constant 16 : i32
      %mul3A_899 = arith.muli %scan3A_890, %mul3A_898 : i32
      %add3A_900 = arith.constant 1 : i32
      %add3A_901 = arith.addi %mul3A_899, %add3A_900 : i32
      %get3A_902 = arith.index_cast %add3A_901 : i32 to index
      %get3A_903 = tpu.vector_load %arg16[%get3A_902] {strides = array<i32>} : memref<640xf32, #tpu.memory_space<vmem>>, vector<16xf32>,
      %get3A_904 = arith.index_cast %mul3A_893 : i32 to index
      %get3A_905 = tpu.vector_load %arg16[%get3A_904] {strides = array<i32>} : memref<640xf32, #tpu.memory_space<vmem>>, vector<16xf32>,
      %sub3A = arith.subf %get3A_903, %get3A_905 : vector<16xf32>
      %max3A = arith.constant 1.000000e+00 : f32
      %max3A_906 = vector.broadcast %max3A : f32 to vector<16xf32>
      %max3A_907 = arith.maximumf %get3A_895, %max3A_906 : vector<16xf32>
      %div3A = arith.divf %sub3A, %max3A_907 : vector<16xf32>
      %mul3A_908 = arith.mulf %get3A_897, %div3A : vector<16xf32>
      %add3A_909 = arith.addf %scan3A_891, %mul3A_908 : vector<16xf32>
      scf.yield %add3A_909 : vector<16xf32>
    }
    %scan3A_877 = arith.constant 32 : i32
    %swap3A_878 = arith.constant 0 : index
    %swap3A_879 = tpu.vector_load %arg19[%swap3A_878] {strides = array<i32>} : memref<16xf32, #tpu.memory_space<vmem>>, vector<16xf32>,
    tpu.vector_store %arg19[%swap3A_878], %scan3A_876 {strides = array<i32>} : memref<16xf32, #tpu.memory_space<vmem>>, vector<16xf32>,
    "tpu.region"() ({
      %run_scoped3A = tpu.sem_alloc : memref<!tpu.dma_semaphore, #tpu.memory_space<semaphore_mem>>
      %dma_start3A_890 = arith.constant 0 : i32
      %dma_start3A_891 = tpu.memref_slice %arg8[%add3A, %dma_start3A_890] : memref<32x16xf32, #tpu.memory_space<hbm>> -> memref<1x16xf32, #tpu.memory_space<hbm>>
      %dma_start3A_892 = tpu.memref_squeeze %dma_start3A_891 : memref<1x16xf32, #tpu.memory_space<hbm>> -> memref<16xf32, #tpu.memory_space<hbm>>
      %dma_start3A_893 = arith.constant 0 : i32
      %dma_start3A_894 = tpu.memref_slice %arg8[%add3A, %dma_start3A_893] : memref<32x16xf32, #tpu.memory_space<hbm>> -> memref<1x16xf32, #tpu.memory_space<hbm>>
      %dma_start3A_895 = tpu.memref_squeeze %dma_start3A_894 : memref<1x16xf32, #tpu.memory_space<hbm>> -> memref<16xf32, #tpu.memory_space<hbm>>
      tpu.enqueue_dma source(%arg19 : memref<16xf32, #tpu.memory_space<vmem>>) target(%dma_start3A_895 : memref<16xf32, #tpu.memory_space<hbm>>) target_semaphore(%run_scoped3A : memref<!tpu.dma_semaphore, #tpu.memory_space<semaphore_mem>>)
      %dma_wait3A_896 = arith.constant 0 : i32
      %dma_wait3A_897 = tpu.memref_slice %arg8[%add3A, %dma_wait3A_896] : memref<32x16xf32, #tpu.memory_space<hbm>> -> memref<1x16xf32, #tpu.memory_space<hbm>>
      %dma_wait3A_898 = tpu.memref_squeeze %dma_wait3A_897 : memref<1x16xf32, #tpu.memory_space<hbm>> -> memref<16xf32, #tpu.memory_space<hbm>>
      %dma_wait3A_899 = arith.constant 0 : i32
      %dma_wait3A_900 = tpu.memref_slice %arg8[%add3A, %dma_wait3A_899] : memref<32x16xf32, #tpu.memory_space<hbm>> -> memref<1x16xf32, #tpu.memory_space<hbm>>
      %dma_wait3A_901 = tpu.memref_squeeze %dma_wait3A_900 : memref<1x16xf32, #tpu.memory_space<hbm>> -> memref<16xf32, #tpu.memory_space<hbm>>
      tpu.wait_dma2 semaphore(%run_scoped3A : memref<!tpu.dma_semaphore, #tpu.memory_space<semaphore_mem>>) src(%arg19 : memref<16xf32, #tpu.memory_space<vmem>>) dst(%dma_wait3A_901 : memref<16xf32, #tpu.memory_space<hbm>>)
      tpu.yield
    }) : () -> ()
    %broadcast_in_dim3A_880 = arith.constant 0.000000e+00 : f32
    %broadcast_in_dim3A_881 = vector.broadcast %broadcast_in_dim3A_880 : f32 to vector<16xf32>
    %scan3A_882 = arith.constant 0 : i32
    %scan3A_883 = arith.constant 64 : i32
    %scan3A_884 = arith.addi %scan3A_882, %scan3A_883 : i32
    %scan3A_885 = arith.constant 1 : i32
    %scan3A_886 = scf.for %scan3A_890 = %scan3A_882 to %scan3A_884 step %scan3A_885 iter_args(%scan3A_891 = %broadcast_in_dim3A_881) -> (vector<16xf32>)  : i32 {
      %mul3A_892 = arith.constant 16 : i32
      %mul3A_893 = arith.muli %scan3A_890, %mul3A_892 : i32
      %get3A_894 = arith.index_cast %mul3A_893 : i32 to index
      %get3A_895 = tpu.vector_load %arg12[%get3A_894] {strides = array<i32>} : memref<1024xf32, #tpu.memory_space<vmem>>, vector<16xf32>,
      %get3A_896 = arith.index_cast %mul3A_893 : i32 to index
      %get3A_897 = tpu.vector_load %arg13[%get3A_896] {strides = array<i32>} : memref<1024xf32, #tpu.memory_space<vmem>>, vector<16xf32>,
      %mul3A_898 = arith.constant 16 : i32
      %mul3A_899 = arith.muli %scan3A_890, %mul3A_898 : i32
      %add3A_900 = arith.constant 1 : i32
      %add3A_901 = arith.addi %mul3A_899, %add3A_900 : i32
      %get3A_902 = arith.index_cast %add3A_901 : i32 to index
      %get3A_903 = tpu.vector_load %arg17[%get3A_902] {strides = array<i32>} : memref<1152xf32, #tpu.memory_space<vmem>>, vector<16xf32>,
      %get3A_904 = arith.index_cast %mul3A_893 : i32 to index
      %get3A_905 = tpu.vector_load %arg17[%get3A_904] {strides = array<i32>} : memref<1152xf32, #tpu.memory_space<vmem>>, vector<16xf32>,
      %sub3A = arith.subf %get3A_903, %get3A_905 : vector<16xf32>
      %max3A = arith.constant 1.000000e+00 : f32
      %max3A_906 = vector.broadcast %max3A : f32 to vector<16xf32>
      %max3A_907 = arith.maximumf %get3A_895, %max3A_906 : vector<16xf32>
      %div3A = arith.divf %sub3A, %max3A_907 : vector<16xf32>
      %mul3A_908 = arith.mulf %get3A_897, %div3A : vector<16xf32>
      %add3A_909 = arith.addf %scan3A_891, %mul3A_908 : vector<16xf32>
      scf.yield %add3A_909 : vector<16xf32>
    }
    %scan3A_887 = arith.constant 64 : i32
    %swap3A_888 = arith.constant 0 : index
    %swap3A_889 = tpu.vector_load %arg19[%swap3A_888] {strides = array<i32>} : memref<16xf32, #tpu.memory_space<vmem>>, vector<16xf32>,
    tpu.vector_store %arg19[%swap3A_888], %scan3A_886 {strides = array<i32>} : memref<16xf32, #tpu.memory_space<vmem>>, vector<16xf32>,
    "tpu.region"() ({
      %run_scoped3A = tpu.sem_alloc : memref<!tpu.dma_semaphore, #tpu.memory_space<semaphore_mem>>
      %dma_start3A_890 = arith.constant 0 : i32
      %dma_start3A_891 = tpu.memref_slice %arg9[%add3A, %dma_start3A_890] : memref<32x16xf32, #tpu.memory_space<hbm>> -> memref<1x16xf32, #tpu.memory_space<hbm>>
      %dma_start3A_892 = tpu.memref_squeeze %dma_start3A_891 : memref<1x16xf32, #tpu.memory_space<hbm>> -> memref<16xf32, #tpu.memory_space<hbm>>
      %dma_start3A_893 = arith.constant 0 : i32
      %dma_start3A_894 = tpu.memref_slice %arg9[%add3A, %dma_start3A_893] : memref<32x16xf32, #tpu.memory_space<hbm>> -> memref<1x16xf32, #tpu.memory_space<hbm>>
      %dma_start3A_895 = tpu.memref_squeeze %dma_start3A_894 : memref<1x16xf32, #tpu.memory_space<hbm>> -> memref<16xf32, #tpu.memory_space<hbm>>
      tpu.enqueue_dma source(%arg19 : memref<16xf32, #tpu.memory_space<vmem>>) target(%dma_start3A_895 : memref<16xf32, #tpu.memory_space<hbm>>) target_semaphore(%run_scoped3A : memref<!tpu.dma_semaphore, #tpu.memory_space<semaphore_mem>>)
      %dma_wait3A_896 = arith.constant 0 : i32
      %dma_wait3A_897 = tpu.memref_slice %arg9[%add3A, %dma_wait3A_896] : memref<32x16xf32, #tpu.memory_space<hbm>> -> memref<1x16xf32, #tpu.memory_space<hbm>>
      %dma_wait3A_898 = tpu.memref_squeeze %dma_wait3A_897 : memref<1x16xf32, #tpu.memory_space<hbm>> -> memref<16xf32, #tpu.memory_space<hbm>>
      %dma_wait3A_899 = arith.constant 0 : i32
      %dma_wait3A_900 = tpu.memref_slice %arg9[%add3A, %dma_wait3A_899] : memref<32x16xf32, #tpu.memory_space<hbm>> -> memref<1x16xf32, #tpu.memory_space<hbm>>
      %dma_wait3A_901 = tpu.memref_squeeze %dma_wait3A_900 : memref<1x16xf32, #tpu.memory_space<hbm>> -> memref<16xf32, #tpu.memory_space<hbm>>
      tpu.wait_dma2 semaphore(%run_scoped3A : memref<!tpu.dma_semaphore, #tpu.memory_space<semaphore_mem>>) src(%arg19 : memref<16xf32, #tpu.memory_space<vmem>>) dst(%dma_wait3A_901 : memref<16xf32, #tpu.memory_space<hbm>>)
      tpu.yield
    }) : () -> ()
    return
  }
}

#map = affine_map<(d0, d1) -> (0)>
#map1 = affine_map<(d0, d1) -> (0, 0)>
module attributes {stable_mosaic.version = 14 : i64} {
  func.func @_hist_kernel(%arg0: i32, %arg1: i32, %arg2: memref<3276800xi32, #tpu.memory_space<hbm>>, %arg3: memref<3276800xf32, #tpu.memory_space<hbm>>, %arg4: memref<32x16384xf32, #tpu.memory_space<hbm>>, %arg5: memref<32x16384xf32, #tpu.memory_space<hbm>>, %arg6: memref<32x32768xf32, #tpu.memory_space<hbm>>, %arg7: memref<32x32768xf32, #tpu.memory_space<hbm>>, %arg8: memref<16384xf32, #tpu.memory_space<vmem>>, %arg9: memref<16384xf32, #tpu.memory_space<vmem>>, %arg10: memref<32768xf32, #tpu.memory_space<vmem>>, %arg11: memref<32768xf32, #tpu.memory_space<vmem>>, %arg12: memref<2x2048xi32, #tpu.memory_space<vmem>>, %arg13: memref<2x2048xf32, #tpu.memory_space<vmem>>, %arg14: memref<!tpu.dma_semaphore, #tpu.memory_space<semaphore_mem>>, %arg15: memref<!tpu.dma_semaphore, #tpu.memory_space<semaphore_mem>>) attributes {dimension_semantics = [#tpu.dimension_semantics<core_parallel>, #tpu.dimension_semantics<subcore_parallel>], iteration_bounds = array<i64: 2, 16>, scalar_prefetch = 0 : i64, scratch_operands = 8 : i64, tpu.core_type = #tpu.core_type<sc_vector_subcore>, window_params = [{transform_indices = #map}, {transform_indices = #map}, {transform_indices = #map1}, {transform_indices = #map1}, {transform_indices = #map1}, {transform_indices = #map1}]} {
    %mul3A = arith.constant 2 : i32
    %mul3A_0 = arith.muli %arg1, %mul3A : i32
    %add3A = arith.addi %mul3A_0, %arg0 : i32
    %mul3A_1 = arith.constant 102400 : i32
    %mul3A_2 = arith.muli %add3A, %mul3A_1 : i32
    %broadcast_in_dim3A = arith.constant 0.000000e+00 : f32
    %broadcast_in_dim3A_3 = vector.broadcast %broadcast_in_dim3A : f32 to vector<16xf32>
    %scan3A = arith.constant 0 : i32
    %scan3A_4 = arith.constant 0 : i32
    %scan3A_5 = arith.constant 1024 : i32
    %scan3A_6 = arith.addi %scan3A_4, %scan3A_5 : i32
    %scan3A_7 = arith.constant 4 : i32
    %scan3A_8 = scf.for %scan3A_85 = %scan3A_4 to %scan3A_6 step %scan3A_7 iter_args(%scan3A_86 = %scan3A) -> (i32)  : i32 {
      %mul3A_87 = arith.constant 16 : i32
      %mul3A_88 = arith.muli %scan3A_85, %mul3A_87 : i32
      %swap3A = arith.index_cast %mul3A_88 : i32 to index
      %swap3A_89 = tpu.vector_load %arg8[%swap3A] {strides = array<i32>} : memref<16384xf32, #tpu.memory_space<vmem>>, vector<16xf32>,
      tpu.vector_store %arg8[%swap3A], %broadcast_in_dim3A_3 {strides = array<i32>} : memref<16384xf32, #tpu.memory_space<vmem>>, vector<16xf32>,
      %scan3A_90 = arith.constant 0 : i32
      %scan3A_91 = arith.constant 1 : i32
      %scan3A_92 = arith.addi %scan3A_85, %scan3A_91 : i32
      %mul3A_93 = arith.constant 16 : i32
      %mul3A_94 = arith.muli %scan3A_92, %mul3A_93 : i32
      %swap3A_95 = arith.index_cast %mul3A_94 : i32 to index
      %swap3A_96 = tpu.vector_load %arg8[%swap3A_95] {strides = array<i32>} : memref<16384xf32, #tpu.memory_space<vmem>>, vector<16xf32>,
      tpu.vector_store %arg8[%swap3A_95], %broadcast_in_dim3A_3 {strides = array<i32>} : memref<16384xf32, #tpu.memory_space<vmem>>, vector<16xf32>,
      %scan3A_97 = arith.constant 0 : i32
      %scan3A_98 = arith.constant 2 : i32
      %scan3A_99 = arith.addi %scan3A_85, %scan3A_98 : i32
      %mul3A_100 = arith.constant 16 : i32
      %mul3A_101 = arith.muli %scan3A_99, %mul3A_100 : i32
      %swap3A_102 = arith.index_cast %mul3A_101 : i32 to index
      %swap3A_103 = tpu.vector_load %arg8[%swap3A_102] {strides = array<i32>} : memref<16384xf32, #tpu.memory_space<vmem>>, vector<16xf32>,
      tpu.vector_store %arg8[%swap3A_102], %broadcast_in_dim3A_3 {strides = array<i32>} : memref<16384xf32, #tpu.memory_space<vmem>>, vector<16xf32>,
      %scan3A_104 = arith.constant 0 : i32
      %scan3A_105 = arith.constant 3 : i32
      %scan3A_106 = arith.addi %scan3A_85, %scan3A_105 : i32
      %mul3A_107 = arith.constant 16 : i32
      %mul3A_108 = arith.muli %scan3A_106, %mul3A_107 : i32
      %swap3A_109 = arith.index_cast %mul3A_108 : i32 to index
      %swap3A_110 = tpu.vector_load %arg8[%swap3A_109] {strides = array<i32>} : memref<16384xf32, #tpu.memory_space<vmem>>, vector<16xf32>,
      tpu.vector_store %arg8[%swap3A_109], %broadcast_in_dim3A_3 {strides = array<i32>} : memref<16384xf32, #tpu.memory_space<vmem>>, vector<16xf32>,
      %scan3A_111 = arith.constant 0 : i32
      scf.yield %scan3A_111 : i32
    }
    %scan3A_9 = arith.constant 1024 : i32
    %broadcast_in_dim3A_10 = arith.constant 0.000000e+00 : f32
    %broadcast_in_dim3A_11 = vector.broadcast %broadcast_in_dim3A_10 : f32 to vector<16xf32>
    %scan3A_12 = arith.constant 0 : i32
    %scan3A_13 = arith.constant 0 : i32
    %scan3A_14 = arith.constant 1024 : i32
    %scan3A_15 = arith.addi %scan3A_13, %scan3A_14 : i32
    %scan3A_16 = arith.constant 4 : i32
    %scan3A_17 = scf.for %scan3A_85 = %scan3A_13 to %scan3A_15 step %scan3A_16 iter_args(%scan3A_86 = %scan3A_12) -> (i32)  : i32 {
      %mul3A_87 = arith.constant 16 : i32
      %mul3A_88 = arith.muli %scan3A_85, %mul3A_87 : i32
      %swap3A = arith.index_cast %mul3A_88 : i32 to index
      %swap3A_89 = tpu.vector_load %arg9[%swap3A] {strides = array<i32>} : memref<16384xf32, #tpu.memory_space<vmem>>, vector<16xf32>,
      tpu.vector_store %arg9[%swap3A], %broadcast_in_dim3A_11 {strides = array<i32>} : memref<16384xf32, #tpu.memory_space<vmem>>, vector<16xf32>,
      %scan3A_90 = arith.constant 0 : i32
      %scan3A_91 = arith.constant 1 : i32
      %scan3A_92 = arith.addi %scan3A_85, %scan3A_91 : i32
      %mul3A_93 = arith.constant 16 : i32
      %mul3A_94 = arith.muli %scan3A_92, %mul3A_93 : i32
      %swap3A_95 = arith.index_cast %mul3A_94 : i32 to index
      %swap3A_96 = tpu.vector_load %arg9[%swap3A_95] {strides = array<i32>} : memref<16384xf32, #tpu.memory_space<vmem>>, vector<16xf32>,
      tpu.vector_store %arg9[%swap3A_95], %broadcast_in_dim3A_11 {strides = array<i32>} : memref<16384xf32, #tpu.memory_space<vmem>>, vector<16xf32>,
      %scan3A_97 = arith.constant 0 : i32
      %scan3A_98 = arith.constant 2 : i32
      %scan3A_99 = arith.addi %scan3A_85, %scan3A_98 : i32
      %mul3A_100 = arith.constant 16 : i32
      %mul3A_101 = arith.muli %scan3A_99, %mul3A_100 : i32
      %swap3A_102 = arith.index_cast %mul3A_101 : i32 to index
      %swap3A_103 = tpu.vector_load %arg9[%swap3A_102] {strides = array<i32>} : memref<16384xf32, #tpu.memory_space<vmem>>, vector<16xf32>,
      tpu.vector_store %arg9[%swap3A_102], %broadcast_in_dim3A_11 {strides = array<i32>} : memref<16384xf32, #tpu.memory_space<vmem>>, vector<16xf32>,
      %scan3A_104 = arith.constant 0 : i32
      %scan3A_105 = arith.constant 3 : i32
      %scan3A_106 = arith.addi %scan3A_85, %scan3A_105 : i32
      %mul3A_107 = arith.constant 16 : i32
      %mul3A_108 = arith.muli %scan3A_106, %mul3A_107 : i32
      %swap3A_109 = arith.index_cast %mul3A_108 : i32 to index
      %swap3A_110 = tpu.vector_load %arg9[%swap3A_109] {strides = array<i32>} : memref<16384xf32, #tpu.memory_space<vmem>>, vector<16xf32>,
      tpu.vector_store %arg9[%swap3A_109], %broadcast_in_dim3A_11 {strides = array<i32>} : memref<16384xf32, #tpu.memory_space<vmem>>, vector<16xf32>,
      %scan3A_111 = arith.constant 0 : i32
      scf.yield %scan3A_111 : i32
    }
    %scan3A_18 = arith.constant 1024 : i32
    %broadcast_in_dim3A_19 = arith.constant 0.000000e+00 : f32
    %broadcast_in_dim3A_20 = vector.broadcast %broadcast_in_dim3A_19 : f32 to vector<16xf32>
    %scan3A_21 = arith.constant 0 : i32
    %scan3A_22 = arith.constant 0 : i32
    %scan3A_23 = arith.constant 2048 : i32
    %scan3A_24 = arith.addi %scan3A_22, %scan3A_23 : i32
    %scan3A_25 = arith.constant 4 : i32
    %scan3A_26 = scf.for %scan3A_85 = %scan3A_22 to %scan3A_24 step %scan3A_25 iter_args(%scan3A_86 = %scan3A_21) -> (i32)  : i32 {
      %mul3A_87 = arith.constant 16 : i32
      %mul3A_88 = arith.muli %scan3A_85, %mul3A_87 : i32
      %swap3A = arith.index_cast %mul3A_88 : i32 to index
      %swap3A_89 = tpu.vector_load %arg10[%swap3A] {strides = array<i32>} : memref<32768xf32, #tpu.memory_space<vmem>>, vector<16xf32>,
      tpu.vector_store %arg10[%swap3A], %broadcast_in_dim3A_20 {strides = array<i32>} : memref<32768xf32, #tpu.memory_space<vmem>>, vector<16xf32>,
      %scan3A_90 = arith.constant 0 : i32
      %scan3A_91 = arith.constant 1 : i32
      %scan3A_92 = arith.addi %scan3A_85, %scan3A_91 : i32
      %mul3A_93 = arith.constant 16 : i32
      %mul3A_94 = arith.muli %scan3A_92, %mul3A_93 : i32
      %swap3A_95 = arith.index_cast %mul3A_94 : i32 to index
      %swap3A_96 = tpu.vector_load %arg10[%swap3A_95] {strides = array<i32>} : memref<32768xf32, #tpu.memory_space<vmem>>, vector<16xf32>,
      tpu.vector_store %arg10[%swap3A_95], %broadcast_in_dim3A_20 {strides = array<i32>} : memref<32768xf32, #tpu.memory_space<vmem>>, vector<16xf32>,
      %scan3A_97 = arith.constant 0 : i32
      %scan3A_98 = arith.constant 2 : i32
      %scan3A_99 = arith.addi %scan3A_85, %scan3A_98 : i32
      %mul3A_100 = arith.constant 16 : i32
      %mul3A_101 = arith.muli %scan3A_99, %mul3A_100 : i32
      %swap3A_102 = arith.index_cast %mul3A_101 : i32 to index
      %swap3A_103 = tpu.vector_load %arg10[%swap3A_102] {strides = array<i32>} : memref<32768xf32, #tpu.memory_space<vmem>>, vector<16xf32>,
      tpu.vector_store %arg10[%swap3A_102], %broadcast_in_dim3A_20 {strides = array<i32>} : memref<32768xf32, #tpu.memory_space<vmem>>, vector<16xf32>,
      %scan3A_104 = arith.constant 0 : i32
      %scan3A_105 = arith.constant 3 : i32
      %scan3A_106 = arith.addi %scan3A_85, %scan3A_105 : i32
      %mul3A_107 = arith.constant 16 : i32
      %mul3A_108 = arith.muli %scan3A_106, %mul3A_107 : i32
      %swap3A_109 = arith.index_cast %mul3A_108 : i32 to index
      %swap3A_110 = tpu.vector_load %arg10[%swap3A_109] {strides = array<i32>} : memref<32768xf32, #tpu.memory_space<vmem>>, vector<16xf32>,
      tpu.vector_store %arg10[%swap3A_109], %broadcast_in_dim3A_20 {strides = array<i32>} : memref<32768xf32, #tpu.memory_space<vmem>>, vector<16xf32>,
      %scan3A_111 = arith.constant 0 : i32
      scf.yield %scan3A_111 : i32
    }
    %scan3A_27 = arith.constant 2048 : i32
    %broadcast_in_dim3A_28 = arith.constant 0.000000e+00 : f32
    %broadcast_in_dim3A_29 = vector.broadcast %broadcast_in_dim3A_28 : f32 to vector<16xf32>
    %scan3A_30 = arith.constant 0 : i32
    %scan3A_31 = arith.constant 0 : i32
    %scan3A_32 = arith.constant 2048 : i32
    %scan3A_33 = arith.addi %scan3A_31, %scan3A_32 : i32
    %scan3A_34 = arith.constant 4 : i32
    %scan3A_35 = scf.for %scan3A_85 = %scan3A_31 to %scan3A_33 step %scan3A_34 iter_args(%scan3A_86 = %scan3A_30) -> (i32)  : i32 {
      %mul3A_87 = arith.constant 16 : i32
      %mul3A_88 = arith.muli %scan3A_85, %mul3A_87 : i32
      %swap3A = arith.index_cast %mul3A_88 : i32 to index
      %swap3A_89 = tpu.vector_load %arg11[%swap3A] {strides = array<i32>} : memref<32768xf32, #tpu.memory_space<vmem>>, vector<16xf32>,
      tpu.vector_store %arg11[%swap3A], %broadcast_in_dim3A_29 {strides = array<i32>} : memref<32768xf32, #tpu.memory_space<vmem>>, vector<16xf32>,
      %scan3A_90 = arith.constant 0 : i32
      %scan3A_91 = arith.constant 1 : i32
      %scan3A_92 = arith.addi %scan3A_85, %scan3A_91 : i32
      %mul3A_93 = arith.constant 16 : i32
      %mul3A_94 = arith.muli %scan3A_92, %mul3A_93 : i32
      %swap3A_95 = arith.index_cast %mul3A_94 : i32 to index
      %swap3A_96 = tpu.vector_load %arg11[%swap3A_95] {strides = array<i32>} : memref<32768xf32, #tpu.memory_space<vmem>>, vector<16xf32>,
      tpu.vector_store %arg11[%swap3A_95], %broadcast_in_dim3A_29 {strides = array<i32>} : memref<32768xf32, #tpu.memory_space<vmem>>, vector<16xf32>,
      %scan3A_97 = arith.constant 0 : i32
      %scan3A_98 = arith.constant 2 : i32
      %scan3A_99 = arith.addi %scan3A_85, %scan3A_98 : i32
      %mul3A_100 = arith.constant 16 : i32
      %mul3A_101 = arith.muli %scan3A_99, %mul3A_100 : i32
      %swap3A_102 = arith.index_cast %mul3A_101 : i32 to index
      %swap3A_103 = tpu.vector_load %arg11[%swap3A_102] {strides = array<i32>} : memref<32768xf32, #tpu.memory_space<vmem>>, vector<16xf32>,
      tpu.vector_store %arg11[%swap3A_102], %broadcast_in_dim3A_29 {strides = array<i32>} : memref<32768xf32, #tpu.memory_space<vmem>>, vector<16xf32>,
      %scan3A_104 = arith.constant 0 : i32
      %scan3A_105 = arith.constant 3 : i32
      %scan3A_106 = arith.addi %scan3A_85, %scan3A_105 : i32
      %mul3A_107 = arith.constant 16 : i32
      %mul3A_108 = arith.muli %scan3A_106, %mul3A_107 : i32
      %swap3A_109 = arith.index_cast %mul3A_108 : i32 to index
      %swap3A_110 = tpu.vector_load %arg11[%swap3A_109] {strides = array<i32>} : memref<32768xf32, #tpu.memory_space<vmem>>, vector<16xf32>,
      tpu.vector_store %arg11[%swap3A_109], %broadcast_in_dim3A_29 {strides = array<i32>} : memref<32768xf32, #tpu.memory_space<vmem>>, vector<16xf32>,
      %scan3A_111 = arith.constant 0 : i32
      scf.yield %scan3A_111 : i32
    }
    %scan3A_36 = arith.constant 2048 : i32
    %broadcast_in_dim3A_37 = arith.constant 1.000000e+00 : f32
    %broadcast_in_dim3A_38 = vector.broadcast %broadcast_in_dim3A_37 : f32 to vector<16xf32>
    %add3A_39 = arith.constant 0 : i32
    %add3A_40 = arith.addi %mul3A_2, %add3A_39 : i32
    %dma_start3A = arith.constant 0 : i32
    %dma_start3A_41 = arith.constant 0 : i32
    %dma_start3A_42 = tpu.memref_slice %arg12[%dma_start3A, %dma_start3A_41] : memref<2x2048xi32, #tpu.memory_space<vmem>> -> memref<1x2048xi32, #tpu.memory_space<vmem>>
    %dma_start3A_43 = tpu.memref_squeeze %dma_start3A_42 : memref<1x2048xi32, #tpu.memory_space<vmem>> -> memref<2048xi32, #tpu.memory_space<vmem>>
    %dma_start3A_44 = tpu.memref_slice %arg2[%add3A_40] : memref<3276800xi32, #tpu.memory_space<hbm>> -> memref<2048xi32, #tpu.memory_space<hbm>>
    %dma_start3A_45 = arith.constant 0 : i32
    %dma_start3A_46 = tpu.memref_slice %arg12[%dma_start3A, %dma_start3A_45] : memref<2x2048xi32, #tpu.memory_space<vmem>> -> memref<1x2048xi32, #tpu.memory_space<vmem>>
    %dma_start3A_47 = tpu.memref_squeeze %dma_start3A_46 : memref<1x2048xi32, #tpu.memory_space<vmem>> -> memref<2048xi32, #tpu.memory_space<vmem>>
    %dma_start3A_48 = tpu.memref_slice %arg2[%add3A_40] : memref<3276800xi32, #tpu.memory_space<hbm>> -> memref<2048xi32, #tpu.memory_space<hbm>>
    tpu.enqueue_dma source(%dma_start3A_48 : memref<2048xi32, #tpu.memory_space<hbm>>) target(%dma_start3A_47 : memref<2048xi32, #tpu.memory_space<vmem>>) target_semaphore(%arg14 : memref<!tpu.dma_semaphore, #tpu.memory_space<semaphore_mem>>)
    %dma_start3A_49 = arith.constant 0 : i32
    %dma_start3A_50 = arith.constant 0 : i32
    %dma_start3A_51 = tpu.memref_slice %arg13[%dma_start3A_49, %dma_start3A_50] : memref<2x2048xf32, #tpu.memory_space<vmem>> -> memref<1x2048xf32, #tpu.memory_space<vmem>>
    %dma_start3A_52 = tpu.memref_squeeze %dma_start3A_51 : memref<1x2048xf32, #tpu.memory_space<vmem>> -> memref<2048xf32, #tpu.memory_space<vmem>>
    %dma_start3A_53 = tpu.memref_slice %arg3[%add3A_40] : memref<3276800xf32, #tpu.memory_space<hbm>> -> memref<2048xf32, #tpu.memory_space<hbm>>
    %dma_start3A_54 = arith.constant 0 : i32
    %dma_start3A_55 = tpu.memref_slice %arg13[%dma_start3A_49, %dma_start3A_54] : memref<2x2048xf32, #tpu.memory_space<vmem>> -> memref<1x2048xf32, #tpu.memory_space<vmem>>
    %dma_start3A_56 = tpu.memref_squeeze %dma_start3A_55 : memref<1x2048xf32, #tpu.memory_space<vmem>> -> memref<2048xf32, #tpu.memory_space<vmem>>
    %dma_start3A_57 = tpu.memref_slice %arg3[%add3A_40] : memref<3276800xf32, #tpu.memory_space<hbm>> -> memref<2048xf32, #tpu.memory_space<hbm>>
    tpu.enqueue_dma source(%dma_start3A_57 : memref<2048xf32, #tpu.memory_space<hbm>>) target(%dma_start3A_56 : memref<2048xf32, #tpu.memory_space<vmem>>) target_semaphore(%arg14 : memref<!tpu.dma_semaphore, #tpu.memory_space<semaphore_mem>>)
    %add3A_58 = arith.constant 2048 : i32
    %add3A_59 = arith.addi %mul3A_2, %add3A_58 : i32
    %dma_start3A_60 = arith.constant 1 : i32
    %dma_start3A_61 = arith.constant 0 : i32
    %dma_start3A_62 = tpu.memref_slice %arg12[%dma_start3A_60, %dma_start3A_61] : memref<2x2048xi32, #tpu.memory_space<vmem>> -> memref<1x2048xi32, #tpu.memory_space<vmem>>
    %dma_start3A_63 = tpu.memref_squeeze %dma_start3A_62 : memref<1x2048xi32, #tpu.memory_space<vmem>> -> memref<2048xi32, #tpu.memory_space<vmem>>
    %dma_start3A_64 = tpu.memref_slice %arg2[%add3A_59] : memref<3276800xi32, #tpu.memory_space<hbm>> -> memref<2048xi32, #tpu.memory_space<hbm>>
    %dma_start3A_65 = arith.constant 0 : i32
    %dma_start3A_66 = tpu.memref_slice %arg12[%dma_start3A_60, %dma_start3A_65] : memref<2x2048xi32, #tpu.memory_space<vmem>> -> memref<1x2048xi32, #tpu.memory_space<vmem>>
    %dma_start3A_67 = tpu.memref_squeeze %dma_start3A_66 : memref<1x2048xi32, #tpu.memory_space<vmem>> -> memref<2048xi32, #tpu.memory_space<vmem>>
    %dma_start3A_68 = tpu.memref_slice %arg2[%add3A_59] : memref<3276800xi32, #tpu.memory_space<hbm>> -> memref<2048xi32, #tpu.memory_space<hbm>>
    tpu.enqueue_dma source(%dma_start3A_68 : memref<2048xi32, #tpu.memory_space<hbm>>) target(%dma_start3A_67 : memref<2048xi32, #tpu.memory_space<vmem>>) target_semaphore(%arg15 : memref<!tpu.dma_semaphore, #tpu.memory_space<semaphore_mem>>)
    %dma_start3A_69 = arith.constant 1 : i32
    %dma_start3A_70 = arith.constant 0 : i32
    %dma_start3A_71 = tpu.memref_slice %arg13[%dma_start3A_69, %dma_start3A_70] : memref<2x2048xf32, #tpu.memory_space<vmem>> -> memref<1x2048xf32, #tpu.memory_space<vmem>>
    %dma_start3A_72 = tpu.memref_squeeze %dma_start3A_71 : memref<1x2048xf32, #tpu.memory_space<vmem>> -> memref<2048xf32, #tpu.memory_space<vmem>>
    %dma_start3A_73 = tpu.memref_slice %arg3[%add3A_59] : memref<3276800xf32, #tpu.memory_space<hbm>> -> memref<2048xf32, #tpu.memory_space<hbm>>
    %dma_start3A_74 = arith.constant 0 : i32
    %dma_start3A_75 = tpu.memref_slice %arg13[%dma_start3A_69, %dma_start3A_74] : memref<2x2048xf32, #tpu.memory_space<vmem>> -> memref<1x2048xf32, #tpu.memory_space<vmem>>
    %dma_start3A_76 = tpu.memref_squeeze %dma_start3A_75 : memref<1x2048xf32, #tpu.memory_space<vmem>> -> memref<2048xf32, #tpu.memory_space<vmem>>
    %dma_start3A_77 = tpu.memref_slice %arg3[%add3A_59] : memref<3276800xf32, #tpu.memory_space<hbm>> -> memref<2048xf32, #tpu.memory_space<hbm>>
    tpu.enqueue_dma source(%dma_start3A_77 : memref<2048xf32, #tpu.memory_space<hbm>>) target(%dma_start3A_76 : memref<2048xf32, #tpu.memory_space<vmem>>) target_semaphore(%arg15 : memref<!tpu.dma_semaphore, #tpu.memory_space<semaphore_mem>>)
    %scan3A_78 = arith.constant 0 : i32
    %scan3A_79 = arith.constant 0 : i32
    %scan3A_80 = arith.constant 25 : i32
    %scan3A_81 = arith.addi %scan3A_79, %scan3A_80 : i32
    %scan3A_82 = arith.constant 1 : i32
    %scan3A_83 = scf.for %scan3A_85 = %scan3A_79 to %scan3A_81 step %scan3A_82 iter_args(%scan3A_86 = %scan3A_78) -> (i32)  : i32 {
      %mul3A_87 = arith.constant 2 : i32
      %mul3A_88 = arith.muli %scan3A_85, %mul3A_87 : i32
      %add3A_89 = arith.constant 0 : i32
      %add3A_90 = arith.addi %mul3A_88, %add3A_89 : i32
      %dma_wait3A = arith.constant 0 : i32
      %dma_wait3A_91 = arith.constant 0 : i32
      %dma_wait3A_92 = tpu.memref_slice %arg12[%dma_wait3A, %dma_wait3A_91] : memref<2x2048xi32, #tpu.memory_space<vmem>> -> memref<1x2048xi32, #tpu.memory_space<vmem>>
      %dma_wait3A_93 = tpu.memref_squeeze %dma_wait3A_92 : memref<1x2048xi32, #tpu.memory_space<vmem>> -> memref<2048xi32, #tpu.memory_space<vmem>>
      %dma_wait3A_94 = arith.constant 0 : i32
      %dma_wait3A_95 = tpu.memref_slice %arg2[%dma_wait3A_94] : memref<3276800xi32, #tpu.memory_space<hbm>> -> memref<2048xi32, #tpu.memory_space<hbm>>
      %dma_wait3A_96 = arith.constant 0 : i32
      %dma_wait3A_97 = tpu.memref_slice %arg12[%dma_wait3A, %dma_wait3A_96] : memref<2x2048xi32, #tpu.memory_space<vmem>> -> memref<1x2048xi32, #tpu.memory_space<vmem>>
      %dma_wait3A_98 = tpu.memref_squeeze %dma_wait3A_97 : memref<1x2048xi32, #tpu.memory_space<vmem>> -> memref<2048xi32, #tpu.memory_space<vmem>>
      %dma_wait3A_99 = arith.constant 0 : i32
      %dma_wait3A_100 = tpu.memref_slice %arg2[%dma_wait3A_99] : memref<3276800xi32, #tpu.memory_space<hbm>> -> memref<2048xi32, #tpu.memory_space<hbm>>
      tpu.wait_dma2 semaphore(%arg14 : memref<!tpu.dma_semaphore, #tpu.memory_space<semaphore_mem>>) src(%dma_wait3A_100 : memref<2048xi32, #tpu.memory_space<hbm>>) dst(%dma_wait3A_98 : memref<2048xi32, #tpu.memory_space<vmem>>)
      %dma_wait3A_101 = arith.constant 0 : i32
      %dma_wait3A_102 = arith.constant 0 : i32
      %dma_wait3A_103 = tpu.memref_slice %arg13[%dma_wait3A_101, %dma_wait3A_102] : memref<2x2048xf32, #tpu.memory_space<vmem>> -> memref<1x2048xf32, #tpu.memory_space<vmem>>
      %dma_wait3A_104 = tpu.memref_squeeze %dma_wait3A_103 : memref<1x2048xf32, #tpu.memory_space<vmem>> -> memref<2048xf32, #tpu.memory_space<vmem>>
      %dma_wait3A_105 = arith.constant 0 : i32
      %dma_wait3A_106 = tpu.memref_slice %arg3[%dma_wait3A_105] : memref<3276800xf32, #tpu.memory_space<hbm>> -> memref<2048xf32, #tpu.memory_space<hbm>>
      %dma_wait3A_107 = arith.constant 0 : i32
      %dma_wait3A_108 = tpu.memref_slice %arg13[%dma_wait3A_101, %dma_wait3A_107] : memref<2x2048xf32, #tpu.memory_space<vmem>> -> memref<1x2048xf32, #tpu.memory_space<vmem>>
      %dma_wait3A_109 = tpu.memref_squeeze %dma_wait3A_108 : memref<1x2048xf32, #tpu.memory_space<vmem>> -> memref<2048xf32, #tpu.memory_space<vmem>>
      %dma_wait3A_110 = arith.constant 0 : i32
      %dma_wait3A_111 = tpu.memref_slice %arg3[%dma_wait3A_110] : memref<3276800xf32, #tpu.memory_space<hbm>> -> memref<2048xf32, #tpu.memory_space<hbm>>
      tpu.wait_dma2 semaphore(%arg14 : memref<!tpu.dma_semaphore, #tpu.memory_space<semaphore_mem>>) src(%dma_wait3A_111 : memref<2048xf32, #tpu.memory_space<hbm>>) dst(%dma_wait3A_109 : memref<2048xf32, #tpu.memory_space<vmem>>)
      %parallel_loop3A = arith.constant 0 : i32
      %parallel_loop3A_112 = arith.constant 128 : i32
      %parallel_loop3A_113 = arith.constant 1 : i32
      scf.for %parallel_loop3A_155 = %parallel_loop3A to %parallel_loop3A_112 step %parallel_loop3A_113  : i32 {
        %parallel_loop3A_156 = arith.constant 16 : i32
        %parallel_loop3A_157 = arith.muli %parallel_loop3A_155, %parallel_loop3A_156 : i32
        %parallel_loop3A_158 = arith.constant 0 : i32
        %parallel_loop3A_159 = arith.index_cast %parallel_loop3A_158 : i32 to index
        %parallel_loop3A_160 = arith.index_cast %parallel_loop3A_157 : i32 to index
        %parallel_loop3A_161 = tpu.vector_load %arg12[%parallel_loop3A_159, %parallel_loop3A_160] {strides = array<i32>} : memref<2x2048xi32, #tpu.memory_space<vmem>>, vector<16xi32>,
        %parallel_loop3A_162 = arith.constant 16 : i32
        %parallel_loop3A_163 = arith.muli %parallel_loop3A_155, %parallel_loop3A_162 : i32
        %parallel_loop3A_164 = arith.constant 0 : i32
        %parallel_loop3A_165 = arith.index_cast %parallel_loop3A_164 : i32 to index
        %parallel_loop3A_166 = arith.index_cast %parallel_loop3A_163 : i32 to index
        %parallel_loop3A_167 = tpu.vector_load %arg13[%parallel_loop3A_165, %parallel_loop3A_166] {strides = array<i32>} : memref<2x2048xf32, #tpu.memory_space<vmem>>, vector<16xf32>,
        %parallel_loop3A_168 = arith.constant 0 : i32
        %parallel_loop3A_169 = vector.broadcast %parallel_loop3A_168 : i32 to vector<16xi32>
        %parallel_loop3A_170 = arith.cmpi slt, %parallel_loop3A_161, %parallel_loop3A_169 : vector<16xi32>
        %parallel_loop3A_171 = arith.constant dense<-1> : vector<16xi32>
        %parallel_loop3A_172 = arith.xori %parallel_loop3A_161, %parallel_loop3A_171 : vector<16xi32>
        %parallel_loop3A_173 = arith.constant 2147483647 : i32
        %parallel_loop3A_174 = vector.broadcast %parallel_loop3A_173 : i32 to vector<16xi32>
        %parallel_loop3A_175 = arith.andi %parallel_loop3A_172, %parallel_loop3A_174 : vector<16xi32>
        %parallel_loop3A_176 = arith.select %parallel_loop3A_170, %parallel_loop3A_161, %parallel_loop3A_175 : vector<16xi1>, vector<16xi32>
        %parallel_loop3A_177 = arith.constant 18 : i32
        %parallel_loop3A_178 = vector.broadcast %parallel_loop3A_177 : i32 to vector<16xi32>
        %parallel_loop3A_179 = arith.shrui %parallel_loop3A_176, %parallel_loop3A_178 : vector<16xi32>
        %parallel_loop3A_180 = arith.constant 3.276800e+04 : f32
        %parallel_loop3A_181 = vector.broadcast %parallel_loop3A_180 : f32 to vector<16xf32>
        %parallel_loop3A_182 = arith.mulf %parallel_loop3A_167, %parallel_loop3A_181 : vector<16xf32>
        %parallel_loop3A_183 = arith.fptosi %parallel_loop3A_182 : vector<16xf32> to vector<16xi32>
        %parallel_loop3A_184 = arith.constant 0 : i32
        %parallel_loop3A_185 = arith.constant 32767 : i32
        %parallel_loop3A_186 = vector.broadcast %parallel_loop3A_184 : i32 to vector<16xi32>
        %parallel_loop3A_187 = arith.maxsi %parallel_loop3A_186, %parallel_loop3A_183 : vector<16xi32>
        %parallel_loop3A_188 = vector.broadcast %parallel_loop3A_185 : i32 to vector<16xi32>
        %parallel_loop3A_189 = arith.minsi %parallel_loop3A_188, %parallel_loop3A_187 : vector<16xi32>
        %parallel_loop3A_190 = arith.constant 32767 : i32
        %parallel_loop3A_191 = vector.broadcast %parallel_loop3A_190 : i32 to vector<16xi32>
        %parallel_loop3A_192 = arith.subi %parallel_loop3A_191, %parallel_loop3A_189 : vector<16xi32>
        %parallel_loop3A_193 = arith.constant 0.693147182 : f32
        %parallel_loop3A_194 = vector.broadcast %parallel_loop3A_193 : f32 to vector<16xf32>
        %parallel_loop3A_195 = arith.mulf %parallel_loop3A_167, %parallel_loop3A_194 : vector<16xf32>
        %parallel_loop3A_196 = math.exp %parallel_loop3A_195 : vector<16xf32>
        %parallel_loop3A_197 = arith.constant 1.000000e+00 : f32
        %parallel_loop3A_198 = vector.broadcast %parallel_loop3A_197 : f32 to vector<16xf32>
        %parallel_loop3A_199 = arith.subf %parallel_loop3A_196, %parallel_loop3A_198 : vector<16xf32>
        tpu.vector_store_idx %arg8[%parallel_loop3A_179], %broadcast_in_dim3A_38 {add = true} : memref<16384xf32, #tpu.memory_space<vmem>>[vector<16xi32>], vector<16xf32>,
        tpu.vector_store_idx %arg9[%parallel_loop3A_179], %parallel_loop3A_199 {add = true} : memref<16384xf32, #tpu.memory_space<vmem>>[vector<16xi32>], vector<16xf32>,
        tpu.vector_store_idx %arg10[%parallel_loop3A_192], %broadcast_in_dim3A_38 {add = true} : memref<32768xf32, #tpu.memory_space<vmem>>[vector<16xi32>], vector<16xf32>,
        tpu.vector_store_idx %arg11[%parallel_loop3A_192], %parallel_loop3A_199 {add = true} : memref<32768xf32, #tpu.memory_space<vmem>>[vector<16xi32>], vector<16xf32>,
      } {sc.loop_unroll_factor = 4 : i64, sc.parallel_access}
      %add3A_114 = arith.constant 2 : i32
      %add3A_115 = arith.addi %add3A_90, %add3A_114 : i32
      %lt3A = arith.constant 50 : i32
      %lt3A_116 = arith.cmpi slt, %add3A_115, %lt3A : i32
      %convert_element_type3A = arith.extui %lt3A_116 : i1 to i32
      %cond3A = arith.constant 0 : i32
      %cond3A_117 = arith.cmpi ne, %convert_element_type3A, %cond3A : i32
      scf.if %cond3A_117 {
        %add3A_155 = arith.constant 2 : i32
        %add3A_156 = arith.addi %add3A_90, %add3A_155 : i32
        %mul3A_157 = arith.constant 2048 : i32
        %mul3A_158 = arith.muli %add3A_156, %mul3A_157 : i32
        %add3A_159 = arith.addi %mul3A_2, %mul3A_158 : i32
        %dma_start3A_160 = arith.constant 0 : i32
        %dma_start3A_161 = arith.constant 0 : i32
        %dma_start3A_162 = tpu.memref_slice %arg12[%dma_start3A_160, %dma_start3A_161] : memref<2x2048xi32, #tpu.memory_space<vmem>> -> memref<1x2048xi32, #tpu.memory_space<vmem>>
        %dma_start3A_163 = tpu.memref_squeeze %dma_start3A_162 : memref<1x2048xi32, #tpu.memory_space<vmem>> -> memref<2048xi32, #tpu.memory_space<vmem>>
        %dma_start3A_164 = tpu.memref_slice %arg2[%add3A_159] : memref<3276800xi32, #tpu.memory_space<hbm>> -> memref<2048xi32, #tpu.memory_space<hbm>>
        %dma_start3A_165 = arith.constant 0 : i32
        %dma_start3A_166 = tpu.memref_slice %arg12[%dma_start3A_160, %dma_start3A_165] : memref<2x2048xi32, #tpu.memory_space<vmem>> -> memref<1x2048xi32, #tpu.memory_space<vmem>>
        %dma_start3A_167 = tpu.memref_squeeze %dma_start3A_166 : memref<1x2048xi32, #tpu.memory_space<vmem>> -> memref<2048xi32, #tpu.memory_space<vmem>>
        %dma_start3A_168 = tpu.memref_slice %arg2[%add3A_159] : memref<3276800xi32, #tpu.memory_space<hbm>> -> memref<2048xi32, #tpu.memory_space<hbm>>
        tpu.enqueue_dma source(%dma_start3A_168 : memref<2048xi32, #tpu.memory_space<hbm>>) target(%dma_start3A_167 : memref<2048xi32, #tpu.memory_space<vmem>>) target_semaphore(%arg14 : memref<!tpu.dma_semaphore, #tpu.memory_space<semaphore_mem>>)
        %dma_start3A_169 = arith.constant 0 : i32
        %dma_start3A_170 = arith.constant 0 : i32
        %dma_start3A_171 = tpu.memref_slice %arg13[%dma_start3A_169, %dma_start3A_170] : memref<2x2048xf32, #tpu.memory_space<vmem>> -> memref<1x2048xf32, #tpu.memory_space<vmem>>
        %dma_start3A_172 = tpu.memref_squeeze %dma_start3A_171 : memref<1x2048xf32, #tpu.memory_space<vmem>> -> memref<2048xf32, #tpu.memory_space<vmem>>
        %dma_start3A_173 = tpu.memref_slice %arg3[%add3A_159] : memref<3276800xf32, #tpu.memory_space<hbm>> -> memref<2048xf32, #tpu.memory_space<hbm>>
        %dma_start3A_174 = arith.constant 0 : i32
        %dma_start3A_175 = tpu.memref_slice %arg13[%dma_start3A_169, %dma_start3A_174] : memref<2x2048xf32, #tpu.memory_space<vmem>> -> memref<1x2048xf32, #tpu.memory_space<vmem>>
        %dma_start3A_176 = tpu.memref_squeeze %dma_start3A_175 : memref<1x2048xf32, #tpu.memory_space<vmem>> -> memref<2048xf32, #tpu.memory_space<vmem>>
        %dma_start3A_177 = tpu.memref_slice %arg3[%add3A_159] : memref<3276800xf32, #tpu.memory_space<hbm>> -> memref<2048xf32, #tpu.memory_space<hbm>>
        tpu.enqueue_dma source(%dma_start3A_177 : memref<2048xf32, #tpu.memory_space<hbm>>) target(%dma_start3A_176 : memref<2048xf32, #tpu.memory_space<vmem>>) target_semaphore(%arg14 : memref<!tpu.dma_semaphore, #tpu.memory_space<semaphore_mem>>)
      } else {
      }
      %mul3A_118 = arith.constant 2 : i32
      %mul3A_119 = arith.muli %scan3A_85, %mul3A_118 : i32
      %add3A_120 = arith.constant 1 : i32
      %add3A_121 = arith.addi %mul3A_119, %add3A_120 : i32
      %dma_wait3A_122 = arith.constant 1 : i32
      %dma_wait3A_123 = arith.constant 0 : i32
      %dma_wait3A_124 = tpu.memref_slice %arg12[%dma_wait3A_122, %dma_wait3A_123] : memref<2x2048xi32, #tpu.memory_space<vmem>> -> memref<1x2048xi32, #tpu.memory_space<vmem>>
      %dma_wait3A_125 = tpu.memref_squeeze %dma_wait3A_124 : memref<1x2048xi32, #tpu.memory_space<vmem>> -> memref<2048xi32, #tpu.memory_space<vmem>>
      %dma_wait3A_126 = arith.constant 0 : i32
      %dma_wait3A_127 = tpu.memref_slice %arg2[%dma_wait3A_126] : memref<3276800xi32, #tpu.memory_space<hbm>> -> memref<2048xi32, #tpu.memory_space<hbm>>
      %dma_wait3A_128 = arith.constant 0 : i32
      %dma_wait3A_129 = tpu.memref_slice %arg12[%dma_wait3A_122, %dma_wait3A_128] : memref<2x2048xi32, #tpu.memory_space<vmem>> -> memref<1x2048xi32, #tpu.memory_space<vmem>>
      %dma_wait3A_130 = tpu.memref_squeeze %dma_wait3A_129 : memref<1x2048xi32, #tpu.memory_space<vmem>> -> memref<2048xi32, #tpu.memory_space<vmem>>
      %dma_wait3A_131 = arith.constant 0 : i32
      %dma_wait3A_132 = tpu.memref_slice %arg2[%dma_wait3A_131] : memref<3276800xi32, #tpu.memory_space<hbm>> -> memref<2048xi32, #tpu.memory_space<hbm>>
      tpu.wait_dma2 semaphore(%arg15 : memref<!tpu.dma_semaphore, #tpu.memory_space<semaphore_mem>>) src(%dma_wait3A_132 : memref<2048xi32, #tpu.memory_space<hbm>>) dst(%dma_wait3A_130 : memref<2048xi32, #tpu.memory_space<vmem>>)
      %dma_wait3A_133 = arith.constant 1 : i32
      %dma_wait3A_134 = arith.constant 0 : i32
      %dma_wait3A_135 = tpu.memref_slice %arg13[%dma_wait3A_133, %dma_wait3A_134] : memref<2x2048xf32, #tpu.memory_space<vmem>> -> memref<1x2048xf32, #tpu.memory_space<vmem>>
      %dma_wait3A_136 = tpu.memref_squeeze %dma_wait3A_135 : memref<1x2048xf32, #tpu.memory_space<vmem>> -> memref<2048xf32, #tpu.memory_space<vmem>>
      %dma_wait3A_137 = arith.constant 0 : i32
      %dma_wait3A_138 = tpu.memref_slice %arg3[%dma_wait3A_137] : memref<3276800xf32, #tpu.memory_space<hbm>> -> memref<2048xf32, #tpu.memory_space<hbm>>
      %dma_wait3A_139 = arith.constant 0 : i32
      %dma_wait3A_140 = tpu.memref_slice %arg13[%dma_wait3A_133, %dma_wait3A_139] : memref<2x2048xf32, #tpu.memory_space<vmem>> -> memref<1x2048xf32, #tpu.memory_space<vmem>>
      %dma_wait3A_141 = tpu.memref_squeeze %dma_wait3A_140 : memref<1x2048xf32, #tpu.memory_space<vmem>> -> memref<2048xf32, #tpu.memory_space<vmem>>
      %dma_wait3A_142 = arith.constant 0 : i32
      %dma_wait3A_143 = tpu.memref_slice %arg3[%dma_wait3A_142] : memref<3276800xf32, #tpu.memory_space<hbm>> -> memref<2048xf32, #tpu.memory_space<hbm>>
      tpu.wait_dma2 semaphore(%arg15 : memref<!tpu.dma_semaphore, #tpu.memory_space<semaphore_mem>>) src(%dma_wait3A_143 : memref<2048xf32, #tpu.memory_space<hbm>>) dst(%dma_wait3A_141 : memref<2048xf32, #tpu.memory_space<vmem>>)
      %parallel_loop3A_144 = arith.constant 0 : i32
      %parallel_loop3A_145 = arith.constant 128 : i32
      %parallel_loop3A_146 = arith.constant 1 : i32
      scf.for %parallel_loop3A_155 = %parallel_loop3A_144 to %parallel_loop3A_145 step %parallel_loop3A_146  : i32 {
        %parallel_loop3A_156 = arith.constant 16 : i32
        %parallel_loop3A_157 = arith.muli %parallel_loop3A_155, %parallel_loop3A_156 : i32
        %parallel_loop3A_158 = arith.constant 1 : i32
        %parallel_loop3A_159 = arith.index_cast %parallel_loop3A_158 : i32 to index
        %parallel_loop3A_160 = arith.index_cast %parallel_loop3A_157 : i32 to index
        %parallel_loop3A_161 = tpu.vector_load %arg12[%parallel_loop3A_159, %parallel_loop3A_160] {strides = array<i32>} : memref<2x2048xi32, #tpu.memory_space<vmem>>, vector<16xi32>,
        %parallel_loop3A_162 = arith.constant 16 : i32
        %parallel_loop3A_163 = arith.muli %parallel_loop3A_155, %parallel_loop3A_162 : i32
        %parallel_loop3A_164 = arith.constant 1 : i32
        %parallel_loop3A_165 = arith.index_cast %parallel_loop3A_164 : i32 to index
        %parallel_loop3A_166 = arith.index_cast %parallel_loop3A_163 : i32 to index
        %parallel_loop3A_167 = tpu.vector_load %arg13[%parallel_loop3A_165, %parallel_loop3A_166] {strides = array<i32>} : memref<2x2048xf32, #tpu.memory_space<vmem>>, vector<16xf32>,
        %parallel_loop3A_168 = arith.constant 0 : i32
        %parallel_loop3A_169 = vector.broadcast %parallel_loop3A_168 : i32 to vector<16xi32>
        %parallel_loop3A_170 = arith.cmpi slt, %parallel_loop3A_161, %parallel_loop3A_169 : vector<16xi32>
        %parallel_loop3A_171 = arith.constant dense<-1> : vector<16xi32>
        %parallel_loop3A_172 = arith.xori %parallel_loop3A_161, %parallel_loop3A_171 : vector<16xi32>
        %parallel_loop3A_173 = arith.constant 2147483647 : i32
        %parallel_loop3A_174 = vector.broadcast %parallel_loop3A_173 : i32 to vector<16xi32>
        %parallel_loop3A_175 = arith.andi %parallel_loop3A_172, %parallel_loop3A_174 : vector<16xi32>
        %parallel_loop3A_176 = arith.select %parallel_loop3A_170, %parallel_loop3A_161, %parallel_loop3A_175 : vector<16xi1>, vector<16xi32>
        %parallel_loop3A_177 = arith.constant 18 : i32
        %parallel_loop3A_178 = vector.broadcast %parallel_loop3A_177 : i32 to vector<16xi32>
        %parallel_loop3A_179 = arith.shrui %parallel_loop3A_176, %parallel_loop3A_178 : vector<16xi32>
        %parallel_loop3A_180 = arith.constant 3.276800e+04 : f32
        %parallel_loop3A_181 = vector.broadcast %parallel_loop3A_180 : f32 to vector<16xf32>
        %parallel_loop3A_182 = arith.mulf %parallel_loop3A_167, %parallel_loop3A_181 : vector<16xf32>
        %parallel_loop3A_183 = arith.fptosi %parallel_loop3A_182 : vector<16xf32> to vector<16xi32>
        %parallel_loop3A_184 = arith.constant 0 : i32
        %parallel_loop3A_185 = arith.constant 32767 : i32
        %parallel_loop3A_186 = vector.broadcast %parallel_loop3A_184 : i32 to vector<16xi32>
        %parallel_loop3A_187 = arith.maxsi %parallel_loop3A_186, %parallel_loop3A_183 : vector<16xi32>
        %parallel_loop3A_188 = vector.broadcast %parallel_loop3A_185 : i32 to vector<16xi32>
        %parallel_loop3A_189 = arith.minsi %parallel_loop3A_188, %parallel_loop3A_187 : vector<16xi32>
        %parallel_loop3A_190 = arith.constant 32767 : i32
        %parallel_loop3A_191 = vector.broadcast %parallel_loop3A_190 : i32 to vector<16xi32>
        %parallel_loop3A_192 = arith.subi %parallel_loop3A_191, %parallel_loop3A_189 : vector<16xi32>
        %parallel_loop3A_193 = arith.constant 0.693147182 : f32
        %parallel_loop3A_194 = vector.broadcast %parallel_loop3A_193 : f32 to vector<16xf32>
        %parallel_loop3A_195 = arith.mulf %parallel_loop3A_167, %parallel_loop3A_194 : vector<16xf32>
        %parallel_loop3A_196 = math.exp %parallel_loop3A_195 : vector<16xf32>
        %parallel_loop3A_197 = arith.constant 1.000000e+00 : f32
        %parallel_loop3A_198 = vector.broadcast %parallel_loop3A_197 : f32 to vector<16xf32>
        %parallel_loop3A_199 = arith.subf %parallel_loop3A_196, %parallel_loop3A_198 : vector<16xf32>
        tpu.vector_store_idx %arg8[%parallel_loop3A_179], %broadcast_in_dim3A_38 {add = true} : memref<16384xf32, #tpu.memory_space<vmem>>[vector<16xi32>], vector<16xf32>,
        tpu.vector_store_idx %arg9[%parallel_loop3A_179], %parallel_loop3A_199 {add = true} : memref<16384xf32, #tpu.memory_space<vmem>>[vector<16xi32>], vector<16xf32>,
        tpu.vector_store_idx %arg10[%parallel_loop3A_192], %broadcast_in_dim3A_38 {add = true} : memref<32768xf32, #tpu.memory_space<vmem>>[vector<16xi32>], vector<16xf32>,
        tpu.vector_store_idx %arg11[%parallel_loop3A_192], %parallel_loop3A_199 {add = true} : memref<32768xf32, #tpu.memory_space<vmem>>[vector<16xi32>], vector<16xf32>,
      } {sc.loop_unroll_factor = 4 : i64, sc.parallel_access}
      %add3A_147 = arith.constant 2 : i32
      %add3A_148 = arith.addi %add3A_121, %add3A_147 : i32
      %lt3A_149 = arith.constant 50 : i32
      %lt3A_150 = arith.cmpi slt, %add3A_148, %lt3A_149 : i32
      %convert_element_type3A_151 = arith.extui %lt3A_150 : i1 to i32
      %cond3A_152 = arith.constant 0 : i32
      %cond3A_153 = arith.cmpi ne, %convert_element_type3A_151, %cond3A_152 : i32
      scf.if %cond3A_153 {
        %add3A_155 = arith.constant 2 : i32
        %add3A_156 = arith.addi %add3A_121, %add3A_155 : i32
        %mul3A_157 = arith.constant 2048 : i32
        %mul3A_158 = arith.muli %add3A_156, %mul3A_157 : i32
        %add3A_159 = arith.addi %mul3A_2, %mul3A_158 : i32
        %dma_start3A_160 = arith.constant 1 : i32
        %dma_start3A_161 = arith.constant 0 : i32
        %dma_start3A_162 = tpu.memref_slice %arg12[%dma_start3A_160, %dma_start3A_161] : memref<2x2048xi32, #tpu.memory_space<vmem>> -> memref<1x2048xi32, #tpu.memory_space<vmem>>
        %dma_start3A_163 = tpu.memref_squeeze %dma_start3A_162 : memref<1x2048xi32, #tpu.memory_space<vmem>> -> memref<2048xi32, #tpu.memory_space<vmem>>
        %dma_start3A_164 = tpu.memref_slice %arg2[%add3A_159] : memref<3276800xi32, #tpu.memory_space<hbm>> -> memref<2048xi32, #tpu.memory_space<hbm>>
        %dma_start3A_165 = arith.constant 0 : i32
        %dma_start3A_166 = tpu.memref_slice %arg12[%dma_start3A_160, %dma_start3A_165] : memref<2x2048xi32, #tpu.memory_space<vmem>> -> memref<1x2048xi32, #tpu.memory_space<vmem>>
        %dma_start3A_167 = tpu.memref_squeeze %dma_start3A_166 : memref<1x2048xi32, #tpu.memory_space<vmem>> -> memref<2048xi32, #tpu.memory_space<vmem>>
        %dma_start3A_168 = tpu.memref_slice %arg2[%add3A_159] : memref<3276800xi32, #tpu.memory_space<hbm>> -> memref<2048xi32, #tpu.memory_space<hbm>>
        tpu.enqueue_dma source(%dma_start3A_168 : memref<2048xi32, #tpu.memory_space<hbm>>) target(%dma_start3A_167 : memref<2048xi32, #tpu.memory_space<vmem>>) target_semaphore(%arg15 : memref<!tpu.dma_semaphore, #tpu.memory_space<semaphore_mem>>)
        %dma_start3A_169 = arith.constant 1 : i32
        %dma_start3A_170 = arith.constant 0 : i32
        %dma_start3A_171 = tpu.memref_slice %arg13[%dma_start3A_169, %dma_start3A_170] : memref<2x2048xf32, #tpu.memory_space<vmem>> -> memref<1x2048xf32, #tpu.memory_space<vmem>>
        %dma_start3A_172 = tpu.memref_squeeze %dma_start3A_171 : memref<1x2048xf32, #tpu.memory_space<vmem>> -> memref<2048xf32, #tpu.memory_space<vmem>>
        %dma_start3A_173 = tpu.memref_slice %arg3[%add3A_159] : memref<3276800xf32, #tpu.memory_space<hbm>> -> memref<2048xf32, #tpu.memory_space<hbm>>
        %dma_start3A_174 = arith.constant 0 : i32
        %dma_start3A_175 = tpu.memref_slice %arg13[%dma_start3A_169, %dma_start3A_174] : memref<2x2048xf32, #tpu.memory_space<vmem>> -> memref<1x2048xf32, #tpu.memory_space<vmem>>
        %dma_start3A_176 = tpu.memref_squeeze %dma_start3A_175 : memref<1x2048xf32, #tpu.memory_space<vmem>> -> memref<2048xf32, #tpu.memory_space<vmem>>
        %dma_start3A_177 = tpu.memref_slice %arg3[%add3A_159] : memref<3276800xf32, #tpu.memory_space<hbm>> -> memref<2048xf32, #tpu.memory_space<hbm>>
        tpu.enqueue_dma source(%dma_start3A_177 : memref<2048xf32, #tpu.memory_space<hbm>>) target(%dma_start3A_176 : memref<2048xf32, #tpu.memory_space<vmem>>) target_semaphore(%arg15 : memref<!tpu.dma_semaphore, #tpu.memory_space<semaphore_mem>>)
      } else {
      }
      %scan3A_154 = arith.constant 0 : i32
      scf.yield %scan3A_154 : i32
    }
    %scan3A_84 = arith.constant 25 : i32
    "tpu.region"() ({
      %run_scoped3A = tpu.sem_alloc : memref<!tpu.dma_semaphore, #tpu.memory_space<semaphore_mem>>
      %dma_start3A_85 = arith.constant 0 : i32
      %dma_start3A_86 = tpu.memref_slice %arg4[%add3A, %dma_start3A_85] : memref<32x16384xf32, #tpu.memory_space<hbm>> -> memref<1x16384xf32, #tpu.memory_space<hbm>>
      %dma_start3A_87 = tpu.memref_squeeze %dma_start3A_86 : memref<1x16384xf32, #tpu.memory_space<hbm>> -> memref<16384xf32, #tpu.memory_space<hbm>>
      %dma_start3A_88 = arith.constant 0 : i32
      %dma_start3A_89 = tpu.memref_slice %arg4[%add3A, %dma_start3A_88] : memref<32x16384xf32, #tpu.memory_space<hbm>> -> memref<1x16384xf32, #tpu.memory_space<hbm>>
      %dma_start3A_90 = tpu.memref_squeeze %dma_start3A_89 : memref<1x16384xf32, #tpu.memory_space<hbm>> -> memref<16384xf32, #tpu.memory_space<hbm>>
      tpu.enqueue_dma source(%arg8 : memref<16384xf32, #tpu.memory_space<vmem>>) target(%dma_start3A_90 : memref<16384xf32, #tpu.memory_space<hbm>>) target_semaphore(%run_scoped3A : memref<!tpu.dma_semaphore, #tpu.memory_space<semaphore_mem>>)
      %dma_wait3A = arith.constant 0 : i32
      %dma_wait3A_91 = tpu.memref_slice %arg4[%add3A, %dma_wait3A] : memref<32x16384xf32, #tpu.memory_space<hbm>> -> memref<1x16384xf32, #tpu.memory_space<hbm>>
      %dma_wait3A_92 = tpu.memref_squeeze %dma_wait3A_91 : memref<1x16384xf32, #tpu.memory_space<hbm>> -> memref<16384xf32, #tpu.memory_space<hbm>>
      %dma_wait3A_93 = arith.constant 0 : i32
      %dma_wait3A_94 = tpu.memref_slice %arg4[%add3A, %dma_wait3A_93] : memref<32x16384xf32, #tpu.memory_space<hbm>> -> memref<1x16384xf32, #tpu.memory_space<hbm>>
      %dma_wait3A_95 = tpu.memref_squeeze %dma_wait3A_94 : memref<1x16384xf32, #tpu.memory_space<hbm>> -> memref<16384xf32, #tpu.memory_space<hbm>>
      tpu.wait_dma2 semaphore(%run_scoped3A : memref<!tpu.dma_semaphore, #tpu.memory_space<semaphore_mem>>) src(%arg8 : memref<16384xf32, #tpu.memory_space<vmem>>) dst(%dma_wait3A_95 : memref<16384xf32, #tpu.memory_space<hbm>>)
      tpu.yield
    }) : () -> ()
    "tpu.region"() ({
      %run_scoped3A = tpu.sem_alloc : memref<!tpu.dma_semaphore, #tpu.memory_space<semaphore_mem>>
      %dma_start3A_85 = arith.constant 0 : i32
      %dma_start3A_86 = tpu.memref_slice %arg5[%add3A, %dma_start3A_85] : memref<32x16384xf32, #tpu.memory_space<hbm>> -> memref<1x16384xf32, #tpu.memory_space<hbm>>
      %dma_start3A_87 = tpu.memref_squeeze %dma_start3A_86 : memref<1x16384xf32, #tpu.memory_space<hbm>> -> memref<16384xf32, #tpu.memory_space<hbm>>
      %dma_start3A_88 = arith.constant 0 : i32
      %dma_start3A_89 = tpu.memref_slice %arg5[%add3A, %dma_start3A_88] : memref<32x16384xf32, #tpu.memory_space<hbm>> -> memref<1x16384xf32, #tpu.memory_space<hbm>>
      %dma_start3A_90 = tpu.memref_squeeze %dma_start3A_89 : memref<1x16384xf32, #tpu.memory_space<hbm>> -> memref<16384xf32, #tpu.memory_space<hbm>>
      tpu.enqueue_dma source(%arg9 : memref<16384xf32, #tpu.memory_space<vmem>>) target(%dma_start3A_90 : memref<16384xf32, #tpu.memory_space<hbm>>) target_semaphore(%run_scoped3A : memref<!tpu.dma_semaphore, #tpu.memory_space<semaphore_mem>>)
      %dma_wait3A = arith.constant 0 : i32
      %dma_wait3A_91 = tpu.memref_slice %arg5[%add3A, %dma_wait3A] : memref<32x16384xf32, #tpu.memory_space<hbm>> -> memref<1x16384xf32, #tpu.memory_space<hbm>>
      %dma_wait3A_92 = tpu.memref_squeeze %dma_wait3A_91 : memref<1x16384xf32, #tpu.memory_space<hbm>> -> memref<16384xf32, #tpu.memory_space<hbm>>
      %dma_wait3A_93 = arith.constant 0 : i32
      %dma_wait3A_94 = tpu.memref_slice %arg5[%add3A, %dma_wait3A_93] : memref<32x16384xf32, #tpu.memory_space<hbm>> -> memref<1x16384xf32, #tpu.memory_space<hbm>>
      %dma_wait3A_95 = tpu.memref_squeeze %dma_wait3A_94 : memref<1x16384xf32, #tpu.memory_space<hbm>> -> memref<16384xf32, #tpu.memory_space<hbm>>
      tpu.wait_dma2 semaphore(%run_scoped3A : memref<!tpu.dma_semaphore, #tpu.memory_space<semaphore_mem>>) src(%arg9 : memref<16384xf32, #tpu.memory_space<vmem>>) dst(%dma_wait3A_95 : memref<16384xf32, #tpu.memory_space<hbm>>)
      tpu.yield
    }) : () -> ()
    "tpu.region"() ({
      %run_scoped3A = tpu.sem_alloc : memref<!tpu.dma_semaphore, #tpu.memory_space<semaphore_mem>>
      %dma_start3A_85 = arith.constant 0 : i32
      %dma_start3A_86 = tpu.memref_slice %arg6[%add3A, %dma_start3A_85] : memref<32x32768xf32, #tpu.memory_space<hbm>> -> memref<1x32768xf32, #tpu.memory_space<hbm>>
      %dma_start3A_87 = tpu.memref_squeeze %dma_start3A_86 : memref<1x32768xf32, #tpu.memory_space<hbm>> -> memref<32768xf32, #tpu.memory_space<hbm>>
      %dma_start3A_88 = arith.constant 0 : i32
      %dma_start3A_89 = tpu.memref_slice %arg6[%add3A, %dma_start3A_88] : memref<32x32768xf32, #tpu.memory_space<hbm>> -> memref<1x32768xf32, #tpu.memory_space<hbm>>
      %dma_start3A_90 = tpu.memref_squeeze %dma_start3A_89 : memref<1x32768xf32, #tpu.memory_space<hbm>> -> memref<32768xf32, #tpu.memory_space<hbm>>
      tpu.enqueue_dma source(%arg10 : memref<32768xf32, #tpu.memory_space<vmem>>) target(%dma_start3A_90 : memref<32768xf32, #tpu.memory_space<hbm>>) target_semaphore(%run_scoped3A : memref<!tpu.dma_semaphore, #tpu.memory_space<semaphore_mem>>)
      %dma_wait3A = arith.constant 0 : i32
      %dma_wait3A_91 = tpu.memref_slice %arg6[%add3A, %dma_wait3A] : memref<32x32768xf32, #tpu.memory_space<hbm>> -> memref<1x32768xf32, #tpu.memory_space<hbm>>
      %dma_wait3A_92 = tpu.memref_squeeze %dma_wait3A_91 : memref<1x32768xf32, #tpu.memory_space<hbm>> -> memref<32768xf32, #tpu.memory_space<hbm>>
      %dma_wait3A_93 = arith.constant 0 : i32
      %dma_wait3A_94 = tpu.memref_slice %arg6[%add3A, %dma_wait3A_93] : memref<32x32768xf32, #tpu.memory_space<hbm>> -> memref<1x32768xf32, #tpu.memory_space<hbm>>
      %dma_wait3A_95 = tpu.memref_squeeze %dma_wait3A_94 : memref<1x32768xf32, #tpu.memory_space<hbm>> -> memref<32768xf32, #tpu.memory_space<hbm>>
      tpu.wait_dma2 semaphore(%run_scoped3A : memref<!tpu.dma_semaphore, #tpu.memory_space<semaphore_mem>>) src(%arg10 : memref<32768xf32, #tpu.memory_space<vmem>>) dst(%dma_wait3A_95 : memref<32768xf32, #tpu.memory_space<hbm>>)
      tpu.yield
    }) : () -> ()
    "tpu.region"() ({
      %run_scoped3A = tpu.sem_alloc : memref<!tpu.dma_semaphore, #tpu.memory_space<semaphore_mem>>
      %dma_start3A_85 = arith.constant 0 : i32
      %dma_start3A_86 = tpu.memref_slice %arg7[%add3A, %dma_start3A_85] : memref<32x32768xf32, #tpu.memory_space<hbm>> -> memref<1x32768xf32, #tpu.memory_space<hbm>>
      %dma_start3A_87 = tpu.memref_squeeze %dma_start3A_86 : memref<1x32768xf32, #tpu.memory_space<hbm>> -> memref<32768xf32, #tpu.memory_space<hbm>>
      %dma_start3A_88 = arith.constant 0 : i32
      %dma_start3A_89 = tpu.memref_slice %arg7[%add3A, %dma_start3A_88] : memref<32x32768xf32, #tpu.memory_space<hbm>> -> memref<1x32768xf32, #tpu.memory_space<hbm>>
      %dma_start3A_90 = tpu.memref_squeeze %dma_start3A_89 : memref<1x32768xf32, #tpu.memory_space<hbm>> -> memref<32768xf32, #tpu.memory_space<hbm>>
      tpu.enqueue_dma source(%arg11 : memref<32768xf32, #tpu.memory_space<vmem>>) target(%dma_start3A_90 : memref<32768xf32, #tpu.memory_space<hbm>>) target_semaphore(%run_scoped3A : memref<!tpu.dma_semaphore, #tpu.memory_space<semaphore_mem>>)
      %dma_wait3A = arith.constant 0 : i32
      %dma_wait3A_91 = tpu.memref_slice %arg7[%add3A, %dma_wait3A] : memref<32x32768xf32, #tpu.memory_space<hbm>> -> memref<1x32768xf32, #tpu.memory_space<hbm>>
      %dma_wait3A_92 = tpu.memref_squeeze %dma_wait3A_91 : memref<1x32768xf32, #tpu.memory_space<hbm>> -> memref<32768xf32, #tpu.memory_space<hbm>>
      %dma_wait3A_93 = arith.constant 0 : i32
      %dma_wait3A_94 = tpu.memref_slice %arg7[%add3A, %dma_wait3A_93] : memref<32x32768xf32, #tpu.memory_space<hbm>> -> memref<1x32768xf32, #tpu.memory_space<hbm>>
      %dma_wait3A_95 = tpu.memref_squeeze %dma_wait3A_94 : memref<1x32768xf32, #tpu.memory_space<hbm>> -> memref<32768xf32, #tpu.memory_space<hbm>>
      tpu.wait_dma2 semaphore(%run_scoped3A : memref<!tpu.dma_semaphore, #tpu.memory_space<semaphore_mem>>) src(%arg11 : memref<32768xf32, #tpu.memory_space<vmem>>) dst(%dma_wait3A_95 : memref<32768xf32, #tpu.memory_space<hbm>>)
      tpu.yield
    }) : () -> ()
    return
  }
}

#map = affine_map<(d0, d1) -> (0, 0)>
#map1 = affine_map<(d0, d1) -> (0)>
module attributes {stable_mosaic.version = 14 : i64} {
  func.func @_merge_kernel(%arg0: i32, %arg1: i32, %arg2: memref<32x16384xf32, #tpu.memory_space<hbm>>, %arg3: memref<32x16384xf32, #tpu.memory_space<hbm>>, %arg4: memref<32x32768xf32, #tpu.memory_space<hbm>>, %arg5: memref<32x32768xf32, #tpu.memory_space<hbm>>, %arg6: memref<16384xf32, #tpu.memory_space<hbm>>, %arg7: memref<16384xf32, #tpu.memory_space<hbm>>, %arg8: memref<32768xf32, #tpu.memory_space<hbm>>, %arg9: memref<32768xf32, #tpu.memory_space<hbm>>, %arg10: memref<32x32xf32, #tpu.memory_space<hbm>>, %arg11: memref<32x512xf32, #tpu.memory_space<vmem>>, %arg12: memref<32x1024xf32, #tpu.memory_space<vmem>>, %arg13: memref<512xf32, #tpu.memory_space<vmem>>, %arg14: memref<512xf32, #tpu.memory_space<vmem>>, %arg15: memref<1024xf32, #tpu.memory_space<vmem>>, %arg16: memref<1024xf32, #tpu.memory_space<vmem>>, %arg17: memref<32xf32, #tpu.memory_space<vmem>>) attributes {dimension_semantics = [#tpu.dimension_semantics<core_parallel>, #tpu.dimension_semantics<subcore_parallel>], iteration_bounds = array<i64: 2, 16>, scalar_prefetch = 0 : i64, scratch_operands = 7 : i64, tpu.core_type = #tpu.core_type<sc_vector_subcore>, window_params = [{transform_indices = #map}, {transform_indices = #map}, {transform_indices = #map}, {transform_indices = #map}, {transform_indices = #map1}, {transform_indices = #map1}, {transform_indices = #map1}, {transform_indices = #map1}, {transform_indices = #map}]} {
    %mul3A = arith.constant 2 : i32
    %mul3A_0 = arith.muli %arg1, %mul3A : i32
    %add3A = arith.addi %mul3A_0, %arg0 : i32
    %mul3A_1 = arith.constant 512 : i32
    %mul3A_2 = arith.muli %add3A, %mul3A_1 : i32
    "tpu.region"() ({
      %run_scoped3A = tpu.sem_alloc : memref<!tpu.dma_semaphore, #tpu.memory_space<semaphore_mem>>
      %dma_start3A = arith.constant 0 : i32
      %dma_start3A_62 = tpu.memref_slice %arg2[%dma_start3A, %mul3A_2] : memref<32x16384xf32, #tpu.memory_space<hbm>> -> memref<32x512xf32, #tpu.memory_space<hbm>>
      %dma_start3A_63 = arith.constant 0 : i32
      %dma_start3A_64 = tpu.memref_slice %arg2[%dma_start3A_63, %mul3A_2] : memref<32x16384xf32, #tpu.memory_space<hbm>> -> memref<32x512xf32, #tpu.memory_space<hbm>>
      tpu.enqueue_dma source(%dma_start3A_64 : memref<32x512xf32, #tpu.memory_space<hbm>>) target(%arg11 : memref<32x512xf32, #tpu.memory_space<vmem>>) target_semaphore(%run_scoped3A : memref<!tpu.dma_semaphore, #tpu.memory_space<semaphore_mem>>)
      %dma_wait3A = arith.constant 0 : i32
      %dma_wait3A_65 = tpu.memref_slice %arg2[%dma_wait3A, %mul3A_2] : memref<32x16384xf32, #tpu.memory_space<hbm>> -> memref<32x512xf32, #tpu.memory_space<hbm>>
      %dma_wait3A_66 = arith.constant 0 : i32
      %dma_wait3A_67 = tpu.memref_slice %arg2[%dma_wait3A_66, %mul3A_2] : memref<32x16384xf32, #tpu.memory_space<hbm>> -> memref<32x512xf32, #tpu.memory_space<hbm>>
      tpu.wait_dma2 semaphore(%run_scoped3A : memref<!tpu.dma_semaphore, #tpu.memory_space<semaphore_mem>>) src(%dma_wait3A_67 : memref<32x512xf32, #tpu.memory_space<hbm>>) dst(%arg11 : memref<32x512xf32, #tpu.memory_space<vmem>>)
      tpu.yield
    }) : () -> ()
    %scan3A = arith.constant 0 : i32
    %scan3A_3 = arith.constant 0 : i32
    %scan3A_4 = arith.constant 32 : i32
    %scan3A_5 = arith.addi %scan3A_3, %scan3A_4 : i32
    %scan3A_6 = arith.constant 1 : i32
    %scan3A_7 = scf.for %scan3A_62 = %scan3A_3 to %scan3A_5 step %scan3A_6 iter_args(%scan3A_63 = %scan3A) -> (i32)  : i32 {
      %broadcast_in_dim3A_64 = arith.constant 0.000000e+00 : f32
      %broadcast_in_dim3A_65 = vector.broadcast %broadcast_in_dim3A_64 : f32 to vector<16xf32>
      %mul3A_66 = arith.constant 16 : i32
      %mul3A_67 = arith.muli %scan3A_62, %mul3A_66 : i32
      %get3A = arith.constant 0 : i32
      %get3A_68 = arith.index_cast %get3A : i32 to index
      %get3A_69 = arith.index_cast %mul3A_67 : i32 to index
      %get3A_70 = tpu.vector_load %arg11[%get3A_68, %get3A_69] {strides = array<i32>} : memref<32x512xf32, #tpu.memory_space<vmem>>, vector<16xf32>,
      %add3A_71 = arith.addf %broadcast_in_dim3A_65, %get3A_70 : vector<16xf32>
      %mul3A_72 = arith.constant 16 : i32
      %mul3A_73 = arith.muli %scan3A_62, %mul3A_72 : i32
      %get3A_74 = arith.constant 1 : i32
      %get3A_75 = arith.index_cast %get3A_74 : i32 to index
      %get3A_76 = arith.index_cast %mul3A_73 : i32 to index
      %get3A_77 = tpu.vector_load %arg11[%get3A_75, %get3A_76] {strides = array<i32>} : memref<32x512xf32, #tpu.memory_space<vmem>>, vector<16xf32>,
      %add3A_78 = arith.addf %add3A_71, %get3A_77 : vector<16xf32>
      %mul3A_79 = arith.constant 16 : i32
      %mul3A_80 = arith.muli %scan3A_62, %mul3A_79 : i32
      %get3A_81 = arith.constant 2 : i32
      %get3A_82 = arith.index_cast %get3A_81 : i32 to index
      %get3A_83 = arith.index_cast %mul3A_80 : i32 to index
      %get3A_84 = tpu.vector_load %arg11[%get3A_82, %get3A_83] {strides = array<i32>} : memref<32x512xf32, #tpu.memory_space<vmem>>, vector<16xf32>,
      %add3A_85 = arith.addf %add3A_78, %get3A_84 : vector<16xf32>
      %mul3A_86 = arith.constant 16 : i32
      %mul3A_87 = arith.muli %scan3A_62, %mul3A_86 : i32
      %get3A_88 = arith.constant 3 : i32
      %get3A_89 = arith.index_cast %get3A_88 : i32 to index
      %get3A_90 = arith.index_cast %mul3A_87 : i32 to index
      %get3A_91 = tpu.vector_load %arg11[%get3A_89, %get3A_90] {strides = array<i32>} : memref<32x512xf32, #tpu.memory_space<vmem>>, vector<16xf32>,
      %add3A_92 = arith.addf %add3A_85, %get3A_91 : vector<16xf32>
      %mul3A_93 = arith.constant 16 : i32
      %mul3A_94 = arith.muli %scan3A_62, %mul3A_93 : i32
      %get3A_95 = arith.constant 4 : i32
      %get3A_96 = arith.index_cast %get3A_95 : i32 to index
      %get3A_97 = arith.index_cast %mul3A_94 : i32 to index
      %get3A_98 = tpu.vector_load %arg11[%get3A_96, %get3A_97] {strides = array<i32>} : memref<32x512xf32, #tpu.memory_space<vmem>>, vector<16xf32>,
      %add3A_99 = arith.addf %add3A_92, %get3A_98 : vector<16xf32>
      %mul3A_100 = arith.constant 16 : i32
      %mul3A_101 = arith.muli %scan3A_62, %mul3A_100 : i32
      %get3A_102 = arith.constant 5 : i32
      %get3A_103 = arith.index_cast %get3A_102 : i32 to index
      %get3A_104 = arith.index_cast %mul3A_101 : i32 to index
      %get3A_105 = tpu.vector_load %arg11[%get3A_103, %get3A_104] {strides = array<i32>} : memref<32x512xf32, #tpu.memory_space<vmem>>, vector<16xf32>,
      %add3A_106 = arith.addf %add3A_99, %get3A_105 : vector<16xf32>
      %mul3A_107 = arith.constant 16 : i32
      %mul3A_108 = arith.muli %scan3A_62, %mul3A_107 : i32
      %get3A_109 = arith.constant 6 : i32
      %get3A_110 = arith.index_cast %get3A_109 : i32 to index
      %get3A_111 = arith.index_cast %mul3A_108 : i32 to index
      %get3A_112 = tpu.vector_load %arg11[%get3A_110, %get3A_111] {strides = array<i32>} : memref<32x512xf32, #tpu.memory_space<vmem>>, vector<16xf32>,
      %add3A_113 = arith.addf %add3A_106, %get3A_112 : vector<16xf32>
      %mul3A_114 = arith.constant 16 : i32
      %mul3A_115 = arith.muli %scan3A_62, %mul3A_114 : i32
      %get3A_116 = arith.constant 7 : i32
      %get3A_117 = arith.index_cast %get3A_116 : i32 to index
      %get3A_118 = arith.index_cast %mul3A_115 : i32 to index
      %get3A_119 = tpu.vector_load %arg11[%get3A_117, %get3A_118] {strides = array<i32>} : memref<32x512xf32, #tpu.memory_space<vmem>>, vector<16xf32>,
      %add3A_120 = arith.addf %add3A_113, %get3A_119 : vector<16xf32>
      %mul3A_121 = arith.constant 16 : i32
      %mul3A_122 = arith.muli %scan3A_62, %mul3A_121 : i32
      %get3A_123 = arith.constant 8 : i32
      %get3A_124 = arith.index_cast %get3A_123 : i32 to index
      %get3A_125 = arith.index_cast %mul3A_122 : i32 to index
      %get3A_126 = tpu.vector_load %arg11[%get3A_124, %get3A_125] {strides = array<i32>} : memref<32x512xf32, #tpu.memory_space<vmem>>, vector<16xf32>,
      %add3A_127 = arith.addf %add3A_120, %get3A_126 : vector<16xf32>
      %mul3A_128 = arith.constant 16 : i32
      %mul3A_129 = arith.muli %scan3A_62, %mul3A_128 : i32
      %get3A_130 = arith.constant 9 : i32
      %get3A_131 = arith.index_cast %get3A_130 : i32 to index
      %get3A_132 = arith.index_cast %mul3A_129 : i32 to index
      %get3A_133 = tpu.vector_load %arg11[%get3A_131, %get3A_132] {strides = array<i32>} : memref<32x512xf32, #tpu.memory_space<vmem>>, vector<16xf32>,
      %add3A_134 = arith.addf %add3A_127, %get3A_133 : vector<16xf32>
      %mul3A_135 = arith.constant 16 : i32
      %mul3A_136 = arith.muli %scan3A_62, %mul3A_135 : i32
      %get3A_137 = arith.constant 10 : i32
      %get3A_138 = arith.index_cast %get3A_137 : i32 to index
      %get3A_139 = arith.index_cast %mul3A_136 : i32 to index
      %get3A_140 = tpu.vector_load %arg11[%get3A_138, %get3A_139] {strides = array<i32>} : memref<32x512xf32, #tpu.memory_space<vmem>>, vector<16xf32>,
      %add3A_141 = arith.addf %add3A_134, %get3A_140 : vector<16xf32>
      %mul3A_142 = arith.constant 16 : i32
      %mul3A_143 = arith.muli %scan3A_62, %mul3A_142 : i32
      %get3A_144 = arith.constant 11 : i32
      %get3A_145 = arith.index_cast %get3A_144 : i32 to index
      %get3A_146 = arith.index_cast %mul3A_143 : i32 to index
      %get3A_147 = tpu.vector_load %arg11[%get3A_145, %get3A_146] {strides = array<i32>} : memref<32x512xf32, #tpu.memory_space<vmem>>, vector<16xf32>,
      %add3A_148 = arith.addf %add3A_141, %get3A_147 : vector<16xf32>
      %mul3A_149 = arith.constant 16 : i32
      %mul3A_150 = arith.muli %scan3A_62, %mul3A_149 : i32
      %get3A_151 = arith.constant 12 : i32
      %get3A_152 = arith.index_cast %get3A_151 : i32 to index
      %get3A_153 = arith.index_cast %mul3A_150 : i32 to index
      %get3A_154 = tpu.vector_load %arg11[%get3A_152, %get3A_153] {strides = array<i32>} : memref<32x512xf32, #tpu.memory_space<vmem>>, vector<16xf32>,
      %add3A_155 = arith.addf %add3A_148, %get3A_154 : vector<16xf32>
      %mul3A_156 = arith.constant 16 : i32
      %mul3A_157 = arith.muli %scan3A_62, %mul3A_156 : i32
      %get3A_158 = arith.constant 13 : i32
      %get3A_159 = arith.index_cast %get3A_158 : i32 to index
      %get3A_160 = arith.index_cast %mul3A_157 : i32 to index
      %get3A_161 = tpu.vector_load %arg11[%get3A_159, %get3A_160] {strides = array<i32>} : memref<32x512xf32, #tpu.memory_space<vmem>>, vector<16xf32>,
      %add3A_162 = arith.addf %add3A_155, %get3A_161 : vector<16xf32>
      %mul3A_163 = arith.constant 16 : i32
      %mul3A_164 = arith.muli %scan3A_62, %mul3A_163 : i32
      %get3A_165 = arith.constant 14 : i32
      %get3A_166 = arith.index_cast %get3A_165 : i32 to index
      %get3A_167 = arith.index_cast %mul3A_164 : i32 to index
      %get3A_168 = tpu.vector_load %arg11[%get3A_166, %get3A_167] {strides = array<i32>} : memref<32x512xf32, #tpu.memory_space<vmem>>, vector<16xf32>,
      %add3A_169 = arith.addf %add3A_162, %get3A_168 : vector<16xf32>
      %mul3A_170 = arith.constant 16 : i32
      %mul3A_171 = arith.muli %scan3A_62, %mul3A_170 : i32
      %get3A_172 = arith.constant 15 : i32
      %get3A_173 = arith.index_cast %get3A_172 : i32 to index
      %get3A_174 = arith.index_cast %mul3A_171 : i32 to index
      %get3A_175 = tpu.vector_load %arg11[%get3A_173, %get3A_174] {strides = array<i32>} : memref<32x512xf32, #tpu.memory_space<vmem>>, vector<16xf32>,
      %add3A_176 = arith.addf %add3A_169, %get3A_175 : vector<16xf32>
      %mul3A_177 = arith.constant 16 : i32
      %mul3A_178 = arith.muli %scan3A_62, %mul3A_177 : i32
      %get3A_179 = arith.constant 16 : i32
      %get3A_180 = arith.index_cast %get3A_179 : i32 to index
      %get3A_181 = arith.index_cast %mul3A_178 : i32 to index
      %get3A_182 = tpu.vector_load %arg11[%get3A_180, %get3A_181] {strides = array<i32>} : memref<32x512xf32, #tpu.memory_space<vmem>>, vector<16xf32>,
      %add3A_183 = arith.addf %add3A_176, %get3A_182 : vector<16xf32>
      %mul3A_184 = arith.constant 16 : i32
      %mul3A_185 = arith.muli %scan3A_62, %mul3A_184 : i32
      %get3A_186 = arith.constant 17 : i32
      %get3A_187 = arith.index_cast %get3A_186 : i32 to index
      %get3A_188 = arith.index_cast %mul3A_185 : i32 to index
      %get3A_189 = tpu.vector_load %arg11[%get3A_187, %get3A_188] {strides = array<i32>} : memref<32x512xf32, #tpu.memory_space<vmem>>, vector<16xf32>,
      %add3A_190 = arith.addf %add3A_183, %get3A_189 : vector<16xf32>
      %mul3A_191 = arith.constant 16 : i32
      %mul3A_192 = arith.muli %scan3A_62, %mul3A_191 : i32
      %get3A_193 = arith.constant 18 : i32
      %get3A_194 = arith.index_cast %get3A_193 : i32 to index
      %get3A_195 = arith.index_cast %mul3A_192 : i32 to index
      %get3A_196 = tpu.vector_load %arg11[%get3A_194, %get3A_195] {strides = array<i32>} : memref<32x512xf32, #tpu.memory_space<vmem>>, vector<16xf32>,
      %add3A_197 = arith.addf %add3A_190, %get3A_196 : vector<16xf32>
      %mul3A_198 = arith.constant 16 : i32
      %mul3A_199 = arith.muli %scan3A_62, %mul3A_198 : i32
      %get3A_200 = arith.constant 19 : i32
      %get3A_201 = arith.index_cast %get3A_200 : i32 to index
      %get3A_202 = arith.index_cast %mul3A_199 : i32 to index
      %get3A_203 = tpu.vector_load %arg11[%get3A_201, %get3A_202] {strides = array<i32>} : memref<32x512xf32, #tpu.memory_space<vmem>>, vector<16xf32>,
      %add3A_204 = arith.addf %add3A_197, %get3A_203 : vector<16xf32>
      %mul3A_205 = arith.constant 16 : i32
      %mul3A_206 = arith.muli %scan3A_62, %mul3A_205 : i32
      %get3A_207 = arith.constant 20 : i32
      %get3A_208 = arith.index_cast %get3A_207 : i32 to index
      %get3A_209 = arith.index_cast %mul3A_206 : i32 to index
      %get3A_210 = tpu.vector_load %arg11[%get3A_208, %get3A_209] {strides = array<i32>} : memref<32x512xf32, #tpu.memory_space<vmem>>, vector<16xf32>,
      %add3A_211 = arith.addf %add3A_204, %get3A_210 : vector<16xf32>
      %mul3A_212 = arith.constant 16 : i32
      %mul3A_213 = arith.muli %scan3A_62, %mul3A_212 : i32
      %get3A_214 = arith.constant 21 : i32
      %get3A_215 = arith.index_cast %get3A_214 : i32 to index
      %get3A_216 = arith.index_cast %mul3A_213 : i32 to index
      %get3A_217 = tpu.vector_load %arg11[%get3A_215, %get3A_216] {strides = array<i32>} : memref<32x512xf32, #tpu.memory_space<vmem>>, vector<16xf32>,
      %add3A_218 = arith.addf %add3A_211, %get3A_217 : vector<16xf32>
      %mul3A_219 = arith.constant 16 : i32
      %mul3A_220 = arith.muli %scan3A_62, %mul3A_219 : i32
      %get3A_221 = arith.constant 22 : i32
      %get3A_222 = arith.index_cast %get3A_221 : i32 to index
      %get3A_223 = arith.index_cast %mul3A_220 : i32 to index
      %get3A_224 = tpu.vector_load %arg11[%get3A_222, %get3A_223] {strides = array<i32>} : memref<32x512xf32, #tpu.memory_space<vmem>>, vector<16xf32>,
      %add3A_225 = arith.addf %add3A_218, %get3A_224 : vector<16xf32>
      %mul3A_226 = arith.constant 16 : i32
      %mul3A_227 = arith.muli %scan3A_62, %mul3A_226 : i32
      %get3A_228 = arith.constant 23 : i32
      %get3A_229 = arith.index_cast %get3A_228 : i32 to index
      %get3A_230 = arith.index_cast %mul3A_227 : i32 to index
      %get3A_231 = tpu.vector_load %arg11[%get3A_229, %get3A_230] {strides = array<i32>} : memref<32x512xf32, #tpu.memory_space<vmem>>, vector<16xf32>,
      %add3A_232 = arith.addf %add3A_225, %get3A_231 : vector<16xf32>
      %mul3A_233 = arith.constant 16 : i32
      %mul3A_234 = arith.muli %scan3A_62, %mul3A_233 : i32
      %get3A_235 = arith.constant 24 : i32
      %get3A_236 = arith.index_cast %get3A_235 : i32 to index
      %get3A_237 = arith.index_cast %mul3A_234 : i32 to index
      %get3A_238 = tpu.vector_load %arg11[%get3A_236, %get3A_237] {strides = array<i32>} : memref<32x512xf32, #tpu.memory_space<vmem>>, vector<16xf32>,
      %add3A_239 = arith.addf %add3A_232, %get3A_238 : vector<16xf32>
      %mul3A_240 = arith.constant 16 : i32
      %mul3A_241 = arith.muli %scan3A_62, %mul3A_240 : i32
      %get3A_242 = arith.constant 25 : i32
      %get3A_243 = arith.index_cast %get3A_242 : i32 to index
      %get3A_244 = arith.index_cast %mul3A_241 : i32 to index
      %get3A_245 = tpu.vector_load %arg11[%get3A_243, %get3A_244] {strides = array<i32>} : memref<32x512xf32, #tpu.memory_space<vmem>>, vector<16xf32>,
      %add3A_246 = arith.addf %add3A_239, %get3A_245 : vector<16xf32>
      %mul3A_247 = arith.constant 16 : i32
      %mul3A_248 = arith.muli %scan3A_62, %mul3A_247 : i32
      %get3A_249 = arith.constant 26 : i32
      %get3A_250 = arith.index_cast %get3A_249 : i32 to index
      %get3A_251 = arith.index_cast %mul3A_248 : i32 to index
      %get3A_252 = tpu.vector_load %arg11[%get3A_250, %get3A_251] {strides = array<i32>} : memref<32x512xf32, #tpu.memory_space<vmem>>, vector<16xf32>,
      %add3A_253 = arith.addf %add3A_246, %get3A_252 : vector<16xf32>
      %mul3A_254 = arith.constant 16 : i32
      %mul3A_255 = arith.muli %scan3A_62, %mul3A_254 : i32
      %get3A_256 = arith.constant 27 : i32
      %get3A_257 = arith.index_cast %get3A_256 : i32 to index
      %get3A_258 = arith.index_cast %mul3A_255 : i32 to index
      %get3A_259 = tpu.vector_load %arg11[%get3A_257, %get3A_258] {strides = array<i32>} : memref<32x512xf32, #tpu.memory_space<vmem>>, vector<16xf32>,
      %add3A_260 = arith.addf %add3A_253, %get3A_259 : vector<16xf32>
      %mul3A_261 = arith.constant 16 : i32
      %mul3A_262 = arith.muli %scan3A_62, %mul3A_261 : i32
      %get3A_263 = arith.constant 28 : i32
      %get3A_264 = arith.index_cast %get3A_263 : i32 to index
      %get3A_265 = arith.index_cast %mul3A_262 : i32 to index
      %get3A_266 = tpu.vector_load %arg11[%get3A_264, %get3A_265] {strides = array<i32>} : memref<32x512xf32, #tpu.memory_space<vmem>>, vector<16xf32>,
      %add3A_267 = arith.addf %add3A_260, %get3A_266 : vector<16xf32>
      %mul3A_268 = arith.constant 16 : i32
      %mul3A_269 = arith.muli %scan3A_62, %mul3A_268 : i32
      %get3A_270 = arith.constant 29 : i32
      %get3A_271 = arith.index_cast %get3A_270 : i32 to index
      %get3A_272 = arith.index_cast %mul3A_269 : i32 to index
      %get3A_273 = tpu.vector_load %arg11[%get3A_271, %get3A_272] {strides = array<i32>} : memref<32x512xf32, #tpu.memory_space<vmem>>, vector<16xf32>,
      %add3A_274 = arith.addf %add3A_267, %get3A_273 : vector<16xf32>
      %mul3A_275 = arith.constant 16 : i32
      %mul3A_276 = arith.muli %scan3A_62, %mul3A_275 : i32
      %get3A_277 = arith.constant 30 : i32
      %get3A_278 = arith.index_cast %get3A_277 : i32 to index
      %get3A_279 = arith.index_cast %mul3A_276 : i32 to index
      %get3A_280 = tpu.vector_load %arg11[%get3A_278, %get3A_279] {strides = array<i32>} : memref<32x512xf32, #tpu.memory_space<vmem>>, vector<16xf32>,
      %add3A_281 = arith.addf %add3A_274, %get3A_280 : vector<16xf32>
      %mul3A_282 = arith.constant 16 : i32
      %mul3A_283 = arith.muli %scan3A_62, %mul3A_282 : i32
      %get3A_284 = arith.constant 31 : i32
      %get3A_285 = arith.index_cast %get3A_284 : i32 to index
      %get3A_286 = arith.index_cast %mul3A_283 : i32 to index
      %get3A_287 = tpu.vector_load %arg11[%get3A_285, %get3A_286] {strides = array<i32>} : memref<32x512xf32, #tpu.memory_space<vmem>>, vector<16xf32>,
      %add3A_288 = arith.addf %add3A_281, %get3A_287 : vector<16xf32>
      %mul3A_289 = arith.constant 16 : i32
      %mul3A_290 = arith.muli %scan3A_62, %mul3A_289 : i32
      %swap3A_291 = arith.index_cast %mul3A_290 : i32 to index
      %swap3A_292 = tpu.vector_load %arg13[%swap3A_291] {strides = array<i32>} : memref<512xf32, #tpu.memory_space<vmem>>, vector<16xf32>,
      tpu.vector_store %arg13[%swap3A_291], %add3A_288 {strides = array<i32>} : memref<512xf32, #tpu.memory_space<vmem>>, vector<16xf32>,
      %scan3A_293 = arith.constant 0 : i32
      scf.yield %scan3A_293 : i32
    }
    %scan3A_8 = arith.constant 32 : i32
    %mul3A_9 = arith.constant 512 : i32
    %mul3A_10 = arith.muli %add3A, %mul3A_9 : i32
    "tpu.region"() ({
      %run_scoped3A = tpu.sem_alloc : memref<!tpu.dma_semaphore, #tpu.memory_space<semaphore_mem>>
      %dma_start3A = arith.constant 0 : i32
      %dma_start3A_62 = tpu.memref_slice %arg3[%dma_start3A, %mul3A_10] : memref<32x16384xf32, #tpu.memory_space<hbm>> -> memref<32x512xf32, #tpu.memory_space<hbm>>
      %dma_start3A_63 = arith.constant 0 : i32
      %dma_start3A_64 = tpu.memref_slice %arg3[%dma_start3A_63, %mul3A_10] : memref<32x16384xf32, #tpu.memory_space<hbm>> -> memref<32x512xf32, #tpu.memory_space<hbm>>
      tpu.enqueue_dma source(%dma_start3A_64 : memref<32x512xf32, #tpu.memory_space<hbm>>) target(%arg11 : memref<32x512xf32, #tpu.memory_space<vmem>>) target_semaphore(%run_scoped3A : memref<!tpu.dma_semaphore, #tpu.memory_space<semaphore_mem>>)
      %dma_wait3A = arith.constant 0 : i32
      %dma_wait3A_65 = tpu.memref_slice %arg3[%dma_wait3A, %mul3A_10] : memref<32x16384xf32, #tpu.memory_space<hbm>> -> memref<32x512xf32, #tpu.memory_space<hbm>>
      %dma_wait3A_66 = arith.constant 0 : i32
      %dma_wait3A_67 = tpu.memref_slice %arg3[%dma_wait3A_66, %mul3A_10] : memref<32x16384xf32, #tpu.memory_space<hbm>> -> memref<32x512xf32, #tpu.memory_space<hbm>>
      tpu.wait_dma2 semaphore(%run_scoped3A : memref<!tpu.dma_semaphore, #tpu.memory_space<semaphore_mem>>) src(%dma_wait3A_67 : memref<32x512xf32, #tpu.memory_space<hbm>>) dst(%arg11 : memref<32x512xf32, #tpu.memory_space<vmem>>)
      tpu.yield
    }) : () -> ()
    %scan3A_11 = arith.constant 0 : i32
    %scan3A_12 = arith.constant 0 : i32
    %scan3A_13 = arith.constant 32 : i32
    %scan3A_14 = arith.addi %scan3A_12, %scan3A_13 : i32
    %scan3A_15 = arith.constant 1 : i32
    %scan3A_16 = scf.for %scan3A_62 = %scan3A_12 to %scan3A_14 step %scan3A_15 iter_args(%scan3A_63 = %scan3A_11) -> (i32)  : i32 {
      %broadcast_in_dim3A_64 = arith.constant 0.000000e+00 : f32
      %broadcast_in_dim3A_65 = vector.broadcast %broadcast_in_dim3A_64 : f32 to vector<16xf32>
      %mul3A_66 = arith.constant 16 : i32
      %mul3A_67 = arith.muli %scan3A_62, %mul3A_66 : i32
      %get3A = arith.constant 0 : i32
      %get3A_68 = arith.index_cast %get3A : i32 to index
      %get3A_69 = arith.index_cast %mul3A_67 : i32 to index
      %get3A_70 = tpu.vector_load %arg11[%get3A_68, %get3A_69] {strides = array<i32>} : memref<32x512xf32, #tpu.memory_space<vmem>>, vector<16xf32>,
      %add3A_71 = arith.addf %broadcast_in_dim3A_65, %get3A_70 : vector<16xf32>
      %mul3A_72 = arith.constant 16 : i32
      %mul3A_73 = arith.muli %scan3A_62, %mul3A_72 : i32
      %get3A_74 = arith.constant 1 : i32
      %get3A_75 = arith.index_cast %get3A_74 : i32 to index
      %get3A_76 = arith.index_cast %mul3A_73 : i32 to index
      %get3A_77 = tpu.vector_load %arg11[%get3A_75, %get3A_76] {strides = array<i32>} : memref<32x512xf32, #tpu.memory_space<vmem>>, vector<16xf32>,
      %add3A_78 = arith.addf %add3A_71, %get3A_77 : vector<16xf32>
      %mul3A_79 = arith.constant 16 : i32
      %mul3A_80 = arith.muli %scan3A_62, %mul3A_79 : i32
      %get3A_81 = arith.constant 2 : i32
      %get3A_82 = arith.index_cast %get3A_81 : i32 to index
      %get3A_83 = arith.index_cast %mul3A_80 : i32 to index
      %get3A_84 = tpu.vector_load %arg11[%get3A_82, %get3A_83] {strides = array<i32>} : memref<32x512xf32, #tpu.memory_space<vmem>>, vector<16xf32>,
      %add3A_85 = arith.addf %add3A_78, %get3A_84 : vector<16xf32>
      %mul3A_86 = arith.constant 16 : i32
      %mul3A_87 = arith.muli %scan3A_62, %mul3A_86 : i32
      %get3A_88 = arith.constant 3 : i32
      %get3A_89 = arith.index_cast %get3A_88 : i32 to index
      %get3A_90 = arith.index_cast %mul3A_87 : i32 to index
      %get3A_91 = tpu.vector_load %arg11[%get3A_89, %get3A_90] {strides = array<i32>} : memref<32x512xf32, #tpu.memory_space<vmem>>, vector<16xf32>,
      %add3A_92 = arith.addf %add3A_85, %get3A_91 : vector<16xf32>
      %mul3A_93 = arith.constant 16 : i32
      %mul3A_94 = arith.muli %scan3A_62, %mul3A_93 : i32
      %get3A_95 = arith.constant 4 : i32
      %get3A_96 = arith.index_cast %get3A_95 : i32 to index
      %get3A_97 = arith.index_cast %mul3A_94 : i32 to index
      %get3A_98 = tpu.vector_load %arg11[%get3A_96, %get3A_97] {strides = array<i32>} : memref<32x512xf32, #tpu.memory_space<vmem>>, vector<16xf32>,
      %add3A_99 = arith.addf %add3A_92, %get3A_98 : vector<16xf32>
      %mul3A_100 = arith.constant 16 : i32
      %mul3A_101 = arith.muli %scan3A_62, %mul3A_100 : i32
      %get3A_102 = arith.constant 5 : i32
      %get3A_103 = arith.index_cast %get3A_102 : i32 to index
      %get3A_104 = arith.index_cast %mul3A_101 : i32 to index
      %get3A_105 = tpu.vector_load %arg11[%get3A_103, %get3A_104] {strides = array<i32>} : memref<32x512xf32, #tpu.memory_space<vmem>>, vector<16xf32>,
      %add3A_106 = arith.addf %add3A_99, %get3A_105 : vector<16xf32>
      %mul3A_107 = arith.constant 16 : i32
      %mul3A_108 = arith.muli %scan3A_62, %mul3A_107 : i32
      %get3A_109 = arith.constant 6 : i32
      %get3A_110 = arith.index_cast %get3A_109 : i32 to index
      %get3A_111 = arith.index_cast %mul3A_108 : i32 to index
      %get3A_112 = tpu.vector_load %arg11[%get3A_110, %get3A_111] {strides = array<i32>} : memref<32x512xf32, #tpu.memory_space<vmem>>, vector<16xf32>,
      %add3A_113 = arith.addf %add3A_106, %get3A_112 : vector<16xf32>
      %mul3A_114 = arith.constant 16 : i32
      %mul3A_115 = arith.muli %scan3A_62, %mul3A_114 : i32
      %get3A_116 = arith.constant 7 : i32
      %get3A_117 = arith.index_cast %get3A_116 : i32 to index
      %get3A_118 = arith.index_cast %mul3A_115 : i32 to index
      %get3A_119 = tpu.vector_load %arg11[%get3A_117, %get3A_118] {strides = array<i32>} : memref<32x512xf32, #tpu.memory_space<vmem>>, vector<16xf32>,
      %add3A_120 = arith.addf %add3A_113, %get3A_119 : vector<16xf32>
      %mul3A_121 = arith.constant 16 : i32
      %mul3A_122 = arith.muli %scan3A_62, %mul3A_121 : i32
      %get3A_123 = arith.constant 8 : i32
      %get3A_124 = arith.index_cast %get3A_123 : i32 to index
      %get3A_125 = arith.index_cast %mul3A_122 : i32 to index
      %get3A_126 = tpu.vector_load %arg11[%get3A_124, %get3A_125] {strides = array<i32>} : memref<32x512xf32, #tpu.memory_space<vmem>>, vector<16xf32>,
      %add3A_127 = arith.addf %add3A_120, %get3A_126 : vector<16xf32>
      %mul3A_128 = arith.constant 16 : i32
      %mul3A_129 = arith.muli %scan3A_62, %mul3A_128 : i32
      %get3A_130 = arith.constant 9 : i32
      %get3A_131 = arith.index_cast %get3A_130 : i32 to index
      %get3A_132 = arith.index_cast %mul3A_129 : i32 to index
      %get3A_133 = tpu.vector_load %arg11[%get3A_131, %get3A_132] {strides = array<i32>} : memref<32x512xf32, #tpu.memory_space<vmem>>, vector<16xf32>,
      %add3A_134 = arith.addf %add3A_127, %get3A_133 : vector<16xf32>
      %mul3A_135 = arith.constant 16 : i32
      %mul3A_136 = arith.muli %scan3A_62, %mul3A_135 : i32
      %get3A_137 = arith.constant 10 : i32
      %get3A_138 = arith.index_cast %get3A_137 : i32 to index
      %get3A_139 = arith.index_cast %mul3A_136 : i32 to index
      %get3A_140 = tpu.vector_load %arg11[%get3A_138, %get3A_139] {strides = array<i32>} : memref<32x512xf32, #tpu.memory_space<vmem>>, vector<16xf32>,
      %add3A_141 = arith.addf %add3A_134, %get3A_140 : vector<16xf32>
      %mul3A_142 = arith.constant 16 : i32
      %mul3A_143 = arith.muli %scan3A_62, %mul3A_142 : i32
      %get3A_144 = arith.constant 11 : i32
      %get3A_145 = arith.index_cast %get3A_144 : i32 to index
      %get3A_146 = arith.index_cast %mul3A_143 : i32 to index
      %get3A_147 = tpu.vector_load %arg11[%get3A_145, %get3A_146] {strides = array<i32>} : memref<32x512xf32, #tpu.memory_space<vmem>>, vector<16xf32>,
      %add3A_148 = arith.addf %add3A_141, %get3A_147 : vector<16xf32>
      %mul3A_149 = arith.constant 16 : i32
      %mul3A_150 = arith.muli %scan3A_62, %mul3A_149 : i32
      %get3A_151 = arith.constant 12 : i32
      %get3A_152 = arith.index_cast %get3A_151 : i32 to index
      %get3A_153 = arith.index_cast %mul3A_150 : i32 to index
      %get3A_154 = tpu.vector_load %arg11[%get3A_152, %get3A_153] {strides = array<i32>} : memref<32x512xf32, #tpu.memory_space<vmem>>, vector<16xf32>,
      %add3A_155 = arith.addf %add3A_148, %get3A_154 : vector<16xf32>
      %mul3A_156 = arith.constant 16 : i32
      %mul3A_157 = arith.muli %scan3A_62, %mul3A_156 : i32
      %get3A_158 = arith.constant 13 : i32
      %get3A_159 = arith.index_cast %get3A_158 : i32 to index
      %get3A_160 = arith.index_cast %mul3A_157 : i32 to index
      %get3A_161 = tpu.vector_load %arg11[%get3A_159, %get3A_160] {strides = array<i32>} : memref<32x512xf32, #tpu.memory_space<vmem>>, vector<16xf32>,
      %add3A_162 = arith.addf %add3A_155, %get3A_161 : vector<16xf32>
      %mul3A_163 = arith.constant 16 : i32
      %mul3A_164 = arith.muli %scan3A_62, %mul3A_163 : i32
      %get3A_165 = arith.constant 14 : i32
      %get3A_166 = arith.index_cast %get3A_165 : i32 to index
      %get3A_167 = arith.index_cast %mul3A_164 : i32 to index
      %get3A_168 = tpu.vector_load %arg11[%get3A_166, %get3A_167] {strides = array<i32>} : memref<32x512xf32, #tpu.memory_space<vmem>>, vector<16xf32>,
      %add3A_169 = arith.addf %add3A_162, %get3A_168 : vector<16xf32>
      %mul3A_170 = arith.constant 16 : i32
      %mul3A_171 = arith.muli %scan3A_62, %mul3A_170 : i32
      %get3A_172 = arith.constant 15 : i32
      %get3A_173 = arith.index_cast %get3A_172 : i32 to index
      %get3A_174 = arith.index_cast %mul3A_171 : i32 to index
      %get3A_175 = tpu.vector_load %arg11[%get3A_173, %get3A_174] {strides = array<i32>} : memref<32x512xf32, #tpu.memory_space<vmem>>, vector<16xf32>,
      %add3A_176 = arith.addf %add3A_169, %get3A_175 : vector<16xf32>
      %mul3A_177 = arith.constant 16 : i32
      %mul3A_178 = arith.muli %scan3A_62, %mul3A_177 : i32
      %get3A_179 = arith.constant 16 : i32
      %get3A_180 = arith.index_cast %get3A_179 : i32 to index
      %get3A_181 = arith.index_cast %mul3A_178 : i32 to index
      %get3A_182 = tpu.vector_load %arg11[%get3A_180, %get3A_181] {strides = array<i32>} : memref<32x512xf32, #tpu.memory_space<vmem>>, vector<16xf32>,
      %add3A_183 = arith.addf %add3A_176, %get3A_182 : vector<16xf32>
      %mul3A_184 = arith.constant 16 : i32
      %mul3A_185 = arith.muli %scan3A_62, %mul3A_184 : i32
      %get3A_186 = arith.constant 17 : i32
      %get3A_187 = arith.index_cast %get3A_186 : i32 to index
      %get3A_188 = arith.index_cast %mul3A_185 : i32 to index
      %get3A_189 = tpu.vector_load %arg11[%get3A_187, %get3A_188] {strides = array<i32>} : memref<32x512xf32, #tpu.memory_space<vmem>>, vector<16xf32>,
      %add3A_190 = arith.addf %add3A_183, %get3A_189 : vector<16xf32>
      %mul3A_191 = arith.constant 16 : i32
      %mul3A_192 = arith.muli %scan3A_62, %mul3A_191 : i32
      %get3A_193 = arith.constant 18 : i32
      %get3A_194 = arith.index_cast %get3A_193 : i32 to index
      %get3A_195 = arith.index_cast %mul3A_192 : i32 to index
      %get3A_196 = tpu.vector_load %arg11[%get3A_194, %get3A_195] {strides = array<i32>} : memref<32x512xf32, #tpu.memory_space<vmem>>, vector<16xf32>,
      %add3A_197 = arith.addf %add3A_190, %get3A_196 : vector<16xf32>
      %mul3A_198 = arith.constant 16 : i32
      %mul3A_199 = arith.muli %scan3A_62, %mul3A_198 : i32
      %get3A_200 = arith.constant 19 : i32
      %get3A_201 = arith.index_cast %get3A_200 : i32 to index
      %get3A_202 = arith.index_cast %mul3A_199 : i32 to index
      %get3A_203 = tpu.vector_load %arg11[%get3A_201, %get3A_202] {strides = array<i32>} : memref<32x512xf32, #tpu.memory_space<vmem>>, vector<16xf32>,
      %add3A_204 = arith.addf %add3A_197, %get3A_203 : vector<16xf32>
      %mul3A_205 = arith.constant 16 : i32
      %mul3A_206 = arith.muli %scan3A_62, %mul3A_205 : i32
      %get3A_207 = arith.constant 20 : i32
      %get3A_208 = arith.index_cast %get3A_207 : i32 to index
      %get3A_209 = arith.index_cast %mul3A_206 : i32 to index
      %get3A_210 = tpu.vector_load %arg11[%get3A_208, %get3A_209] {strides = array<i32>} : memref<32x512xf32, #tpu.memory_space<vmem>>, vector<16xf32>,
      %add3A_211 = arith.addf %add3A_204, %get3A_210 : vector<16xf32>
      %mul3A_212 = arith.constant 16 : i32
      %mul3A_213 = arith.muli %scan3A_62, %mul3A_212 : i32
      %get3A_214 = arith.constant 21 : i32
      %get3A_215 = arith.index_cast %get3A_214 : i32 to index
      %get3A_216 = arith.index_cast %mul3A_213 : i32 to index
      %get3A_217 = tpu.vector_load %arg11[%get3A_215, %get3A_216] {strides = array<i32>} : memref<32x512xf32, #tpu.memory_space<vmem>>, vector<16xf32>,
      %add3A_218 = arith.addf %add3A_211, %get3A_217 : vector<16xf32>
      %mul3A_219 = arith.constant 16 : i32
      %mul3A_220 = arith.muli %scan3A_62, %mul3A_219 : i32
      %get3A_221 = arith.constant 22 : i32
      %get3A_222 = arith.index_cast %get3A_221 : i32 to index
      %get3A_223 = arith.index_cast %mul3A_220 : i32 to index
      %get3A_224 = tpu.vector_load %arg11[%get3A_222, %get3A_223] {strides = array<i32>} : memref<32x512xf32, #tpu.memory_space<vmem>>, vector<16xf32>,
      %add3A_225 = arith.addf %add3A_218, %get3A_224 : vector<16xf32>
      %mul3A_226 = arith.constant 16 : i32
      %mul3A_227 = arith.muli %scan3A_62, %mul3A_226 : i32
      %get3A_228 = arith.constant 23 : i32
      %get3A_229 = arith.index_cast %get3A_228 : i32 to index
      %get3A_230 = arith.index_cast %mul3A_227 : i32 to index
      %get3A_231 = tpu.vector_load %arg11[%get3A_229, %get3A_230] {strides = array<i32>} : memref<32x512xf32, #tpu.memory_space<vmem>>, vector<16xf32>,
      %add3A_232 = arith.addf %add3A_225, %get3A_231 : vector<16xf32>
      %mul3A_233 = arith.constant 16 : i32
      %mul3A_234 = arith.muli %scan3A_62, %mul3A_233 : i32
      %get3A_235 = arith.constant 24 : i32
      %get3A_236 = arith.index_cast %get3A_235 : i32 to index
      %get3A_237 = arith.index_cast %mul3A_234 : i32 to index
      %get3A_238 = tpu.vector_load %arg11[%get3A_236, %get3A_237] {strides = array<i32>} : memref<32x512xf32, #tpu.memory_space<vmem>>, vector<16xf32>,
      %add3A_239 = arith.addf %add3A_232, %get3A_238 : vector<16xf32>
      %mul3A_240 = arith.constant 16 : i32
      %mul3A_241 = arith.muli %scan3A_62, %mul3A_240 : i32
      %get3A_242 = arith.constant 25 : i32
      %get3A_243 = arith.index_cast %get3A_242 : i32 to index
      %get3A_244 = arith.index_cast %mul3A_241 : i32 to index
      %get3A_245 = tpu.vector_load %arg11[%get3A_243, %get3A_244] {strides = array<i32>} : memref<32x512xf32, #tpu.memory_space<vmem>>, vector<16xf32>,
      %add3A_246 = arith.addf %add3A_239, %get3A_245 : vector<16xf32>
      %mul3A_247 = arith.constant 16 : i32
      %mul3A_248 = arith.muli %scan3A_62, %mul3A_247 : i32
      %get3A_249 = arith.constant 26 : i32
      %get3A_250 = arith.index_cast %get3A_249 : i32 to index
      %get3A_251 = arith.index_cast %mul3A_248 : i32 to index
      %get3A_252 = tpu.vector_load %arg11[%get3A_250, %get3A_251] {strides = array<i32>} : memref<32x512xf32, #tpu.memory_space<vmem>>, vector<16xf32>,
      %add3A_253 = arith.addf %add3A_246, %get3A_252 : vector<16xf32>
      %mul3A_254 = arith.constant 16 : i32
      %mul3A_255 = arith.muli %scan3A_62, %mul3A_254 : i32
      %get3A_256 = arith.constant 27 : i32
      %get3A_257 = arith.index_cast %get3A_256 : i32 to index
      %get3A_258 = arith.index_cast %mul3A_255 : i32 to index
      %get3A_259 = tpu.vector_load %arg11[%get3A_257, %get3A_258] {strides = array<i32>} : memref<32x512xf32, #tpu.memory_space<vmem>>, vector<16xf32>,
      %add3A_260 = arith.addf %add3A_253, %get3A_259 : vector<16xf32>
      %mul3A_261 = arith.constant 16 : i32
      %mul3A_262 = arith.muli %scan3A_62, %mul3A_261 : i32
      %get3A_263 = arith.constant 28 : i32
      %get3A_264 = arith.index_cast %get3A_263 : i32 to index
      %get3A_265 = arith.index_cast %mul3A_262 : i32 to index
      %get3A_266 = tpu.vector_load %arg11[%get3A_264, %get3A_265] {strides = array<i32>} : memref<32x512xf32, #tpu.memory_space<vmem>>, vector<16xf32>,
      %add3A_267 = arith.addf %add3A_260, %get3A_266 : vector<16xf32>
      %mul3A_268 = arith.constant 16 : i32
      %mul3A_269 = arith.muli %scan3A_62, %mul3A_268 : i32
      %get3A_270 = arith.constant 29 : i32
      %get3A_271 = arith.index_cast %get3A_270 : i32 to index
      %get3A_272 = arith.index_cast %mul3A_269 : i32 to index
      %get3A_273 = tpu.vector_load %arg11[%get3A_271, %get3A_272] {strides = array<i32>} : memref<32x512xf32, #tpu.memory_space<vmem>>, vector<16xf32>,
      %add3A_274 = arith.addf %add3A_267, %get3A_273 : vector<16xf32>
      %mul3A_275 = arith.constant 16 : i32
      %mul3A_276 = arith.muli %scan3A_62, %mul3A_275 : i32
      %get3A_277 = arith.constant 30 : i32
      %get3A_278 = arith.index_cast %get3A_277 : i32 to index
      %get3A_279 = arith.index_cast %mul3A_276 : i32 to index
      %get3A_280 = tpu.vector_load %arg11[%get3A_278, %get3A_279] {strides = array<i32>} : memref<32x512xf32, #tpu.memory_space<vmem>>, vector<16xf32>,
      %add3A_281 = arith.addf %add3A_274, %get3A_280 : vector<16xf32>
      %mul3A_282 = arith.constant 16 : i32
      %mul3A_283 = arith.muli %scan3A_62, %mul3A_282 : i32
      %get3A_284 = arith.constant 31 : i32
      %get3A_285 = arith.index_cast %get3A_284 : i32 to index
      %get3A_286 = arith.index_cast %mul3A_283 : i32 to index
      %get3A_287 = tpu.vector_load %arg11[%get3A_285, %get3A_286] {strides = array<i32>} : memref<32x512xf32, #tpu.memory_space<vmem>>, vector<16xf32>,
      %add3A_288 = arith.addf %add3A_281, %get3A_287 : vector<16xf32>
      %mul3A_289 = arith.constant 16 : i32
      %mul3A_290 = arith.muli %scan3A_62, %mul3A_289 : i32
      %swap3A_291 = arith.index_cast %mul3A_290 : i32 to index
      %swap3A_292 = tpu.vector_load %arg14[%swap3A_291] {strides = array<i32>} : memref<512xf32, #tpu.memory_space<vmem>>, vector<16xf32>,
      tpu.vector_store %arg14[%swap3A_291], %add3A_288 {strides = array<i32>} : memref<512xf32, #tpu.memory_space<vmem>>, vector<16xf32>,
      %scan3A_293 = arith.constant 0 : i32
      scf.yield %scan3A_293 : i32
    }
    %scan3A_17 = arith.constant 32 : i32
    %mul3A_18 = arith.constant 1024 : i32
    %mul3A_19 = arith.muli %add3A, %mul3A_18 : i32
    "tpu.region"() ({
      %run_scoped3A = tpu.sem_alloc : memref<!tpu.dma_semaphore, #tpu.memory_space<semaphore_mem>>
      %dma_start3A = arith.constant 0 : i32
      %dma_start3A_62 = tpu.memref_slice %arg4[%dma_start3A, %mul3A_19] : memref<32x32768xf32, #tpu.memory_space<hbm>> -> memref<32x1024xf32, #tpu.memory_space<hbm>>
      %dma_start3A_63 = arith.constant 0 : i32
      %dma_start3A_64 = tpu.memref_slice %arg4[%dma_start3A_63, %mul3A_19] : memref<32x32768xf32, #tpu.memory_space<hbm>> -> memref<32x1024xf32, #tpu.memory_space<hbm>>
      tpu.enqueue_dma source(%dma_start3A_64 : memref<32x1024xf32, #tpu.memory_space<hbm>>) target(%arg12 : memref<32x1024xf32, #tpu.memory_space<vmem>>) target_semaphore(%run_scoped3A : memref<!tpu.dma_semaphore, #tpu.memory_space<semaphore_mem>>)
      %dma_wait3A = arith.constant 0 : i32
      %dma_wait3A_65 = tpu.memref_slice %arg4[%dma_wait3A, %mul3A_19] : memref<32x32768xf32, #tpu.memory_space<hbm>> -> memref<32x1024xf32, #tpu.memory_space<hbm>>
      %dma_wait3A_66 = arith.constant 0 : i32
      %dma_wait3A_67 = tpu.memref_slice %arg4[%dma_wait3A_66, %mul3A_19] : memref<32x32768xf32, #tpu.memory_space<hbm>> -> memref<32x1024xf32, #tpu.memory_space<hbm>>
      tpu.wait_dma2 semaphore(%run_scoped3A : memref<!tpu.dma_semaphore, #tpu.memory_space<semaphore_mem>>) src(%dma_wait3A_67 : memref<32x1024xf32, #tpu.memory_space<hbm>>) dst(%arg12 : memref<32x1024xf32, #tpu.memory_space<vmem>>)
      tpu.yield
    }) : () -> ()
    %scan3A_20 = arith.constant 0 : i32
    %scan3A_21 = arith.constant 0 : i32
    %scan3A_22 = arith.constant 64 : i32
    %scan3A_23 = arith.addi %scan3A_21, %scan3A_22 : i32
    %scan3A_24 = arith.constant 1 : i32
    %scan3A_25 = scf.for %scan3A_62 = %scan3A_21 to %scan3A_23 step %scan3A_24 iter_args(%scan3A_63 = %scan3A_20) -> (i32)  : i32 {
      %broadcast_in_dim3A_64 = arith.constant 0.000000e+00 : f32
      %broadcast_in_dim3A_65 = vector.broadcast %broadcast_in_dim3A_64 : f32 to vector<16xf32>
      %mul3A_66 = arith.constant 16 : i32
      %mul3A_67 = arith.muli %scan3A_62, %mul3A_66 : i32
      %get3A = arith.constant 0 : i32
      %get3A_68 = arith.index_cast %get3A : i32 to index
      %get3A_69 = arith.index_cast %mul3A_67 : i32 to index
      %get3A_70 = tpu.vector_load %arg12[%get3A_68, %get3A_69] {strides = array<i32>} : memref<32x1024xf32, #tpu.memory_space<vmem>>, vector<16xf32>,
      %add3A_71 = arith.addf %broadcast_in_dim3A_65, %get3A_70 : vector<16xf32>
      %mul3A_72 = arith.constant 16 : i32
      %mul3A_73 = arith.muli %scan3A_62, %mul3A_72 : i32
      %get3A_74 = arith.constant 1 : i32
      %get3A_75 = arith.index_cast %get3A_74 : i32 to index
      %get3A_76 = arith.index_cast %mul3A_73 : i32 to index
      %get3A_77 = tpu.vector_load %arg12[%get3A_75, %get3A_76] {strides = array<i32>} : memref<32x1024xf32, #tpu.memory_space<vmem>>, vector<16xf32>,
      %add3A_78 = arith.addf %add3A_71, %get3A_77 : vector<16xf32>
      %mul3A_79 = arith.constant 16 : i32
      %mul3A_80 = arith.muli %scan3A_62, %mul3A_79 : i32
      %get3A_81 = arith.constant 2 : i32
      %get3A_82 = arith.index_cast %get3A_81 : i32 to index
      %get3A_83 = arith.index_cast %mul3A_80 : i32 to index
      %get3A_84 = tpu.vector_load %arg12[%get3A_82, %get3A_83] {strides = array<i32>} : memref<32x1024xf32, #tpu.memory_space<vmem>>, vector<16xf32>,
      %add3A_85 = arith.addf %add3A_78, %get3A_84 : vector<16xf32>
      %mul3A_86 = arith.constant 16 : i32
      %mul3A_87 = arith.muli %scan3A_62, %mul3A_86 : i32
      %get3A_88 = arith.constant 3 : i32
      %get3A_89 = arith.index_cast %get3A_88 : i32 to index
      %get3A_90 = arith.index_cast %mul3A_87 : i32 to index
      %get3A_91 = tpu.vector_load %arg12[%get3A_89, %get3A_90] {strides = array<i32>} : memref<32x1024xf32, #tpu.memory_space<vmem>>, vector<16xf32>,
      %add3A_92 = arith.addf %add3A_85, %get3A_91 : vector<16xf32>
      %mul3A_93 = arith.constant 16 : i32
      %mul3A_94 = arith.muli %scan3A_62, %mul3A_93 : i32
      %get3A_95 = arith.constant 4 : i32
      %get3A_96 = arith.index_cast %get3A_95 : i32 to index
      %get3A_97 = arith.index_cast %mul3A_94 : i32 to index
      %get3A_98 = tpu.vector_load %arg12[%get3A_96, %get3A_97] {strides = array<i32>} : memref<32x1024xf32, #tpu.memory_space<vmem>>, vector<16xf32>,
      %add3A_99 = arith.addf %add3A_92, %get3A_98 : vector<16xf32>
      %mul3A_100 = arith.constant 16 : i32
      %mul3A_101 = arith.muli %scan3A_62, %mul3A_100 : i32
      %get3A_102 = arith.constant 5 : i32
      %get3A_103 = arith.index_cast %get3A_102 : i32 to index
      %get3A_104 = arith.index_cast %mul3A_101 : i32 to index
      %get3A_105 = tpu.vector_load %arg12[%get3A_103, %get3A_104] {strides = array<i32>} : memref<32x1024xf32, #tpu.memory_space<vmem>>, vector<16xf32>,
      %add3A_106 = arith.addf %add3A_99, %get3A_105 : vector<16xf32>
      %mul3A_107 = arith.constant 16 : i32
      %mul3A_108 = arith.muli %scan3A_62, %mul3A_107 : i32
      %get3A_109 = arith.constant 6 : i32
      %get3A_110 = arith.index_cast %get3A_109 : i32 to index
      %get3A_111 = arith.index_cast %mul3A_108 : i32 to index
      %get3A_112 = tpu.vector_load %arg12[%get3A_110, %get3A_111] {strides = array<i32>} : memref<32x1024xf32, #tpu.memory_space<vmem>>, vector<16xf32>,
      %add3A_113 = arith.addf %add3A_106, %get3A_112 : vector<16xf32>
      %mul3A_114 = arith.constant 16 : i32
      %mul3A_115 = arith.muli %scan3A_62, %mul3A_114 : i32
      %get3A_116 = arith.constant 7 : i32
      %get3A_117 = arith.index_cast %get3A_116 : i32 to index
      %get3A_118 = arith.index_cast %mul3A_115 : i32 to index
      %get3A_119 = tpu.vector_load %arg12[%get3A_117, %get3A_118] {strides = array<i32>} : memref<32x1024xf32, #tpu.memory_space<vmem>>, vector<16xf32>,
      %add3A_120 = arith.addf %add3A_113, %get3A_119 : vector<16xf32>
      %mul3A_121 = arith.constant 16 : i32
      %mul3A_122 = arith.muli %scan3A_62, %mul3A_121 : i32
      %get3A_123 = arith.constant 8 : i32
      %get3A_124 = arith.index_cast %get3A_123 : i32 to index
      %get3A_125 = arith.index_cast %mul3A_122 : i32 to index
      %get3A_126 = tpu.vector_load %arg12[%get3A_124, %get3A_125] {strides = array<i32>} : memref<32x1024xf32, #tpu.memory_space<vmem>>, vector<16xf32>,
      %add3A_127 = arith.addf %add3A_120, %get3A_126 : vector<16xf32>
      %mul3A_128 = arith.constant 16 : i32
      %mul3A_129 = arith.muli %scan3A_62, %mul3A_128 : i32
      %get3A_130 = arith.constant 9 : i32
      %get3A_131 = arith.index_cast %get3A_130 : i32 to index
      %get3A_132 = arith.index_cast %mul3A_129 : i32 to index
      %get3A_133 = tpu.vector_load %arg12[%get3A_131, %get3A_132] {strides = array<i32>} : memref<32x1024xf32, #tpu.memory_space<vmem>>, vector<16xf32>,
      %add3A_134 = arith.addf %add3A_127, %get3A_133 : vector<16xf32>
      %mul3A_135 = arith.constant 16 : i32
      %mul3A_136 = arith.muli %scan3A_62, %mul3A_135 : i32
      %get3A_137 = arith.constant 10 : i32
      %get3A_138 = arith.index_cast %get3A_137 : i32 to index
      %get3A_139 = arith.index_cast %mul3A_136 : i32 to index
      %get3A_140 = tpu.vector_load %arg12[%get3A_138, %get3A_139] {strides = array<i32>} : memref<32x1024xf32, #tpu.memory_space<vmem>>, vector<16xf32>,
      %add3A_141 = arith.addf %add3A_134, %get3A_140 : vector<16xf32>
      %mul3A_142 = arith.constant 16 : i32
      %mul3A_143 = arith.muli %scan3A_62, %mul3A_142 : i32
      %get3A_144 = arith.constant 11 : i32
      %get3A_145 = arith.index_cast %get3A_144 : i32 to index
      %get3A_146 = arith.index_cast %mul3A_143 : i32 to index
      %get3A_147 = tpu.vector_load %arg12[%get3A_145, %get3A_146] {strides = array<i32>} : memref<32x1024xf32, #tpu.memory_space<vmem>>, vector<16xf32>,
      %add3A_148 = arith.addf %add3A_141, %get3A_147 : vector<16xf32>
      %mul3A_149 = arith.constant 16 : i32
      %mul3A_150 = arith.muli %scan3A_62, %mul3A_149 : i32
      %get3A_151 = arith.constant 12 : i32
      %get3A_152 = arith.index_cast %get3A_151 : i32 to index
      %get3A_153 = arith.index_cast %mul3A_150 : i32 to index
      %get3A_154 = tpu.vector_load %arg12[%get3A_152, %get3A_153] {strides = array<i32>} : memref<32x1024xf32, #tpu.memory_space<vmem>>, vector<16xf32>,
      %add3A_155 = arith.addf %add3A_148, %get3A_154 : vector<16xf32>
      %mul3A_156 = arith.constant 16 : i32
      %mul3A_157 = arith.muli %scan3A_62, %mul3A_156 : i32
      %get3A_158 = arith.constant 13 : i32
      %get3A_159 = arith.index_cast %get3A_158 : i32 to index
      %get3A_160 = arith.index_cast %mul3A_157 : i32 to index
      %get3A_161 = tpu.vector_load %arg12[%get3A_159, %get3A_160] {strides = array<i32>} : memref<32x1024xf32, #tpu.memory_space<vmem>>, vector<16xf32>,
      %add3A_162 = arith.addf %add3A_155, %get3A_161 : vector<16xf32>
      %mul3A_163 = arith.constant 16 : i32
      %mul3A_164 = arith.muli %scan3A_62, %mul3A_163 : i32
      %get3A_165 = arith.constant 14 : i32
      %get3A_166 = arith.index_cast %get3A_165 : i32 to index
      %get3A_167 = arith.index_cast %mul3A_164 : i32 to index
      %get3A_168 = tpu.vector_load %arg12[%get3A_166, %get3A_167] {strides = array<i32>} : memref<32x1024xf32, #tpu.memory_space<vmem>>, vector<16xf32>,
      %add3A_169 = arith.addf %add3A_162, %get3A_168 : vector<16xf32>
      %mul3A_170 = arith.constant 16 : i32
      %mul3A_171 = arith.muli %scan3A_62, %mul3A_170 : i32
      %get3A_172 = arith.constant 15 : i32
      %get3A_173 = arith.index_cast %get3A_172 : i32 to index
      %get3A_174 = arith.index_cast %mul3A_171 : i32 to index
      %get3A_175 = tpu.vector_load %arg12[%get3A_173, %get3A_174] {strides = array<i32>} : memref<32x1024xf32, #tpu.memory_space<vmem>>, vector<16xf32>,
      %add3A_176 = arith.addf %add3A_169, %get3A_175 : vector<16xf32>
      %mul3A_177 = arith.constant 16 : i32
      %mul3A_178 = arith.muli %scan3A_62, %mul3A_177 : i32
      %get3A_179 = arith.constant 16 : i32
      %get3A_180 = arith.index_cast %get3A_179 : i32 to index
      %get3A_181 = arith.index_cast %mul3A_178 : i32 to index
      %get3A_182 = tpu.vector_load %arg12[%get3A_180, %get3A_181] {strides = array<i32>} : memref<32x1024xf32, #tpu.memory_space<vmem>>, vector<16xf32>,
      %add3A_183 = arith.addf %add3A_176, %get3A_182 : vector<16xf32>
      %mul3A_184 = arith.constant 16 : i32
      %mul3A_185 = arith.muli %scan3A_62, %mul3A_184 : i32
      %get3A_186 = arith.constant 17 : i32
      %get3A_187 = arith.index_cast %get3A_186 : i32 to index
      %get3A_188 = arith.index_cast %mul3A_185 : i32 to index
      %get3A_189 = tpu.vector_load %arg12[%get3A_187, %get3A_188] {strides = array<i32>} : memref<32x1024xf32, #tpu.memory_space<vmem>>, vector<16xf32>,
      %add3A_190 = arith.addf %add3A_183, %get3A_189 : vector<16xf32>
      %mul3A_191 = arith.constant 16 : i32
      %mul3A_192 = arith.muli %scan3A_62, %mul3A_191 : i32
      %get3A_193 = arith.constant 18 : i32
      %get3A_194 = arith.index_cast %get3A_193 : i32 to index
      %get3A_195 = arith.index_cast %mul3A_192 : i32 to index
      %get3A_196 = tpu.vector_load %arg12[%get3A_194, %get3A_195] {strides = array<i32>} : memref<32x1024xf32, #tpu.memory_space<vmem>>, vector<16xf32>,
      %add3A_197 = arith.addf %add3A_190, %get3A_196 : vector<16xf32>
      %mul3A_198 = arith.constant 16 : i32
      %mul3A_199 = arith.muli %scan3A_62, %mul3A_198 : i32
      %get3A_200 = arith.constant 19 : i32
      %get3A_201 = arith.index_cast %get3A_200 : i32 to index
      %get3A_202 = arith.index_cast %mul3A_199 : i32 to index
      %get3A_203 = tpu.vector_load %arg12[%get3A_201, %get3A_202] {strides = array<i32>} : memref<32x1024xf32, #tpu.memory_space<vmem>>, vector<16xf32>,
      %add3A_204 = arith.addf %add3A_197, %get3A_203 : vector<16xf32>
      %mul3A_205 = arith.constant 16 : i32
      %mul3A_206 = arith.muli %scan3A_62, %mul3A_205 : i32
      %get3A_207 = arith.constant 20 : i32
      %get3A_208 = arith.index_cast %get3A_207 : i32 to index
      %get3A_209 = arith.index_cast %mul3A_206 : i32 to index
      %get3A_210 = tpu.vector_load %arg12[%get3A_208, %get3A_209] {strides = array<i32>} : memref<32x1024xf32, #tpu.memory_space<vmem>>, vector<16xf32>,
      %add3A_211 = arith.addf %add3A_204, %get3A_210 : vector<16xf32>
      %mul3A_212 = arith.constant 16 : i32
      %mul3A_213 = arith.muli %scan3A_62, %mul3A_212 : i32
      %get3A_214 = arith.constant 21 : i32
      %get3A_215 = arith.index_cast %get3A_214 : i32 to index
      %get3A_216 = arith.index_cast %mul3A_213 : i32 to index
      %get3A_217 = tpu.vector_load %arg12[%get3A_215, %get3A_216] {strides = array<i32>} : memref<32x1024xf32, #tpu.memory_space<vmem>>, vector<16xf32>,
      %add3A_218 = arith.addf %add3A_211, %get3A_217 : vector<16xf32>
      %mul3A_219 = arith.constant 16 : i32
      %mul3A_220 = arith.muli %scan3A_62, %mul3A_219 : i32
      %get3A_221 = arith.constant 22 : i32
      %get3A_222 = arith.index_cast %get3A_221 : i32 to index
      %get3A_223 = arith.index_cast %mul3A_220 : i32 to index
      %get3A_224 = tpu.vector_load %arg12[%get3A_222, %get3A_223] {strides = array<i32>} : memref<32x1024xf32, #tpu.memory_space<vmem>>, vector<16xf32>,
      %add3A_225 = arith.addf %add3A_218, %get3A_224 : vector<16xf32>
      %mul3A_226 = arith.constant 16 : i32
      %mul3A_227 = arith.muli %scan3A_62, %mul3A_226 : i32
      %get3A_228 = arith.constant 23 : i32
      %get3A_229 = arith.index_cast %get3A_228 : i32 to index
      %get3A_230 = arith.index_cast %mul3A_227 : i32 to index
      %get3A_231 = tpu.vector_load %arg12[%get3A_229, %get3A_230] {strides = array<i32>} : memref<32x1024xf32, #tpu.memory_space<vmem>>, vector<16xf32>,
      %add3A_232 = arith.addf %add3A_225, %get3A_231 : vector<16xf32>
      %mul3A_233 = arith.constant 16 : i32
      %mul3A_234 = arith.muli %scan3A_62, %mul3A_233 : i32
      %get3A_235 = arith.constant 24 : i32
      %get3A_236 = arith.index_cast %get3A_235 : i32 to index
      %get3A_237 = arith.index_cast %mul3A_234 : i32 to index
      %get3A_238 = tpu.vector_load %arg12[%get3A_236, %get3A_237] {strides = array<i32>} : memref<32x1024xf32, #tpu.memory_space<vmem>>, vector<16xf32>,
      %add3A_239 = arith.addf %add3A_232, %get3A_238 : vector<16xf32>
      %mul3A_240 = arith.constant 16 : i32
      %mul3A_241 = arith.muli %scan3A_62, %mul3A_240 : i32
      %get3A_242 = arith.constant 25 : i32
      %get3A_243 = arith.index_cast %get3A_242 : i32 to index
      %get3A_244 = arith.index_cast %mul3A_241 : i32 to index
      %get3A_245 = tpu.vector_load %arg12[%get3A_243, %get3A_244] {strides = array<i32>} : memref<32x1024xf32, #tpu.memory_space<vmem>>, vector<16xf32>,
      %add3A_246 = arith.addf %add3A_239, %get3A_245 : vector<16xf32>
      %mul3A_247 = arith.constant 16 : i32
      %mul3A_248 = arith.muli %scan3A_62, %mul3A_247 : i32
      %get3A_249 = arith.constant 26 : i32
      %get3A_250 = arith.index_cast %get3A_249 : i32 to index
      %get3A_251 = arith.index_cast %mul3A_248 : i32 to index
      %get3A_252 = tpu.vector_load %arg12[%get3A_250, %get3A_251] {strides = array<i32>} : memref<32x1024xf32, #tpu.memory_space<vmem>>, vector<16xf32>,
      %add3A_253 = arith.addf %add3A_246, %get3A_252 : vector<16xf32>
      %mul3A_254 = arith.constant 16 : i32
      %mul3A_255 = arith.muli %scan3A_62, %mul3A_254 : i32
      %get3A_256 = arith.constant 27 : i32
      %get3A_257 = arith.index_cast %get3A_256 : i32 to index
      %get3A_258 = arith.index_cast %mul3A_255 : i32 to index
      %get3A_259 = tpu.vector_load %arg12[%get3A_257, %get3A_258] {strides = array<i32>} : memref<32x1024xf32, #tpu.memory_space<vmem>>, vector<16xf32>,
      %add3A_260 = arith.addf %add3A_253, %get3A_259 : vector<16xf32>
      %mul3A_261 = arith.constant 16 : i32
      %mul3A_262 = arith.muli %scan3A_62, %mul3A_261 : i32
      %get3A_263 = arith.constant 28 : i32
      %get3A_264 = arith.index_cast %get3A_263 : i32 to index
      %get3A_265 = arith.index_cast %mul3A_262 : i32 to index
      %get3A_266 = tpu.vector_load %arg12[%get3A_264, %get3A_265] {strides = array<i32>} : memref<32x1024xf32, #tpu.memory_space<vmem>>, vector<16xf32>,
      %add3A_267 = arith.addf %add3A_260, %get3A_266 : vector<16xf32>
      %mul3A_268 = arith.constant 16 : i32
      %mul3A_269 = arith.muli %scan3A_62, %mul3A_268 : i32
      %get3A_270 = arith.constant 29 : i32
      %get3A_271 = arith.index_cast %get3A_270 : i32 to index
      %get3A_272 = arith.index_cast %mul3A_269 : i32 to index
      %get3A_273 = tpu.vector_load %arg12[%get3A_271, %get3A_272] {strides = array<i32>} : memref<32x1024xf32, #tpu.memory_space<vmem>>, vector<16xf32>,
      %add3A_274 = arith.addf %add3A_267, %get3A_273 : vector<16xf32>
      %mul3A_275 = arith.constant 16 : i32
      %mul3A_276 = arith.muli %scan3A_62, %mul3A_275 : i32
      %get3A_277 = arith.constant 30 : i32
      %get3A_278 = arith.index_cast %get3A_277 : i32 to index
      %get3A_279 = arith.index_cast %mul3A_276 : i32 to index
      %get3A_280 = tpu.vector_load %arg12[%get3A_278, %get3A_279] {strides = array<i32>} : memref<32x1024xf32, #tpu.memory_space<vmem>>, vector<16xf32>,
      %add3A_281 = arith.addf %add3A_274, %get3A_280 : vector<16xf32>
      %mul3A_282 = arith.constant 16 : i32
      %mul3A_283 = arith.muli %scan3A_62, %mul3A_282 : i32
      %get3A_284 = arith.constant 31 : i32
      %get3A_285 = arith.index_cast %get3A_284 : i32 to index
      %get3A_286 = arith.index_cast %mul3A_283 : i32 to index
      %get3A_287 = tpu.vector_load %arg12[%get3A_285, %get3A_286] {strides = array<i32>} : memref<32x1024xf32, #tpu.memory_space<vmem>>, vector<16xf32>,
      %add3A_288 = arith.addf %add3A_281, %get3A_287 : vector<16xf32>
      %mul3A_289 = arith.constant 16 : i32
      %mul3A_290 = arith.muli %scan3A_62, %mul3A_289 : i32
      %swap3A_291 = arith.index_cast %mul3A_290 : i32 to index
      %swap3A_292 = tpu.vector_load %arg15[%swap3A_291] {strides = array<i32>} : memref<1024xf32, #tpu.memory_space<vmem>>, vector<16xf32>,
      tpu.vector_store %arg15[%swap3A_291], %add3A_288 {strides = array<i32>} : memref<1024xf32, #tpu.memory_space<vmem>>, vector<16xf32>,
      %scan3A_293 = arith.constant 0 : i32
      scf.yield %scan3A_293 : i32
    }
    %scan3A_26 = arith.constant 64 : i32
    %mul3A_27 = arith.constant 1024 : i32
    %mul3A_28 = arith.muli %add3A, %mul3A_27 : i32
    "tpu.region"() ({
      %run_scoped3A = tpu.sem_alloc : memref<!tpu.dma_semaphore, #tpu.memory_space<semaphore_mem>>
      %dma_start3A = arith.constant 0 : i32
      %dma_start3A_62 = tpu.memref_slice %arg5[%dma_start3A, %mul3A_28] : memref<32x32768xf32, #tpu.memory_space<hbm>> -> memref<32x1024xf32, #tpu.memory_space<hbm>>
      %dma_start3A_63 = arith.constant 0 : i32
      %dma_start3A_64 = tpu.memref_slice %arg5[%dma_start3A_63, %mul3A_28] : memref<32x32768xf32, #tpu.memory_space<hbm>> -> memref<32x1024xf32, #tpu.memory_space<hbm>>
      tpu.enqueue_dma source(%dma_start3A_64 : memref<32x1024xf32, #tpu.memory_space<hbm>>) target(%arg12 : memref<32x1024xf32, #tpu.memory_space<vmem>>) target_semaphore(%run_scoped3A : memref<!tpu.dma_semaphore, #tpu.memory_space<semaphore_mem>>)
      %dma_wait3A = arith.constant 0 : i32
      %dma_wait3A_65 = tpu.memref_slice %arg5[%dma_wait3A, %mul3A_28] : memref<32x32768xf32, #tpu.memory_space<hbm>> -> memref<32x1024xf32, #tpu.memory_space<hbm>>
      %dma_wait3A_66 = arith.constant 0 : i32
      %dma_wait3A_67 = tpu.memref_slice %arg5[%dma_wait3A_66, %mul3A_28] : memref<32x32768xf32, #tpu.memory_space<hbm>> -> memref<32x1024xf32, #tpu.memory_space<hbm>>
      tpu.wait_dma2 semaphore(%run_scoped3A : memref<!tpu.dma_semaphore, #tpu.memory_space<semaphore_mem>>) src(%dma_wait3A_67 : memref<32x1024xf32, #tpu.memory_space<hbm>>) dst(%arg12 : memref<32x1024xf32, #tpu.memory_space<vmem>>)
      tpu.yield
    }) : () -> ()
    %scan3A_29 = arith.constant 0 : i32
    %scan3A_30 = arith.constant 0 : i32
    %scan3A_31 = arith.constant 64 : i32
    %scan3A_32 = arith.addi %scan3A_30, %scan3A_31 : i32
    %scan3A_33 = arith.constant 1 : i32
    %scan3A_34 = scf.for %scan3A_62 = %scan3A_30 to %scan3A_32 step %scan3A_33 iter_args(%scan3A_63 = %scan3A_29) -> (i32)  : i32 {
      %broadcast_in_dim3A_64 = arith.constant 0.000000e+00 : f32
      %broadcast_in_dim3A_65 = vector.broadcast %broadcast_in_dim3A_64 : f32 to vector<16xf32>
      %mul3A_66 = arith.constant 16 : i32
      %mul3A_67 = arith.muli %scan3A_62, %mul3A_66 : i32
      %get3A = arith.constant 0 : i32
      %get3A_68 = arith.index_cast %get3A : i32 to index
      %get3A_69 = arith.index_cast %mul3A_67 : i32 to index
      %get3A_70 = tpu.vector_load %arg12[%get3A_68, %get3A_69] {strides = array<i32>} : memref<32x1024xf32, #tpu.memory_space<vmem>>, vector<16xf32>,
      %add3A_71 = arith.addf %broadcast_in_dim3A_65, %get3A_70 : vector<16xf32>
      %mul3A_72 = arith.constant 16 : i32
      %mul3A_73 = arith.muli %scan3A_62, %mul3A_72 : i32
      %get3A_74 = arith.constant 1 : i32
      %get3A_75 = arith.index_cast %get3A_74 : i32 to index
      %get3A_76 = arith.index_cast %mul3A_73 : i32 to index
      %get3A_77 = tpu.vector_load %arg12[%get3A_75, %get3A_76] {strides = array<i32>} : memref<32x1024xf32, #tpu.memory_space<vmem>>, vector<16xf32>,
      %add3A_78 = arith.addf %add3A_71, %get3A_77 : vector<16xf32>
      %mul3A_79 = arith.constant 16 : i32
      %mul3A_80 = arith.muli %scan3A_62, %mul3A_79 : i32
      %get3A_81 = arith.constant 2 : i32
      %get3A_82 = arith.index_cast %get3A_81 : i32 to index
      %get3A_83 = arith.index_cast %mul3A_80 : i32 to index
      %get3A_84 = tpu.vector_load %arg12[%get3A_82, %get3A_83] {strides = array<i32>} : memref<32x1024xf32, #tpu.memory_space<vmem>>, vector<16xf32>,
      %add3A_85 = arith.addf %add3A_78, %get3A_84 : vector<16xf32>
      %mul3A_86 = arith.constant 16 : i32
      %mul3A_87 = arith.muli %scan3A_62, %mul3A_86 : i32
      %get3A_88 = arith.constant 3 : i32
      %get3A_89 = arith.index_cast %get3A_88 : i32 to index
      %get3A_90 = arith.index_cast %mul3A_87 : i32 to index
      %get3A_91 = tpu.vector_load %arg12[%get3A_89, %get3A_90] {strides = array<i32>} : memref<32x1024xf32, #tpu.memory_space<vmem>>, vector<16xf32>,
      %add3A_92 = arith.addf %add3A_85, %get3A_91 : vector<16xf32>
      %mul3A_93 = arith.constant 16 : i32
      %mul3A_94 = arith.muli %scan3A_62, %mul3A_93 : i32
      %get3A_95 = arith.constant 4 : i32
      %get3A_96 = arith.index_cast %get3A_95 : i32 to index
      %get3A_97 = arith.index_cast %mul3A_94 : i32 to index
      %get3A_98 = tpu.vector_load %arg12[%get3A_96, %get3A_97] {strides = array<i32>} : memref<32x1024xf32, #tpu.memory_space<vmem>>, vector<16xf32>,
      %add3A_99 = arith.addf %add3A_92, %get3A_98 : vector<16xf32>
      %mul3A_100 = arith.constant 16 : i32
      %mul3A_101 = arith.muli %scan3A_62, %mul3A_100 : i32
      %get3A_102 = arith.constant 5 : i32
      %get3A_103 = arith.index_cast %get3A_102 : i32 to index
      %get3A_104 = arith.index_cast %mul3A_101 : i32 to index
      %get3A_105 = tpu.vector_load %arg12[%get3A_103, %get3A_104] {strides = array<i32>} : memref<32x1024xf32, #tpu.memory_space<vmem>>, vector<16xf32>,
      %add3A_106 = arith.addf %add3A_99, %get3A_105 : vector<16xf32>
      %mul3A_107 = arith.constant 16 : i32
      %mul3A_108 = arith.muli %scan3A_62, %mul3A_107 : i32
      %get3A_109 = arith.constant 6 : i32
      %get3A_110 = arith.index_cast %get3A_109 : i32 to index
      %get3A_111 = arith.index_cast %mul3A_108 : i32 to index
      %get3A_112 = tpu.vector_load %arg12[%get3A_110, %get3A_111] {strides = array<i32>} : memref<32x1024xf32, #tpu.memory_space<vmem>>, vector<16xf32>,
      %add3A_113 = arith.addf %add3A_106, %get3A_112 : vector<16xf32>
      %mul3A_114 = arith.constant 16 : i32
      %mul3A_115 = arith.muli %scan3A_62, %mul3A_114 : i32
      %get3A_116 = arith.constant 7 : i32
      %get3A_117 = arith.index_cast %get3A_116 : i32 to index
      %get3A_118 = arith.index_cast %mul3A_115 : i32 to index
      %get3A_119 = tpu.vector_load %arg12[%get3A_117, %get3A_118] {strides = array<i32>} : memref<32x1024xf32, #tpu.memory_space<vmem>>, vector<16xf32>,
      %add3A_120 = arith.addf %add3A_113, %get3A_119 : vector<16xf32>
      %mul3A_121 = arith.constant 16 : i32
      %mul3A_122 = arith.muli %scan3A_62, %mul3A_121 : i32
      %get3A_123 = arith.constant 8 : i32
      %get3A_124 = arith.index_cast %get3A_123 : i32 to index
      %get3A_125 = arith.index_cast %mul3A_122 : i32 to index
      %get3A_126 = tpu.vector_load %arg12[%get3A_124, %get3A_125] {strides = array<i32>} : memref<32x1024xf32, #tpu.memory_space<vmem>>, vector<16xf32>,
      %add3A_127 = arith.addf %add3A_120, %get3A_126 : vector<16xf32>
      %mul3A_128 = arith.constant 16 : i32
      %mul3A_129 = arith.muli %scan3A_62, %mul3A_128 : i32
      %get3A_130 = arith.constant 9 : i32
      %get3A_131 = arith.index_cast %get3A_130 : i32 to index
      %get3A_132 = arith.index_cast %mul3A_129 : i32 to index
      %get3A_133 = tpu.vector_load %arg12[%get3A_131, %get3A_132] {strides = array<i32>} : memref<32x1024xf32, #tpu.memory_space<vmem>>, vector<16xf32>,
      %add3A_134 = arith.addf %add3A_127, %get3A_133 : vector<16xf32>
      %mul3A_135 = arith.constant 16 : i32
      %mul3A_136 = arith.muli %scan3A_62, %mul3A_135 : i32
      %get3A_137 = arith.constant 10 : i32
      %get3A_138 = arith.index_cast %get3A_137 : i32 to index
      %get3A_139 = arith.index_cast %mul3A_136 : i32 to index
      %get3A_140 = tpu.vector_load %arg12[%get3A_138, %get3A_139] {strides = array<i32>} : memref<32x1024xf32, #tpu.memory_space<vmem>>, vector<16xf32>,
      %add3A_141 = arith.addf %add3A_134, %get3A_140 : vector<16xf32>
      %mul3A_142 = arith.constant 16 : i32
      %mul3A_143 = arith.muli %scan3A_62, %mul3A_142 : i32
      %get3A_144 = arith.constant 11 : i32
      %get3A_145 = arith.index_cast %get3A_144 : i32 to index
      %get3A_146 = arith.index_cast %mul3A_143 : i32 to index
      %get3A_147 = tpu.vector_load %arg12[%get3A_145, %get3A_146] {strides = array<i32>} : memref<32x1024xf32, #tpu.memory_space<vmem>>, vector<16xf32>,
      %add3A_148 = arith.addf %add3A_141, %get3A_147 : vector<16xf32>
      %mul3A_149 = arith.constant 16 : i32
      %mul3A_150 = arith.muli %scan3A_62, %mul3A_149 : i32
      %get3A_151 = arith.constant 12 : i32
      %get3A_152 = arith.index_cast %get3A_151 : i32 to index
      %get3A_153 = arith.index_cast %mul3A_150 : i32 to index
      %get3A_154 = tpu.vector_load %arg12[%get3A_152, %get3A_153] {strides = array<i32>} : memref<32x1024xf32, #tpu.memory_space<vmem>>, vector<16xf32>,
      %add3A_155 = arith.addf %add3A_148, %get3A_154 : vector<16xf32>
      %mul3A_156 = arith.constant 16 : i32
      %mul3A_157 = arith.muli %scan3A_62, %mul3A_156 : i32
      %get3A_158 = arith.constant 13 : i32
      %get3A_159 = arith.index_cast %get3A_158 : i32 to index
      %get3A_160 = arith.index_cast %mul3A_157 : i32 to index
      %get3A_161 = tpu.vector_load %arg12[%get3A_159, %get3A_160] {strides = array<i32>} : memref<32x1024xf32, #tpu.memory_space<vmem>>, vector<16xf32>,
      %add3A_162 = arith.addf %add3A_155, %get3A_161 : vector<16xf32>
      %mul3A_163 = arith.constant 16 : i32
      %mul3A_164 = arith.muli %scan3A_62, %mul3A_163 : i32
      %get3A_165 = arith.constant 14 : i32
      %get3A_166 = arith.index_cast %get3A_165 : i32 to index
      %get3A_167 = arith.index_cast %mul3A_164 : i32 to index
      %get3A_168 = tpu.vector_load %arg12[%get3A_166, %get3A_167] {strides = array<i32>} : memref<32x1024xf32, #tpu.memory_space<vmem>>, vector<16xf32>,
      %add3A_169 = arith.addf %add3A_162, %get3A_168 : vector<16xf32>
      %mul3A_170 = arith.constant 16 : i32
      %mul3A_171 = arith.muli %scan3A_62, %mul3A_170 : i32
      %get3A_172 = arith.constant 15 : i32
      %get3A_173 = arith.index_cast %get3A_172 : i32 to index
      %get3A_174 = arith.index_cast %mul3A_171 : i32 to index
      %get3A_175 = tpu.vector_load %arg12[%get3A_173, %get3A_174] {strides = array<i32>} : memref<32x1024xf32, #tpu.memory_space<vmem>>, vector<16xf32>,
      %add3A_176 = arith.addf %add3A_169, %get3A_175 : vector<16xf32>
      %mul3A_177 = arith.constant 16 : i32
      %mul3A_178 = arith.muli %scan3A_62, %mul3A_177 : i32
      %get3A_179 = arith.constant 16 : i32
      %get3A_180 = arith.index_cast %get3A_179 : i32 to index
      %get3A_181 = arith.index_cast %mul3A_178 : i32 to index
      %get3A_182 = tpu.vector_load %arg12[%get3A_180, %get3A_181] {strides = array<i32>} : memref<32x1024xf32, #tpu.memory_space<vmem>>, vector<16xf32>,
      %add3A_183 = arith.addf %add3A_176, %get3A_182 : vector<16xf32>
      %mul3A_184 = arith.constant 16 : i32
      %mul3A_185 = arith.muli %scan3A_62, %mul3A_184 : i32
      %get3A_186 = arith.constant 17 : i32
      %get3A_187 = arith.index_cast %get3A_186 : i32 to index
      %get3A_188 = arith.index_cast %mul3A_185 : i32 to index
      %get3A_189 = tpu.vector_load %arg12[%get3A_187, %get3A_188] {strides = array<i32>} : memref<32x1024xf32, #tpu.memory_space<vmem>>, vector<16xf32>,
      %add3A_190 = arith.addf %add3A_183, %get3A_189 : vector<16xf32>
      %mul3A_191 = arith.constant 16 : i32
      %mul3A_192 = arith.muli %scan3A_62, %mul3A_191 : i32
      %get3A_193 = arith.constant 18 : i32
      %get3A_194 = arith.index_cast %get3A_193 : i32 to index
      %get3A_195 = arith.index_cast %mul3A_192 : i32 to index
      %get3A_196 = tpu.vector_load %arg12[%get3A_194, %get3A_195] {strides = array<i32>} : memref<32x1024xf32, #tpu.memory_space<vmem>>, vector<16xf32>,
      %add3A_197 = arith.addf %add3A_190, %get3A_196 : vector<16xf32>
      %mul3A_198 = arith.constant 16 : i32
      %mul3A_199 = arith.muli %scan3A_62, %mul3A_198 : i32
      %get3A_200 = arith.constant 19 : i32
      %get3A_201 = arith.index_cast %get3A_200 : i32 to index
      %get3A_202 = arith.index_cast %mul3A_199 : i32 to index
      %get3A_203 = tpu.vector_load %arg12[%get3A_201, %get3A_202] {strides = array<i32>} : memref<32x1024xf32, #tpu.memory_space<vmem>>, vector<16xf32>,
      %add3A_204 = arith.addf %add3A_197, %get3A_203 : vector<16xf32>
      %mul3A_205 = arith.constant 16 : i32
      %mul3A_206 = arith.muli %scan3A_62, %mul3A_205 : i32
      %get3A_207 = arith.constant 20 : i32
      %get3A_208 = arith.index_cast %get3A_207 : i32 to index
      %get3A_209 = arith.index_cast %mul3A_206 : i32 to index
      %get3A_210 = tpu.vector_load %arg12[%get3A_208, %get3A_209] {strides = array<i32>} : memref<32x1024xf32, #tpu.memory_space<vmem>>, vector<16xf32>,
      %add3A_211 = arith.addf %add3A_204, %get3A_210 : vector<16xf32>
      %mul3A_212 = arith.constant 16 : i32
      %mul3A_213 = arith.muli %scan3A_62, %mul3A_212 : i32
      %get3A_214 = arith.constant 21 : i32
      %get3A_215 = arith.index_cast %get3A_214 : i32 to index
      %get3A_216 = arith.index_cast %mul3A_213 : i32 to index
      %get3A_217 = tpu.vector_load %arg12[%get3A_215, %get3A_216] {strides = array<i32>} : memref<32x1024xf32, #tpu.memory_space<vmem>>, vector<16xf32>,
      %add3A_218 = arith.addf %add3A_211, %get3A_217 : vector<16xf32>
      %mul3A_219 = arith.constant 16 : i32
      %mul3A_220 = arith.muli %scan3A_62, %mul3A_219 : i32
      %get3A_221 = arith.constant 22 : i32
      %get3A_222 = arith.index_cast %get3A_221 : i32 to index
      %get3A_223 = arith.index_cast %mul3A_220 : i32 to index
      %get3A_224 = tpu.vector_load %arg12[%get3A_222, %get3A_223] {strides = array<i32>} : memref<32x1024xf32, #tpu.memory_space<vmem>>, vector<16xf32>,
      %add3A_225 = arith.addf %add3A_218, %get3A_224 : vector<16xf32>
      %mul3A_226 = arith.constant 16 : i32
      %mul3A_227 = arith.muli %scan3A_62, %mul3A_226 : i32
      %get3A_228 = arith.constant 23 : i32
      %get3A_229 = arith.index_cast %get3A_228 : i32 to index
      %get3A_230 = arith.index_cast %mul3A_227 : i32 to index
      %get3A_231 = tpu.vector_load %arg12[%get3A_229, %get3A_230] {strides = array<i32>} : memref<32x1024xf32, #tpu.memory_space<vmem>>, vector<16xf32>,
      %add3A_232 = arith.addf %add3A_225, %get3A_231 : vector<16xf32>
      %mul3A_233 = arith.constant 16 : i32
      %mul3A_234 = arith.muli %scan3A_62, %mul3A_233 : i32
      %get3A_235 = arith.constant 24 : i32
      %get3A_236 = arith.index_cast %get3A_235 : i32 to index
      %get3A_237 = arith.index_cast %mul3A_234 : i32 to index
      %get3A_238 = tpu.vector_load %arg12[%get3A_236, %get3A_237] {strides = array<i32>} : memref<32x1024xf32, #tpu.memory_space<vmem>>, vector<16xf32>,
      %add3A_239 = arith.addf %add3A_232, %get3A_238 : vector<16xf32>
      %mul3A_240 = arith.constant 16 : i32
      %mul3A_241 = arith.muli %scan3A_62, %mul3A_240 : i32
      %get3A_242 = arith.constant 25 : i32
      %get3A_243 = arith.index_cast %get3A_242 : i32 to index
      %get3A_244 = arith.index_cast %mul3A_241 : i32 to index
      %get3A_245 = tpu.vector_load %arg12[%get3A_243, %get3A_244] {strides = array<i32>} : memref<32x1024xf32, #tpu.memory_space<vmem>>, vector<16xf32>,
      %add3A_246 = arith.addf %add3A_239, %get3A_245 : vector<16xf32>
      %mul3A_247 = arith.constant 16 : i32
      %mul3A_248 = arith.muli %scan3A_62, %mul3A_247 : i32
      %get3A_249 = arith.constant 26 : i32
      %get3A_250 = arith.index_cast %get3A_249 : i32 to index
      %get3A_251 = arith.index_cast %mul3A_248 : i32 to index
      %get3A_252 = tpu.vector_load %arg12[%get3A_250, %get3A_251] {strides = array<i32>} : memref<32x1024xf32, #tpu.memory_space<vmem>>, vector<16xf32>,
      %add3A_253 = arith.addf %add3A_246, %get3A_252 : vector<16xf32>
      %mul3A_254 = arith.constant 16 : i32
      %mul3A_255 = arith.muli %scan3A_62, %mul3A_254 : i32
      %get3A_256 = arith.constant 27 : i32
      %get3A_257 = arith.index_cast %get3A_256 : i32 to index
      %get3A_258 = arith.index_cast %mul3A_255 : i32 to index
      %get3A_259 = tpu.vector_load %arg12[%get3A_257, %get3A_258] {strides = array<i32>} : memref<32x1024xf32, #tpu.memory_space<vmem>>, vector<16xf32>,
      %add3A_260 = arith.addf %add3A_253, %get3A_259 : vector<16xf32>
      %mul3A_261 = arith.constant 16 : i32
      %mul3A_262 = arith.muli %scan3A_62, %mul3A_261 : i32
      %get3A_263 = arith.constant 28 : i32
      %get3A_264 = arith.index_cast %get3A_263 : i32 to index
      %get3A_265 = arith.index_cast %mul3A_262 : i32 to index
      %get3A_266 = tpu.vector_load %arg12[%get3A_264, %get3A_265] {strides = array<i32>} : memref<32x1024xf32, #tpu.memory_space<vmem>>, vector<16xf32>,
      %add3A_267 = arith.addf %add3A_260, %get3A_266 : vector<16xf32>
      %mul3A_268 = arith.constant 16 : i32
      %mul3A_269 = arith.muli %scan3A_62, %mul3A_268 : i32
      %get3A_270 = arith.constant 29 : i32
      %get3A_271 = arith.index_cast %get3A_270 : i32 to index
      %get3A_272 = arith.index_cast %mul3A_269 : i32 to index
      %get3A_273 = tpu.vector_load %arg12[%get3A_271, %get3A_272] {strides = array<i32>} : memref<32x1024xf32, #tpu.memory_space<vmem>>, vector<16xf32>,
      %add3A_274 = arith.addf %add3A_267, %get3A_273 : vector<16xf32>
      %mul3A_275 = arith.constant 16 : i32
      %mul3A_276 = arith.muli %scan3A_62, %mul3A_275 : i32
      %get3A_277 = arith.constant 30 : i32
      %get3A_278 = arith.index_cast %get3A_277 : i32 to index
      %get3A_279 = arith.index_cast %mul3A_276 : i32 to index
      %get3A_280 = tpu.vector_load %arg12[%get3A_278, %get3A_279] {strides = array<i32>} : memref<32x1024xf32, #tpu.memory_space<vmem>>, vector<16xf32>,
      %add3A_281 = arith.addf %add3A_274, %get3A_280 : vector<16xf32>
      %mul3A_282 = arith.constant 16 : i32
      %mul3A_283 = arith.muli %scan3A_62, %mul3A_282 : i32
      %get3A_284 = arith.constant 31 : i32
      %get3A_285 = arith.index_cast %get3A_284 : i32 to index
      %get3A_286 = arith.index_cast %mul3A_283 : i32 to index
      %get3A_287 = tpu.vector_load %arg12[%get3A_285, %get3A_286] {strides = array<i32>} : memref<32x1024xf32, #tpu.memory_space<vmem>>, vector<16xf32>,
      %add3A_288 = arith.addf %add3A_281, %get3A_287 : vector<16xf32>
      %mul3A_289 = arith.constant 16 : i32
      %mul3A_290 = arith.muli %scan3A_62, %mul3A_289 : i32
      %swap3A_291 = arith.index_cast %mul3A_290 : i32 to index
      %swap3A_292 = tpu.vector_load %arg16[%swap3A_291] {strides = array<i32>} : memref<1024xf32, #tpu.memory_space<vmem>>, vector<16xf32>,
      tpu.vector_store %arg16[%swap3A_291], %add3A_288 {strides = array<i32>} : memref<1024xf32, #tpu.memory_space<vmem>>, vector<16xf32>,
      %scan3A_293 = arith.constant 0 : i32
      scf.yield %scan3A_293 : i32
    }
    %scan3A_35 = arith.constant 64 : i32
    %mul3A_36 = arith.constant 512 : i32
    %mul3A_37 = arith.muli %add3A, %mul3A_36 : i32
    "tpu.region"() ({
      %run_scoped3A = tpu.sem_alloc : memref<!tpu.dma_semaphore, #tpu.memory_space<semaphore_mem>>
      %dma_start3A = tpu.memref_slice %arg6[%mul3A_37] : memref<16384xf32, #tpu.memory_space<hbm>> -> memref<512xf32, #tpu.memory_space<hbm>>
      %dma_start3A_62 = tpu.memref_slice %arg6[%mul3A_37] : memref<16384xf32, #tpu.memory_space<hbm>> -> memref<512xf32, #tpu.memory_space<hbm>>
      tpu.enqueue_dma source(%arg13 : memref<512xf32, #tpu.memory_space<vmem>>) target(%dma_start3A_62 : memref<512xf32, #tpu.memory_space<hbm>>) target_semaphore(%run_scoped3A : memref<!tpu.dma_semaphore, #tpu.memory_space<semaphore_mem>>)
      %dma_wait3A = tpu.memref_slice %arg6[%mul3A_37] : memref<16384xf32, #tpu.memory_space<hbm>> -> memref<512xf32, #tpu.memory_space<hbm>>
      %dma_wait3A_63 = tpu.memref_slice %arg6[%mul3A_37] : memref<16384xf32, #tpu.memory_space<hbm>> -> memref<512xf32, #tpu.memory_space<hbm>>
      tpu.wait_dma2 semaphore(%run_scoped3A : memref<!tpu.dma_semaphore, #tpu.memory_space<semaphore_mem>>) src(%arg13 : memref<512xf32, #tpu.memory_space<vmem>>) dst(%dma_wait3A_63 : memref<512xf32, #tpu.memory_space<hbm>>)
      tpu.yield
    }) : () -> ()
    %mul3A_38 = arith.constant 512 : i32
    %mul3A_39 = arith.muli %add3A, %mul3A_38 : i32
    "tpu.region"() ({
      %run_scoped3A = tpu.sem_alloc : memref<!tpu.dma_semaphore, #tpu.memory_space<semaphore_mem>>
      %dma_start3A = tpu.memref_slice %arg7[%mul3A_39] : memref<16384xf32, #tpu.memory_space<hbm>> -> memref<512xf32, #tpu.memory_space<hbm>>
      %dma_start3A_62 = tpu.memref_slice %arg7[%mul3A_39] : memref<16384xf32, #tpu.memory_space<hbm>> -> memref<512xf32, #tpu.memory_space<hbm>>
      tpu.enqueue_dma source(%arg14 : memref<512xf32, #tpu.memory_space<vmem>>) target(%dma_start3A_62 : memref<512xf32, #tpu.memory_space<hbm>>) target_semaphore(%run_scoped3A : memref<!tpu.dma_semaphore, #tpu.memory_space<semaphore_mem>>)
      %dma_wait3A = tpu.memref_slice %arg7[%mul3A_39] : memref<16384xf32, #tpu.memory_space<hbm>> -> memref<512xf32, #tpu.memory_space<hbm>>
      %dma_wait3A_63 = tpu.memref_slice %arg7[%mul3A_39] : memref<16384xf32, #tpu.memory_space<hbm>> -> memref<512xf32, #tpu.memory_space<hbm>>
      tpu.wait_dma2 semaphore(%run_scoped3A : memref<!tpu.dma_semaphore, #tpu.memory_space<semaphore_mem>>) src(%arg14 : memref<512xf32, #tpu.memory_space<vmem>>) dst(%dma_wait3A_63 : memref<512xf32, #tpu.memory_space<hbm>>)
      tpu.yield
    }) : () -> ()
    %mul3A_40 = arith.constant 1024 : i32
    %mul3A_41 = arith.muli %add3A, %mul3A_40 : i32
    "tpu.region"() ({
      %run_scoped3A = tpu.sem_alloc : memref<!tpu.dma_semaphore, #tpu.memory_space<semaphore_mem>>
      %dma_start3A = tpu.memref_slice %arg8[%mul3A_41] : memref<32768xf32, #tpu.memory_space<hbm>> -> memref<1024xf32, #tpu.memory_space<hbm>>
      %dma_start3A_62 = tpu.memref_slice %arg8[%mul3A_41] : memref<32768xf32, #tpu.memory_space<hbm>> -> memref<1024xf32, #tpu.memory_space<hbm>>
      tpu.enqueue_dma source(%arg15 : memref<1024xf32, #tpu.memory_space<vmem>>) target(%dma_start3A_62 : memref<1024xf32, #tpu.memory_space<hbm>>) target_semaphore(%run_scoped3A : memref<!tpu.dma_semaphore, #tpu.memory_space<semaphore_mem>>)
      %dma_wait3A = tpu.memref_slice %arg8[%mul3A_41] : memref<32768xf32, #tpu.memory_space<hbm>> -> memref<1024xf32, #tpu.memory_space<hbm>>
      %dma_wait3A_63 = tpu.memref_slice %arg8[%mul3A_41] : memref<32768xf32, #tpu.memory_space<hbm>> -> memref<1024xf32, #tpu.memory_space<hbm>>
      tpu.wait_dma2 semaphore(%run_scoped3A : memref<!tpu.dma_semaphore, #tpu.memory_space<semaphore_mem>>) src(%arg15 : memref<1024xf32, #tpu.memory_space<vmem>>) dst(%dma_wait3A_63 : memref<1024xf32, #tpu.memory_space<hbm>>)
      tpu.yield
    }) : () -> ()
    %mul3A_42 = arith.constant 1024 : i32
    %mul3A_43 = arith.muli %add3A, %mul3A_42 : i32
    "tpu.region"() ({
      %run_scoped3A = tpu.sem_alloc : memref<!tpu.dma_semaphore, #tpu.memory_space<semaphore_mem>>
      %dma_start3A = tpu.memref_slice %arg9[%mul3A_43] : memref<32768xf32, #tpu.memory_space<hbm>> -> memref<1024xf32, #tpu.memory_space<hbm>>
      %dma_start3A_62 = tpu.memref_slice %arg9[%mul3A_43] : memref<32768xf32, #tpu.memory_space<hbm>> -> memref<1024xf32, #tpu.memory_space<hbm>>
      tpu.enqueue_dma source(%arg16 : memref<1024xf32, #tpu.memory_space<vmem>>) target(%dma_start3A_62 : memref<1024xf32, #tpu.memory_space<hbm>>) target_semaphore(%run_scoped3A : memref<!tpu.dma_semaphore, #tpu.memory_space<semaphore_mem>>)
      %dma_wait3A = tpu.memref_slice %arg9[%mul3A_43] : memref<32768xf32, #tpu.memory_space<hbm>> -> memref<1024xf32, #tpu.memory_space<hbm>>
      %dma_wait3A_63 = tpu.memref_slice %arg9[%mul3A_43] : memref<32768xf32, #tpu.memory_space<hbm>> -> memref<1024xf32, #tpu.memory_space<hbm>>
      tpu.wait_dma2 semaphore(%run_scoped3A : memref<!tpu.dma_semaphore, #tpu.memory_space<semaphore_mem>>) src(%arg16 : memref<1024xf32, #tpu.memory_space<vmem>>) dst(%dma_wait3A_63 : memref<1024xf32, #tpu.memory_space<hbm>>)
      tpu.yield
    }) : () -> ()
    %broadcast_in_dim3A = arith.constant 0.000000e+00 : f32
    %broadcast_in_dim3A_44 = vector.broadcast %broadcast_in_dim3A : f32 to vector<16xf32>
    %scan3A_45 = arith.constant 0 : i32
    %scan3A_46 = arith.constant 32 : i32
    %scan3A_47 = arith.addi %scan3A_45, %scan3A_46 : i32
    %scan3A_48 = arith.constant 1 : i32
    %scan3A_49 = scf.for %scan3A_62 = %scan3A_45 to %scan3A_47 step %scan3A_48 iter_args(%scan3A_63 = %broadcast_in_dim3A_44) -> (vector<16xf32>)  : i32 {
      %mul3A_64 = arith.constant 16 : i32
      %mul3A_65 = arith.muli %scan3A_62, %mul3A_64 : i32
      %get3A = arith.index_cast %mul3A_65 : i32 to index
      %get3A_66 = tpu.vector_load %arg13[%get3A] {strides = array<i32>} : memref<512xf32, #tpu.memory_space<vmem>>, vector<16xf32>,
      %add3A_67 = arith.addf %scan3A_63, %get3A_66 : vector<16xf32>
      scf.yield %add3A_67 : vector<16xf32>
    }
    %scan3A_50 = arith.constant 32 : i32
    %swap3A = arith.constant 0 : index
    %swap3A_51 = tpu.vector_load %arg17[%swap3A] {strides = array<i32>} : memref<32xf32, #tpu.memory_space<vmem>>, vector<16xf32>,
    tpu.vector_store %arg17[%swap3A], %scan3A_49 {strides = array<i32>} : memref<32xf32, #tpu.memory_space<vmem>>, vector<16xf32>,
    %broadcast_in_dim3A_52 = arith.constant 0.000000e+00 : f32
    %broadcast_in_dim3A_53 = vector.broadcast %broadcast_in_dim3A_52 : f32 to vector<16xf32>
    %scan3A_54 = arith.constant 0 : i32
    %scan3A_55 = arith.constant 64 : i32
    %scan3A_56 = arith.addi %scan3A_54, %scan3A_55 : i32
    %scan3A_57 = arith.constant 1 : i32
    %scan3A_58 = scf.for %scan3A_62 = %scan3A_54 to %scan3A_56 step %scan3A_57 iter_args(%scan3A_63 = %broadcast_in_dim3A_53) -> (vector<16xf32>)  : i32 {
      %mul3A_64 = arith.constant 16 : i32
      %mul3A_65 = arith.muli %scan3A_62, %mul3A_64 : i32
      %get3A = arith.index_cast %mul3A_65 : i32 to index
      %get3A_66 = tpu.vector_load %arg15[%get3A] {strides = array<i32>} : memref<1024xf32, #tpu.memory_space<vmem>>, vector<16xf32>,
      %add3A_67 = arith.addf %scan3A_63, %get3A_66 : vector<16xf32>
      scf.yield %add3A_67 : vector<16xf32>
    }
    %scan3A_59 = arith.constant 64 : i32
    %swap3A_60 = arith.constant 16 : index
    %swap3A_61 = tpu.vector_load %arg17[%swap3A_60] {strides = array<i32>} : memref<32xf32, #tpu.memory_space<vmem>>, vector<16xf32>,
    tpu.vector_store %arg17[%swap3A_60], %scan3A_58 {strides = array<i32>} : memref<32xf32, #tpu.memory_space<vmem>>, vector<16xf32>,
    "tpu.region"() ({
      %run_scoped3A = tpu.sem_alloc : memref<!tpu.dma_semaphore, #tpu.memory_space<semaphore_mem>>
      %dma_start3A = arith.constant 0 : i32
      %dma_start3A_62 = tpu.memref_slice %arg10[%add3A, %dma_start3A] : memref<32x32xf32, #tpu.memory_space<hbm>> -> memref<1x32xf32, #tpu.memory_space<hbm>>
      %dma_start3A_63 = tpu.memref_squeeze %dma_start3A_62 : memref<1x32xf32, #tpu.memory_space<hbm>> -> memref<32xf32, #tpu.memory_space<hbm>>
      %dma_start3A_64 = arith.constant 0 : i32
      %dma_start3A_65 = tpu.memref_slice %arg10[%add3A, %dma_start3A_64] : memref<32x32xf32, #tpu.memory_space<hbm>> -> memref<1x32xf32, #tpu.memory_space<hbm>>
      %dma_start3A_66 = tpu.memref_squeeze %dma_start3A_65 : memref<1x32xf32, #tpu.memory_space<hbm>> -> memref<32xf32, #tpu.memory_space<hbm>>
      tpu.enqueue_dma source(%arg17 : memref<32xf32, #tpu.memory_space<vmem>>) target(%dma_start3A_66 : memref<32xf32, #tpu.memory_space<hbm>>) target_semaphore(%run_scoped3A : memref<!tpu.dma_semaphore, #tpu.memory_space<semaphore_mem>>)
      %dma_wait3A = arith.constant 0 : i32
      %dma_wait3A_67 = tpu.memref_slice %arg10[%add3A, %dma_wait3A] : memref<32x32xf32, #tpu.memory_space<hbm>> -> memref<1x32xf32, #tpu.memory_space<hbm>>
      %dma_wait3A_68 = tpu.memref_squeeze %dma_wait3A_67 : memref<1x32xf32, #tpu.memory_space<hbm>> -> memref<32xf32, #tpu.memory_space<hbm>>
      %dma_wait3A_69 = arith.constant 0 : i32
      %dma_wait3A_70 = tpu.memref_slice %arg10[%add3A, %dma_wait3A_69] : memref<32x32xf32, #tpu.memory_space<hbm>> -> memref<1x32xf32, #tpu.memory_space<hbm>>
      %dma_wait3A_71 = tpu.memref_squeeze %dma_wait3A_70 : memref<1x32xf32, #tpu.memory_space<hbm>> -> memref<32xf32, #tpu.memory_space<hbm>>
      tpu.wait_dma2 semaphore(%run_scoped3A : memref<!tpu.dma_semaphore, #tpu.memory_space<semaphore_mem>>) src(%arg17 : memref<32xf32, #tpu.memory_space<vmem>>) dst(%dma_wait3A_71 : memref<32xf32, #tpu.memory_space<hbm>>)
      tpu.yield
    }) : () -> ()
    return
  }
}

module attributes {stable_mosaic.version = 14 : i64} {
  func.func @_combine_body(%arg0: memref<32x16xf32, #tpu.memory_space<vmem>>, %arg1: memref<32x16xf32, #tpu.memory_space<vmem>>, %arg2: memref<1x1xf32, #tpu.memory_space<smem>>, %arg3: memref<1x1xf32, #tpu.memory_space<smem>>) attributes {dimension_semantics = [], scalar_prefetch = 0 : i64, scratch_operands = 0 : i64, tpu.core_type = #tpu.core_type<tc>} {
    %get3A = arith.constant 0 : index
    %get3A_0 = arith.constant 0 : index
    %get3A_1 = vector.load %arg0[%get3A, %get3A_0] : memref<32x16xf32, #tpu.memory_space<vmem>>, vector<32x16xf32>
    %reduce_sum3A = vector.shape_cast %get3A_1 : vector<32x16xf32> to vector<1x32x16xf32>
    %reduce_sum3A_2 = arith.constant dense<0.000000e+00> : vector<1xf32>
    %reduce_sum3A_3 = vector.multi_reduction <add>, %reduce_sum3A, %reduce_sum3A_2 [1, 2] : vector<1x32x16xf32> to vector<1xf32>
    %reduce_sum3A_4 = vector.shape_cast %reduce_sum3A_3 : vector<1xf32> to vector<1x1x1xf32>
    %reduce_sum3A_5 = vector.extract %reduce_sum3A_4[0, 0, 0] : f32 from vector<1x1x1xf32>
    %get3A_6 = arith.constant 0 : index
    %get3A_7 = arith.constant 0 : index
    %get3A_8 = vector.load %arg1[%get3A_6, %get3A_7] : memref<32x16xf32, #tpu.memory_space<vmem>>, vector<32x16xf32>
    %reduce_sum3A_9 = vector.shape_cast %get3A_8 : vector<32x16xf32> to vector<1x32x16xf32>
    %reduce_sum3A_10 = arith.constant dense<0.000000e+00> : vector<1xf32>
    %reduce_sum3A_11 = vector.multi_reduction <add>, %reduce_sum3A_9, %reduce_sum3A_10 [1, 2] : vector<1x32x16xf32> to vector<1xf32>
    %reduce_sum3A_12 = vector.shape_cast %reduce_sum3A_11 : vector<1xf32> to vector<1x1x1xf32>
    %reduce_sum3A_13 = vector.extract %reduce_sum3A_12[0, 0, 0] : f32 from vector<1x1x1xf32>
    %get3A_14 = arith.constant 0 : index
    %get3A_15 = arith.constant 0 : index
    %get3A_16 = memref.load %arg2[%get3A_14, %get3A_15] : memref<1x1xf32, #tpu.memory_space<smem>>
    %div3A = arith.constant 3.276800e+06 : f32
    %div3A_17 = arith.divf %get3A_16, %div3A : f32
    %add3A = arith.constant 9.99999993E-9 : f32
    %add3A_18 = arith.addf %reduce_sum3A_13, %add3A : f32
    %div3A_19 = arith.divf %reduce_sum3A_5, %add3A_18 : f32
    %sub3A = arith.constant 1.000000e+00 : f32
    %sub3A_20 = arith.subf %sub3A, %div3A_19 : f32
    %mul3A = arith.mulf %div3A_17, %sub3A_20 : f32
    %swap3A = arith.constant 0 : index
    %swap3A_21 = arith.constant 0 : index
    %swap3A_22 = memref.load %arg3[%swap3A, %swap3A_21] : memref<1x1xf32, #tpu.memory_space<smem>>
    memref.store %mul3A, %arg3[%swap3A, %swap3A_21] : memref<1x1xf32, #tpu.memory_space<smem>>
    return
  }
}

module attributes {stable_mosaic.version = 14 : i64} {
  func.func @_bce_body(%arg0: i32, %arg1: memref<512x128xf32, #tpu.memory_space<vmem>>, %arg2: memref<512x128xf32, #tpu.memory_space<vmem>>, %arg3: memref<1x1xf32, #tpu.memory_space<smem>>, %arg4: memref<1xf32, #tpu.memory_space<smem>>) attributes {dimension_semantics = [#tpu.dimension_semantics<arbitrary>], iteration_bounds = array<i64: 50>, scalar_prefetch = 0 : i64, scratch_operands = 1 : i64, tpu.core_type = #tpu.core_type<tc>, window_params = [{transform_indices = @transform_0, window_bounds = array<i64: 512, 128>}, {transform_indices = @transform_1, window_bounds = array<i64: 512, 128>}, {transform_indices = @transform_2, window_bounds = array<i64: 1, 1>}]} {
    %eq3A = arith.constant 0 : i32
    %eq3A_0 = arith.cmpi eq, %arg0, %eq3A : i32
    %convert_element_type3A = arith.extui %eq3A_0 : i1 to i32
    %cond3A = arith.constant 0 : i32
    %cond3A_1 = arith.cmpi ne, %convert_element_type3A, %cond3A : i32
    scf.if %cond3A_1 {
      %swap3A_24 = arith.constant 0.000000e+00 : f32
      %swap3A_25 = arith.constant 0 : index
      %swap3A_26 = memref.load %arg4[%swap3A_25] : memref<1xf32, #tpu.memory_space<smem>>
      memref.store %swap3A_24, %arg4[%swap3A_25] : memref<1xf32, #tpu.memory_space<smem>>
    } else {
    }
    %get3A = arith.constant 0 : index
    %get3A_2 = arith.constant 0 : index
    %get3A_3 = vector.load %arg1[%get3A, %get3A_2] : memref<512x128xf32, #tpu.memory_space<vmem>>, vector<512x128xf32>
    %get3A_4 = arith.constant 0 : index
    %get3A_5 = arith.constant 0 : index
    %get3A_6 = vector.load %arg2[%get3A_4, %get3A_5] : memref<512x128xf32, #tpu.memory_space<vmem>>, vector<512x128xf32>
    %max3A = arith.constant 0.000000e+00 : f32
    %max3A_7 = vector.broadcast %max3A : f32 to vector<512x128xf32>
    %max3A_8 = arith.maximumf %get3A_3, %max3A_7 : vector<512x128xf32>
    %mul3A = arith.mulf %get3A_3, %get3A_6 : vector<512x128xf32>
    %sub3A = arith.subf %max3A_8, %mul3A : vector<512x128xf32>
    %abs3A = math.absf %get3A_3 : vector<512x128xf32>
    %neg3A = arith.constant 0.000000e+00 : f32
    %neg3A_9 = vector.broadcast %neg3A : f32 to vector<512x128xf32>
    %neg3A_10 = arith.subf %neg3A_9, %abs3A : vector<512x128xf32>
    %exp3A = math.exp %neg3A_10 : vector<512x128xf32>
    %log1p3A = math.log1p %exp3A : vector<512x128xf32>
    %add3A = arith.addf %sub3A, %log1p3A : vector<512x128xf32>
    %reduce_sum3A = vector.shape_cast %add3A : vector<512x128xf32> to vector<1x512x128xf32>
    %reduce_sum3A_11 = arith.constant dense<0.000000e+00> : vector<1xf32>
    %reduce_sum3A_12 = vector.multi_reduction <add>, %reduce_sum3A, %reduce_sum3A_11 [1, 2] : vector<1x512x128xf32> to vector<1xf32>
    %reduce_sum3A_13 = vector.shape_cast %reduce_sum3A_12 : vector<1xf32> to vector<1x1x1xf32>
    %reduce_sum3A_14 = vector.extract %reduce_sum3A_13[0, 0, 0] : f32 from vector<1x1x1xf32>
    %get3A_15 = arith.constant 0 : index
    %get3A_16 = memref.load %arg4[%get3A_15] : memref<1xf32, #tpu.memory_space<smem>>
    %add3A_17 = arith.addf %get3A_16, %reduce_sum3A_14 : f32
    %swap3A = arith.constant 0 : index
    %swap3A_18 = memref.load %arg4[%swap3A] : memref<1xf32, #tpu.memory_space<smem>>
    memref.store %add3A_17, %arg4[%swap3A] : memref<1xf32, #tpu.memory_space<smem>>
    %eq3A_19 = arith.constant 49 : i32
    %eq3A_20 = arith.cmpi eq, %arg0, %eq3A_19 : i32
    %convert_element_type3A_21 = arith.extui %eq3A_20 : i1 to i32
    %cond3A_22 = arith.constant 0 : i32
    %cond3A_23 = arith.cmpi ne, %convert_element_type3A_21, %cond3A_22 : i32
    scf.if %cond3A_23 {
      %get3A_24 = arith.constant 0 : index
      %get3A_25 = memref.load %arg4[%get3A_24] : memref<1xf32, #tpu.memory_space<smem>>
      %swap3A_26 = arith.constant 0 : index
      %swap3A_27 = arith.constant 0 : index
      %swap3A_28 = memref.load %arg3[%swap3A_26, %swap3A_27] : memref<1x1xf32, #tpu.memory_space<smem>>
      memref.store %get3A_25, %arg3[%swap3A_26, %swap3A_27] : memref<1x1xf32, #tpu.memory_space<smem>>
    } else {
    }
    return
  }
  func.func @transform_0(%arg0: i32) -> (i32, i32) {
    %c0_i32 = arith.constant 0 : i32
    %c0_i32_0 = arith.constant 0 : i32
    return %arg0, %c0_i32 : i32, i32
  }
  func.func @transform_1(%arg0: i32) -> (i32, i32) {
    %c0_i32 = arith.constant 0 : i32
    %c0_i32_0 = arith.constant 0 : i32
    return %arg0, %c0_i32 : i32, i32
  }
  func.func @transform_2(%arg0: i32) -> (i32, i32) {
    %c0_i32 = arith.constant 0 : i32
    %c0_i32_0 = arith.constant 0 : i32
    %c0_i32_1 = arith.constant 0 : i32
    return %c0_i32, %c0_i32_0 : i32, i32
  }
}

</mosaic_0001>

<sc_bundles>
// kernel: kernel.10.cloned.1.call-start
scs
__scs_entry_jumppad:
0x0: {  	(pc) =	sbr.rel $0x88, $3  }
0x1: {  	(tag) =	ssettag $0x0;
	lr =	simm.s32 $0x1  }
0x2: {  	[smem:$0x3F9F] =	sst lr;
	_ =	strace $0xD0000000  }
0x3: {  	_ = 	snop  }
0x4: {  	_ = 	snop  }
0x5: {  	_ = 	snop  }
0x6: {  	_ = 	snop  }
0x7: {  	_ = 	snop  }
__scs_overlays_trampoline_lowered:
0x8: {  	[smem:$0x3FAE] =	sst s0  }
0x9: {  	[smem:$0x3FAF] =	sst s1  }
0xa: {  	[smem:$0x3FB0] =	sst s2  }
0xb: {  	[smem:$0x3FB1] =	sst s3  }
0xc: {  	[smem:$0x3FB2] =	sst s4  }
0xd: {  	[smem:$0x3FB3] =	sst s5  }
0xe: {  	[smem:$0x3FB4] =	sst s6  }
0xf: {  	[smem:$0x3FB5] =	sst s7  }
0x10: {  	[smem:$0x3FB6] =	sst s8  }
0x11: {  	[smem:$0x3FB7] =	sst s9;
	s0 =	simm.s32 @!p0 $0x0  }
0x12: {  	s1 =	sld [smem:$0x3F9D];
	s0 =	simm.s32 @p0 $0x1  }
0x13: {  	[smem:$0x3FB8] =	sst s0;
	s0 =	simm.s32 @!p1 $0x0  }
0x14: {  	s2 =	sld [smem:$0x3F9C];
	s0 =	simm.s32 @p1 $0x1  }
0x15: {  	[smem:$0x3FB9] =	sst s0;
	s0 =	simm.s32 @!p2 $0x0  }
0x16: {  	s3 =	sld [smem:$0x3FDB];
	s0 =	simm.s32 @p2 $0x1  }
0x17: {  	s4 =	simm.s32 $0x1BF5;
	[smem:$0x3FBB] =	sst s0  }
0x18: {  	s0 =	sld [smem:$0x3F9E];
	_ =	swait.ge [sflag:s4], $0x0  }
0x19: {  	s7 =	sld [smem:$0x3F9F]  }
0x1a: {  	s8 =	sadd.s32 $0xFFFFE003, lr  }
0x1b: {  	s9 =	sadd.s32 $0xFFFFFEF7, lr;
	s5 =	simm.s32 $0xFFFFFFFF;
	p2 =	slt.u32 s8, $0xFFFFF086  }
0x1c: {  	p1 =	slt.u32 s9, $0xF7A;
	s5 =	simm.s32 @!p2 $0x0  }
0x1d: {  	s5 =	simm.s32 @p1 $0x1;
	p0 =	seq.s32 s7, s2  }
0x1e: {  	s7 =	smul.u32 @!p0 $0xF7A, s2;
	p2 =	seq.s32 @!p0 s5, $0x0  }
0x1f: {  	s9 =	smul.u32 $0xF7A, s1;
	s8 =	simm.s32 @!p0 $0x1BF5;
	p2 =	por !p2, p0  }
0x20: {  	[sflag:s8] =	ssyncset.s32 @!p0 $0xFFFFF086;
	s6 =	sadd.s32 @!p0 s3, s7;
	s7 =	simm.s32 @!p0 $0x108  }
0x21: {  	s3 =	sadd.s32 s3, s9;
	s6 =	sadd.s32 @!p0 $0x88, s6;
	s7 =	simm.s32 @p2 $0x1082  }
0x22: {  	[simem:s7], [sflag:s8] =	dma.local @!p0 [hbm:s6], $0xF7A  }
0x23: {  	s9 =	sor.u32 $0xD0000000, s2;
	s6 =	simm.s32 $0x108;
	_ =	swait.ge @!p0 [sflag:s8], $0x0  }
0x24: {  	s3 =	sadd.s32 $0x88, s3;
	s6 =	simm.s32 @!p1 $0x1082;
	[sflag:s4] =	ssyncset.s32 $0xFFFFF086  }
0x25: {  	[simem:s6], [sflag:s4] =	dma.local [hbm:s3], $0xF7A  }
0x26: {  	[smem:$0x3F9F] =	sst s1;
	(tag) =	ssettag s2;
	_ =	strace s9  }
0x27: {  	s1 =	sld [smem:$0x3FAF]  }
0x28: {  	s2 =	sld [smem:$0x3FB0]  }
0x29: {  	s4 =	sld [smem:$0x3FB2]  }
0x2a: {  	p0 =	seq.s32 s5, $0x0;
	s5 =	sld [smem:$0x3FB3]  }
0x2b: {  	s6 =	sld [smem:$0x3FB4]  }
0x2c: {  	s7 =	sld [smem:$0x3FB5]  }
0x2d: {  	s3 =	simm.s32 $0x108;
	s8 =	sld [smem:$0x3FB6]  }
0x2e: {  	s3 =	simm.s32 @!p0 $0x1082;
	s9 =	sld [smem:$0x3FB7]  }
0x2f: {  	lr =	sadd.s32 s0, s3;
	s0 =	sld [smem:$0x3FAE]  }
0x30: {  	s3 =	sld [smem:$0x3FB1]  }
0x31: {  	[smem:$0x3FBA] =	sst s10  }
0x32: {  	s10 =	sld [smem:$0x3FB8];
	_ =	sdelay $0x3  }
0x33: {  	p0 =	seq.s32 s10, $0x1;
	s10 =	sld [smem:$0x3FBA];
	_ =	sdelay $0x3  }
0x34: {  	[smem:$0x3FBA] =	sst s10  }
0x35: {  	s10 =	sld [smem:$0x3FB9];
	_ =	sdelay $0x3  }
0x36: {  	p1 =	seq.s32 s10, $0x1;
	s10 =	sld [smem:$0x3FBA];
	_ =	sdelay $0x3  }
0x37: {  	[smem:$0x3FBA] =	sst s10  }
0x38: {  	s10 =	sld [smem:$0x3FBB]  }
0x39: {  	_ = 	snop;
	(pc) =	sbr.ind lr, $3  }
0x3a: {  	_ = 	snop  }
0x3b: {  	_ = 	snop  }
0x3c: {  	p2 =	seq.s32 s10, $0x1;
	s10 =	sld [smem:$0x3FBA]  }
0x3d: {  	_ =	shalt  }
0x3e: {  	_ =	shalt  }
0x3f: {  	_ =	shalt  }
0x40: {  	_ =	shalt  }
0x41: {  	_ =	shalt  }
0x42: {  	_ =	shalt  }
0x43: {  	_ =	shalt  }
0x44: {  	_ =	shalt  }
0x45: {  	_ =	shalt  }
0x46: {  	_ =	shalt  }
0x47: {  	_ =	shalt  }
0x48: {  	_ =	shalt  }
0x49: {  	_ =	shalt  }
0x4a: {  	_ =	shalt  }
0x4b: {  	_ =	shalt  }
0x4c: {  	_ =	shalt  }
0x4d: {  	_ =	shalt  }
0x4e: {  	_ =	shalt  }
0x4f: {  	_ =	shalt  }
0x50: {  	_ =	shalt  }
0x51: {  	_ =	shalt  }
0x52: {  	_ =	shalt  }
0x53: {  	_ =	shalt  }
0x54: {  	_ =	shalt  }
0x55: {  	_ =	shalt  }
0x56: {  	_ =	shalt  }
0x57: {  	_ =	shalt  }
0x58: {  	_ =	shalt  }
0x59: {  	_ =	shalt  }
0x5a: {  	_ =	shalt  }
0x5b: {  	_ =	shalt  }
0x5c: {  	_ =	shalt  }
0x5d: {  	_ =	shalt  }
0x5e: {  	_ =	shalt  }
0x5f: {  	_ =	shalt  }
0x60: {  	_ =	shalt  }
0x61: {  	_ =	shalt  }
0x62: {  	_ =	shalt  }
0x63: {  	_ =	shalt  }
0x64: {  	_ =	shalt  }
0x65: {  	_ =	shalt  }
0x66: {  	_ =	shalt  }
0x67: {  	_ =	shalt  }
0x68: {  	_ =	shalt  }
0x69: {  	_ =	shalt  }
0x6a: {  	_ =	shalt  }
0x6b: {  	_ =	shalt  }
0x6c: {  	_ =	shalt  }
0x6d: {  	_ =	shalt  }
0x6e: {  	_ =	shalt  }
0x6f: {  	_ =	shalt  }
0x70: {  	_ =	shalt  }
0x71: {  	_ =	shalt  }
0x72: {  	_ =	shalt  }
0x73: {  	_ =	shalt  }
0x74: {  	_ =	shalt  }
0x75: {  	_ =	shalt  }
0x76: {  	_ =	shalt  }
0x77: {  	_ =	shalt  }
0x78: {  	_ =	shalt  }
0x79: {  	_ =	shalt  }
0x7a: {  	_ =	shalt  }
0x7b: {  	_ =	shalt  }
0x7c: {  	_ =	shalt  }
0x7d: {  	_ =	shalt  }
0x7e: {  	_ =	shalt  }
0x7f: {  	_ =	shalt  }
0x80: {  	_ =	shalt  }
0x81: {  	_ =	shalt  }
0x82: {  	_ =	shalt  }
0x83: {  	_ =	shalt  }
0x84: {  	_ =	shalt  }
0x85: {  	_ =	shalt  }
0x86: {  	_ =	shalt  }
0x87: {  	_ =	shalt  }
.Lfunc_end0:
.L_simem_size_0:
called_computation.1_lowered:
.L_overlay_start_0:
0x88: {  	s2 =	sld [smem:$0x3FD9]  }
0x89: {  	s3 =	sld [smem:$0x3FFE];
	_ =	sdelay $0x1  }
0x8a: {  	s1 =	srdreg.scid  }
0x8b: {  	s0 =	sand.u32 $0x1, s1  }
0x8c: {  	s16 =	sshll.u32 s0, $0xA;
	s2 =	sadd.s32 s3, s2  }
0x8d: {  	s2 =	sadd.s32 s2, s16  }
0x8e: {  	[smem:$0x3FC6] =	sst s2  }
0x8f: {  	_ = 	snop  }
0x90: {  	(tm) =	ssettm $0x1  }
0x91: {  	s17 =	sld [smem:$0x3FFB];
	_ =	sdelay $0x3  }
0x92: {  	_ =	strace s17  }
0x93: {  	s2 =	sld [smem:$0x3FFC];
	_ =	sdelay $0x3  }
0x94: {  	_ =	strace s2  }
0x95: {  	s2 =	sld [smem:$0x3FFD];
	_ =	sdelay $0x3  }
0x96: {  	_ =	strace s2  }
0x97: {  	_ =	strace $0x8FFFFFFF  }
0x98: {  	s18 =	sld [smem:$0x3FDB];
	_ =	sdelay $0x1  }
0x99: {  	s19 =	simm.s32 $_scs_section_size  }
0x9a: {  	s4 =	simm.s32 $_size__tile_overlayer_lowered;
	s5 =	simm.s32 $_tile_overlayer_lowered  }
0x9b: {  	s22 =	simm.s32 $0x1BFF;
	s21 =	sshll.u32 s5, $0x1;
	s2 =	sadd.s32 s19, s18  }
0x9c: {  	s6 =	simm.s32 $0x0;
	s20 =	sshll.u32 s4, $0x1;
	s4 =	sadd.s32 s21, s2  }
0x9d: {  	[timem:s6], [sflag:s22] =	dma.local [hbm:s4], s20  }
0x9e: {  	_ =	swait.ge [sflag:s22], s20  }
0x9f: {  	s3 =	ssub.s32 $0x0, s20;
	[sflag:s22] =	ssyncset.done $0x0  }
0xa0: {  	[sflag:s22] =	ssyncadd.s32 s3;
	_ =	sdelay $0x1  }
0xa1: {  	s23 =	simm.s32 $0x1B8B  }
0xa2: {  	_ =	swait.ge [sflag:s23], $0x1  }
0xa3: {  	[sflag:s23] =	ssyncset.done $0x0  }
0xa4: {  	s25 =	simm.s32 $0x1B8E;
	s24 =	sld [smem:$0x3FFE];
	[sflag:s23] =	ssyncadd.s32 $0xFFFFFFFF  }
0xa5: {  	s26 =	simm.s32 $execute0_lowered;
	[smem:$0x3FD2] =	sst s25  }
0xa6: {  	s4 =	sshll.u32 s26, $0x1;
	_ =	strace $0x80000049;
	[dreg:$0x1] =	wrdreg $0xFFFFFFFF  }
0xa7: {  	s28 =	simm.s32 $_size_execute0_lowered;
	s2 =	sadd.s32 s2, s4;
	[dreg:$0x0] =	wrdreg $0x0  }
0xa8: {  	s4 =	sshll.u32 s28, $0x1;
	[dreg:$0x2] =	wrdreg s2  }
0xa9: {  	[dreg:$0x3] =	wrdreg s4  }
0xaa: {  	[dreg:$0x4] =	wrdreg $0xC0  }
0xab: {  	_ =	task [dreg:s6], $0x5FFFF  }
0xac: {  	[dreg:$0x1] =	wrdreg $0xFFFFFFFF  }
0xad: {  	[dreg:$0x0] =	wrdreg $0x60  }
0xae: {  	[dreg:$0x2] =	wrdreg s24  }
0xaf: {  	[dreg:$0x3] =	wrdreg $0x9  }
0xb0: {  	_ =	task.clear_ibuf [dreg:s6], $0x4FFFF;
	_ =	strace $0x90000049  }
0xb1: {  	s29 =	simm.s32 $0x9;
	_ =	strace $0x8000004B  }
0xb2: {  	_ =	swait.ge [sflag:s29], $0x1  }
0xb3: {  	[sflag:s29] =	ssyncadd.s32 $0xFFFFFFFF  }
0xb4: {  	_ =	strace $0x9000004B  }
0xb5: {  	_ =	sfence  }
0xb6: {  	s30 =	sld [smem:$0x0];
	_ =	sdelay $0x2  }
0xb7: {  	s31 =	sshll.u32 s1, $0xD;
	s1 =	sshrl.u32 s1, $0x2  }
0xb8: {  	s3 =	sand.u32 $0x4000, s31;
	s1 =	sadd.s32 s1, s30  }
0xb9: {  	s0 =	sor.u32 s3, s0;
	s1 =	sshll.u32 s1, $0x11  }
0xba: {  	s0 =	sor.u32 s1, s0  }
0xbb: {  	s0 =	sadd.s32 $0x8F2B, s0  }
0xbc: {  	[sflag:s0] =	ssyncadd.remote.s32 $0x1  }
0xbd: {  	_ =	sfence.sel $0xFFFF  }
0xbe: {  	[dreg:$0x0] =	wrdreg $0xFFFFFFFF;
	(pc) =	sbr.abs _section_cstart, $3  }
0xbf: {  	[dreg:$0x1] =	wrdreg $0xFFFFFFFF  }
0xc0: {  	_ =	task.clear_ibuf [dreg:s6], $0x2FFFF;
	_ =	strace $0x9FFFFFFF  }
0xc1: {  	(tm) =	ssettm $0x7FFFFFFF  }
tec
execute0_lowered:
.L_overlay_start_1:
0x0: {  	(tag) =	ssettag $0x1  }
0x1: {  	s3 =	rddreg [dreg:$0x0]  }
0x2: {  	s0 =	rddreg [dreg:$0x1];
	s4 =	srdreg.scid  }
0x3: {  	s1 =	stileid.u32;
	s2 =	simm.s32 $0x0;
	s13 =	simm.s32 $0x1000  }
0x4: {  	s14 =	simm.s32 $0x20000;
	s15 =	simm.s32 $0x1;
	s16 =	simm.s32 $0x2000  }
0x5: {  	s17 =	simm.s32 $0x40000;
	s18 =	simm.s32 $0x4000;
	s19 =	simm.s32 $0xC000  }
0x6: {  	s20 =	simm.s32 $0xC200;
	s21 =	simm.s32 $0xC400;
	s22 =	simm.s32 $0xC800  }
0x7: {  	s23 =	simm.s32 $0xCC00;
	s4 =	sand.u32 $0x1, s4;
	s5 =	sshll.u32 s1, $0x1  }
0x8: {  	s24 =	simm.s32 $0x0;
	[smem:$0x7FF] =	sst s2;
	s5 =	sor.u32 s4, s5  }
0x9: {  	_ =	strace $0x8000004A;
	s4 =	ssub.s32 $0x2, s4;
	s6 =	sshll.u32 s5, $0x9  }
0xa: {  	s7 =	sshll.u32 s5, $0xA;
	s8 =	sshll.u32 s5, $0x6;
	s9 =	sshll.u32 s5, $0x7  }
0xb: {  	s5 =	sshll.u32 s5, $0x4;
	s31 =	sshrl.u32 s4, $0x1;
	s6 =	sadd.s32 s6, s3  }
0xc: {  	s7 =	sadd.s32 s7, s3;
	s8 =	sadd.s32 s8, s3;
	s10 =	sadd.s32 s9, s3  }
0xd: {  	s11 =	sadd.s32 s5, s3;
	s12 =	ssub.s32 s4, s31;
	s3 =	sadd.s32 $0x67C00, s6  }
0xe: {  	s4 =	sadd.s32 $0x77C00, s6;
	s5 =	sadd.s32 $0x87C00, s7;
	s6 =	sadd.s32 $0xA7C00, s7  }
0xf: {  	s7 =	sadd.s32 $0x3C00, s8;
	s8 =	sadd.s32 $0x4400, s8;
	s9 =	sadd.s32 $0x4C00, s10  }
0x10: {  	s10 =	sadd.s32 $0x5C00, s10;
	s11 =	sadd.s32 $0x6C00, s11;
	s12 =	smax.u32 s12, $0x1  }
.LBB2_1:
0x11: {  	[tilespmem:s2], [sflag:$0x1] =	stream.strided.gather [hbm4b:s3+s13], $0x4000, s14, s13, $0x38;
	[tilespmem:$0xCC80] =	vst v63  }
0x12: {  	_ =	swait.ge [sflag:s15], $0x4000  }
0x13: {  	s25 =	sand.u32 $0x70, s2;
	s26 =	sand.u32 $0xC00, s2;
	[sflag:s15] =	ssyncset.done $0x0  }
0x14: {  	s25 =	sor.u32 s25, s26;
	[sflag:s15] =	ssyncadd.s32 $0xFFFFC000  }
0x15: {  	v0 =	vld [tilespmem:s25+$0x0];
	_ =	sdelay $0x1  }
0x16: {  	v1 =	vld [tilespmem:s25+$0x80];
	_ =	sdelay $0x1  }
0x17: {  	v2 =	vld [tilespmem:s25+$0x100]  }
0x18: {  	v0 =	vadd.f32 $0.0e+00, v0  }
0x19: {  	v3 =	vld [tilespmem:s25+$0x180]  }
0x1a: {  	v0 =	vadd.f32 v1, v0  }
0x1b: {  	v1 =	vld [tilespmem:s25+$0x200]  }
0x1c: {  	v0 =	vadd.f32 v2, v0  }
0x1d: {  	v2 =	vld [tilespmem:s25+$0x280]  }
0x1e: {  	v0 =	vadd.f32 v3, v0  }
0x1f: {  	v3 =	vld [tilespmem:s25+$0x300]  }
0x20: {  	v0 =	vadd.f32 v1, v0  }
0x21: {  	v1 =	vld [tilespmem:s25+$0x380]  }
0x22: {  	v0 =	vadd.f32 v2, v0  }
0x23: {  	v2 =	vld [tilespmem:s25+$0x1000]  }
0x24: {  	v0 =	vadd.f32 v3, v0  }
0x25: {  	v3 =	vld [tilespmem:s25+$0x1080]  }
0x26: {  	v0 =	vadd.f32 v1, v0  }
0x27: {  	v1 =	vld [tilespmem:s25+$0x1100]  }
0x28: {  	v0 =	vadd.f32 v2, v0  }
0x29: {  	v2 =	vld [tilespmem:s25+$0x1180]  }
0x2a: {  	v0 =	vadd.f32 v3, v0  }
0x2b: {  	v3 =	vld [tilespmem:s25+$0x1200]  }
0x2c: {  	v0 =	vadd.f32 v1, v0  }
0x2d: {  	v1 =	vld [tilespmem:s25+$0x1280]  }
0x2e: {  	v0 =	vadd.f32 v2, v0  }
0x2f: {  	v2 =	vld [tilespmem:s25+$0x1300]  }
0x30: {  	v0 =	vadd.f32 v3, v0  }
0x31: {  	v3 =	vld [tilespmem:s25+$0x1380]  }
0x32: {  	v0 =	vadd.f32 v1, v0  }
0x33: {  	v1 =	vld [tilespmem:s25+$0x2000]  }
0x34: {  	v0 =	vadd.f32 v2, v0  }
0x35: {  	v2 =	vld [tilespmem:s25+$0x2080]  }
0x36: {  	v0 =	vadd.f32 v3, v0  }
0x37: {  	v3 =	vld [tilespmem:s25+$0x2100]  }
0x38: {  	v0 =	vadd.f32 v1, v0  }
0x39: {  	v1 =	vld [tilespmem:s25+$0x2180]  }
0x3a: {  	v0 =	vadd.f32 v2, v0  }
0x3b: {  	v2 =	vld [tilespmem:s25+$0x2200]  }
0x3c: {  	v0 =	vadd.f32 v3, v0  }
0x3d: {  	v3 =	vld [tilespmem:s25+$0x2280]  }
0x3e: {  	v0 =	vadd.f32 v1, v0  }
0x3f: {  	v1 =	vld [tilespmem:s25+$0x2300]  }
0x40: {  	v0 =	vadd.f32 v2, v0  }
0x41: {  	v2 =	vld [tilespmem:s25+$0x2380]  }
0x42: {  	v0 =	vadd.f32 v3, v0  }
0x43: {  	v3 =	vld [tilespmem:s25+$0x3000]  }
0x44: {  	v0 =	vadd.f32 v1, v0  }
0x45: {  	v1 =	vld [tilespmem:s25+$0x3080]  }
0x46: {  	v0 =	vadd.f32 v2, v0  }
0x47: {  	v2 =	vld [tilespmem:s25+$0x3100]  }
0x48: {  	v0 =	vadd.f32 v3, v0  }
0x49: {  	v3 =	vld [tilespmem:s25+$0x3180]  }
0x4a: {  	v0 =	vadd.f32 v1, v0  }
0x4b: {  	v1 =	vld [tilespmem:s25+$0x3200]  }
0x4c: {  	v0 =	vadd.f32 v2, v0  }
0x4d: {  	v2 =	vld [tilespmem:s25+$0x3280]  }
0x4e: {  	v0 =	vadd.f32 v3, v0  }
0x4f: {  	v3 =	vld [tilespmem:s25+$0x3300]  }
0x50: {  	v0 =	vadd.f32 v1, v0  }
0x51: {  	v1 =	vld [tilespmem:s25+$0x3380]  }
0x52: {  	v0 =	vadd.f32 v2, v0;
	_ =	sdelay $0x1  }
0x53: {  	v0 =	vadd.f32 v3, v0;
	_ =	sdelay $0x1  }
0x54: {  	s31 =	simm.s32 $0x10;
	s28 =	simm.s32 $0x20;
	s26 =	simm.s32 $0x80;
	v0 =	vadd.f32 v1, v0  }
0x55: {  	s29 =	sand.u32 $0x70, s31;
	s30 =	sand.u32 $0xC00, s26;
	s25 =	simm.s32 $0xC000  }
.LBB2_2:
0x56: {  	p0 =	sne.s32 s28, $0x1F0;
	s29 =	sor.u32 s29, s30;
	[tilespmem:s25+$0x0] =	vst v0  }
0x57: {  	v0 =	vld [tilespmem:s29+$0x0];
	_ =	sdelay $0x1  }
0x58: {  	v1 =	vld [tilespmem:s29+$0x80];
	_ =	sdelay $0x1  }
0x59: {  	v2 =	vld [tilespmem:s29+$0x100]  }
0x5a: {  	v0 =	vadd.f32 $0.0e+00, v0  }
0x5b: {  	v3 =	vld [tilespmem:s29+$0x180]  }
0x5c: {  	v0 =	vadd.f32 v1, v0  }
0x5d: {  	v1 =	vld [tilespmem:s29+$0x200]  }
0x5e: {  	v0 =	vadd.f32 v2, v0  }
0x5f: {  	v2 =	vld [tilespmem:s29+$0x280]  }
0x60: {  	v0 =	vadd.f32 v3, v0  }
0x61: {  	v3 =	vld [tilespmem:s29+$0x300]  }
0x62: {  	v0 =	vadd.f32 v1, v0  }
0x63: {  	v1 =	vld [tilespmem:s29+$0x380]  }
0x64: {  	v0 =	vadd.f32 v2, v0  }
0x65: {  	v2 =	vld [tilespmem:s29+$0x1000]  }
0x66: {  	v0 =	vadd.f32 v3, v0  }
0x67: {  	v3 =	vld [tilespmem:s29+$0x1080]  }
0x68: {  	v0 =	vadd.f32 v1, v0  }
0x69: {  	v1 =	vld [tilespmem:s29+$0x1100]  }
0x6a: {  	v0 =	vadd.f32 v2, v0  }
0x6b: {  	v2 =	vld [tilespmem:s29+$0x1180]  }
0x6c: {  	v0 =	vadd.f32 v3, v0  }
0x6d: {  	v3 =	vld [tilespmem:s29+$0x1200]  }
0x6e: {  	v0 =	vadd.f32 v1, v0  }
0x6f: {  	v1 =	vld [tilespmem:s29+$0x1280]  }
0x70: {  	v0 =	vadd.f32 v2, v0  }
0x71: {  	v2 =	vld [tilespmem:s29+$0x1300]  }
0x72: {  	v0 =	vadd.f32 v3, v0  }
0x73: {  	v3 =	vld [tilespmem:s29+$0x1380]  }
0x74: {  	v0 =	vadd.f32 v1, v0  }
0x75: {  	v1 =	vld [tilespmem:s29+$0x2000]  }
0x76: {  	v0 =	vadd.f32 v2, v0  }
0x77: {  	v2 =	vld [tilespmem:s29+$0x2080]  }
0x78: {  	v0 =	vadd.f32 v3, v0  }
0x79: {  	v3 =	vld [tilespmem:s29+$0x2100]  }
0x7a: {  	v0 =	vadd.f32 v1, v0  }
0x7b: {  	v1 =	vld [tilespmem:s29+$0x2180]  }
0x7c: {  	v0 =	vadd.f32 v2, v0  }
0x7d: {  	v2 =	vld [tilespmem:s29+$0x2200]  }
0x7e: {  	v0 =	vadd.f32 v3, v0  }
0x7f: {  	v3 =	vld [tilespmem:s29+$0x2280]  }
0x80: {  	v0 =	vadd.f32 v1, v0  }
0x81: {  	v1 =	vld [tilespmem:s29+$0x2300]  }
0x82: {  	v0 =	vadd.f32 v2, v0  }
0x83: {  	v2 =	vld [tilespmem:s29+$0x2380]  }
0x84: {  	v0 =	vadd.f32 v3, v0  }
0x85: {  	v3 =	vld [tilespmem:s29+$0x3000]  }
0x86: {  	v0 =	vadd.f32 v1, v0  }
0x87: {  	v1 =	vld [tilespmem:s29+$0x3080]  }
0x88: {  	v0 =	vadd.f32 v2, v0  }
0x89: {  	v2 =	vld [tilespmem:s29+$0x3100]  }
0x8a: {  	v0 =	vadd.f32 v3, v0  }
0x8b: {  	v3 =	vld [tilespmem:s29+$0x3180]  }
0x8c: {  	v0 =	vadd.f32 v1, v0  }
0x8d: {  	v1 =	vld [tilespmem:s29+$0x3200]  }
0x8e: {  	v0 =	vadd.f32 v2, v0  }
0x8f: {  	v2 =	vld [tilespmem:s29+$0x3280]  }
0x90: {  	v0 =	vadd.f32 v3, v0  }
0x91: {  	v3 =	vld [tilespmem:s29+$0x3300]  }
0x92: {  	v0 =	vadd.f32 v1, v0  }
0x93: {  	v1 =	vld [tilespmem:s29+$0x3380]  }
0x94: {  	v0 =	vadd.f32 v2, v0  }
.Ltmp0:
0x95: {  	(pc) =	sbr.rel @p0 .LBB2_2-.Ltmp0, $3  }
0x96: {  	v0 =	vadd.f32 v3, v0;
	_ =	sdelay $0x1  }
0x97: {  	s26 =	sadd.s32 $0x80, s26;
	s25 =	sadd.s32 $0x10, s25;
	v0 =	vadd.f32 v1, v0  }
0x98: {  	s30 =	sand.u32 $0xC00, s26;
	s29 =	sand.u32 $0x70, s28;
	s28 =	sadd.s32 $0x10, s28  }
0x99: {  	s26 =	sor.u32 s29, s30;
	[tilespmem:s25+$0x0] =	vst v0  }
0x9a: {  	v0 =	vld [tilespmem:s26+$0x0];
	_ =	sdelay $0x1  }
0x9b: {  	v1 =	vld [tilespmem:s26+$0x80];
	_ =	sdelay $0x1  }
0x9c: {  	v2 =	vld [tilespmem:s26+$0x100]  }
0x9d: {  	v0 =	vadd.f32 $0.0e+00, v0  }
0x9e: {  	v3 =	vld [tilespmem:s26+$0x180]  }
0x9f: {  	v0 =	vadd.f32 v1, v0  }
0xa0: {  	v1 =	vld [tilespmem:s26+$0x200]  }
0xa1: {  	v0 =	vadd.f32 v2, v0  }
0xa2: {  	v2 =	vld [tilespmem:s26+$0x280]  }
0xa3: {  	v0 =	vadd.f32 v3, v0  }
0xa4: {  	v3 =	vld [tilespmem:s26+$0x300]  }
0xa5: {  	v0 =	vadd.f32 v1, v0  }
0xa6: {  	v1 =	vld [tilespmem:s26+$0x380]  }
0xa7: {  	v0 =	vadd.f32 v2, v0  }
0xa8: {  	v2 =	vld [tilespmem:s26+$0x1000]  }
0xa9: {  	v0 =	vadd.f32 v3, v0  }
0xaa: {  	v3 =	vld [tilespmem:s26+$0x1080]  }
0xab: {  	v0 =	vadd.f32 v1, v0  }
0xac: {  	v1 =	vld [tilespmem:s26+$0x1100]  }
0xad: {  	v0 =	vadd.f32 v2, v0  }
0xae: {  	v2 =	vld [tilespmem:s26+$0x1180]  }
0xaf: {  	v0 =	vadd.f32 v3, v0  }
0xb0: {  	v3 =	vld [tilespmem:s26+$0x1200]  }
0xb1: {  	v0 =	vadd.f32 v1, v0  }
0xb2: {  	v1 =	vld [tilespmem:s26+$0x1280]  }
0xb3: {  	v0 =	vadd.f32 v2, v0  }
0xb4: {  	v2 =	vld [tilespmem:s26+$0x1300]  }
0xb5: {  	v0 =	vadd.f32 v3, v0  }
0xb6: {  	v3 =	vld [tilespmem:s26+$0x1380]  }
0xb7: {  	v0 =	vadd.f32 v1, v0  }
0xb8: {  	v1 =	vld [tilespmem:s26+$0x2000]  }
0xb9: {  	v0 =	vadd.f32 v2, v0  }
0xba: {  	v2 =	vld [tilespmem:s26+$0x2080]  }
0xbb: {  	v0 =	vadd.f32 v3, v0  }
0xbc: {  	v3 =	vld [tilespmem:s26+$0x2100]  }
0xbd: {  	v0 =	vadd.f32 v1, v0  }
0xbe: {  	v1 =	vld [tilespmem:s26+$0x2180]  }
0xbf: {  	v0 =	vadd.f32 v2, v0  }
0xc0: {  	v2 =	vld [tilespmem:s26+$0x2200]  }
0xc1: {  	v0 =	vadd.f32 v3, v0  }
0xc2: {  	v3 =	vld [tilespmem:s26+$0x2280]  }
0xc3: {  	v0 =	vadd.f32 v1, v0  }
0xc4: {  	v1 =	vld [tilespmem:s26+$0x2300]  }
0xc5: {  	v0 =	vadd.f32 v2, v0  }
0xc6: {  	v2 =	vld [tilespmem:s26+$0x2380]  }
0xc7: {  	v0 =	vadd.f32 v3, v0  }
0xc8: {  	v3 =	vld [tilespmem:s26+$0x3000]  }
0xc9: {  	v0 =	vadd.f32 v1, v0  }
0xca: {  	v1 =	vld [tilespmem:s26+$0x3080]  }
0xcb: {  	v0 =	vadd.f32 v2, v0  }
0xcc: {  	v2 =	vld [tilespmem:s26+$0x3100]  }
0xcd: {  	v0 =	vadd.f32 v3, v0  }
0xce: {  	v3 =	vld [tilespmem:s26+$0x3180]  }
0xcf: {  	v0 =	vadd.f32 v1, v0  }
0xd0: {  	v1 =	vld [tilespmem:s26+$0x3200]  }
0xd1: {  	v0 =	vadd.f32 v2, v0  }
0xd2: {  	v2 =	vld [tilespmem:s26+$0x3280]  }
0xd3: {  	v0 =	vadd.f32 v3, v0  }
0xd4: {  	v3 =	vld [tilespmem:s26+$0x3300]  }
0xd5: {  	v0 =	vadd.f32 v1, v0  }
0xd6: {  	v1 =	vld [tilespmem:s26+$0x3380]  }
0xd7: {  	v0 =	vadd.f32 v2, v0;
	_ =	sdelay $0x1  }
0xd8: {  	v0 =	vadd.f32 v3, v0;
	_ =	sdelay $0x1  }
0xd9: {  	v0 =	vadd.f32 v1, v0  }
0xda: {  	s31 =	sadd.s32 $0x10, s25  }
0xdb: {  	s26 =	simm.s32 $0x0;
	[tilespmem:s31+$0x0] =	vst v0  }
0xdc: {  	[tilespmem:s26], [sflag:$0x1] =	stream.strided.gather [hbm4b:s4+s13], $0x4000, s14, s13, $0x38;
	[tilespmem:$0xCC80] =	vst v63  }
0xdd: {  	_ =	swait.ge [sflag:s15], $0x4000  }
0xde: {  	s25 =	sand.u32 $0xC00, s26;
	s31 =	sand.u32 $0x70, s26;
	[sflag:s15] =	ssyncset.done $0x0  }
0xdf: {  	s25 =	sor.u32 s31, s25;
	[sflag:s15] =	ssyncadd.s32 $0xFFFFC000  }
0xe0: {  	v0 =	vld [tilespmem:s25+$0x0];
	_ =	sdelay $0x1  }
0xe1: {  	v1 =	vld [tilespmem:s25+$0x80];
	_ =	sdelay $0x1  }
0xe2: {  	v2 =	vld [tilespmem:s25+$0x100]  }
0xe3: {  	v0 =	vadd.f32 $0.0e+00, v0  }
0xe4: {  	v3 =	vld [tilespmem:s25+$0x180]  }
0xe5: {  	v0 =	vadd.f32 v1, v0  }
0xe6: {  	v1 =	vld [tilespmem:s25+$0x200]  }
0xe7: {  	v0 =	vadd.f32 v2, v0  }
0xe8: {  	v2 =	vld [tilespmem:s25+$0x280]  }
0xe9: {  	v0 =	vadd.f32 v3, v0  }
0xea: {  	v3 =	vld [tilespmem:s25+$0x300]  }
0xeb: {  	v0 =	vadd.f32 v1, v0  }
0xec: {  	v1 =	vld [tilespmem:s25+$0x380]  }
0xed: {  	v0 =	vadd.f32 v2, v0  }
0xee: {  	v2 =	vld [tilespmem:s25+$0x1000]  }
0xef: {  	v0 =	vadd.f32 v3, v0  }
0xf0: {  	v3 =	vld [tilespmem:s25+$0x1080]  }
0xf1: {  	v0 =	vadd.f32 v1, v0  }
0xf2: {  	v1 =	vld [tilespmem:s25+$0x1100]  }
0xf3: {  	v0 =	vadd.f32 v2, v0  }
0xf4: {  	v2 =	vld [tilespmem:s25+$0x1180]  }
0xf5: {  	v0 =	vadd.f32 v3, v0  }
0xf6: {  	v3 =	vld [tilespmem:s25+$0x1200]  }
0xf7: {  	v0 =	vadd.f32 v1, v0  }
0xf8: {  	v1 =	vld [tilespmem:s25+$0x1280]  }
0xf9: {  	v0 =	vadd.f32 v2, v0  }
0xfa: {  	v2 =	vld [tilespmem:s25+$0x1300]  }
0xfb: {  	v0 =	vadd.f32 v3, v0  }
0xfc: {  	v3 =	vld [tilespmem:s25+$0x1380]  }
0xfd: {  	v0 =	vadd.f32 v1, v0  }
0xfe: {  	v1 =	vld [tilespmem:s25+$0x2000]  }
0xff: {  	v0 =	vadd.f32 v2, v0  }
0x100: {  	v2 =	vld [tilespmem:s25+$0x2080]  }
0x101: {  	v0 =	vadd.f32 v3, v0  }
0x102: {  	v3 =	vld [tilespmem:s25+$0x2100]  }
0x103: {  	v0 =	vadd.f32 v1, v0  }
0x104: {  	v1 =	vld [tilespmem:s25+$0x2180]  }
0x105: {  	v0 =	vadd.f32 v2, v0  }
0x106: {  	v2 =	vld [tilespmem:s25+$0x2200]  }
0x107: {  	v0 =	vadd.f32 v3, v0  }
0x108: {  	v3 =	vld [tilespmem:s25+$0x2280]  }
0x109: {  	v0 =	vadd.f32 v1, v0  }
0x10a: {  	v1 =	vld [tilespmem:s25+$0x2300]  }
0x10b: {  	v0 =	vadd.f32 v2, v0  }
0x10c: {  	v2 =	vld [tilespmem:s25+$0x2380]  }
0x10d: {  	v0 =	vadd.f32 v3, v0  }
0x10e: {  	v3 =	vld [tilespmem:s25+$0x3000]  }
0x10f: {  	v0 =	vadd.f32 v1, v0  }
0x110: {  	v1 =	vld [tilespmem:s25+$0x3080]  }
0x111: {  	v0 =	vadd.f32 v2, v0  }
0x112: {  	v2 =	vld [tilespmem:s25+$0x3100]  }
0x113: {  	v0 =	vadd.f32 v3, v0  }
0x114: {  	v3 =	vld [tilespmem:s25+$0x3180]  }
0x115: {  	v0 =	vadd.f32 v1, v0  }
0x116: {  	v1 =	vld [tilespmem:s25+$0x3200]  }
0x117: {  	v0 =	vadd.f32 v2, v0  }
0x118: {  	v2 =	vld [tilespmem:s25+$0x3280]  }
0x119: {  	v0 =	vadd.f32 v3, v0  }
0x11a: {  	v3 =	vld [tilespmem:s25+$0x3300]  }
0x11b: {  	v0 =	vadd.f32 v1, v0  }
0x11c: {  	v1 =	vld [tilespmem:s25+$0x3380]  }
0x11d: {  	v0 =	vadd.f32 v2, v0;
	_ =	sdelay $0x1  }
0x11e: {  	v0 =	vadd.f32 v3, v0  }
0x11f: {  	s28 =	simm.s32 $0x10  }
0x120: {  	s29 =	sand.u32 $0x70, s28;
	s26 =	simm.s32 $0x80;
	v0 =	vadd.f32 v1, v0  }
0x121: {  	s28 =	simm.s32 $0x20;
	s30 =	sand.u32 $0xC00, s26;
	s25 =	simm.s32 $0xC200  }
.LBB2_4:
0x122: {  	p0 =	sne.s32 s28, $0x1F0;
	s29 =	sor.u32 s29, s30;
	[tilespmem:s25+$0x0] =	vst v0  }
0x123: {  	v0 =	vld [tilespmem:s29+$0x0];
	_ =	sdelay $0x1  }
0x124: {  	v1 =	vld [tilespmem:s29+$0x80];
	_ =	sdelay $0x1  }
0x125: {  	v2 =	vld [tilespmem:s29+$0x100]  }
0x126: {  	v0 =	vadd.f32 $0.0e+00, v0  }
0x127: {  	v3 =	vld [tilespmem:s29+$0x180]  }
0x128: {  	v0 =	vadd.f32 v1, v0  }
0x129: {  	v1 =	vld [tilespmem:s29+$0x200]  }
0x12a: {  	v0 =	vadd.f32 v2, v0  }
0x12b: {  	v2 =	vld [tilespmem:s29+$0x280]  }
0x12c: {  	v0 =	vadd.f32 v3, v0  }
0x12d: {  	v3 =	vld [tilespmem:s29+$0x300]  }
0x12e: {  	v0 =	vadd.f32 v1, v0  }
0x12f: {  	v1 =	vld [tilespmem:s29+$0x380]  }
0x130: {  	v0 =	vadd.f32 v2, v0  }
0x131: {  	v2 =	vld [tilespmem:s29+$0x1000]  }
0x132: {  	v0 =	vadd.f32 v3, v0  }
0x133: {  	v3 =	vld [tilespmem:s29+$0x1080]  }
0x134: {  	v0 =	vadd.f32 v1, v0  }
0x135: {  	v1 =	vld [tilespmem:s29+$0x1100]  }
0x136: {  	v0 =	vadd.f32 v2, v0  }
0x137: {  	v2 =	vld [tilespmem:s29+$0x1180]  }
0x138: {  	v0 =	vadd.f32 v3, v0  }
0x139: {  	v3 =	vld [tilespmem:s29+$0x1200]  }
0x13a: {  	v0 =	vadd.f32 v1, v0  }
0x13b: {  	v1 =	vld [tilespmem:s29+$0x1280]  }
0x13c: {  	v0 =	vadd.f32 v2, v0  }
0x13d: {  	v2 =	vld [tilespmem:s29+$0x1300]  }
0x13e: {  	v0 =	vadd.f32 v3, v0  }
0x13f: {  	v3 =	vld [tilespmem:s29+$0x1380]  }
0x140: {  	v0 =	vadd.f32 v1, v0  }
0x141: {  	v1 =	vld [tilespmem:s29+$0x2000]  }
0x142: {  	v0 =	vadd.f32 v2, v0  }
0x143: {  	v2 =	vld [tilespmem:s29+$0x2080]  }
0x144: {  	v0 =	vadd.f32 v3, v0  }
0x145: {  	v3 =	vld [tilespmem:s29+$0x2100]  }
0x146: {  	v0 =	vadd.f32 v1, v0  }
0x147: {  	v1 =	vld [tilespmem:s29+$0x2180]  }
0x148: {  	v0 =	vadd.f32 v2, v0  }
0x149: {  	v2 =	vld [tilespmem:s29+$0x2200]  }
0x14a: {  	v0 =	vadd.f32 v3, v0  }
0x14b: {  	v3 =	vld [tilespmem:s29+$0x2280]  }
0x14c: {  	v0 =	vadd.f32 v1, v0  }
0x14d: {  	v1 =	vld [tilespmem:s29+$0x2300]  }
0x14e: {  	v0 =	vadd.f32 v2, v0  }
0x14f: {  	v2 =	vld [tilespmem:s29+$0x2380]  }
0x150: {  	v0 =	vadd.f32 v3, v0  }
0x151: {  	v3 =	vld [tilespmem:s29+$0x3000]  }
0x152: {  	v0 =	vadd.f32 v1, v0  }
0x153: {  	v1 =	vld [tilespmem:s29+$0x3080]  }
0x154: {  	v0 =	vadd.f32 v2, v0  }
0x155: {  	v2 =	vld [tilespmem:s29+$0x3100]  }
0x156: {  	v0 =	vadd.f32 v3, v0  }
0x157: {  	v3 =	vld [tilespmem:s29+$0x3180]  }
0x158: {  	v0 =	vadd.f32 v1, v0  }
0x159: {  	v1 =	vld [tilespmem:s29+$0x3200]  }
0x15a: {  	v0 =	vadd.f32 v2, v0  }
0x15b: {  	v2 =	vld [tilespmem:s29+$0x3280]  }
0x15c: {  	v0 =	vadd.f32 v3, v0  }
0x15d: {  	v3 =	vld [tilespmem:s29+$0x3300]  }
0x15e: {  	v0 =	vadd.f32 v1, v0  }
0x15f: {  	v1 =	vld [tilespmem:s29+$0x3380]  }
0x160: {  	v0 =	vadd.f32 v2, v0  }
.Ltmp1:
0x161: {  	(pc) =	sbr.rel @p0 .LBB2_4-.Ltmp1, $3  }
0x162: {  	v0 =	vadd.f32 v3, v0;
	_ =	sdelay $0x1  }
0x163: {  	s26 =	sadd.s32 $0x80, s26;
	s25 =	sadd.s32 $0x10, s25;
	v0 =	vadd.f32 v1, v0  }
0x164: {  	s30 =	sand.u32 $0xC00, s26;
	s29 =	sand.u32 $0x70, s28;
	s28 =	sadd.s32 $0x10, s28  }
0x165: {  	s26 =	sor.u32 s29, s30;
	[tilespmem:s25+$0x0] =	vst v0  }
0x166: {  	v0 =	vld [tilespmem:s26+$0x0];
	_ =	sdelay $0x1  }
0x167: {  	v1 =	vld [tilespmem:s26+$0x80];
	_ =	sdelay $0x1  }
0x168: {  	v2 =	vld [tilespmem:s26+$0x100]  }
0x169: {  	v0 =	vadd.f32 $0.0e+00, v0  }
0x16a: {  	v3 =	vld [tilespmem:s26+$0x180]  }
0x16b: {  	v0 =	vadd.f32 v1, v0  }
0x16c: {  	v1 =	vld [tilespmem:s26+$0x200]  }
0x16d: {  	v0 =	vadd.f32 v2, v0  }
0x16e: {  	v2 =	vld [tilespmem:s26+$0x280]  }
0x16f: {  	v0 =	vadd.f32 v3, v0  }
0x170: {  	v3 =	vld [tilespmem:s26+$0x300]  }
0x171: {  	v0 =	vadd.f32 v1, v0  }
0x172: {  	v1 =	vld [tilespmem:s26+$0x380]  }
0x173: {  	v0 =	vadd.f32 v2, v0  }
0x174: {  	v2 =	vld [tilespmem:s26+$0x1000]  }
0x175: {  	v0 =	vadd.f32 v3, v0  }
0x176: {  	v3 =	vld [tilespmem:s26+$0x1080]  }
0x177: {  	v0 =	vadd.f32 v1, v0  }
0x178: {  	v1 =	vld [tilespmem:s26+$0x1100]  }
0x179: {  	v0 =	vadd.f32 v2, v0  }
0x17a: {  	v2 =	vld [tilespmem:s26+$0x1180]  }
0x17b: {  	v0 =	vadd.f32 v3, v0  }
0x17c: {  	v3 =	vld [tilespmem:s26+$0x1200]  }
0x17d: {  	v0 =	vadd.f32 v1, v0  }
0x17e: {  	v1 =	vld [tilespmem:s26+$0x1280]  }
0x17f: {  	v0 =	vadd.f32 v2, v0  }
0x180: {  	v2 =	vld [tilespmem:s26+$0x1300]  }
0x181: {  	v0 =	vadd.f32 v3, v0  }
0x182: {  	v3 =	vld [tilespmem:s26+$0x1380]  }
0x183: {  	v0 =	vadd.f32 v1, v0  }
0x184: {  	v1 =	vld [tilespmem:s26+$0x2000]  }
0x185: {  	v0 =	vadd.f32 v2, v0  }
0x186: {  	v2 =	vld [tilespmem:s26+$0x2080]  }
0x187: {  	v0 =	vadd.f32 v3, v0  }
0x188: {  	v3 =	vld [tilespmem:s26+$0x2100]  }
0x189: {  	v0 =	vadd.f32 v1, v0  }
0x18a: {  	v1 =	vld [tilespmem:s26+$0x2180]  }
0x18b: {  	v0 =	vadd.f32 v2, v0  }
0x18c: {  	v2 =	vld [tilespmem:s26+$0x2200]  }
0x18d: {  	v0 =	vadd.f32 v3, v0  }
0x18e: {  	v3 =	vld [tilespmem:s26+$0x2280]  }
0x18f: {  	v0 =	vadd.f32 v1, v0  }
0x190: {  	v1 =	vld [tilespmem:s26+$0x2300]  }
0x191: {  	v0 =	vadd.f32 v2, v0  }
0x192: {  	v2 =	vld [tilespmem:s26+$0x2380]  }
0x193: {  	v0 =	vadd.f32 v3, v0  }
0x194: {  	v3 =	vld [tilespmem:s26+$0x3000]  }
0x195: {  	v0 =	vadd.f32 v1, v0  }
0x196: {  	v1 =	vld [tilespmem:s26+$0x3080]  }
0x197: {  	v0 =	vadd.f32 v2, v0  }
0x198: {  	v2 =	vld [tilespmem:s26+$0x3100]  }
0x199: {  	v0 =	vadd.f32 v3, v0  }
0x19a: {  	v3 =	vld [tilespmem:s26+$0x3180]  }
0x19b: {  	v0 =	vadd.f32 v1, v0  }
0x19c: {  	v1 =	vld [tilespmem:s26+$0x3200]  }
0x19d: {  	v0 =	vadd.f32 v2, v0  }
0x19e: {  	v2 =	vld [tilespmem:s26+$0x3280]  }
0x19f: {  	v0 =	vadd.f32 v3, v0  }
0x1a0: {  	v3 =	vld [tilespmem:s26+$0x3300]  }
0x1a1: {  	v0 =	vadd.f32 v1, v0  }
0x1a2: {  	v1 =	vld [tilespmem:s26+$0x3380]  }
0x1a3: {  	v0 =	vadd.f32 v2, v0;
	_ =	sdelay $0x1  }
0x1a4: {  	v0 =	vadd.f32 v3, v0;
	_ =	sdelay $0x1  }
0x1a5: {  	v0 =	vadd.f32 v1, v0  }
0x1a6: {  	s31 =	sadd.s32 $0x10, s25  }
0x1a7: {  	[tilespmem:s31+$0x0] =	vst v0  }
0x1a8: {  	[tilespmem:s18], [sflag:$0x1] =	stream.strided.gather [hbm4b:s5+s16], $0x8000, s17, s16, $0x38;
	[tilespmem:$0xCC80] =	vst v63  }
0x1a9: {  	s26 =	simm.s32 $0x0;
	_ =	swait.ge [sflag:s15], $0x8000  }
0x1aa: {  	s25 =	sand.u32 $0x1C00, s26;
	s31 =	sand.u32 $0x70, s26;
	[sflag:s15] =	ssyncset.done $0x0  }
0x1ab: {  	s25 =	sor.u32 s31, s25;
	[sflag:s15] =	ssyncadd.s32 $0xFFFF8000  }
0x1ac: {  	v0 =	vld [tilespmem:s25+$0x4000];
	_ =	sdelay $0x1  }
0x1ad: {  	v1 =	vld [tilespmem:s25+$0x4080];
	_ =	sdelay $0x1  }
0x1ae: {  	v2 =	vld [tilespmem:s25+$0x4100]  }
0x1af: {  	v0 =	vadd.f32 $0.0e+00, v0  }
0x1b0: {  	v3 =	vld [tilespmem:s25+$0x4180]  }
0x1b1: {  	v0 =	vadd.f32 v1, v0  }
0x1b2: {  	v1 =	vld [tilespmem:s25+$0x4200]  }
0x1b3: {  	v0 =	vadd.f32 v2, v0  }
0x1b4: {  	v2 =	vld [tilespmem:s25+$0x4280]  }
0x1b5: {  	v0 =	vadd.f32 v3, v0  }
0x1b6: {  	v3 =	vld [tilespmem:s25+$0x4300]  }
0x1b7: {  	v0 =	vadd.f32 v1, v0  }
0x1b8: {  	v1 =	vld [tilespmem:s25+$0x4380]  }
0x1b9: {  	v0 =	vadd.f32 v2, v0  }
0x1ba: {  	v2 =	vld [tilespmem:s25+$0x6000]  }
0x1bb: {  	v0 =	vadd.f32 v3, v0  }
0x1bc: {  	v3 =	vld [tilespmem:s25+$0x6080]  }
0x1bd: {  	v0 =	vadd.f32 v1, v0  }
0x1be: {  	v1 =	vld [tilespmem:s25+$0x6100]  }
0x1bf: {  	v0 =	vadd.f32 v2, v0  }
0x1c0: {  	v2 =	vld [tilespmem:s25+$0x6180]  }
0x1c1: {  	v0 =	vadd.f32 v3, v0  }
0x1c2: {  	v3 =	vld [tilespmem:s25+$0x6200]  }
0x1c3: {  	v0 =	vadd.f32 v1, v0  }
0x1c4: {  	v1 =	vld [tilespmem:s25+$0x6280]  }
0x1c5: {  	v0 =	vadd.f32 v2, v0  }
0x1c6: {  	v2 =	vld [tilespmem:s25+$0x6300]  }
0x1c7: {  	v0 =	vadd.f32 v3, v0  }
0x1c8: {  	v3 =	vld [tilespmem:s25+$0x6380]  }
0x1c9: {  	v0 =	vadd.f32 v1, v0  }
0x1ca: {  	v1 =	vld [tilespmem:s25+$0x8000]  }
0x1cb: {  	v0 =	vadd.f32 v2, v0  }
0x1cc: {  	v2 =	vld [tilespmem:s25+$0x8080]  }
0x1cd: {  	v0 =	vadd.f32 v3, v0  }
0x1ce: {  	v3 =	vld [tilespmem:s25+$0x8100]  }
0x1cf: {  	v0 =	vadd.f32 v1, v0  }
0x1d0: {  	v1 =	vld [tilespmem:s25+$0x8180]  }
0x1d1: {  	v0 =	vadd.f32 v2, v0  }
0x1d2: {  	v2 =	vld [tilespmem:s25+$0x8200]  }
0x1d3: {  	v0 =	vadd.f32 v3, v0  }
0x1d4: {  	v3 =	vld [tilespmem:s25+$0x8280]  }
0x1d5: {  	v0 =	vadd.f32 v1, v0  }
0x1d6: {  	v1 =	vld [tilespmem:s25+$0x8300]  }
0x1d7: {  	v0 =	vadd.f32 v2, v0  }
0x1d8: {  	v2 =	vld [tilespmem:s25+$0x8380]  }
0x1d9: {  	v0 =	vadd.f32 v3, v0  }
0x1da: {  	v3 =	vld [tilespmem:s25+$0xA000]  }
0x1db: {  	v0 =	vadd.f32 v1, v0  }
0x1dc: {  	v1 =	vld [tilespmem:s25+$0xA080]  }
0x1dd: {  	v0 =	vadd.f32 v2, v0  }
0x1de: {  	v2 =	vld [tilespmem:s25+$0xA100]  }
0x1df: {  	v0 =	vadd.f32 v3, v0  }
0x1e0: {  	v3 =	vld [tilespmem:s25+$0xA180]  }
0x1e1: {  	v0 =	vadd.f32 v1, v0  }
0x1e2: {  	v1 =	vld [tilespmem:s25+$0xA200]  }
0x1e3: {  	v0 =	vadd.f32 v2, v0  }
0x1e4: {  	v2 =	vld [tilespmem:s25+$0xA280]  }
0x1e5: {  	v0 =	vadd.f32 v3, v0  }
0x1e6: {  	v3 =	vld [tilespmem:s25+$0xA300]  }
0x1e7: {  	v0 =	vadd.f32 v1, v0  }
0x1e8: {  	v1 =	vld [tilespmem:s25+$0xA380]  }
0x1e9: {  	v0 =	vadd.f32 v2, v0;
	_ =	sdelay $0x1  }
0x1ea: {  	v0 =	vadd.f32 v3, v0  }
0x1eb: {  	s28 =	simm.s32 $0x10  }
0x1ec: {  	s29 =	sand.u32 $0x70, s28;
	s26 =	simm.s32 $0x80;
	v0 =	vadd.f32 v1, v0  }
0x1ed: {  	s28 =	simm.s32 $0x20;
	s30 =	sand.u32 $0x1C00, s26;
	s25 =	simm.s32 $0xC400  }
.LBB2_6:
0x1ee: {  	p0 =	sne.s32 s28, $0x3F0;
	s29 =	sor.u32 s29, s30;
	[tilespmem:s25+$0x0] =	vst v0  }
0x1ef: {  	v0 =	vld [tilespmem:s29+$0x4000];
	_ =	sdelay $0x1  }
0x1f0: {  	v1 =	vld [tilespmem:s29+$0x4080];
	_ =	sdelay $0x1  }
0x1f1: {  	v2 =	vld [tilespmem:s29+$0x4100]  }
0x1f2: {  	v0 =	vadd.f32 $0.0e+00, v0  }
0x1f3: {  	v3 =	vld [tilespmem:s29+$0x4180]  }
0x1f4: {  	v0 =	vadd.f32 v1, v0  }
0x1f5: {  	v1 =	vld [tilespmem:s29+$0x4200]  }
0x1f6: {  	v0 =	vadd.f32 v2, v0  }
0x1f7: {  	v2 =	vld [tilespmem:s29+$0x4280]  }
0x1f8: {  	v0 =	vadd.f32 v3, v0  }
0x1f9: {  	v3 =	vld [tilespmem:s29+$0x4300]  }
0x1fa: {  	v0 =	vadd.f32 v1, v0  }
0x1fb: {  	v1 =	vld [tilespmem:s29+$0x4380]  }
0x1fc: {  	v0 =	vadd.f32 v2, v0  }
0x1fd: {  	v2 =	vld [tilespmem:s29+$0x6000]  }
0x1fe: {  	v0 =	vadd.f32 v3, v0  }
0x1ff: {  	v3 =	vld [tilespmem:s29+$0x6080]  }
0x200: {  	v0 =	vadd.f32 v1, v0  }
0x201: {  	v1 =	vld [tilespmem:s29+$0x6100]  }
0x202: {  	v0 =	vadd.f32 v2, v0  }
0x203: {  	v2 =	vld [tilespmem:s29+$0x6180]  }
0x204: {  	v0 =	vadd.f32 v3, v0  }
0x205: {  	v3 =	vld [tilespmem:s29+$0x6200]  }
0x206: {  	v0 =	vadd.f32 v1, v0  }
0x207: {  	v1 =	vld [tilespmem:s29+$0x6280]  }
0x208: {  	v0 =	vadd.f32 v2, v0  }
0x209: {  	v2 =	vld [tilespmem:s29+$0x6300]  }
0x20a: {  	v0 =	vadd.f32 v3, v0  }
0x20b: {  	v3 =	vld [tilespmem:s29+$0x6380]  }
0x20c: {  	v0 =	vadd.f32 v1, v0  }
0x20d: {  	v1 =	vld [tilespmem:s29+$0x8000]  }
0x20e: {  	v0 =	vadd.f32 v2, v0  }
0x20f: {  	v2 =	vld [tilespmem:s29+$0x8080]  }
0x210: {  	v0 =	vadd.f32 v3, v0  }
0x211: {  	v3 =	vld [tilespmem:s29+$0x8100]  }
0x212: {  	v0 =	vadd.f32 v1, v0  }
0x213: {  	v1 =	vld [tilespmem:s29+$0x8180]  }
0x214: {  	v0 =	vadd.f32 v2, v0  }
0x215: {  	v2 =	vld [tilespmem:s29+$0x8200]  }
0x216: {  	v0 =	vadd.f32 v3, v0  }
0x217: {  	v3 =	vld [tilespmem:s29+$0x8280]  }
0x218: {  	v0 =	vadd.f32 v1, v0  }
0x219: {  	v1 =	vld [tilespmem:s29+$0x8300]  }
0x21a: {  	v0 =	vadd.f32 v2, v0  }
0x21b: {  	v2 =	vld [tilespmem:s29+$0x8380]  }
0x21c: {  	v0 =	vadd.f32 v3, v0  }
0x21d: {  	v3 =	vld [tilespmem:s29+$0xA000]  }
0x21e: {  	v0 =	vadd.f32 v1, v0  }
0x21f: {  	v1 =	vld [tilespmem:s29+$0xA080]  }
0x220: {  	v0 =	vadd.f32 v2, v0  }
0x221: {  	v2 =	vld [tilespmem:s29+$0xA100]  }
0x222: {  	v0 =	vadd.f32 v3, v0  }
0x223: {  	v3 =	vld [tilespmem:s29+$0xA180]  }
0x224: {  	v0 =	vadd.f32 v1, v0  }
0x225: {  	v1 =	vld [tilespmem:s29+$0xA200]  }
0x226: {  	v0 =	vadd.f32 v2, v0  }
0x227: {  	v2 =	vld [tilespmem:s29+$0xA280]  }
0x228: {  	v0 =	vadd.f32 v3, v0  }
0x229: {  	v3 =	vld [tilespmem:s29+$0xA300]  }
0x22a: {  	v0 =	vadd.f32 v1, v0  }
0x22b: {  	v1 =	vld [tilespmem:s29+$0xA380]  }
0x22c: {  	v0 =	vadd.f32 v2, v0  }
.Ltmp2:
0x22d: {  	(pc) =	sbr.rel @p0 .LBB2_6-.Ltmp2, $3  }
0x22e: {  	v0 =	vadd.f32 v3, v0;
	_ =	sdelay $0x1  }
0x22f: {  	s26 =	sadd.s32 $0x80, s26;
	s25 =	sadd.s32 $0x10, s25;
	v0 =	vadd.f32 v1, v0  }
0x230: {  	s30 =	sand.u32 $0x1C00, s26;
	s29 =	sand.u32 $0x70, s28;
	s28 =	sadd.s32 $0x10, s28  }
0x231: {  	s26 =	sor.u32 s29, s30;
	[tilespmem:s25+$0x0] =	vst v0  }
0x232: {  	v0 =	vld [tilespmem:s26+$0x4000];
	_ =	sdelay $0x1  }
0x233: {  	v1 =	vld [tilespmem:s26+$0x4080];
	_ =	sdelay $0x1  }
0x234: {  	v2 =	vld [tilespmem:s26+$0x4100]  }
0x235: {  	v0 =	vadd.f32 $0.0e+00, v0  }
0x236: {  	v3 =	vld [tilespmem:s26+$0x4180]  }
0x237: {  	v0 =	vadd.f32 v1, v0  }
0x238: {  	v1 =	vld [tilespmem:s26+$0x4200]  }
0x239: {  	v0 =	vadd.f32 v2, v0  }
0x23a: {  	v2 =	vld [tilespmem:s26+$0x4280]  }
0x23b: {  	v0 =	vadd.f32 v3, v0  }
0x23c: {  	v3 =	vld [tilespmem:s26+$0x4300]  }
0x23d: {  	v0 =	vadd.f32 v1, v0  }
0x23e: {  	v1 =	vld [tilespmem:s26+$0x4380]  }
0x23f: {  	v0 =	vadd.f32 v2, v0  }
0x240: {  	v2 =	vld [tilespmem:s26+$0x6000]  }
0x241: {  	v0 =	vadd.f32 v3, v0  }
0x242: {  	v3 =	vld [tilespmem:s26+$0x6080]  }
0x243: {  	v0 =	vadd.f32 v1, v0  }
0x244: {  	v1 =	vld [tilespmem:s26+$0x6100]  }
0x245: {  	v0 =	vadd.f32 v2, v0  }
0x246: {  	v2 =	vld [tilespmem:s26+$0x6180]  }
0x247: {  	v0 =	vadd.f32 v3, v0  }
0x248: {  	v3 =	vld [tilespmem:s26+$0x6200]  }
0x249: {  	v0 =	vadd.f32 v1, v0  }
0x24a: {  	v1 =	vld [tilespmem:s26+$0x6280]  }
0x24b: {  	v0 =	vadd.f32 v2, v0  }
0x24c: {  	v2 =	vld [tilespmem:s26+$0x6300]  }
0x24d: {  	v0 =	vadd.f32 v3, v0  }
0x24e: {  	v3 =	vld [tilespmem:s26+$0x6380]  }
0x24f: {  	v0 =	vadd.f32 v1, v0  }
0x250: {  	v1 =	vld [tilespmem:s26+$0x8000]  }
0x251: {  	v0 =	vadd.f32 v2, v0  }
0x252: {  	v2 =	vld [tilespmem:s26+$0x8080]  }
0x253: {  	v0 =	vadd.f32 v3, v0  }
0x254: {  	v3 =	vld [tilespmem:s26+$0x8100]  }
0x255: {  	v0 =	vadd.f32 v1, v0  }
0x256: {  	v1 =	vld [tilespmem:s26+$0x8180]  }
0x257: {  	v0 =	vadd.f32 v2, v0  }
0x258: {  	v2 =	vld [tilespmem:s26+$0x8200]  }
0x259: {  	v0 =	vadd.f32 v3, v0  }
0x25a: {  	v3 =	vld [tilespmem:s26+$0x8280]  }
0x25b: {  	v0 =	vadd.f32 v1, v0  }
0x25c: {  	v1 =	vld [tilespmem:s26+$0x8300]  }
0x25d: {  	v0 =	vadd.f32 v2, v0  }
0x25e: {  	v2 =	vld [tilespmem:s26+$0x8380]  }
0x25f: {  	v0 =	vadd.f32 v3, v0  }
0x260: {  	v3 =	vld [tilespmem:s26+$0xA000]  }
0x261: {  	v0 =	vadd.f32 v1, v0  }
0x262: {  	v1 =	vld [tilespmem:s26+$0xA080]  }
0x263: {  	v0 =	vadd.f32 v2, v0  }
0x264: {  	v2 =	vld [tilespmem:s26+$0xA100]  }
0x265: {  	v0 =	vadd.f32 v3, v0  }
0x266: {  	v3 =	vld [tilespmem:s26+$0xA180]  }
0x267: {  	v0 =	vadd.f32 v1, v0  }
0x268: {  	v1 =	vld [tilespmem:s26+$0xA200]  }
0x269: {  	v0 =	vadd.f32 v2, v0  }
0x26a: {  	v2 =	vld [tilespmem:s26+$0xA280]  }
0x26b: {  	v0 =	vadd.f32 v3, v0  }
0x26c: {  	v3 =	vld [tilespmem:s26+$0xA300]  }
0x26d: {  	v0 =	vadd.f32 v1, v0  }
0x26e: {  	v1 =	vld [tilespmem:s26+$0xA380]  }
0x26f: {  	v0 =	vadd.f32 v2, v0;
	_ =	sdelay $0x1  }
0x270: {  	v0 =	vadd.f32 v3, v0;
	_ =	sdelay $0x1  }
0x271: {  	v0 =	vadd.f32 v1, v0  }
0x272: {  	s31 =	sadd.s32 $0x10, s25  }
0x273: {  	[tilespmem:s31+$0x0] =	vst v0  }
0x274: {  	[tilespmem:s18], [sflag:$0x1] =	stream.strided.gather [hbm4b:s6+s16], $0x8000, s17, s16, $0x38;
	[tilespmem:$0xCC80] =	vst v63  }
0x275: {  	s26 =	simm.s32 $0x0;
	_ =	swait.ge [sflag:s15], $0x8000  }
0x276: {  	s25 =	sand.u32 $0x1C00, s26;
	s31 =	sand.u32 $0x70, s26;
	[sflag:s15] =	ssyncset.done $0x0  }
0x277: {  	s25 =	sor.u32 s31, s25;
	[sflag:s15] =	ssyncadd.s32 $0xFFFF8000  }
0x278: {  	v0 =	vld [tilespmem:s25+$0x4000];
	_ =	sdelay $0x1  }
0x279: {  	v1 =	vld [tilespmem:s25+$0x4080];
	_ =	sdelay $0x1  }
0x27a: {  	v2 =	vld [tilespmem:s25+$0x4100]  }
0x27b: {  	v0 =	vadd.f32 $0.0e+00, v0  }
0x27c: {  	v3 =	vld [tilespmem:s25+$0x4180]  }
0x27d: {  	v0 =	vadd.f32 v1, v0  }
0x27e: {  	v1 =	vld [tilespmem:s25+$0x4200]  }
0x27f: {  	v0 =	vadd.f32 v2, v0  }
0x280: {  	v2 =	vld [tilespmem:s25+$0x4280]  }
0x281: {  	v0 =	vadd.f32 v3, v0  }
0x282: {  	v3 =	vld [tilespmem:s25+$0x4300]  }
0x283: {  	v0 =	vadd.f32 v1, v0  }
0x284: {  	v1 =	vld [tilespmem:s25+$0x4380]  }
0x285: {  	v0 =	vadd.f32 v2, v0  }
0x286: {  	v2 =	vld [tilespmem:s25+$0x6000]  }
0x287: {  	v0 =	vadd.f32 v3, v0  }
0x288: {  	v3 =	vld [tilespmem:s25+$0x6080]  }
0x289: {  	v0 =	vadd.f32 v1, v0  }
0x28a: {  	v1 =	vld [tilespmem:s25+$0x6100]  }
0x28b: {  	v0 =	vadd.f32 v2, v0  }
0x28c: {  	v2 =	vld [tilespmem:s25+$0x6180]  }
0x28d: {  	v0 =	vadd.f32 v3, v0  }
0x28e: {  	v3 =	vld [tilespmem:s25+$0x6200]  }
0x28f: {  	v0 =	vadd.f32 v1, v0  }
0x290: {  	v1 =	vld [tilespmem:s25+$0x6280]  }
0x291: {  	v0 =	vadd.f32 v2, v0  }
0x292: {  	v2 =	vld [tilespmem:s25+$0x6300]  }
0x293: {  	v0 =	vadd.f32 v3, v0  }
0x294: {  	v3 =	vld [tilespmem:s25+$0x6380]  }
0x295: {  	v0 =	vadd.f32 v1, v0  }
0x296: {  	v1 =	vld [tilespmem:s25+$0x8000]  }
0x297: {  	v0 =	vadd.f32 v2, v0  }
0x298: {  	v2 =	vld [tilespmem:s25+$0x8080]  }
0x299: {  	v0 =	vadd.f32 v3, v0  }
0x29a: {  	v3 =	vld [tilespmem:s25+$0x8100]  }
0x29b: {  	v0 =	vadd.f32 v1, v0  }
0x29c: {  	v1 =	vld [tilespmem:s25+$0x8180]  }
0x29d: {  	v0 =	vadd.f32 v2, v0  }
0x29e: {  	v2 =	vld [tilespmem:s25+$0x8200]  }
0x29f: {  	v0 =	vadd.f32 v3, v0  }
0x2a0: {  	v3 =	vld [tilespmem:s25+$0x8280]  }
0x2a1: {  	v0 =	vadd.f32 v1, v0  }
0x2a2: {  	v1 =	vld [tilespmem:s25+$0x8300]  }
0x2a3: {  	v0 =	vadd.f32 v2, v0  }
0x2a4: {  	v2 =	vld [tilespmem:s25+$0x8380]  }
0x2a5: {  	v0 =	vadd.f32 v3, v0  }
0x2a6: {  	v3 =	vld [tilespmem:s25+$0xA000]  }
0x2a7: {  	v0 =	vadd.f32 v1, v0  }
0x2a8: {  	v1 =	vld [tilespmem:s25+$0xA080]  }
0x2a9: {  	v0 =	vadd.f32 v2, v0  }
0x2aa: {  	v2 =	vld [tilespmem:s25+$0xA100]  }
0x2ab: {  	v0 =	vadd.f32 v3, v0  }
0x2ac: {  	v3 =	vld [tilespmem:s25+$0xA180]  }
0x2ad: {  	v0 =	vadd.f32 v1, v0  }
0x2ae: {  	v1 =	vld [tilespmem:s25+$0xA200]  }
0x2af: {  	v0 =	vadd.f32 v2, v0  }
0x2b0: {  	v2 =	vld [tilespmem:s25+$0xA280]  }
0x2b1: {  	v0 =	vadd.f32 v3, v0  }
0x2b2: {  	v3 =	vld [tilespmem:s25+$0xA300]  }
0x2b3: {  	v0 =	vadd.f32 v1, v0  }
0x2b4: {  	v1 =	vld [tilespmem:s25+$0xA380]  }
0x2b5: {  	v0 =	vadd.f32 v2, v0;
	_ =	sdelay $0x1  }
0x2b6: {  	v0 =	vadd.f32 v3, v0  }
0x2b7: {  	s28 =	simm.s32 $0x10  }
0x2b8: {  	s29 =	sand.u32 $0x70, s28;
	s26 =	simm.s32 $0x80;
	v0 =	vadd.f32 v1, v0  }
0x2b9: {  	s28 =	simm.s32 $0x20;
	s30 =	sand.u32 $0x1C00, s26;
	s25 =	simm.s32 $0xC800  }
.LBB2_8:
0x2ba: {  	p0 =	sne.s32 s28, $0x3F0;
	s29 =	sor.u32 s29, s30;
	[tilespmem:s25+$0x0] =	vst v0  }
0x2bb: {  	v0 =	vld [tilespmem:s29+$0x4000];
	_ =	sdelay $0x1  }
0x2bc: {  	v1 =	vld [tilespmem:s29+$0x4080];
	_ =	sdelay $0x1  }
0x2bd: {  	v2 =	vld [tilespmem:s29+$0x4100]  }
0x2be: {  	v0 =	vadd.f32 $0.0e+00, v0  }
0x2bf: {  	v3 =	vld [tilespmem:s29+$0x4180]  }
0x2c0: {  	v0 =	vadd.f32 v1, v0  }
0x2c1: {  	v1 =	vld [tilespmem:s29+$0x4200]  }
0x2c2: {  	v0 =	vadd.f32 v2, v0  }
0x2c3: {  	v2 =	vld [tilespmem:s29+$0x4280]  }
0x2c4: {  	v0 =	vadd.f32 v3, v0  }
0x2c5: {  	v3 =	vld [tilespmem:s29+$0x4300]  }
0x2c6: {  	v0 =	vadd.f32 v1, v0  }
0x2c7: {  	v1 =	vld [tilespmem:s29+$0x4380]  }
0x2c8: {  	v0 =	vadd.f32 v2, v0  }
0x2c9: {  	v2 =	vld [tilespmem:s29+$0x6000]  }
0x2ca: {  	v0 =	vadd.f32 v3, v0  }
0x2cb: {  	v3 =	vld [tilespmem:s29+$0x6080]  }
0x2cc: {  	v0 =	vadd.f32 v1, v0  }
0x2cd: {  	v1 =	vld [tilespmem:s29+$0x6100]  }
0x2ce: {  	v0 =	vadd.f32 v2, v0  }
0x2cf: {  	v2 =	vld [tilespmem:s29+$0x6180]  }
0x2d0: {  	v0 =	vadd.f32 v3, v0  }
0x2d1: {  	v3 =	vld [tilespmem:s29+$0x6200]  }
0x2d2: {  	v0 =	vadd.f32 v1, v0  }
0x2d3: {  	v1 =	vld [tilespmem:s29+$0x6280]  }
0x2d4: {  	v0 =	vadd.f32 v2, v0  }
0x2d5: {  	v2 =	vld [tilespmem:s29+$0x6300]  }
0x2d6: {  	v0 =	vadd.f32 v3, v0  }
0x2d7: {  	v3 =	vld [tilespmem:s29+$0x6380]  }
0x2d8: {  	v0 =	vadd.f32 v1, v0  }
0x2d9: {  	v1 =	vld [tilespmem:s29+$0x8000]  }
0x2da: {  	v0 =	vadd.f32 v2, v0  }
0x2db: {  	v2 =	vld [tilespmem:s29+$0x8080]  }
0x2dc: {  	v0 =	vadd.f32 v3, v0  }
0x2dd: {  	v3 =	vld [tilespmem:s29+$0x8100]  }
0x2de: {  	v0 =	vadd.f32 v1, v0  }
0x2df: {  	v1 =	vld [tilespmem:s29+$0x8180]  }
0x2e0: {  	v0 =	vadd.f32 v2, v0  }
0x2e1: {  	v2 =	vld [tilespmem:s29+$0x8200]  }
0x2e2: {  	v0 =	vadd.f32 v3, v0  }
0x2e3: {  	v3 =	vld [tilespmem:s29+$0x8280]  }
0x2e4: {  	v0 =	vadd.f32 v1, v0  }
0x2e5: {  	v1 =	vld [tilespmem:s29+$0x8300]  }
0x2e6: {  	v0 =	vadd.f32 v2, v0  }
0x2e7: {  	v2 =	vld [tilespmem:s29+$0x8380]  }
0x2e8: {  	v0 =	vadd.f32 v3, v0  }
0x2e9: {  	v3 =	vld [tilespmem:s29+$0xA000]  }
0x2ea: {  	v0 =	vadd.f32 v1, v0  }
0x2eb: {  	v1 =	vld [tilespmem:s29+$0xA080]  }
0x2ec: {  	v0 =	vadd.f32 v2, v0  }
0x2ed: {  	v2 =	vld [tilespmem:s29+$0xA100]  }
0x2ee: {  	v0 =	vadd.f32 v3, v0  }
0x2ef: {  	v3 =	vld [tilespmem:s29+$0xA180]  }
0x2f0: {  	v0 =	vadd.f32 v1, v0  }
0x2f1: {  	v1 =	vld [tilespmem:s29+$0xA200]  }
0x2f2: {  	v0 =	vadd.f32 v2, v0  }
0x2f3: {  	v2 =	vld [tilespmem:s29+$0xA280]  }
0x2f4: {  	v0 =	vadd.f32 v3, v0  }
0x2f5: {  	v3 =	vld [tilespmem:s29+$0xA300]  }
0x2f6: {  	v0 =	vadd.f32 v1, v0  }
0x2f7: {  	v1 =	vld [tilespmem:s29+$0xA380]  }
0x2f8: {  	v0 =	vadd.f32 v2, v0  }
.Ltmp3:
0x2f9: {  	(pc) =	sbr.rel @p0 .LBB2_8-.Ltmp3, $3  }
0x2fa: {  	v0 =	vadd.f32 v3, v0;
	_ =	sdelay $0x1  }
0x2fb: {  	s26 =	sadd.s32 $0x80, s26;
	s25 =	sadd.s32 $0x10, s25;
	v0 =	vadd.f32 v1, v0  }
0x2fc: {  	s30 =	sand.u32 $0x1C00, s26;
	s29 =	sand.u32 $0x70, s28;
	s28 =	sadd.s32 $0x10, s28  }
0x2fd: {  	s26 =	sor.u32 s29, s30;
	[tilespmem:s25+$0x0] =	vst v0  }
0x2fe: {  	v0 =	vld [tilespmem:s26+$0x4000];
	_ =	sdelay $0x1  }
0x2ff: {  	v1 =	vld [tilespmem:s26+$0x4080];
	_ =	sdelay $0x1  }
0x300: {  	v2 =	vld [tilespmem:s26+$0x4100]  }
0x301: {  	v0 =	vadd.f32 $0.0e+00, v0  }
0x302: {  	v3 =	vld [tilespmem:s26+$0x4180]  }
0x303: {  	v0 =	vadd.f32 v1, v0  }
0x304: {  	v1 =	vld [tilespmem:s26+$0x4200]  }
0x305: {  	v0 =	vadd.f32 v2, v0  }
0x306: {  	v2 =	vld [tilespmem:s26+$0x4280]  }
0x307: {  	v0 =	vadd.f32 v3, v0  }
0x308: {  	v3 =	vld [tilespmem:s26+$0x4300]  }
0x309: {  	v0 =	vadd.f32 v1, v0  }
0x30a: {  	v1 =	vld [tilespmem:s26+$0x4380]  }
0x30b: {  	v0 =	vadd.f32 v2, v0  }
0x30c: {  	v2 =	vld [tilespmem:s26+$0x6000]  }
0x30d: {  	v0 =	vadd.f32 v3, v0  }
0x30e: {  	v3 =	vld [tilespmem:s26+$0x6080]  }
0x30f: {  	v0 =	vadd.f32 v1, v0  }
0x310: {  	v1 =	vld [tilespmem:s26+$0x6100]  }
0x311: {  	v0 =	vadd.f32 v2, v0  }
0x312: {  	v2 =	vld [tilespmem:s26+$0x6180]  }
0x313: {  	v0 =	vadd.f32 v3, v0  }
0x314: {  	v3 =	vld [tilespmem:s26+$0x6200]  }
0x315: {  	v0 =	vadd.f32 v1, v0  }
0x316: {  	v1 =	vld [tilespmem:s26+$0x6280]  }
0x317: {  	v0 =	vadd.f32 v2, v0  }
0x318: {  	v2 =	vld [tilespmem:s26+$0x6300]  }
0x319: {  	v0 =	vadd.f32 v3, v0  }
0x31a: {  	v3 =	vld [tilespmem:s26+$0x6380]  }
0x31b: {  	v0 =	vadd.f32 v1, v0  }
0x31c: {  	v1 =	vld [tilespmem:s26+$0x8000]  }
0x31d: {  	v0 =	vadd.f32 v2, v0  }
0x31e: {  	v2 =	vld [tilespmem:s26+$0x8080]  }
0x31f: {  	v0 =	vadd.f32 v3, v0  }
0x320: {  	v3 =	vld [tilespmem:s26+$0x8100]  }
0x321: {  	v0 =	vadd.f32 v1, v0  }
0x322: {  	v1 =	vld [tilespmem:s26+$0x8180]  }
0x323: {  	v0 =	vadd.f32 v2, v0  }
0x324: {  	v2 =	vld [tilespmem:s26+$0x8200]  }
0x325: {  	v0 =	vadd.f32 v3, v0  }
0x326: {  	v3 =	vld [tilespmem:s26+$0x8280]  }
0x327: {  	v0 =	vadd.f32 v1, v0  }
0x328: {  	v1 =	vld [tilespmem:s26+$0x8300]  }
0x329: {  	v0 =	vadd.f32 v2, v0  }
0x32a: {  	v2 =	vld [tilespmem:s26+$0x8380]  }
0x32b: {  	v0 =	vadd.f32 v3, v0  }
0x32c: {  	v3 =	vld [tilespmem:s26+$0xA000]  }
0x32d: {  	v0 =	vadd.f32 v1, v0  }
0x32e: {  	v1 =	vld [tilespmem:s26+$0xA080]  }
0x32f: {  	v0 =	vadd.f32 v2, v0  }
0x330: {  	v2 =	vld [tilespmem:s26+$0xA100]  }
0x331: {  	v0 =	vadd.f32 v3, v0  }
0x332: {  	v3 =	vld [tilespmem:s26+$0xA180]  }
0x333: {  	v0 =	vadd.f32 v1, v0  }
0x334: {  	v1 =	vld [tilespmem:s26+$0xA200]  }
0x335: {  	v0 =	vadd.f32 v2, v0  }
0x336: {  	v2 =	vld [tilespmem:s26+$0xA280]  }
0x337: {  	v0 =	vadd.f32 v3, v0  }
0x338: {  	v3 =	vld [tilespmem:s26+$0xA300]  }
0x339: {  	v0 =	vadd.f32 v1, v0  }
0x33a: {  	v1 =	vld [tilespmem:s26+$0xA380]  }
0x33b: {  	v0 =	vadd.f32 v2, v0;
	_ =	sdelay $0x1  }
0x33c: {  	v0 =	vadd.f32 v3, v0;
	_ =	sdelay $0x1  }
0x33d: {  	v0 =	vadd.f32 v1, v0  }
0x33e: {  	s29 =	sadd.s32 $0x10, s25  }
0x33f: {  	s30 =	simm.s32 $0x0;
	[tilespmem:s29+$0x0] =	vst v0  }
0x340: {  	[hbm4b:s7+s30] =	stream.linear.scatter [tilespmem:s19], [sflag:$0x1], $0x200, $0x38;
	[tilespmem:$0xCC80] =	vst v63  }
0x341: {  	_ =	swait.ge [sflag:s15], $0x200  }
0x342: {  	[sflag:s15] =	ssyncset.done $0x0  }
0x343: {  	[sflag:s15] =	ssyncadd.s32 $0xFFFFFE00  }
0x344: {  	[hbm4b:s8+s30] =	stream.linear.scatter [tilespmem:s20], [sflag:$0x1], $0x200, $0x38;
	[tilespmem:$0xCC80] =	vst v63  }
0x345: {  	_ =	swait.ge [sflag:s15], $0x200  }
0x346: {  	[sflag:s15] =	ssyncset.done $0x0  }
0x347: {  	[sflag:s15] =	ssyncadd.s32 $0xFFFFFE00  }
0x348: {  	[hbm4b:s9+s30] =	stream.linear.scatter [tilespmem:s21], [sflag:$0x1], $0x400, $0x38;
	[tilespmem:$0xCC80] =	vst v63  }
0x349: {  	_ =	swait.ge [sflag:s15], $0x400  }
0x34a: {  	[sflag:s15] =	ssyncset.done $0x0  }
0x34b: {  	[sflag:s15] =	ssyncadd.s32 $0xFFFFFC00  }
0x34c: {  	[hbm4b:s10+s30] =	stream.linear.scatter [tilespmem:s22], [sflag:$0x1], $0x400, $0x38;
	[tilespmem:$0xCC80] =	vst v63  }
0x34d: {  	_ =	swait.ge [sflag:s15], $0x400  }
0x34e: {  	[sflag:s15] =	ssyncset.done $0x0  }
0x34f: {  	[sflag:s15] =	ssyncadd.s32 $0xFFFFFC00  }
0x350: {  	v0 =	vld [tilespmem:$0xC000];
	_ =	sdelay $0x1  }
0x351: {  	v1 =	vld [tilespmem:$0xC010];
	_ =	sdelay $0x1  }
0x352: {  	v2 =	vld [tilespmem:$0xC020]  }
0x353: {  	v0 =	vadd.f32 $0.0e+00, v0  }
0x354: {  	v3 =	vld [tilespmem:$0xC030]  }
0x355: {  	v0 =	vadd.f32 v1, v0  }
0x356: {  	v1 =	vld [tilespmem:$0xC040]  }
0x357: {  	v0 =	vadd.f32 v2, v0  }
0x358: {  	v2 =	vld [tilespmem:$0xC050]  }
0x359: {  	v0 =	vadd.f32 v3, v0  }
0x35a: {  	v3 =	vld [tilespmem:$0xC060]  }
0x35b: {  	v0 =	vadd.f32 v1, v0  }
0x35c: {  	v1 =	vld [tilespmem:$0xC070]  }
0x35d: {  	v0 =	vadd.f32 v2, v0  }
0x35e: {  	v2 =	vld [tilespmem:$0xC080]  }
0x35f: {  	v0 =	vadd.f32 v3, v0  }
0x360: {  	v3 =	vld [tilespmem:$0xC090]  }
0x361: {  	v0 =	vadd.f32 v1, v0  }
0x362: {  	v1 =	vld [tilespmem:$0xC0A0]  }
0x363: {  	v0 =	vadd.f32 v2, v0  }
0x364: {  	v2 =	vld [tilespmem:$0xC0B0]  }
0x365: {  	v0 =	vadd.f32 v3, v0  }
0x366: {  	v3 =	vld [tilespmem:$0xC0C0]  }
0x367: {  	v0 =	vadd.f32 v1, v0  }
0x368: {  	v1 =	vld [tilespmem:$0xC0D0]  }
0x369: {  	v0 =	vadd.f32 v2, v0  }
0x36a: {  	v2 =	vld [tilespmem:$0xC0E0]  }
0x36b: {  	v0 =	vadd.f32 v3, v0  }
0x36c: {  	v3 =	vld [tilespmem:$0xC0F0]  }
0x36d: {  	v0 =	vadd.f32 v1, v0  }
0x36e: {  	v1 =	vld [tilespmem:$0xC100]  }
0x36f: {  	v0 =	vadd.f32 v2, v0  }
0x370: {  	v2 =	vld [tilespmem:$0xC110]  }
0x371: {  	v0 =	vadd.f32 v3, v0  }
0x372: {  	v3 =	vld [tilespmem:$0xC120]  }
0x373: {  	v0 =	vadd.f32 v1, v0  }
0x374: {  	v1 =	vld [tilespmem:$0xC130]  }
0x375: {  	v0 =	vadd.f32 v2, v0  }
0x376: {  	v2 =	vld [tilespmem:$0xC140]  }
0x377: {  	v0 =	vadd.f32 v3, v0  }
0x378: {  	v3 =	vld [tilespmem:$0xC150]  }
0x379: {  	v0 =	vadd.f32 v1, v0  }
0x37a: {  	v1 =	vld [tilespmem:$0xC160]  }
0x37b: {  	v0 =	vadd.f32 v2, v0  }
0x37c: {  	v2 =	vld [tilespmem:$0xC170]  }
0x37d: {  	v0 =	vadd.f32 v3, v0  }
0x37e: {  	v3 =	vld [tilespmem:$0xC180]  }
0x37f: {  	v0 =	vadd.f32 v1, v0  }
0x380: {  	v1 =	vld [tilespmem:$0xC190]  }
0x381: {  	v0 =	vadd.f32 v2, v0  }
0x382: {  	v2 =	vld [tilespmem:$0xC1A0]  }
0x383: {  	v0 =	vadd.f32 v3, v0  }
0x384: {  	v3 =	vld [tilespmem:$0xC1B0]  }
0x385: {  	v0 =	vadd.f32 v1, v0  }
0x386: {  	v1 =	vld [tilespmem:$0xC1C0]  }
0x387: {  	v0 =	vadd.f32 v2, v0  }
0x388: {  	v2 =	vld [tilespmem:$0xC1D0]  }
0x389: {  	v0 =	vadd.f32 v3, v0  }
0x38a: {  	v3 =	vld [tilespmem:$0xC1E0]  }
0x38b: {  	v0 =	vadd.f32 v1, v0  }
0x38c: {  	v1 =	vld [tilespmem:$0xC1F0]  }
0x38d: {  	v0 =	vadd.f32 v2, v0;
	_ =	sdelay $0x1  }
0x38e: {  	v0 =	vadd.f32 v3, v0;
	_ =	sdelay $0x1  }
0x38f: {  	v0 =	vadd.f32 v1, v0;
	_ =	sdelay $0x1  }
0x390: {  	s31 =	simm.s32 $0x0;
	[tilespmem:$0xCC00] =	vst v0  }
0x391: {  	s25 =	simm.s32 $0x40;
	v0 =	vimm.f32 $0.0e+00;
	v1 =	vld [tilespmem:s31+$0xC400]  }
.LBB2_10:
0x392: {  	p0 =	sne.s32 s25, $0xFC0  }
.Ltmp4:
0x393: {  	_ = 	snop;
	(pc) =	sbr.rel @p0 .LBB2_10-.Ltmp4, $3  }
0x394: {  	_ =	sdelay $0x1  }
0x395: {  	s26 =	sshra.s32 s25, $0x2;
	s25 =	sadd.s32 $0x40, s25;
	v0 =	vadd.f32 v1, v0  }
0x396: {  	v1 =	vld [tilespmem:s26+$0xC400]  }
0x397: {  	_ =	sdelay $0x3  }
0x398: {  	s24 =	sadd.s32 $0x1, s24;
	v0 =	vadd.f32 v1, v0  }
0x399: {  	p0 =	sne.s32 s24, s12  }
.Ltmp5:
0x39a: {  	[tilespmem:$0xCC10] =	vst v0;
	(pc) =	sbr.rel @p0 .LBB2_1-.Ltmp5, $4  }
0x39b: {  	[hbm4b:s11+s2] =	stream.linear.scatter [tilespmem:s23], [sflag:$0x1], $0x80, $0x38;
	[tilespmem:$0xCC80] =	vst v63  }
0x39c: {  	_ =	swait.ge [sflag:s15], $0x80  }
0x39d: {  	[sflag:s15] =	ssyncset.done $0x0  }
0x39e: {  	[sflag:s15] =	ssyncadd.s32 $0xFFFFFF80  }
0x39f: {  	_ =	sfence.sel $0x180000  }
0x3a0: {  	[bflag:$0x0] =	sbarrier.arrive $0xFFFF  }
0x3a1: {  	p0 =	sne.s32 s1, $0x0;
	_ =	strace $0x9000004A  }
0x3a2: {  	s0 =	sadd.s32 @!p0 $0x100000, s0;
	[bflag:$0x2] =	sbarrier.arrive $0xFFFF  }
0x3a3: {  	[sflag:s0] =	ssyncadd.tile.s32 @!p0 $0x1;
	_ =	shalt  }
.Lfunc_end2:
_tile_overlayer_lowered:
.L_overlay_start_2:
0x3a4: {  	(tag) =	ssettag $0x2  }
0x3a5: {  	s0 =	rddreg [dreg:$0x0];
	s2 =	stileid.u32  }
0x3a6: {  	s1 =	rddreg [dreg:$0x1];
	p0 =	sne.s32 s2, $0x0  }
0x3a7: {  	s3 =	rddreg [dreg:$0x2];
	[bflag:$0x3] =	sbarrier.arrive $0xFFFF;
	s2 =	simm.s32 @!p0 $0x1C01  }
0x3a8: {  	[timem:s3], [sflag:s2] =	dma.local @!p0 [hbm:s0], s1  }
0x3a9: {  	s0 =	simm.s32 @!p0 $0x1  }
0x3aa: {  	_ =	swait.ge @!p0 [sflag:s0], s1  }
0x3ab: {  	s1 =	ssub.s32 @!p0 $0x0, s1;
	[sflag:s0] =	ssyncset.done @!p0 $0x0  }
0x3ac: {  	[sflag:s0] =	ssyncadd.s32 @!p0 s1  }
0x3ad: {  	[bflag:$0x3] =	sbarrier.arrive $0xFFFF  }
0x3ae: {  	_ =	shalt  }

// kernel: kernel.13.cloned.1.call-start
scs
__scs_entry_jumppad:
0x0: {  	(pc) =	sbr.rel $0x88, $3  }
0x1: {  	(tag) =	ssettag $0x0;
	lr =	simm.s32 $0x1  }
0x2: {  	[smem:$0x3F9F] =	sst lr;
	_ =	strace $0xD0000000  }
0x3: {  	_ = 	snop  }
0x4: {  	_ = 	snop  }
0x5: {  	_ = 	snop  }
0x6: {  	_ = 	snop  }
0x7: {  	_ = 	snop  }
__scs_overlays_trampoline_lowered:
0x8: {  	[smem:$0x3FAE] =	sst s0  }
0x9: {  	[smem:$0x3FAF] =	sst s1  }
0xa: {  	[smem:$0x3FB0] =	sst s2  }
0xb: {  	[smem:$0x3FB1] =	sst s3  }
0xc: {  	[smem:$0x3FB2] =	sst s4  }
0xd: {  	[smem:$0x3FB3] =	sst s5  }
0xe: {  	[smem:$0x3FB4] =	sst s6  }
0xf: {  	[smem:$0x3FB5] =	sst s7  }
0x10: {  	[smem:$0x3FB6] =	sst s8  }
0x11: {  	[smem:$0x3FB7] =	sst s9;
	s0 =	simm.s32 @!p0 $0x0  }
0x12: {  	s1 =	sld [smem:$0x3F9D];
	s0 =	simm.s32 @p0 $0x1  }
0x13: {  	[smem:$0x3FB8] =	sst s0;
	s0 =	simm.s32 @!p1 $0x0  }
0x14: {  	s2 =	sld [smem:$0x3F9C];
	s0 =	simm.s32 @p1 $0x1  }
0x15: {  	[smem:$0x3FB9] =	sst s0;
	s0 =	simm.s32 @!p2 $0x0  }
0x16: {  	s3 =	sld [smem:$0x3FDB];
	s0 =	simm.s32 @p2 $0x1  }
0x17: {  	s4 =	simm.s32 $0x1BF5;
	[smem:$0x3FBB] =	sst s0  }
0x18: {  	s0 =	sld [smem:$0x3F9E];
	_ =	swait.ge [sflag:s4], $0x0  }
0x19: {  	s7 =	sld [smem:$0x3F9F]  }
0x1a: {  	s8 =	sadd.s32 $0xFFFFE003, lr  }
0x1b: {  	s9 =	sadd.s32 $0xFFFFFEF7, lr;
	s5 =	simm.s32 $0xFFFFFFFF;
	p2 =	slt.u32 s8, $0xFFFFF086  }
0x1c: {  	p1 =	slt.u32 s9, $0xF7A;
	s5 =	simm.s32 @!p2 $0x0  }
0x1d: {  	s5 =	simm.s32 @p1 $0x1;
	p0 =	seq.s32 s7, s2  }
0x1e: {  	s7 =	smul.u32 @!p0 $0xF7A, s2;
	p2 =	seq.s32 @!p0 s5, $0x0  }
0x1f: {  	s9 =	smul.u32 $0xF7A, s1;
	s8 =	simm.s32 @!p0 $0x1BF5;
	p2 =	por !p2, p0  }
0x20: {  	[sflag:s8] =	ssyncset.s32 @!p0 $0xFFFFF086;
	s6 =	sadd.s32 @!p0 s3, s7;
	s7 =	simm.s32 @!p0 $0x108  }
0x21: {  	s3 =	sadd.s32 s3, s9;
	s6 =	sadd.s32 @!p0 $0x88, s6;
	s7 =	simm.s32 @p2 $0x1082  }
0x22: {  	[simem:s7], [sflag:s8] =	dma.local @!p0 [hbm:s6], $0xF7A  }
0x23: {  	s9 =	sor.u32 $0xD0000000, s2;
	s6 =	simm.s32 $0x108;
	_ =	swait.ge @!p0 [sflag:s8], $0x0  }
0x24: {  	s3 =	sadd.s32 $0x88, s3;
	s6 =	simm.s32 @!p1 $0x1082;
	[sflag:s4] =	ssyncset.s32 $0xFFFFF086  }
0x25: {  	[simem:s6], [sflag:s4] =	dma.local [hbm:s3], $0xF7A  }
0x26: {  	[smem:$0x3F9F] =	sst s1;
	(tag) =	ssettag s2;
	_ =	strace s9  }
0x27: {  	s1 =	sld [smem:$0x3FAF]  }
0x28: {  	s2 =	sld [smem:$0x3FB0]  }
0x29: {  	s4 =	sld [smem:$0x3FB2]  }
0x2a: {  	p0 =	seq.s32 s5, $0x0;
	s5 =	sld [smem:$0x3FB3]  }
0x2b: {  	s6 =	sld [smem:$0x3FB4]  }
0x2c: {  	s7 =	sld [smem:$0x3FB5]  }
0x2d: {  	s3 =	simm.s32 $0x108;
	s8 =	sld [smem:$0x3FB6]  }
0x2e: {  	s3 =	simm.s32 @!p0 $0x1082;
	s9 =	sld [smem:$0x3FB7]  }
0x2f: {  	lr =	sadd.s32 s0, s3;
	s0 =	sld [smem:$0x3FAE]  }
0x30: {  	s3 =	sld [smem:$0x3FB1]  }
0x31: {  	[smem:$0x3FBA] =	sst s10  }
0x32: {  	s10 =	sld [smem:$0x3FB8];
	_ =	sdelay $0x3  }
0x33: {  	p0 =	seq.s32 s10, $0x1;
	s10 =	sld [smem:$0x3FBA];
	_ =	sdelay $0x3  }
0x34: {  	[smem:$0x3FBA] =	sst s10  }
0x35: {  	s10 =	sld [smem:$0x3FB9];
	_ =	sdelay $0x3  }
0x36: {  	p1 =	seq.s32 s10, $0x1;
	s10 =	sld [smem:$0x3FBA];
	_ =	sdelay $0x3  }
0x37: {  	[smem:$0x3FBA] =	sst s10  }
0x38: {  	s10 =	sld [smem:$0x3FBB]  }
0x39: {  	_ = 	snop;
	(pc) =	sbr.ind lr, $3  }
0x3a: {  	_ = 	snop  }
0x3b: {  	_ = 	snop  }
0x3c: {  	p2 =	seq.s32 s10, $0x1;
	s10 =	sld [smem:$0x3FBA]  }
0x3d: {  	_ =	shalt  }
0x3e: {  	_ =	shalt  }
0x3f: {  	_ =	shalt  }
0x40: {  	_ =	shalt  }
0x41: {  	_ =	shalt  }
0x42: {  	_ =	shalt  }
0x43: {  	_ =	shalt  }
0x44: {  	_ =	shalt  }
0x45: {  	_ =	shalt  }
0x46: {  	_ =	shalt  }
0x47: {  	_ =	shalt  }
0x48: {  	_ =	shalt  }
0x49: {  	_ =	shalt  }
0x4a: {  	_ =	shalt  }
0x4b: {  	_ =	shalt  }
0x4c: {  	_ =	shalt  }
0x4d: {  	_ =	shalt  }
0x4e: {  	_ =	shalt  }
0x4f: {  	_ =	shalt  }
0x50: {  	_ =	shalt  }
0x51: {  	_ =	shalt  }
0x52: {  	_ =	shalt  }
0x53: {  	_ =	shalt  }
0x54: {  	_ =	shalt  }
0x55: {  	_ =	shalt  }
0x56: {  	_ =	shalt  }
0x57: {  	_ =	shalt  }
0x58: {  	_ =	shalt  }
0x59: {  	_ =	shalt  }
0x5a: {  	_ =	shalt  }
0x5b: {  	_ =	shalt  }
0x5c: {  	_ =	shalt  }
0x5d: {  	_ =	shalt  }
0x5e: {  	_ =	shalt  }
0x5f: {  	_ =	shalt  }
0x60: {  	_ =	shalt  }
0x61: {  	_ =	shalt  }
0x62: {  	_ =	shalt  }
0x63: {  	_ =	shalt  }
0x64: {  	_ =	shalt  }
0x65: {  	_ =	shalt  }
0x66: {  	_ =	shalt  }
0x67: {  	_ =	shalt  }
0x68: {  	_ =	shalt  }
0x69: {  	_ =	shalt  }
0x6a: {  	_ =	shalt  }
0x6b: {  	_ =	shalt  }
0x6c: {  	_ =	shalt  }
0x6d: {  	_ =	shalt  }
0x6e: {  	_ =	shalt  }
0x6f: {  	_ =	shalt  }
0x70: {  	_ =	shalt  }
0x71: {  	_ =	shalt  }
0x72: {  	_ =	shalt  }
0x73: {  	_ =	shalt  }
0x74: {  	_ =	shalt  }
0x75: {  	_ =	shalt  }
0x76: {  	_ =	shalt  }
0x77: {  	_ =	shalt  }
0x78: {  	_ =	shalt  }
0x79: {  	_ =	shalt  }
0x7a: {  	_ =	shalt  }
0x7b: {  	_ =	shalt  }
0x7c: {  	_ =	shalt  }
0x7d: {  	_ =	shalt  }
0x7e: {  	_ =	shalt  }
0x7f: {  	_ =	shalt  }
0x80: {  	_ =	shalt  }
0x81: {  	_ =	shalt  }
0x82: {  	_ =	shalt  }
0x83: {  	_ =	shalt  }
0x84: {  	_ =	shalt  }
0x85: {  	_ =	shalt  }
0x86: {  	_ =	shalt  }
0x87: {  	_ =	shalt  }
.Lfunc_end0:
.L_simem_size_0:
called_computation.2_lowered:
.L_overlay_start_0:
0x88: {  	s2 =	sld [smem:$0x3FD9]  }
0x89: {  	s3 =	sld [smem:$0x3FFE];
	_ =	sdelay $0x1  }
0x8a: {  	s1 =	srdreg.scid  }
0x8b: {  	s0 =	sand.u32 $0x1, s1  }
0x8c: {  	s16 =	sshll.u32 s0, $0xA;
	s2 =	sadd.s32 s3, s2  }
0x8d: {  	s2 =	sadd.s32 s2, s16  }
0x8e: {  	[smem:$0x3FC6] =	sst s2  }
0x8f: {  	_ = 	snop  }
0x90: {  	(tm) =	ssettm $0x1  }
0x91: {  	s17 =	sld [smem:$0x3FFB];
	_ =	sdelay $0x3  }
0x92: {  	_ =	strace s17  }
0x93: {  	s2 =	sld [smem:$0x3FFC];
	_ =	sdelay $0x3  }
0x94: {  	_ =	strace s2  }
0x95: {  	s2 =	sld [smem:$0x3FFD];
	_ =	sdelay $0x3  }
0x96: {  	_ =	strace s2  }
0x97: {  	_ =	strace $0x8FFFFFFF  }
0x98: {  	s18 =	sld [smem:$0x3FDB];
	_ =	sdelay $0x1  }
0x99: {  	s19 =	simm.s32 $_scs_section_size  }
0x9a: {  	s4 =	simm.s32 $_size__tile_overlayer_lowered;
	s5 =	simm.s32 $_tile_overlayer_lowered  }
0x9b: {  	s22 =	simm.s32 $0x1BFF;
	s21 =	sshll.u32 s5, $0x1;
	s2 =	sadd.s32 s19, s18  }
0x9c: {  	s6 =	simm.s32 $0x0;
	s20 =	sshll.u32 s4, $0x1;
	s4 =	sadd.s32 s21, s2  }
0x9d: {  	[timem:s6], [sflag:s22] =	dma.local [hbm:s4], s20  }
0x9e: {  	_ =	swait.ge [sflag:s22], s20  }
0x9f: {  	s3 =	ssub.s32 $0x0, s20;
	[sflag:s22] =	ssyncset.done $0x0  }
0xa0: {  	[sflag:s22] =	ssyncadd.s32 s3;
	_ =	sdelay $0x1  }
0xa1: {  	s23 =	simm.s32 $0x1B8B  }
0xa2: {  	_ =	swait.ge [sflag:s23], $0x1  }
0xa3: {  	[sflag:s23] =	ssyncset.done $0x0  }
0xa4: {  	s25 =	simm.s32 $0x1B8E;
	s24 =	sld [smem:$0x3FFE];
	[sflag:s23] =	ssyncadd.s32 $0xFFFFFFFF  }
0xa5: {  	s26 =	simm.s32 $execute0_lowered;
	[smem:$0x3FD2] =	sst s25  }
0xa6: {  	s4 =	sshll.u32 s26, $0x1;
	_ =	strace $0x8000004C;
	[dreg:$0x1] =	wrdreg $0xFFFFFFFF  }
0xa7: {  	s28 =	simm.s32 $_size_execute0_lowered;
	s2 =	sadd.s32 s2, s4;
	[dreg:$0x0] =	wrdreg $0x0  }
0xa8: {  	s4 =	sshll.u32 s28, $0x1;
	[dreg:$0x2] =	wrdreg s2  }
0xa9: {  	[dreg:$0x3] =	wrdreg s4  }
0xaa: {  	[dreg:$0x4] =	wrdreg $0xC0  }
0xab: {  	_ =	task [dreg:s6], $0x5FFFF  }
0xac: {  	[dreg:$0x1] =	wrdreg $0xFFFFFFFF  }
0xad: {  	[dreg:$0x0] =	wrdreg $0x60  }
0xae: {  	[dreg:$0x2] =	wrdreg s24  }
0xaf: {  	[dreg:$0x3] =	wrdreg $0x9  }
0xb0: {  	_ =	task.clear_ibuf [dreg:s6], $0x4FFFF;
	_ =	strace $0x9000004C  }
0xb1: {  	s29 =	simm.s32 $0x9;
	_ =	strace $0x8000004E  }
0xb2: {  	_ =	swait.ge [sflag:s29], $0x1  }
0xb3: {  	[sflag:s29] =	ssyncadd.s32 $0xFFFFFFFF  }
0xb4: {  	_ =	strace $0x9000004E  }
0xb5: {  	_ =	sfence  }
0xb6: {  	s30 =	sld [smem:$0x0];
	_ =	sdelay $0x2  }
0xb7: {  	s31 =	sshll.u32 s1, $0xD;
	s1 =	sshrl.u32 s1, $0x2  }
0xb8: {  	s3 =	sand.u32 $0x4000, s31;
	s1 =	sadd.s32 s1, s30  }
0xb9: {  	s0 =	sor.u32 s3, s0;
	s1 =	sshll.u32 s1, $0x11  }
0xba: {  	s0 =	sor.u32 s1, s0  }
0xbb: {  	s0 =	sadd.s32 $0x8F2B, s0  }
0xbc: {  	[sflag:s0] =	ssyncadd.remote.s32 $0x1  }
0xbd: {  	_ =	sfence.sel $0xFFFF  }
0xbe: {  	[dreg:$0x0] =	wrdreg $0xFFFFFFFF;
	(pc) =	sbr.abs _section_cstart, $3  }
0xbf: {  	[dreg:$0x1] =	wrdreg $0xFFFFFFFF  }
0xc0: {  	_ =	task.clear_ibuf [dreg:s6], $0x2FFFF;
	_ =	strace $0x9FFFFFFF  }
0xc1: {  	(tm) =	ssettm $0x7FFFFFFF  }
tec
execute0_lowered:
.L_overlay_start_1:
0x0: {  	(tag) =	ssettag $0x1  }
0x1: {  	s0 =	srdreg.scid  }
0x2: {  	s4 =	stileid.u32;
	s17 =	simm.f32 $0.0e+00;
	s2 =	simm.f32 $1.000000000e+00  }
0x3: {  	s28 =	simm.f32 $1.000000000e+00;
	s30 =	simm.f32 $1.000000000e+00;
	s29 =	simm.f32 $1.000000000e+00  }
0x4: {  	s31 =	simm.f32 $1.000000000e+00;
	s25 =	simm.f32 $1.000000000e+00;
	s24 =	simm.f32 $1.000000000e+00  }
0x5: {  	s23 =	simm.f32 $1.000000000e+00;
	s21 =	simm.f32 $1.000000000e+00;
	s22 =	simm.f32 $1.000000000e+00  }
0x6: {  	s19 =	simm.f32 $1.000000000e+00;
	s20 =	simm.f32 $1.000000000e+00;
	s15 =	simm.f32 $1.000000000e+00  }
0x7: {  	s16 =	simm.f32 $1.000000000e+00;
	s14 =	simm.f32 $1.000000000e+00;
	s12 =	simm.f32 $1.000000000e+00  }
0x8: {  	s18 =	rddreg [dreg:$0x0];
	s0 =	sand.u32 $0x1, s0;
	s1 =	sshll.u32 s4, $0x1  }
0x9: {  	s3 =	sor.u32 s0, s1;
	s1 =	simm.f32 $0.0e+00;
	s0 =	ssub.s32 $0x2, s0  }
0xa: {  	p0 =	seq.s32 s3, $0x0;
	p1 =	sgt.u32 s3, $0x2;
	s13 =	sshrl.u32 s0, $0x1  }
0xb: {  	s26 =	sshll.u32 s3, $0x6;
	s5 =	sshll.u32 s3, $0x7;
	s17 =	simm.s32 @!p0 $0x3F800000  }
0xc: {  	p0 =	seq.s32 s4, $0x0;
	s2 =	simm.s32 @!p1 $0x0;
	p1 =	sgt.u32 s3, $0x4  }
0xd: {  	s11 =	ssub.s32 s0, s13;
	s6 =	sadd.s32 s26, s18;
	s8 =	sadd.s32 s5, s18  }
0xe: {  	s0 =	simm.f32 $1.000000000e+00;
	s13 =	simm.s32 $0x2;
	s1 =	simm.s32 @!p0 $0x3F800000  }
0xf: {  	[dreg:$0x3] =	wrdreg s2;
	p0 =	sgt.u32 s4, $0x1;
	s2 =	simm.f32 $1.000000000e+00  }
0x10: {  	s5 =	sadd.s32 $0x3C00, s6;
	s6 =	sadd.s32 $0x4400, s6;
	s7 =	sadd.s32 $0x4C00, s8  }
0x11: {  	s8 =	sadd.s32 $0x5C00, s8;
	s11 =	smax.u32 s11, $0x1;
	v46 =	vmov s17;
	s17 =	simm.s32 $0x1  }
0x12: {  	[dreg:$0x2] =	wrdreg s1;
	s1 =	simm.f32 $1.000000000e+00;
	s2 =	simm.s32 @!p0 $0x0  }
0x13: {  	p0 =	sgt.u32 s4, $0x2;
	[dreg:$0x5] =	wrdreg s2;
	s1 =	simm.s32 @!p1 $0x0  }
0x14: {  	p1 =	sgt.u32 s3, $0x6;
	s2 =	simm.f32 $1.000000000e+00;
	[dreg:$0x4] =	wrdreg s1  }
0x15: {  	s1 =	simm.f32 $1.000000000e+00;
	s2 =	simm.s32 @!p1 $0x0;
	p1 =	sgt.u32 s3, $0x8  }
0x16: {  	s1 =	simm.s32 @!p0 $0x0;
	[dreg:$0x7] =	wrdreg s2;
	p0 =	sgt.u32 s4, $0x3  }
0x17: {  	s2 =	simm.f32 $1.000000000e+00;
	[dreg:$0x6] =	wrdreg s1;
	s1 =	simm.f32 $1.000000000e+00  }
0x18: {  	s2 =	simm.s32 @!p1 $0x0;
	p1 =	sgt.u32 s3, $0xA;
	s1 =	simm.s32 @!p0 $0x0  }
0x19: {  	[dreg:$0x9] =	wrdreg s2;
	p0 =	sgt.u32 s4, $0x4;
	s2 =	simm.f32 $1.000000000e+00  }
0x1a: {  	[dreg:$0x8] =	wrdreg s1;
	s1 =	simm.f32 $1.000000000e+00;
	s2 =	simm.s32 @!p0 $0x0  }
0x1b: {  	p0 =	sgt.u32 s4, $0x5;
	[dreg:$0xb] =	wrdreg s2;
	s1 =	simm.s32 @!p1 $0x0  }
0x1c: {  	p1 =	sgt.u32 s3, $0xC;
	s2 =	simm.f32 $1.000000000e+00;
	[dreg:$0xa] =	wrdreg s1  }
0x1d: {  	s1 =	simm.f32 $1.000000000e+00;
	s2 =	simm.s32 @!p1 $0x0;
	p1 =	sgt.u32 s3, $0xE  }
0x1e: {  	s1 =	simm.s32 @!p0 $0x0;
	[dreg:$0xd] =	wrdreg s2;
	p0 =	sgt.u32 s4, $0x6  }
0x1f: {  	s28 =	simm.s32 @!p1 $0x0;
	p1 =	sgt.u32 s3, $0x10;
	s2 =	simm.f32 $1.000000000e+00  }
0x20: {  	[dreg:$0xc] =	wrdreg s1;
	s1 =	simm.f32 $1.000000000e+00;
	s29 =	simm.s32 @!p1 $0x0  }
0x21: {  	p1 =	sgt.u32 s3, $0x12;
	v50 =	vmov s28;
	s28 =	simm.s32 $0x1280;
	s1 =	simm.s32 @!p0 $0x0  }
0x22: {  	p0 =	sgt.u32 s4, $0x7;
	s25 =	simm.s32 @!p1 $0x0;
	p1 =	sgt.u32 s3, $0x14  }
0x23: {  	v47 =	vmov s29;
	s29 =	simm.s32 $0x1980;
	[dreg:$0xe] =	wrdreg s1;
	s30 =	simm.s32 @!p0 $0x0  }
0x24: {  	p0 =	sgt.u32 s4, $0x8;
	s23 =	simm.s32 @!p1 $0x0;
	p1 =	sgt.u32 s3, $0x16  }
0x25: {  	s1 =	simm.s32 $0x0;
	v44 =	vmov s25;
	s25 =	simm.s32 $0x1200;
	s31 =	simm.s32 @!p0 $0x0  }
0x26: {  	p0 =	sgt.u32 s4, $0x9;
	s22 =	simm.s32 @!p1 $0x0;
	[smem:$0x7FF] =	sst s1  }
0x27: {  	p1 =	sgt.u32 s3, $0x18;
	v42 =	vmov s23;
	s23 =	simm.s32 $0x1180;
	_ =	strace $0x8000004D  }
0x28: {  	v49 =	vmov s30;
	s30 =	simm.s32 $0x2A00;
	s24 =	simm.s32 @!p0 $0x0;
	s26 =	rddreg [dreg:$0x2]  }
0x29: {  	p0 =	sgt.u32 s4, $0xA;
	s20 =	simm.s32 @!p1 $0x0;
	v48 =	vmov s26;
	s26 =	rddreg [dreg:$0x3]  }
0x2a: {  	p1 =	sgt.u32 s3, $0x1A;
	v45 =	vmov s31;
	s31 =	simm.s32 $0x0;
	v51 =	vmov s26;
	s26 =	rddreg [dreg:$0x5]  }
0x2b: {  	s21 =	simm.s32 @!p0 $0x0;
	p0 =	sgt.u32 s4, $0xB;
	v55 =	vmov s26;
	s26 =	rddreg [dreg:$0x4]  }
0x2c: {  	s16 =	simm.s32 @!p1 $0x0;
	v43 =	vmov s24;
	s24 =	simm.s32 $0x1880;
	v60 =	vmov s26;
	s26 =	rddreg [dreg:$0x6]  }
0x2d: {  	s19 =	simm.s32 @!p0 $0x0;
	p0 =	sgt.u32 s4, $0xC;
	v56 =	vmov s26;
	s26 =	rddreg [dreg:$0x7]  }
0x2e: {  	v41 =	vmov s22;
	s15 =	simm.s32 @!p0 $0x0;
	p0 =	sgt.u32 s4, $0xD;
	v61 =	vmov s26;
	s26 =	rddreg [dreg:$0x8]  }
0x2f: {  	[tilespmem:$0x1FFA0] =	vst v41;
	v0 =	vmov s21;
	s14 =	simm.s32 @!p0 $0x0;
	p0 =	sgt.u32 s3, $0x1C;
	v57 =	vmov s26;
	s26 =	rddreg [dreg:$0x9]  }
0x30: {  	v37 =	vmov s16;
	[tilespmem:$0x1FF90] =	vst v0;
	s12 =	simm.s32 @!p0 $0x0;
	p0 =	seq.s32 s4, $0xF;
	v62 =	vmov s26;
	s26 =	rddreg [dreg:$0xb]  }
0x31: {  	[tilespmem:$0x1FFB0] =	vst v37;
	s4 =	sadd.s32 $0x6E00, s18;
	v36 =	vmov s14;
	s2 =	simm.s32 @!p0 $0x0;
	v58 =	vmov s26;
	s26 =	rddreg [dreg:$0xa]  }
0x32: {  	p0 =	seq.s32 s3, $0x1F;
	s3 =	sshll.u32 s3, $0x4;
	v35 =	vmov s12;
	[tilespmem:$0x1FFC0] =	vst v36;
	v59 =	vmov s26;
	s26 =	rddreg [dreg:$0xc]  }
0x33: {  	s10 =	sadd.s32 s3, s18;
	s0 =	simm.s32 @!p0 $0x0;
	v33 =	vmov s2;
	[tilespmem:$0x1FFD0] =	vst v35;
	v53 =	vmov s26;
	s26 =	rddreg [dreg:$0xd]  }
0x34: {  	v39 =	vmov s20;
	s3 =	sadd.s32 $0x6C00, s18;
	s18 =	simm.s32 $0x80;
	v34 =	vmov s0;
	[tilespmem:$0x1FFE0] =	vst v33;
	v54 =	vmov s26;
	s26 =	rddreg [dreg:$0xe]  }
0x35: {  	v40 =	vmov s19;
	v38 =	vmov s15;
	s9 =	sadd.s32 $0x6B000, s10;
	s10 =	sadd.s32 $0x6B200, s10;
	[tilespmem:$0x1FFF0] =	vst v34;
	v52 =	vmov s26;
	s26 =	simm.s32 $0x1900  }
.LBB2_1:
0x36: {  	s0 =	simm.s32 $0x1A00  }
0x37: {  	[tilespmem:s0], [sflag:$0x2] =	stream.linear.gather [hbm4b:s3+s1], $0x1000, $0x38;
	[tilespmem:$0x2A80] =	vst v63  }
0x38: {  	_ =	swait.ge [sflag:s13], $0x1000  }
0x39: {  	[sflag:s13] =	ssyncset.done $0x0  }
0x3a: {  	[sflag:s13] =	ssyncadd.s32 $0xFFFFF000  }
0x3b: {  	v0 =	vld [tilespmem:$0x1A00];
	_ =	sdelay $0x1  }
0x3c: {  	v1 =	vld [tilespmem:$0x1A80];
	_ =	sdelay $0x1  }
0x3d: {  	v2 =	vld [tilespmem:$0x1B00]  }
0x3e: {  	v0 =	vmul.f32 v0, v46  }
0x3f: {  	v3 =	vld [tilespmem:$0x1B80]  }
0x40: {  	v1 =	vmul.f32 v1, v48;
	v0 =	vadd.f32 $0.0e+00, v0  }
0x41: {  	v31 =	vld [tilespmem:$0x1C00]  }
0x42: {  	v0 =	vadd.f32 v1, v0;
	v1 =	vmul.f32 v2, v51  }
0x43: {  	v2 =	vld [tilespmem:$0x1C80]  }
0x44: {  	v0 =	vadd.f32 v1, v0;
	v1 =	vmul.f32 v3, v55  }
0x45: {  	v3 =	vld [tilespmem:$0x1D00]  }
0x46: {  	v0 =	vadd.f32 v1, v0;
	v1 =	vmul.f32 v31, v60  }
0x47: {  	v31 =	vld [tilespmem:$0x1D80]  }
0x48: {  	v0 =	vadd.f32 v1, v0;
	v1 =	vmul.f32 v2, v56  }
0x49: {  	v2 =	vld [tilespmem:$0x1E00]  }
0x4a: {  	v0 =	vadd.f32 v1, v0;
	v1 =	vmul.f32 v3, v61  }
0x4b: {  	v3 =	vld [tilespmem:$0x1E80]  }
0x4c: {  	v0 =	vadd.f32 v1, v0;
	v1 =	vmul.f32 v31, v57  }
0x4d: {  	v31 =	vld [tilespmem:$0x1F00]  }
0x4e: {  	v0 =	vadd.f32 v1, v0;
	v1 =	vmul.f32 v2, v62  }
0x4f: {  	v2 =	vld [tilespmem:$0x1F80]  }
0x50: {  	v0 =	vadd.f32 v1, v0;
	v1 =	vmul.f32 v3, v58  }
0x51: {  	v3 =	vld [tilespmem:$0x2000]  }
0x52: {  	v0 =	vadd.f32 v1, v0;
	v1 =	vmul.f32 v31, v59  }
0x53: {  	v31 =	vld [tilespmem:$0x2080]  }
0x54: {  	v0 =	vadd.f32 v1, v0;
	v1 =	vmul.f32 v2, v53  }
0x55: {  	v2 =	vld [tilespmem:$0x2100]  }
0x56: {  	v0 =	vadd.f32 v1, v0;
	v1 =	vmul.f32 v3, v54  }
0x57: {  	v3 =	vld [tilespmem:$0x2180]  }
0x58: {  	v0 =	vadd.f32 v1, v0;
	v1 =	vmul.f32 v31, v52  }
0x59: {  	v31 =	vld [tilespmem:$0x2200]  }
0x5a: {  	v0 =	vadd.f32 v1, v0;
	v1 =	vmul.f32 v2, v50  }
0x5b: {  	v2 =	vld [tilespmem:$0x2280]  }
0x5c: {  	v0 =	vadd.f32 v1, v0;
	v1 =	vmul.f32 v3, v49  }
0x5d: {  	v3 =	vld [tilespmem:$0x2300]  }
0x5e: {  	v0 =	vadd.f32 v1, v0;
	v1 =	vmul.f32 v31, v47  }
0x5f: {  	v31 =	vld [tilespmem:$0x2380]  }
0x60: {  	v0 =	vadd.f32 v1, v0;
	v1 =	vmul.f32 v2, v45  }
0x61: {  	v2 =	vld [tilespmem:$0x2400]  }
0x62: {  	v0 =	vadd.f32 v1, v0;
	v1 =	vmul.f32 v3, v44;
	_ =	sdelay $0x1  }
0x63: {  	v0 =	vadd.f32 v1, v0;
	v1 =	vmul.f32 v31, v43;
	_ =	sdelay $0x1  }
0x64: {  	v0 =	vadd.f32 v1, v0;
	v1 =	vmul.f32 v2, v42  }
0x65: {  	v3 =	vld [tilespmem:$0x2480]  }
0x66: {  	v0 =	vadd.f32 v1, v0;
	v1 =	vld [tilespmem:$0x1FF90];
	_ =	sdelay $0x1  }
0x67: {  	v31 =	vld [tilespmem:$0x2500];
	_ =	sdelay $0x1  }
0x68: {  	v2 =	vld [tilespmem:$0x2580]  }
0x69: {  	v1 =	vmul.f32 v3, v1  }
0x6a: {  	v3 =	vld [tilespmem:$0x2600]  }
0x6b: {  	v0 =	vadd.f32 v1, v0;
	v1 =	vmul.f32 v31, v41  }
0x6c: {  	v31 =	vld [tilespmem:$0x2680]  }
0x6d: {  	v0 =	vadd.f32 v1, v0;
	v1 =	vmul.f32 v2, v40  }
0x6e: {  	v2 =	vld [tilespmem:$0x2700]  }
0x6f: {  	v0 =	vadd.f32 v1, v0;
	v1 =	vmul.f32 v3, v39  }
0x70: {  	v3 =	vld [tilespmem:$0x2780]  }
0x71: {  	v32 =	vld [tilespmem:$0x2910];
	v0 =	vadd.f32 v1, v0;
	v1 =	vmul.f32 v31, v38  }
0x72: {  	v31 =	vld [tilespmem:$0x2800]  }
0x73: {  	v7 =	vmov v46;
	v46 =	vld [tilespmem:$0x1A10];
	v0 =	vadd.f32 v1, v0;
	v1 =	vmul.f32 v2, v37  }
0x74: {  	v2 =	vld [tilespmem:$0x2880]  }
0x75: {  	v8 =	vmov v48;
	v48 =	vld [tilespmem:$0x1A90];
	v0 =	vadd.f32 v1, v0;
	v1 =	vmul.f32 v3, v36  }
0x76: {  	v3 =	vld [tilespmem:$0x2900]  }
0x77: {  	v9 =	vmov v51;
	v51 =	vld [tilespmem:$0x1B10];
	v0 =	vadd.f32 v1, v0;
	v1 =	vmul.f32 v31, v35  }
0x78: {  	v31 =	vld [tilespmem:$0x2980]  }
0x79: {  	v10 =	vmov v55;
	v55 =	vld [tilespmem:$0x1B90];
	v0 =	vadd.f32 v1, v0;
	v1 =	vmul.f32 v2, v33  }
0x7a: {  	v11 =	vmov v60;
	v60 =	vld [tilespmem:$0x1C10]  }
0x7b: {  	v12 =	vmov v56;
	v56 =	vld [tilespmem:$0x1C90];
	v0 =	vadd.f32 v1, v0;
	v1 =	vmul.f32 v3, v34  }
0x7c: {  	v13 =	vmov v61;
	v61 =	vld [tilespmem:$0x1D10]  }
0x7d: {  	v14 =	vmov v57;
	v57 =	vld [tilespmem:$0x1D90];
	v0 =	vadd.f32 v1, v0;
	v1 =	vmul.f32 $0.0e+00, v31  }
0x7e: {  	v15 =	vmov v62;
	v62 =	vld [tilespmem:$0x1E10]  }
0x7f: {  	v16 =	vmov v58;
	v58 =	vld [tilespmem:$0x1E90];
	v0 =	vadd.f32 v1, v0  }
0x80: {  	v17 =	vmov v59;
	v59 =	vld [tilespmem:$0x1F10]  }
0x81: {  	v18 =	vmov v53;
	v53 =	vld [tilespmem:$0x1F90];
	(xrf2) =	vadd.scan.msk.f32 $0xffff, v0  }
0x82: {  	v19 =	vmov v54;
	v54 =	vld [tilespmem:$0x2010]  }
0x83: {  	v20 =	vmov v52;
	v52 =	vld [tilespmem:$0x2090]  }
0x84: {  	v21 =	vmov v50;
	v50 =	vld [tilespmem:$0x2110]  }
0x85: {  	v22 =	vmov v49;
	v49 =	vld [tilespmem:$0x2190]  }
0x86: {  	v23 =	vmov v47;
	v47 =	vld [tilespmem:$0x2210]  }
0x87: {  	v24 =	vmov v45;
	v45 =	vld [tilespmem:$0x2290]  }
0x88: {  	v25 =	vmov v44;
	v44 =	vld [tilespmem:$0x2310]  }
0x89: {  	v26 =	vmov v43;
	v43 =	vld [tilespmem:$0x2390]  }
0x8a: {  	v27 =	vmov v42;
	v42 =	vld [tilespmem:$0x2410]  }
0x8b: {  	v41 =	vld [tilespmem:$0x2490];
	v0, _, _ =	vpop (xrf2)  }
0x8c: {  	v29 =	vmov v40;
	v40 =	vld [tilespmem:$0x2590];
	(v2sf) =	vpush v0, $0xF  }
0x8d: {  	v30 =	vmov v39;
	v39 =	vld [tilespmem:$0x2510]  }
0x8e: {  	v28 =	vmov v38;
	v38 =	vld [tilespmem:$0x2610]  }
0x8f: {  	v37 =	vld [tilespmem:$0x2690]  }
0x90: {  	v36 =	vld [tilespmem:$0x2710]  }
0x91: {  	v35 =	vld [tilespmem:$0x2790]  }
0x92: {  	v33 =	vld [tilespmem:$0x2890]  }
0x93: {  	v34 =	vld [tilespmem:$0x2810]  }
0x94: {  	v31 =	vld [tilespmem:$0x2990];
	[tilespmem:s1], [sflag:$0x1] =	stream.linear.gather [hbm4b:s5+s1], $0x200, $0x38  }
0x95: {  	s20 =	simm.s32 $0x200  }
0x96: {  	[tilespmem:s20], [sflag:$0x1] =	stream.linear.gather [hbm4b:s6+s1], $0x200, $0x38;
	[tilespmem:$0x2A80] =	vst v63  }
0x97: {  	s21 =	simm.s32 $0x400  }
0x98: {  	[tilespmem:s21], [sflag:$0x1] =	stream.linear.gather [hbm4b:s7+s1], $0x400, $0x38;
	[tilespmem:$0x2A80] =	vst v63  }
0x99: {  	s22 =	simm.s32 $0x800  }
0x9a: {  	[tilespmem:s22], [sflag:$0x1] =	stream.linear.gather [hbm4b:s8+s1], $0x400, $0x38;
	[tilespmem:$0x2A80] =	vst v63  }
0x9b: {  	s16 =	spop (v2sf)  }
0x9c: {  	_ =	swait.ge [sflag:s17], $0x200  }
0x9d: {  	[sflag:s17] =	ssyncset.done $0x0  }
0x9e: {  	[sflag:s17] =	ssyncadd.s32 $0xFFFFFE00  }
0x9f: {  	_ =	swait.ge [sflag:s17], $0x200  }
0xa0: {  	[sflag:s17] =	ssyncset.done $0x0  }
0xa1: {  	[sflag:s17] =	ssyncadd.s32 $0xFFFFFE00  }
0xa2: {  	_ =	swait.ge [sflag:s17], $0x400  }
0xa3: {  	[sflag:s17] =	ssyncset.done $0x0  }
0xa4: {  	[sflag:s17] =	ssyncadd.s32 $0xFFFFFC00  }
0xa5: {  	_ =	swait.ge [sflag:s17], $0x400  }
0xa6: {  	[sflag:s17] =	ssyncset.done $0x0  }
0xa7: {  	s14 =	simm.s32 $0x0;
	[sflag:s17] =	ssyncadd.s32 $0xFFFFFC00  }
0xa8: {  	v0 =	vld [tilespmem:s14+$0x0]  }
0xa9: {  	s0 =	simm.s32 $0x10  }
0xaa: {  	s2 =	simm.s32 $0x20;
	v1 =	vld [tilespmem:s0+$0x0]  }
0xab: {  	v3 =	vld [tilespmem:s2+$0x0];
	_ =	sdelay $0x1  }
0xac: {  	(xrf2) =	vadd.scan.msk.f32 $0xffff, v0;
	_ =	sdelay $0x1  }
0xad: {  	(xrf2) =	vadd.scan.msk.f32 $0xffff, v1  }
0xae: {  	(xrf2) =	vadd.scan.msk.f32 $0xffff, v3;
	_ =	sdelay $0x6  }
0xaf: {  	v4, _, _ =	vpop (xrf2)  }
0xb0: {  	(v2sf) =	vpush v4, $0xF  }
0xb1: {  	s12 =	simm.s32 $0x30;
	v2 =	vsub.f32 v4, v0;
	v0, _, _ =	vpop (xrf2)  }
0xb2: {  	v63 =	vld [tilespmem:s12+$0x0];
	v1 =	vsub.f32 v0, v1;
	(v2sf) =	vpush v0, $0xF;
	v0, _, _ =	vpop (xrf2)  }
0xb3: {  	(v2sf) =	vpush v0, $0xF;
	_ =	sdelay $0x3  }
0xb4: {  	s15 =	simm.s32 $0x40;
	(xrf2) =	vadd.scan.msk.f32 $0xffff, v63  }
0xb5: {  	v3 =	vsub.f32 v0, v3;
	v0 =	vld [tilespmem:s15+$0x0];
	_ =	sdelay $0x3  }
0xb6: {  	s19 =	simm.s32 $0x140  }
.LBB2_2:
0xb7: {  	s20 =	sshra.s32 s19, $0x2;
	p0 =	sne.s32 s19, $0x7C0;
	s19 =	sadd.s32 $0x40, s19;
	(xrf2) =	vadd.scan.msk.f32 $0xffff, v0;
	v4 =	vadd.f32 s16, v2;
	v5 =	vmov v0;
	v2 =	vmov v1  }
.Ltmp0:
0xb8: {  	s21 =	smov.u32 s12;
	s12 =	smov.u32 s15;
	v0 =	vld [tilespmem:s20+$0x0];
	v1 =	vmov v3;
	(pc) =	sbr.rel @p0 .LBB2_2-.Ltmp0, $4  }
0xb9: {  	s15 =	smov.u32 s20;
	v3 =	vtrunc.f32 v4;
	s22 =	spop (v2sf)  }
0xba: {  	v4 =	vcvt.f32.s32 v3;
	s16 =	sadd.f32 s22, s16  }
0xbb: {  	v6, _, _ =	vpop (xrf2)  }
0xbc: {  	v3 =	vsub.f32 v6, v63;
	(v2sf) =	vpush v6, $0xF;
	[tilespmem:s14+$0xC00] =	vst v4;
	v63 =	vmov v5;
	s14 =	smov.u32 s0;
	s0 =	smov.u32 s2;
	s2 =	smov.u32 s21  }
0xbd: {  	v4 =	vmul.f32 v46, v7;
	_ =	sdelay $0x1  }
0xbe: {  	v5 =	vmul.f32 v48, v8;
	v4 =	vadd.f32 $0.0e+00, v4;
	_ =	sdelay $0x1  }
0xbf: {  	v4 =	vadd.f32 v5, v4;
	v5 =	vmul.f32 v51, v9;
	_ =	sdelay $0x1  }
0xc0: {  	v4 =	vadd.f32 v5, v4;
	v5 =	vmul.f32 v55, v10;
	_ =	sdelay $0x1  }
0xc1: {  	v4 =	vadd.f32 v5, v4;
	v5 =	vmul.f32 v60, v11;
	_ =	sdelay $0x1  }
0xc2: {  	v4 =	vadd.f32 v5, v4;
	v5 =	vmul.f32 v56, v12;
	_ =	sdelay $0x1  }
0xc3: {  	v4 =	vadd.f32 v5, v4;
	v5 =	vmul.f32 v61, v13;
	_ =	sdelay $0x1  }
0xc4: {  	v4 =	vadd.f32 v5, v4;
	v5 =	vmul.f32 v57, v14;
	_ =	sdelay $0x1  }
0xc5: {  	v4 =	vadd.f32 v5, v4;
	v5 =	vmul.f32 v62, v15;
	_ =	sdelay $0x1  }
0xc6: {  	v4 =	vadd.f32 v5, v4;
	v5 =	vmul.f32 v58, v16;
	_ =	sdelay $0x1  }
0xc7: {  	v4 =	vadd.f32 v5, v4;
	v5 =	vmul.f32 v59, v17;
	_ =	sdelay $0x1  }
0xc8: {  	v4 =	vadd.f32 v5, v4;
	v5 =	vmul.f32 v53, v18;
	_ =	sdelay $0x1  }
0xc9: {  	v4 =	vadd.f32 v5, v4;
	v5 =	vmul.f32 v54, v19;
	_ =	sdelay $0x1  }
0xca: {  	v4 =	vadd.f32 v5, v4;
	v5 =	vmul.f32 v52, v20;
	_ =	sdelay $0x1  }
0xcb: {  	v4 =	vadd.f32 v5, v4;
	v5 =	vmul.f32 v50, v21;
	_ =	sdelay $0x1  }
0xcc: {  	v4 =	vadd.f32 v5, v4;
	v5 =	vmul.f32 v49, v22;
	_ =	sdelay $0x1  }
0xcd: {  	v4 =	vadd.f32 v5, v4;
	v5 =	vmul.f32 v47, v23;
	_ =	sdelay $0x1  }
0xce: {  	v4 =	vadd.f32 v5, v4;
	v5 =	vmul.f32 v45, v24;
	_ =	sdelay $0x1  }
0xcf: {  	v4 =	vadd.f32 v5, v4;
	v5 =	vmul.f32 v44, v25  }
0xd0: {  	v47 =	vmov v23;
	v23 =	vld [tilespmem:$0x1FF90]  }
0xd1: {  	v4 =	vadd.f32 v5, v4;
	v5 =	vmul.f32 v43, v26;
	_ =	sdelay $0x1  }
0xd2: {  	v6 =	vmul.f32 v42, v27;
	v4 =	vadd.f32 v5, v4;
	_ =	sdelay $0x1  }
0xd3: {  	v41 =	vmul.f32 v41, v23;
	v4 =	vadd.f32 v6, v4;
	_ =	sdelay $0x1  }
0xd4: {  	v4 =	vadd.f32 v41, v4;
	v41 =	vld [tilespmem:$0x1FFA0];
	_ =	sdelay $0x4  }
0xd5: {  	v39 =	vmul.f32 v39, v41;
	_ =	sdelay $0x1  }
0xd6: {  	v45 =	vmov v24;
	v24 =	vmul.f32 v40, v29;
	v4 =	vadd.f32 v39, v4;
	_ =	sdelay $0x1  }
0xd7: {  	(xrf2) =	vadd.scan.msk.f32 $0xffff, v0;
	v38 =	vmul.f32 v38, v30;
	v4 =	vadd.f32 v24, v4;
	_ =	sdelay $0x1  }
0xd8: {  	v37 =	vmul.f32 v37, v28;
	v4 =	vadd.f32 v38, v4;
	_ =	sdelay $0x1  }
0xd9: {  	v4 =	vadd.f32 v37, v4;
	v37 =	vld [tilespmem:$0x1FFB0];
	_ =	sdelay $0x3  }
0xda: {  	v5, _, _ =	vpop (xrf2)  }
0xdb: {  	(v2sf) =	vpush v5, $0xF;
	v36 =	vmul.f32 v36, v37  }
0xdc: {  	v49 =	vmov v22;
	v22, _, _ =	vpop (xrf2)  }
0xdd: {  	(v2sf) =	vpush v22, $0xF;
	v4 =	vadd.f32 v36, v4;
	v36 =	vld [tilespmem:$0x1FFC0];
	_ =	sdelay $0x4  }
0xde: {  	v35 =	vmul.f32 v35, v36;
	_ =	sdelay $0x1  }
0xdf: {  	s19 =	spop (v2sf);
	v4 =	vadd.f32 v35, v4;
	v35 =	vld [tilespmem:$0x1FFD0]  }
0xe0: {  	s19 =	sadd.f32 s19, s16  }
0xe1: {  	s20 =	spop (v2sf)  }
0xe2: {  	s21 =	sadd.f32 s20, s19  }
0xe3: {  	v2 =	vadd.f32 s16, v2;
	s22 =	spop (v2sf)  }
0xe4: {  	v1 =	vadd.f32 s19, v1;
	s20 =	sadd.f32 s22, s21;
	v44 =	vmov v25;
	v25 =	vld [tilespmem:$0x1FFE0];
	v34 =	vmul.f32 v34, v35  }
0xe5: {  	v2 =	vtrunc.f32 v2;
	v3 =	vadd.f32 s21, v3;
	v5 =	vsub.f32 v5, v63;
	s21 =	spop (v2sf)  }
0xe6: {  	v2 =	vcvt.f32.s32 v2;
	s16 =	sadd.f32 s21, s20;
	v4 =	vadd.f32 v34, v4;
	v34 =	vld [tilespmem:$0x1FFF0]  }
0xe7: {  	v1 =	vtrunc.f32 v1;
	v3 =	vtrunc.f32 v3;
	v5 =	vadd.f32 s20, v5;
	s22 =	spop (v2sf)  }
0xe8: {  	v1 =	vcvt.f32.s32 v1;
	v3 =	vcvt.f32.s32 v3;
	v0 =	vsub.f32 v22, v0;
	s19 =	sadd.f32 s22, s16  }
0xe9: {  	v43 =	vmov v26;
	v26 =	vmul.f32 v33, v25;
	v5 =	vtrunc.f32 v5  }
0xea: {  	v5 =	vcvt.f32.s32 v5;
	v0 =	vadd.f32 s16, v0;
	v63 =	vmov s19  }
0xeb: {  	v42 =	vmovc v27;
	[tilespmem:s14+$0xC00] =	vst v2;
	v2 =	vtrunc.f32 v63;
	v4 =	vadd.f32 v26, v4;
	v27 =	vmul.f32 v32, v34  }
0xec: {  	[tilespmem:s0+$0xC00] =	vst v1;
	v0 =	vtrunc.f32 v0;
	v2 =	vcvt.f32.s32 v2  }
0xed: {  	[tilespmem:s2+$0xC00] =	vst v3;
	v0 =	vcvt.f32.s32 v0;
	v1 =	vadd.f32 v27, v4;
	v4 =	vmul.f32 $0.0e+00, v31  }
0xee: {  	[tilespmem:s12+$0xC00] =	vst v5;
	v2 =	vbroadcast v2, $0x0  }
0xef: {  	[tilespmem:s15+$0xC00] =	vst v0;
	v1 =	vadd.f32 v4, v1  }
0xf0: {  	[tilespmem:$0xE00] =	vst v2  }
0xf1: {  	[tilespmem:$0xE10] =	vst v2;
	(xrf2) =	vadd.scan.msk.f32 $0xffff, v1  }
0xf2: {  	[tilespmem:$0xE20] =	vst v2  }
0xf3: {  	[tilespmem:$0xE30] =	vst v2  }
0xf4: {  	[tilespmem:$0xE40] =	vst v2  }
0xf5: {  	[tilespmem:$0xE50] =	vst v2  }
0xf6: {  	[tilespmem:$0xE60] =	vst v2  }
0xf7: {  	s12 =	simm.s32 $0x0;
	[tilespmem:$0xE70] =	vst v2  }
0xf8: {  	v1 =	vld [tilespmem:s12+$0x400]  }
0xf9: {  	s2 =	simm.s32 $0x10  }
0xfa: {  	s0 =	simm.s32 $0x20;
	v2 =	vld [tilespmem:s2+$0x400]  }
0xfb: {  	v3 =	vld [tilespmem:s0+$0x400];
	v0, _, _ =	vpop (xrf2)  }
0xfc: {  	(v2sf) =	vpush v0, $0xF  }
0xfd: {  	(xrf2) =	vadd.scan.msk.f32 $0xffff, v1;
	_ =	sdelay $0x1  }
0xfe: {  	(xrf2) =	vadd.scan.msk.f32 $0xffff, v2  }
0xff: {  	(xrf2) =	vadd.scan.msk.f32 $0xffff, v3;
	_ =	sdelay $0x6  }
0x100: {  	v4, _, _ =	vpop (xrf2)  }
0x101: {  	(v2sf) =	vpush v4, $0xF  }
0x102: {  	s14 =	simm.s32 $0x30;
	v1 =	vsub.f32 v4, v1;
	v4, _, _ =	vpop (xrf2)  }
0x103: {  	v0 =	vld [tilespmem:s14+$0x400];
	v2 =	vsub.f32 v4, v2;
	(v2sf) =	vpush v4, $0xF;
	v4, _, _ =	vpop (xrf2)  }
0x104: {  	s16 =	spop (v2sf);
	(v2sf) =	vpush v4, $0xF;
	_ =	sdelay $0x3  }
0x105: {  	s15 =	simm.s32 $0x40;
	(xrf2) =	vadd.scan.msk.f32 $0xffff, v0  }
0x106: {  	v31 =	vsub.f32 v4, v3;
	v3 =	vld [tilespmem:s15+$0x400]  }
0x107: {  	v46 =	vmovc v7;
	v48 =	vmov v8;
	v51 =	vmov v9;
	v55 =	vmov v10  }
0x108: {  	v60 =	vmovc v11;
	v56 =	vmovc v12;
	v61 =	vmov v13;
	v57 =	vmov v14;
	v62 =	vmov v15  }
0x109: {  	v58 =	vmovc v16;
	v59 =	vmovc v17;
	v53 =	vmov v18;
	v54 =	vmov v19;
	v52 =	vmov v20  }
0x10a: {  	v50 =	vmovc v21;
	v40 =	vmovc v29;
	v33 =	vmov v25;
	v39 =	vmov v30;
	v38 =	vmov v28;
	s19 =	simm.s32 $0x140  }
.LBB2_4:
0x10b: {  	s20 =	sshra.s32 s19, $0x2;
	p0 =	sne.s32 s19, $0xFC0;
	s19 =	sadd.s32 $0x40, s19;
	(xrf2) =	vadd.scan.msk.f32 $0xffff, v3;
	v4 =	vadd.f32 s16, v1;
	v5 =	vmov v3;
	v1 =	vmov v2  }
.Ltmp1:
0x10c: {  	s21 =	smov.u32 s14;
	s14 =	smov.u32 s15;
	v3 =	vld [tilespmem:s20+$0x400];
	v2 =	vmov v31;
	(pc) =	sbr.rel @p0 .LBB2_4-.Ltmp1, $4  }
0x10d: {  	s15 =	smov.u32 s20;
	v4 =	vtrunc.f32 v4;
	s22 =	spop (v2sf)  }
0x10e: {  	v4 =	vcvt.f32.s32 v4;
	s16 =	sadd.f32 s22, s16  }
0x10f: {  	v6, _, _ =	vpop (xrf2)  }
0x110: {  	v31 =	vsub.f32 v6, v0;
	(v2sf) =	vpush v6, $0xF;
	[tilespmem:s12+$0xE80] =	vst v4;
	v0 =	vmov v5;
	s12 =	smov.u32 s2;
	s2 =	smov.u32 s0;
	s0 =	smov.u32 s21  }
0x111: {  	(xrf2) =	vadd.scan.msk.f32 $0xffff, v3;
	_ =	sdelay $0x7  }
0x112: {  	v4, _, _ =	vpop (xrf2)  }
0x113: {  	(v2sf) =	vpush v4, $0xF  }
0x114: {  	v5, _, _ =	vpop (xrf2)  }
0x115: {  	(v2sf) =	vpush v5, $0xF;
	_ =	sdelay $0x6  }
0x116: {  	s19 =	spop (v2sf)  }
0x117: {  	s19 =	sadd.f32 s19, s16  }
0x118: {  	s20 =	spop (v2sf)  }
0x119: {  	s20 =	sadd.f32 s20, s19  }
0x11a: {  	s21 =	spop (v2sf)  }
0x11b: {  	v1 =	vadd.f32 s16, v1;
	s21 =	sadd.f32 s21, s20  }
0x11c: {  	v2 =	vadd.f32 s19, v2;
	s22 =	spop (v2sf)  }
0x11d: {  	v1 =	vtrunc.f32 v1;
	v0 =	vsub.f32 v4, v0;
	v4 =	vadd.f32 s20, v31;
	s16 =	sadd.f32 s22, s21  }
0x11e: {  	v1 =	vcvt.f32.s32 v1;
	v2 =	vtrunc.f32 v2;
	s22 =	spop (v2sf)  }
0x11f: {  	v4 =	vtrunc.f32 v4;
	v3 =	vsub.f32 v5, v3;
	v0 =	vadd.f32 s21, v0;
	s19 =	sadd.f32 s22, s16  }
0x120: {  	v2 =	vcvt.f32.s32 v2;
	v4 =	vcvt.f32.s32 v4  }
0x121: {  	v0 =	vtrunc.f32 v0;
	v3 =	vadd.f32 s16, v3;
	v5 =	vmov s19  }
0x122: {  	[tilespmem:s12+$0xE80] =	vst v1;
	v0 =	vcvt.f32.s32 v0;
	v1 =	vtrunc.f32 v5  }
0x123: {  	[tilespmem:s2+$0xE80] =	vst v2;
	v2 =	vtrunc.f32 v3;
	v1 =	vcvt.f32.s32 v1  }
0x124: {  	[tilespmem:s0+$0xE80] =	vst v4;
	v2 =	vcvt.f32.s32 v2  }
0x125: {  	[tilespmem:s14+$0xE80] =	vst v0;
	v0 =	vbroadcast v1, $0x0  }
0x126: {  	[tilespmem:s15+$0xE80] =	vst v2  }
0x127: {  	[tilespmem:$0x1280] =	vst v0  }
0x128: {  	[tilespmem:$0x1290] =	vst v0  }
0x129: {  	[tilespmem:$0x12A0] =	vst v0  }
0x12a: {  	[tilespmem:$0x12B0] =	vst v0  }
0x12b: {  	[tilespmem:$0x12C0] =	vst v0  }
0x12c: {  	[tilespmem:$0x12D0] =	vst v0  }
0x12d: {  	[tilespmem:$0x12E0] =	vst v0  }
0x12e: {  	s16 =	simm.s32 $0x1300;
	s15 =	simm.s32 $0xC00;
	[tilespmem:$0x12F0] =	vst v0  }
0x12f: {  	[tilespmem:s16], [sflag:$0x1] =	stream.indirect.gather [hbm4b:s4+s18], $0x1, s15, s18, $0xb8;
	[tilespmem:$0x2A80] =	vst v63  }
0x130: {  	s20 =	simm.s32 $0x1380;
	s19 =	simm.s32 $0xC80  }
0x131: {  	[tilespmem:s20], [sflag:$0x1] =	stream.indirect.gather [hbm4b:s4+s18], $0x1, s19, s18, $0xb8;
	[tilespmem:$0x2A80] =	vst v63  }
0x132: {  	s21 =	simm.s32 $0xD00;
	s22 =	simm.s32 $0x1400  }
0x133: {  	[tilespmem:s22], [sflag:$0x1] =	stream.indirect.gather [hbm4b:s4+s18], $0x1, s21, s18, $0xb8;
	[tilespmem:$0x2A80] =	vst v63  }
0x134: {  	s12 =	simm.s32 $0xD80;
	s14 =	simm.s32 $0x1480  }
0x135: {  	[tilespmem:s14], [sflag:$0x1] =	stream.indirect.gather [hbm4b:s4+s18], $0x1, s12, s18, $0xb8;
	[tilespmem:$0x2A80] =	vst v63  }
0x136: {  	s15 =	simm.s32 $0xE00;
	s16 =	simm.s32 $0x1500  }
0x137: {  	[tilespmem:s16], [sflag:$0x1] =	stream.indirect.gather [hbm4b:s4+s18], $0x1, s15, s18, $0xb8;
	[tilespmem:$0x2A80] =	vst v63  }
0x138: {  	s19 =	simm.s32 $0xE80;
	s20 =	simm.s32 $0x1580  }
0x139: {  	[tilespmem:s20], [sflag:$0x1] =	stream.indirect.gather [hbm4b:s4+s18], $0x1, s19, s18, $0xb8;
	[tilespmem:$0x2A80] =	vst v63  }
0x13a: {  	s21 =	simm.s32 $0xF00;
	s22 =	simm.s32 $0x1600  }
0x13b: {  	[tilespmem:s22], [sflag:$0x1] =	stream.indirect.gather [hbm4b:s4+s18], $0x1, s21, s18, $0xb8;
	[tilespmem:$0x2A80] =	vst v63  }
0x13c: {  	s2 =	simm.s32 $0xF80;
	s12 =	simm.s32 $0x1680  }
0x13d: {  	[tilespmem:s12], [sflag:$0x1] =	stream.indirect.gather [hbm4b:s4+s18], $0x1, s2, s18, $0xb8;
	[tilespmem:$0x2A80] =	vst v63  }
0x13e: {  	s14 =	simm.s32 $0x1000;
	s15 =	simm.s32 $0x1700  }
0x13f: {  	[tilespmem:s15], [sflag:$0x1] =	stream.indirect.gather [hbm4b:s4+s18], $0x1, s14, s18, $0xb8;
	[tilespmem:$0x2A80] =	vst v63  }
0x140: {  	s16 =	simm.s32 $0x1080;
	s19 =	simm.s32 $0x1780  }
0x141: {  	[tilespmem:s19], [sflag:$0x1] =	stream.indirect.gather [hbm4b:s4+s18], $0x1, s16, s18, $0xb8;
	[tilespmem:$0x2A80] =	vst v63  }
0x142: {  	s20 =	simm.s32 $0x1100;
	s21 =	simm.s32 $0x1800  }
0x143: {  	[tilespmem:s21], [sflag:$0x1] =	stream.indirect.gather [hbm4b:s4+s18], $0x1, s20, s18, $0xb8;
	[tilespmem:$0x2A80] =	vst v63  }
0x144: {  	_ = 	snop  }
0x145: {  	[tilespmem:s24], [sflag:$0x1] =	stream.indirect.gather [hbm4b:s4+s18], $0x1, s23, s18, $0xb8;
	[tilespmem:$0x2A80] =	vst v63  }
0x146: {  	_ = 	snop  }
0x147: {  	[tilespmem:s26], [sflag:$0x1] =	stream.indirect.gather [hbm4b:s4+s18], $0x1, s25, s18, $0xb8;
	[tilespmem:$0x2A80] =	vst v63  }
0x148: {  	_ = 	snop  }
0x149: {  	[tilespmem:s29], [sflag:$0x1] =	stream.indirect.gather [hbm4b:s4+s18], $0x1, s28, s18, $0xb8;
	[tilespmem:$0x2A80] =	vst v63  }
0x14a: {  	_ =	swait.ge [sflag:s17], $0x80  }
0x14b: {  	[sflag:s17] =	ssyncset.done $0x0  }
0x14c: {  	[sflag:s17] =	ssyncadd.s32 $0xFFFFFF80  }
0x14d: {  	_ =	swait.ge [sflag:s17], $0x80  }
0x14e: {  	[sflag:s17] =	ssyncset.done $0x0  }
0x14f: {  	[sflag:s17] =	ssyncadd.s32 $0xFFFFFF80  }
0x150: {  	_ =	swait.ge [sflag:s17], $0x80  }
0x151: {  	[sflag:s17] =	ssyncset.done $0x0  }
0x152: {  	[sflag:s17] =	ssyncadd.s32 $0xFFFFFF80  }
0x153: {  	_ =	swait.ge [sflag:s17], $0x80  }
0x154: {  	[sflag:s17] =	ssyncset.done $0x0  }
0x155: {  	[sflag:s17] =	ssyncadd.s32 $0xFFFFFF80  }
0x156: {  	_ =	swait.ge [sflag:s17], $0x80  }
0x157: {  	[sflag:s17] =	ssyncset.done $0x0  }
0x158: {  	[sflag:s17] =	ssyncadd.s32 $0xFFFFFF80  }
0x159: {  	_ =	swait.ge [sflag:s17], $0x80  }
0x15a: {  	[sflag:s17] =	ssyncset.done $0x0  }
0x15b: {  	[sflag:s17] =	ssyncadd.s32 $0xFFFFFF80  }
0x15c: {  	_ =	swait.ge [sflag:s17], $0x80  }
0x15d: {  	[sflag:s17] =	ssyncset.done $0x0  }
0x15e: {  	[sflag:s17] =	ssyncadd.s32 $0xFFFFFF80  }
0x15f: {  	_ =	swait.ge [sflag:s17], $0x80  }
0x160: {  	[sflag:s17] =	ssyncset.done $0x0  }
0x161: {  	[sflag:s17] =	ssyncadd.s32 $0xFFFFFF80  }
0x162: {  	_ =	swait.ge [sflag:s17], $0x80  }
0x163: {  	[sflag:s17] =	ssyncset.done $0x0  }
0x164: {  	[sflag:s17] =	ssyncadd.s32 $0xFFFFFF80  }
0x165: {  	_ =	swait.ge [sflag:s17], $0x80  }
0x166: {  	[sflag:s17] =	ssyncset.done $0x0  }
0x167: {  	[sflag:s17] =	ssyncadd.s32 $0xFFFFFF80  }
0x168: {  	_ =	swait.ge [sflag:s17], $0x80  }
0x169: {  	[sflag:s17] =	ssyncset.done $0x0  }
0x16a: {  	[sflag:s17] =	ssyncadd.s32 $0xFFFFFF80  }
0x16b: {  	_ =	swait.ge [sflag:s17], $0x80  }
0x16c: {  	[sflag:s17] =	ssyncset.done $0x0  }
0x16d: {  	[sflag:s17] =	ssyncadd.s32 $0xFFFFFF80  }
0x16e: {  	_ =	swait.ge [sflag:s17], $0x80  }
0x16f: {  	[sflag:s17] =	ssyncset.done $0x0  }
0x170: {  	[sflag:s17] =	ssyncadd.s32 $0xFFFFFF80  }
0x171: {  	_ =	swait.ge [sflag:s17], $0x80  }
0x172: {  	[sflag:s17] =	ssyncset.done $0x0  }
0x173: {  	s22 =	simm.s32 $0x0;
	[sflag:s17] =	ssyncadd.s32 $0xFFFFFF80  }
0x174: {  	v0 =	vld [tilespmem:s22+$0x0];
	_ =	sdelay $0x4  }
0x175: {  	v0 =	vmax.f32 v0, $1.000000000e+00  }
0x176: {  	(erf) = vrcp.f32 v0;
	_ =	sdelay $0x1  }
0x177: {  	s0 =	simm.s32 $0x10  }
0x178: {  	v4 =	vld [tilespmem:s0+$0x0];
	_ =	sdelay $0x1  }
0x179: {  	v2 =	vld [tilespmem:s22+$0x1300]  }
0x17a: {  	v0 =	vld [tilespmem:s22+$0x1301];
	_ =	sdelay $0x1  }
0x17b: {  	s2 =	simm.s32 $0x20;
	v4 =	vmax.f32 v4, $1.000000000e+00  }
0x17c: {  	v3 =	vld [tilespmem:s2+$0x0];
	v6 =	vpop (erf);
	(erf) = vrcp.f32 v4  }
0x17d: {  	v1 =	vld [tilespmem:s22+$0x200]  }
0x17e: {  	v31 =	vld [tilespmem:s0+$0x1300];
	v5 =	vsub.f32 v0, v2  }
0x17f: {  	v2 =	vld [tilespmem:s0+$0x1301]  }
0x180: {  	s12 =	simm.s32 $0xC0;
	v0 =	vimm.f32 $0.0e+00;
	v32 =	vmul.f32 v5, v6  }
.LBB2_6:
0x181: {  	s14 =	sshra.s32 s12, $0x2;
	p0 =	sne.s32 s12, $0x7C0;
	s12 =	sadd.s32 $0x40, s12;
	v4 =	vmax.f32 v3, $1.000000000e+00  }
.Ltmp2:
0x182: {  	v3 =	vld [tilespmem:s14+$0x0];
	(erf) = vrcp.f32 v4;
	v6 =	vmul.f32 v32, v1;
	(pc) =	sbr.rel @p0 .LBB2_6-.Ltmp2, $4  }
0x183: {  	v1 =	vld [tilespmem:s0+$0x200];
	s0 =	smov.u32 s2;
	s2 =	smov.u32 s14  }
0x184: {  	v5 =	vsub.f32 v2, v31;
	v2 =	vld [tilespmem:s0+$0x1301];
	v0 =	vadd.f32 v6, v0  }
0x185: {  	v31 =	vld [tilespmem:s0+$0x1300];
	v4 =	vpop (erf)  }
0x186: {  	v32 =	vmul.f32 v5, v4  }
0x187: {  	v3 =	vmax.f32 v3, $1.000000000e+00  }
0x188: {  	(erf) = vrcp.f32 v3;
	_ =	sdelay $0x1  }
0x189: {  	v4 =	vld [tilespmem:s2+$0x1300]  }
0x18a: {  	v3 =	vld [tilespmem:s2+$0x1301];
	_ =	sdelay $0x1  }
0x18b: {  	v5 =	vld [tilespmem:s0+$0x200]  }
0x18c: {  	v2 =	vsub.f32 v2, v31  }
0x18d: {  	v31 =	vld [tilespmem:s2+$0x200];
	v6 =	vpop (erf)  }
0x18e: {  	v1 =	vmul.f32 v32, v1;
	v2 =	vmul.f32 v2, v6;
	v3 =	vsub.f32 v3, v4  }
0x18f: {  	v4 =	vpop (erf)  }
0x190: {  	v0 =	vadd.f32 v1, v0;
	v1 =	vmul.f32 v2, v5;
	v2 =	vmul.f32 v3, v4;
	_ =	sdelay $0x1  }
0x191: {  	v0 =	vadd.f32 v1, v0;
	v1 =	vmul.f32 v2, v31;
	_ =	sdelay $0x1  }
0x192: {  	v0 =	vadd.f32 v1, v0;
	_ =	sdelay $0x1  }
0x193: {  	s22 =	simm.s32 $0x0;
	[tilespmem:$0x2A00] =	vst v0  }
0x194: {  	[hbm4b:s9+s22] =	stream.linear.scatter [tilespmem:s30], [sflag:$0x2], $0x80, $0x38;
	[tilespmem:$0x2A80] =	vst v63  }
0x195: {  	_ =	swait.ge [sflag:s13], $0x80  }
0x196: {  	[sflag:s13] =	ssyncset.done $0x0  }
0x197: {  	s12 =	simm.s32 $0x0;
	[sflag:s13] =	ssyncadd.s32 $0xFFFFFF80  }
0x198: {  	v0 =	vld [tilespmem:s12+$0x400];
	_ =	sdelay $0x4  }
0x199: {  	v0 =	vmax.f32 v0, $1.000000000e+00  }
0x19a: {  	(erf) = vrcp.f32 v0;
	_ =	sdelay $0x1  }
0x19b: {  	s0 =	simm.s32 $0x10  }
0x19c: {  	v4 =	vld [tilespmem:s0+$0x400];
	_ =	sdelay $0x1  }
0x19d: {  	v2 =	vld [tilespmem:s12+$0x1580]  }
0x19e: {  	v0 =	vld [tilespmem:s12+$0x1581];
	_ =	sdelay $0x1  }
0x19f: {  	s2 =	simm.s32 $0x20;
	v4 =	vmax.f32 v4, $1.000000000e+00  }
0x1a0: {  	v3 =	vld [tilespmem:s2+$0x400];
	v63 =	vpop (erf);
	(erf) = vrcp.f32 v4  }
0x1a1: {  	v1 =	vld [tilespmem:s12+$0x800]  }
0x1a2: {  	v31 =	vld [tilespmem:s0+$0x1580];
	v5 =	vsub.f32 v0, v2  }
0x1a3: {  	v2 =	vld [tilespmem:s0+$0x1581]  }
0x1a4: {  	s12 =	simm.s32 $0xC0;
	v0 =	vimm.f32 $0.0e+00;
	v32 =	vmul.f32 v5, v63  }
.LBB2_8:
0x1a5: {  	s14 =	sshra.s32 s12, $0x2;
	p0 =	sne.s32 s12, $0xFC0;
	s12 =	sadd.s32 $0x40, s12;
	v4 =	vmax.f32 v3, $1.000000000e+00  }
.Ltmp3:
0x1a6: {  	v3 =	vld [tilespmem:s14+$0x400];
	(erf) = vrcp.f32 v4;
	v6 =	vmul.f32 v32, v1;
	(pc) =	sbr.rel @p0 .LBB2_8-.Ltmp3, $4  }
0x1a7: {  	v1 =	vld [tilespmem:s0+$0x800];
	s0 =	smov.u32 s2;
	s2 =	smov.u32 s14  }
0x1a8: {  	v5 =	vsub.f32 v2, v31;
	v2 =	vld [tilespmem:s0+$0x1581];
	v0 =	vadd.f32 v6, v0  }
0x1a9: {  	v31 =	vld [tilespmem:s0+$0x1580];
	v4 =	vpop (erf)  }
0x1aa: {  	v32 =	vmul.f32 v5, v4  }
0x1ab: {  	v3 =	vmax.f32 v3, $1.000000000e+00  }
0x1ac: {  	(erf) = vrcp.f32 v3;
	_ =	sdelay $0x1  }
0x1ad: {  	v26 =	vld [tilespmem:s2+$0x1581]  }
0x1ae: {  	v4 =	vld [tilespmem:s2+$0x1580];
	_ =	sdelay $0x1  }
0x1af: {  	v5 =	vld [tilespmem:s0+$0x800]  }
0x1b0: {  	v2 =	vsub.f32 v2, v31  }
0x1b1: {  	v27 =	vld [tilespmem:s2+$0x800];
	v6 =	vpop (erf)  }
0x1b2: {  	v1 =	vmul.f32 v32, v1;
	v2 =	vmul.f32 v2, v6;
	v3 =	vsub.f32 v26, v4  }
0x1b3: {  	v29 =	vpop (erf)  }
0x1b4: {  	v0 =	vadd.f32 v1, v0;
	v30 =	vmul.f32 v2, v5;
	v32 =	vmul.f32 v3, v29;
	_ =	sdelay $0x1  }
0x1b5: {  	v0 =	vadd.f32 v30, v0;
	v63 =	vmul.f32 v32, v27;
	_ =	sdelay $0x1  }
0x1b6: {  	s31 =	sadd.s32 $0x1, s31;
	v0 =	vadd.f32 v63, v0  }
0x1b7: {  	p0 =	sne.s32 s31, s11  }
.Ltmp4:
0x1b8: {  	[tilespmem:$0x2A00] =	vst v0;
	(pc) =	sbr.rel @p0 .LBB2_1-.Ltmp4, $4  }
0x1b9: {  	[hbm4b:s10+s1] =	stream.linear.scatter [tilespmem:s30], [sflag:$0x2], $0x80, $0x38;
	[tilespmem:$0x2A80] =	vst v63  }
0x1ba: {  	_ =	swait.ge [sflag:s13], $0x80  }
0x1bb: {  	[sflag:s13] =	ssyncset.done $0x0  }
0x1bc: {  	[sflag:s13] =	ssyncadd.s32 $0xFFFFFF80  }
0x1bd: {  	_ =	sfence.sel $0x180000  }
0x1be: {  	[bflag:$0x0] =	sbarrier.arrive $0xFFFF  }
0x1bf: {  	_ =	strace $0x9000004D  }
0x1c0: {  	s0 =	stileid.u32;
	[bflag:$0x2] =	sbarrier.arrive $0xFFFF  }
0x1c1: {  	p0 =	sne.s32 s0, $0x0;
	s0 =	rddreg [dreg:$0x1]  }
0x1c2: {  	s0 =	sadd.s32 @!p0 $0x100000, s0  }
0x1c3: {  	[sflag:s0] =	ssyncadd.tile.s32 @!p0 $0x1;
	_ =	shalt  }
.Lfunc_end2:
_tile_overlayer_lowered:
.L_overlay_start_2:
0x1c4: {  	(tag) =	ssettag $0x2  }
0x1c5: {  	s0 =	rddreg [dreg:$0x0];
	s2 =	stileid.u32  }
0x1c6: {  	s1 =	rddreg [dreg:$0x1];
	p0 =	sne.s32 s2, $0x0  }
0x1c7: {  	s3 =	rddreg [dreg:$0x2];
	[bflag:$0x3] =	sbarrier.arrive $0xFFFF;
	s2 =	simm.s32 @!p0 $0x1C02  }
0x1c8: {  	[timem:s3], [sflag:s2] =	dma.local @!p0 [hbm:s0], s1  }
0x1c9: {  	s0 =	simm.s32 @!p0 $0x2  }
0x1ca: {  	_ =	swait.ge @!p0 [sflag:s0], s1  }
0x1cb: {  	s1 =	ssub.s32 @!p0 $0x0, s1;
	[sflag:s0] =	ssyncset.done @!p0 $0x0  }
0x1cc: {  	[sflag:s0] =	ssyncadd.s32 @!p0 s1  }
0x1cd: {  	[bflag:$0x3] =	sbarrier.arrive $0xFFFF  }
0x1ce: {  	_ =	shalt  }

// kernel: kernel.7.cloned.1.call-start
scs
__scs_entry_jumppad:
0x0: {  	(pc) =	sbr.rel $0x88, $3  }
0x1: {  	(tag) =	ssettag $0x0;
	lr =	simm.s32 $0x1  }
0x2: {  	[smem:$0x3F9F] =	sst lr;
	_ =	strace $0xD0000000  }
0x3: {  	_ = 	snop  }
0x4: {  	_ = 	snop  }
0x5: {  	_ = 	snop  }
0x6: {  	_ = 	snop  }
0x7: {  	_ = 	snop  }
__scs_overlays_trampoline_lowered:
0x8: {  	[smem:$0x3FAE] =	sst s0  }
0x9: {  	[smem:$0x3FAF] =	sst s1  }
0xa: {  	[smem:$0x3FB0] =	sst s2  }
0xb: {  	[smem:$0x3FB1] =	sst s3  }
0xc: {  	[smem:$0x3FB2] =	sst s4  }
0xd: {  	[smem:$0x3FB3] =	sst s5  }
0xe: {  	[smem:$0x3FB4] =	sst s6  }
0xf: {  	[smem:$0x3FB5] =	sst s7  }
0x10: {  	[smem:$0x3FB6] =	sst s8  }
0x11: {  	[smem:$0x3FB7] =	sst s9;
	s0 =	simm.s32 @!p0 $0x0  }
0x12: {  	s1 =	sld [smem:$0x3F9D];
	s0 =	simm.s32 @p0 $0x1  }
0x13: {  	[smem:$0x3FB8] =	sst s0;
	s0 =	simm.s32 @!p1 $0x0  }
0x14: {  	s2 =	sld [smem:$0x3F9C];
	s0 =	simm.s32 @p1 $0x1  }
0x15: {  	[smem:$0x3FB9] =	sst s0;
	s0 =	simm.s32 @!p2 $0x0  }
0x16: {  	s3 =	sld [smem:$0x3FDB];
	s0 =	simm.s32 @p2 $0x1  }
0x17: {  	s4 =	simm.s32 $0x1BF5;
	[smem:$0x3FBB] =	sst s0  }
0x18: {  	s0 =	sld [smem:$0x3F9E];
	_ =	swait.ge [sflag:s4], $0x0  }
0x19: {  	s7 =	sld [smem:$0x3F9F]  }
0x1a: {  	s8 =	sadd.s32 $0xFFFFE003, lr  }
0x1b: {  	s9 =	sadd.s32 $0xFFFFFEF7, lr;
	s5 =	simm.s32 $0xFFFFFFFF;
	p2 =	slt.u32 s8, $0xFFFFF086  }
0x1c: {  	p1 =	slt.u32 s9, $0xF7A;
	s5 =	simm.s32 @!p2 $0x0  }
0x1d: {  	s5 =	simm.s32 @p1 $0x1;
	p0 =	seq.s32 s7, s2  }
0x1e: {  	s7 =	smul.u32 @!p0 $0xF7A, s2;
	p2 =	seq.s32 @!p0 s5, $0x0  }
0x1f: {  	s9 =	smul.u32 $0xF7A, s1;
	s8 =	simm.s32 @!p0 $0x1BF5;
	p2 =	por !p2, p0  }
0x20: {  	[sflag:s8] =	ssyncset.s32 @!p0 $0xFFFFF086;
	s6 =	sadd.s32 @!p0 s3, s7;
	s7 =	simm.s32 @!p0 $0x108  }
0x21: {  	s3 =	sadd.s32 s3, s9;
	s6 =	sadd.s32 @!p0 $0x88, s6;
	s7 =	simm.s32 @p2 $0x1082  }
0x22: {  	[simem:s7], [sflag:s8] =	dma.local @!p0 [hbm:s6], $0xF7A  }
0x23: {  	s9 =	sor.u32 $0xD0000000, s2;
	s6 =	simm.s32 $0x108;
	_ =	swait.ge @!p0 [sflag:s8], $0x0  }
0x24: {  	s3 =	sadd.s32 $0x88, s3;
	s6 =	simm.s32 @!p1 $0x1082;
	[sflag:s4] =	ssyncset.s32 $0xFFFFF086  }
0x25: {  	[simem:s6], [sflag:s4] =	dma.local [hbm:s3], $0xF7A  }
0x26: {  	[smem:$0x3F9F] =	sst s1;
	(tag) =	ssettag s2;
	_ =	strace s9  }
0x27: {  	s1 =	sld [smem:$0x3FAF]  }
0x28: {  	s2 =	sld [smem:$0x3FB0]  }
0x29: {  	s4 =	sld [smem:$0x3FB2]  }
0x2a: {  	p0 =	seq.s32 s5, $0x0;
	s5 =	sld [smem:$0x3FB3]  }
0x2b: {  	s6 =	sld [smem:$0x3FB4]  }
0x2c: {  	s7 =	sld [smem:$0x3FB5]  }
0x2d: {  	s3 =	simm.s32 $0x108;
	s8 =	sld [smem:$0x3FB6]  }
0x2e: {  	s3 =	simm.s32 @!p0 $0x1082;
	s9 =	sld [smem:$0x3FB7]  }
0x2f: {  	lr =	sadd.s32 s0, s3;
	s0 =	sld [smem:$0x3FAE]  }
0x30: {  	s3 =	sld [smem:$0x3FB1]  }
0x31: {  	[smem:$0x3FBA] =	sst s10  }
0x32: {  	s10 =	sld [smem:$0x3FB8];
	_ =	sdelay $0x3  }
0x33: {  	p0 =	seq.s32 s10, $0x1;
	s10 =	sld [smem:$0x3FBA];
	_ =	sdelay $0x3  }
0x34: {  	[smem:$0x3FBA] =	sst s10  }
0x35: {  	s10 =	sld [smem:$0x3FB9];
	_ =	sdelay $0x3  }
0x36: {  	p1 =	seq.s32 s10, $0x1;
	s10 =	sld [smem:$0x3FBA];
	_ =	sdelay $0x3  }
0x37: {  	[smem:$0x3FBA] =	sst s10  }
0x38: {  	s10 =	sld [smem:$0x3FBB]  }
0x39: {  	_ = 	snop;
	(pc) =	sbr.ind lr, $3  }
0x3a: {  	_ = 	snop  }
0x3b: {  	_ = 	snop  }
0x3c: {  	p2 =	seq.s32 s10, $0x1;
	s10 =	sld [smem:$0x3FBA]  }
0x3d: {  	_ =	shalt  }
0x3e: {  	_ =	shalt  }
0x3f: {  	_ =	shalt  }
0x40: {  	_ =	shalt  }
0x41: {  	_ =	shalt  }
0x42: {  	_ =	shalt  }
0x43: {  	_ =	shalt  }
0x44: {  	_ =	shalt  }
0x45: {  	_ =	shalt  }
0x46: {  	_ =	shalt  }
0x47: {  	_ =	shalt  }
0x48: {  	_ =	shalt  }
0x49: {  	_ =	shalt  }
0x4a: {  	_ =	shalt  }
0x4b: {  	_ =	shalt  }
0x4c: {  	_ =	shalt  }
0x4d: {  	_ =	shalt  }
0x4e: {  	_ =	shalt  }
0x4f: {  	_ =	shalt  }
0x50: {  	_ =	shalt  }
0x51: {  	_ =	shalt  }
0x52: {  	_ =	shalt  }
0x53: {  	_ =	shalt  }
0x54: {  	_ =	shalt  }
0x55: {  	_ =	shalt  }
0x56: {  	_ =	shalt  }
0x57: {  	_ =	shalt  }
0x58: {  	_ =	shalt  }
0x59: {  	_ =	shalt  }
0x5a: {  	_ =	shalt  }
0x5b: {  	_ =	shalt  }
0x5c: {  	_ =	shalt  }
0x5d: {  	_ =	shalt  }
0x5e: {  	_ =	shalt  }
0x5f: {  	_ =	shalt  }
0x60: {  	_ =	shalt  }
0x61: {  	_ =	shalt  }
0x62: {  	_ =	shalt  }
0x63: {  	_ =	shalt  }
0x64: {  	_ =	shalt  }
0x65: {  	_ =	shalt  }
0x66: {  	_ =	shalt  }
0x67: {  	_ =	shalt  }
0x68: {  	_ =	shalt  }
0x69: {  	_ =	shalt  }
0x6a: {  	_ =	shalt  }
0x6b: {  	_ =	shalt  }
0x6c: {  	_ =	shalt  }
0x6d: {  	_ =	shalt  }
0x6e: {  	_ =	shalt  }
0x6f: {  	_ =	shalt  }
0x70: {  	_ =	shalt  }
0x71: {  	_ =	shalt  }
0x72: {  	_ =	shalt  }
0x73: {  	_ =	shalt  }
0x74: {  	_ =	shalt  }
0x75: {  	_ =	shalt  }
0x76: {  	_ =	shalt  }
0x77: {  	_ =	shalt  }
0x78: {  	_ =	shalt  }
0x79: {  	_ =	shalt  }
0x7a: {  	_ =	shalt  }
0x7b: {  	_ =	shalt  }
0x7c: {  	_ =	shalt  }
0x7d: {  	_ =	shalt  }
0x7e: {  	_ =	shalt  }
0x7f: {  	_ =	shalt  }
0x80: {  	_ =	shalt  }
0x81: {  	_ =	shalt  }
0x82: {  	_ =	shalt  }
0x83: {  	_ =	shalt  }
0x84: {  	_ =	shalt  }
0x85: {  	_ =	shalt  }
0x86: {  	_ =	shalt  }
0x87: {  	_ =	shalt  }
.Lfunc_end0:
.L_simem_size_0:
called_computation_lowered:
.L_overlay_start_0:
0x88: {  	s2 =	sld [smem:$0x3FD9]  }
0x89: {  	s3 =	sld [smem:$0x3FFE];
	_ =	sdelay $0x1  }
0x8a: {  	s1 =	srdreg.scid  }
0x8b: {  	s0 =	sand.u32 $0x1, s1  }
0x8c: {  	s17 =	sshll.u32 s0, $0xA;
	s2 =	sadd.s32 s3, s2  }
0x8d: {  	s2 =	sadd.s32 s2, s17  }
0x8e: {  	[smem:$0x3FC6] =	sst s2  }
0x8f: {  	_ = 	snop  }
0x90: {  	s2 =	sld [smem:$0x3FC8];
	(tm) =	ssettm $0x1  }
0x91: {  	s18 =	sld [smem:$0x3FFB];
	_ =	sdelay $0x3  }
0x92: {  	_ =	strace s18  }
0x93: {  	s3 =	sld [smem:$0x3FFC];
	_ =	sdelay $0x3  }
0x94: {  	_ =	strace s3  }
0x95: {  	s3 =	sld [smem:$0x3FFD];
	_ =	sdelay $0x3  }
0x96: {  	_ =	strace s3  }
0x97: {  	_ =	strace $0x8FFFFFFF  }
0x98: {  	s19 =	sld [smem:$0x3FDB];
	_ =	sdelay $0x1  }
0x99: {  	s4 =	simm.s32 $_scs_section_size  }
0x9a: {  	s5 =	simm.s32 $_size__tile_overlayer_lowered;
	s6 =	simm.s32 $_tile_overlayer_lowered  }
0x9b: {  	s22 =	simm.s32 $0x1BFF;
	s21 =	sshll.u32 s6, $0x1;
	s3 =	sadd.s32 s4, s19  }
0x9c: {  	s7 =	simm.s32 $0x0;
	s20 =	sshll.u32 s5, $0x1;
	s5 =	sadd.s32 s21, s3  }
0x9d: {  	[timem:s7], [sflag:s22] =	dma.local [hbm:s5], s20  }
0x9e: {  	_ =	swait.ge [sflag:s22], s20  }
0x9f: {  	s4 =	ssub.s32 $0x0, s20;
	[sflag:s22] =	ssyncset.done $0x0  }
0xa0: {  	[sflag:s22] =	ssyncadd.s32 s4;
	_ =	sdelay $0x1  }
0xa1: {  	s23 =	simm.s32 $0x1B8B  }
0xa2: {  	_ =	swait.ge [sflag:s23], $0x1  }
0xa3: {  	[sflag:s23] =	ssyncset.done $0x0  }
0xa4: {  	s25 =	simm.s32 $0x1B8E;
	s24 =	sld [smem:$0x3FFE];
	[sflag:s23] =	ssyncadd.s32 $0xFFFFFFFF  }
0xa5: {  	s26 =	simm.s32 $execute0_lowered;
	[smem:$0x3FD2] =	sst s25  }
0xa6: {  	s5 =	sshll.u32 s26, $0x1;
	_ =	strace $0x80000046;
	[dreg:$0x1] =	wrdreg $0xFFFFFFFF  }
0xa7: {  	s28 =	simm.s32 $_size_execute0_lowered;
	s3 =	sadd.s32 s3, s5;
	[dreg:$0x0] =	wrdreg $0x0  }
0xa8: {  	s5 =	sshll.u32 s28, $0x1;
	[dreg:$0x2] =	wrdreg s3  }
0xa9: {  	[dreg:$0x3] =	wrdreg s5  }
0xaa: {  	[dreg:$0x4] =	wrdreg $0xC0  }
0xab: {  	_ =	task [dreg:s7], $0x5FFFF  }
0xac: {  	[dreg:$0x1] =	wrdreg $0xFFFFFFFF  }
0xad: {  	[dreg:$0x0] =	wrdreg $0x60  }
0xae: {  	[dreg:$0x2] =	wrdreg s24  }
0xaf: {  	[dreg:$0x3] =	wrdreg s2  }
0xb0: {  	[dreg:$0x4] =	wrdreg $0x9  }
0xb1: {  	_ =	task.clear_ibuf [dreg:s7], $0x5FFFF;
	_ =	strace $0x90000046  }
0xb2: {  	s29 =	simm.s32 $0x9;
	_ =	strace $0x80000048  }
0xb3: {  	_ =	swait.ge [sflag:s29], $0x1  }
0xb4: {  	[sflag:s29] =	ssyncadd.s32 $0xFFFFFFFF  }
0xb5: {  	_ =	strace $0x90000048  }
0xb6: {  	_ =	sfence  }
0xb7: {  	s30 =	sld [smem:$0x0];
	_ =	sdelay $0x2  }
0xb8: {  	s31 =	sshll.u32 s1, $0xD;
	s1 =	sshrl.u32 s1, $0x2  }
0xb9: {  	s3 =	sand.u32 $0x4000, s31;
	s1 =	sadd.s32 s1, s30  }
0xba: {  	s0 =	sor.u32 s3, s0;
	s1 =	sshll.u32 s1, $0x11  }
0xbb: {  	s0 =	sor.u32 s1, s0  }
0xbc: {  	s0 =	sadd.s32 $0x8F2B, s0  }
0xbd: {  	[sflag:s0] =	ssyncadd.remote.s32 $0x1  }
0xbe: {  	_ =	sfence.sel $0xFFFF  }
0xbf: {  	[dreg:$0x0] =	wrdreg $0xFFFFFFFF;
	(pc) =	sbr.abs _section_cstart, $3  }
0xc0: {  	[dreg:$0x1] =	wrdreg $0xFFFFFFFF  }
0xc1: {  	_ =	task.clear_ibuf [dreg:s7], $0x2FFFF;
	_ =	strace $0x9FFFFFFF  }
0xc2: {  	(tm) =	ssettm $0x7FFFFFFF  }
0xc3: {  	_ =	shalt  }
tec
execute0_lowered:
.L_overlay_start_1:
0x0: {  	(tag) =	ssettag $0x1  }
0x1: {  	s0 =	rddreg [dreg:$0x0];
	s1 =	srdreg.scid  }
0x2: {  	s4 =	stileid.u32;
	s2 =	rddreg [dreg:$0x1]  }
0x3: {  	s1 =	sand.u32 $0x1, s1;
	s3 =	sshll.u32 s4, $0x1;
	s6 =	sshrl.u32 s4, $0x2  }
0x4: {  	s4 =	sadd.s32 $0x3C00, s0;
	s5 =	sor.u32 s1, s3;
	s3 =	simm.s32 $0x0  }
0x5: {  	s1 =	ssub.s32 $0x2, s1;
	s10 =	sshll.u32 s5, $0x7;
	s5 =	smul.u32 $0x19000, s5  }
0x6: {  	[smem:$0x7FF] =	sst s3;
	s11 =	sshrl.u32 s1, $0x1;
	s7 =	sand.u32 $0x380, s10  }
0x7: {  	_ =	strace $0x80000047;
	s1 =	ssub.s32 s1, s11;
	s10 =	sadd.s32 $0x1000, s5  }
0x8: {  	s9 =	sshrl.u32 s5, $0x3;
	s17 =	smax.u32 s1, $0x1;
	[dreg:$0x7] =	wrdreg s10  }
0x9: {  	s13 =	sadd.s32 s4, s9;
	[dreg:$0xc] =	wrdreg s17  }
0xa: {  	s12 =	sor.u32 $0x100, s9;
	s9 =	sadd.s32 s2, s9;
	[dreg:$0x3] =	wrdreg s13  }
0xb: {  	s18 =	sadd.s32 $0x10, s13;
	[dreg:$0x4] =	wrdreg s9  }
0xc: {  	s19 =	sadd.s32 $0x20, s13;
	[dreg:$0xd] =	wrdreg s18  }
0xd: {  	s20 =	sadd.s32 $0x30, s13;
	[dreg:$0xe] =	wrdreg s19  }
0xe: {  	s21 =	sadd.s32 $0x40, s13;
	[dreg:$0xf] =	wrdreg s20  }
0xf: {  	s22 =	sadd.s32 $0x50, s13;
	[dreg:$0x10] =	wrdreg s21  }
0x10: {  	s23 =	sadd.s32 $0x60, s13;
	[dreg:$0x11] =	wrdreg s22  }
0x11: {  	s8 =	sshll.u32 s6, $0x11;
	s24 =	sadd.s32 $0x70, s13;
	[dreg:$0x12] =	wrdreg s23  }
0x12: {  	s6 =	sshll.u32 s6, $0x12;
	s25 =	sadd.s32 $0x80, s13;
	[dreg:$0x13] =	wrdreg s24  }
0x13: {  	s8 =	sor.u32 s8, s7;
	s26 =	sadd.s32 $0x90, s13;
	[dreg:$0x14] =	wrdreg s25  }
0x14: {  	s6 =	sor.u32 s6, s7;
	s28 =	sadd.s32 $0xA0, s13;
	[dreg:$0x15] =	wrdreg s26  }
0x15: {  	s8 =	sshrl.u32 s8, $0x3;
	s29 =	sadd.s32 $0xB0, s13;
	[dreg:$0x16] =	wrdreg s28  }
0x16: {  	s6 =	sshrl.u32 s6, $0x3;
	s30 =	sadd.s32 $0xC0, s13;
	[dreg:$0x17] =	wrdreg s29  }
0x17: {  	s10 =	sadd.s32 $0x1800, s5;
	s31 =	sadd.s32 $0xD0, s13;
	[dreg:$0x18] =	wrdreg s30  }
0x18: {  	s8 =	sadd.s32 s8, s0;
	s1 =	sadd.s32 $0xE0, s13;
	[dreg:$0x19] =	wrdreg s31  }
0x19: {  	s0 =	sadd.s32 s6, s0;
	s5 =	sadd.s32 $0xF0, s13;
	[dreg:$0x1a] =	wrdreg s1  }
0x1a: {  	s11 =	sadd.s32 s4, s12;
	s7 =	sadd.s32 $0x10, s9;
	[dreg:$0x1b] =	wrdreg s5  }
0x1b: {  	s6 =	sadd.s32 s2, s12;
	s12 =	sadd.s32 $0x30, s9;
	[dreg:$0x1c] =	wrdreg s7  }
0x1c: {  	s13 =	sadd.s32 $0x40, s9;
	[dreg:$0x1e] =	wrdreg s12  }
0x1d: {  	s17 =	sadd.s32 $0x80, s9;
	[dreg:$0x1f] =	wrdreg s13  }
0x1e: {  	[smem:$0x7D8] =	sst s17  }
0x1f: {  	[dreg:$0x5] =	wrdreg s11  }
0x20: {  	s14 =	sadd.s32 $0x67C00, s8;
	[dreg:$0x6] =	wrdreg s6  }
0x21: {  	s15 =	sadd.s32 $0x77C00, s8;
	[dreg:$0x8] =	wrdreg s14  }
0x22: {  	s16 =	sadd.s32 $0x87C00, s0;
	[dreg:$0x9] =	wrdreg s15  }
0x23: {  	s0 =	sadd.s32 $0xA7C00, s0;
	[dreg:$0xa] =	wrdreg s16  }
0x24: {  	s8 =	sadd.s32 $0x20, s9;
	[dreg:$0xb] =	wrdreg s0  }
0x25: {  	s18 =	sadd.s32 $0x90, s9;
	[dreg:$0x1d] =	wrdreg s8  }
0x26: {  	s19 =	sadd.s32 $0xA0, s9;
	[smem:$0x7D9] =	sst s18  }
0x27: {  	s20 =	sadd.s32 $0xB0, s9;
	[smem:$0x7DA] =	sst s19  }
0x28: {  	s21 =	sadd.s32 $0xC0, s9;
	[smem:$0x7DB] =	sst s20  }
0x29: {  	s22 =	sadd.s32 $0xD0, s9;
	[smem:$0x7DC] =	sst s21  }
0x2a: {  	s23 =	sadd.s32 $0xE0, s9;
	[smem:$0x7DD] =	sst s22  }
0x2b: {  	s24 =	sadd.s32 $0xF0, s9;
	[smem:$0x7DE] =	sst s23  }
0x2c: {  	s25 =	sadd.s32 $0x10, s11;
	[smem:$0x7DF] =	sst s24  }
0x2d: {  	s26 =	sadd.s32 $0x20, s11;
	[smem:$0x7E0] =	sst s25  }
0x2e: {  	s28 =	sadd.s32 $0x30, s11;
	[smem:$0x7E1] =	sst s26  }
0x2f: {  	s29 =	sadd.s32 $0x40, s11;
	[smem:$0x7E2] =	sst s28  }
0x30: {  	s30 =	sadd.s32 $0x50, s11;
	[smem:$0x7E3] =	sst s29  }
0x31: {  	s31 =	sadd.s32 $0x60, s11;
	[smem:$0x7E4] =	sst s30  }
0x32: {  	s1 =	sadd.s32 $0x70, s11;
	[smem:$0x7E5] =	sst s31  }
0x33: {  	s5 =	sadd.s32 $0x80, s11;
	[smem:$0x7E6] =	sst s1  }
0x34: {  	s7 =	sadd.s32 $0x90, s11;
	[smem:$0x7E7] =	sst s5  }
0x35: {  	s12 =	sadd.s32 $0xC0, s11;
	[smem:$0x7E8] =	sst s7  }
0x36: {  	s13 =	sadd.s32 $0xD0, s11;
	[smem:$0x7EB] =	sst s12  }
0x37: {  	s17 =	sadd.s32 $0x20, s6;
	[smem:$0x7EC] =	sst s13  }
0x38: {  	s14 =	sadd.s32 $0x50, s9;
	[smem:$0x7F0] =	sst s17  }
0x39: {  	s15 =	sadd.s32 $0x60, s9;
	[smem:$0x7D5] =	sst s14  }
0x3a: {  	s16 =	sadd.s32 $0x70, s9;
	[smem:$0x7D6] =	sst s15  }
0x3b: {  	s8 =	sadd.s32 $0xA0, s11;
	[smem:$0x7D7] =	sst s16  }
0x3c: {  	s9 =	sadd.s32 $0xB0, s11;
	[smem:$0x7E9] =	sst s8  }
0x3d: {  	s18 =	sadd.s32 $0x30, s6;
	[smem:$0x7EA] =	sst s9  }
0x3e: {  	s19 =	sadd.s32 $0x40, s6;
	[smem:$0x7F1] =	sst s18  }
0x3f: {  	s20 =	sadd.s32 $0x50, s6;
	[smem:$0x7F2] =	sst s19  }
0x40: {  	s21 =	sadd.s32 $0x60, s6;
	[smem:$0x7F3] =	sst s20  }
0x41: {  	s22 =	sadd.s32 $0x70, s6;
	[smem:$0x7F4] =	sst s21  }
0x42: {  	s23 =	sadd.s32 $0x80, s6;
	[smem:$0x7F5] =	sst s22  }
0x43: {  	s24 =	sadd.s32 $0x90, s6;
	[smem:$0x7F6] =	sst s23  }
0x44: {  	s25 =	sadd.s32 $0xA0, s6;
	s26 =	sadd.s32 $0xB0, s6;
	[smem:$0x7F7] =	sst s24  }
0x45: {  	s28 =	sadd.s32 $0xC0, s6;
	s29 =	sadd.s32 $0xD0, s6;
	[smem:$0x7F8] =	sst s25  }
0x46: {  	s30 =	sadd.s32 $0xE0, s6;
	s31 =	sadd.s32 $0xF0, s6;
	[smem:$0x7F9] =	sst s26  }
0x47: {  	s0 =	simm.s32 $0x19480;
	s12 =	simm.s32 $0x19680;
	[smem:$0x7FA] =	sst s28  }
0x48: {  	s13 =	simm.s32 $0x19780;
	s17 =	simm.s32 $0x19C80;
	[smem:$0x7FB] =	sst s29  }
0x49: {  	s5 =	simm.s32 $0x0;
	s14 =	sadd.s32 $0xE0, s11;
	[smem:$0x7FC] =	sst s30  }
0x4a: {  	s15 =	sadd.s32 $0xF0, s11;
	s16 =	sadd.s32 $0x10, s6;
	[smem:$0x7FD] =	sst s31  }
0x4b: {  	s8 =	simm.s32 $0x19380;
	s11 =	simm.s32 $0x19580;
	s9 =	simm.s32 $0x19A80  }
.Ltmp0:
0x4c: {  	s18 =	simm.s32 $0x19D80;
	s19 =	simm.s32 $0x19E80;
	(pc) =	sbr.rel .LBB2_1-.Ltmp0, $4  }
0x4d: {  	s20 =	simm.s32 $0x19F80;
	s21 =	simm.s32 $0x1;
	[smem:$0x7ED] =	sst s14  }
0x4e: {  	s22 =	simm.s32 $0x4000;
	s23 =	simm.s32 $0x8000;
	[smem:$0x7EE] =	sst s15  }
0x4f: {  	s24 =	simm.s32 $0x10000;
	s25 =	simm.s32 $0x2;
	[smem:$0x7EF] =	sst s16  }
0x50: {  	v0 =	vimm.f32 $0.0e+00;
	v1 =	vimm.f32 $1.000000000e+00;
	s14 =	simm.s32 $0x19880;
	s15 =	simm.s32 $0x19980;
	s16 =	simm.s32 $0x19B80  }
.LBB2_18:
0x51: {  	s1 =	rddreg [dreg:$0x8]  }
0x52: {  	s5 =	simm.s32 $0x80;
	s6 =	simm.s32 $0x400;
	s7 =	simm.s32 $0x3  }
0x53: {  	[hbm4b:s1+s5] =	stream.strided.scatter [tilespmem:s3], [sflag:$0x3], $0x4000, s6, s5, $0x38;
	[tilespmem:$0x1A000] =	vst v63  }
0x54: {  	_ =	swait.ge [sflag:s7], $0x4000  }
0x55: {  	[sflag:s7] =	ssyncset.done $0x0  }
0x56: {  	s26 =	rddreg [dreg:$0x9];
	[sflag:s7] =	ssyncadd.s32 $0xFFFFC000  }
0x57: {  	[hbm4b:s26+s5] =	stream.strided.scatter [tilespmem:s22], [sflag:$0x3], $0x4000, s6, s5, $0x38;
	[tilespmem:$0x1A000] =	vst v63  }
0x58: {  	_ =	swait.ge [sflag:s7], $0x4000  }
0x59: {  	[sflag:s7] =	ssyncset.done $0x0  }
0x5a: {  	s28 =	rddreg [dreg:$0xa];
	[sflag:s7] =	ssyncadd.s32 $0xFFFFC000  }
0x5b: {  	[hbm4b:s28+s5] =	stream.strided.scatter [tilespmem:s23], [sflag:$0x3], $0x8000, s6, s5, $0x38;
	[tilespmem:$0x1A000] =	vst v63  }
0x5c: {  	_ =	swait.ge [sflag:s7], $0x8000  }
0x5d: {  	[sflag:s7] =	ssyncset.done $0x0  }
0x5e: {  	s29 =	rddreg [dreg:$0xb];
	[sflag:s7] =	ssyncadd.s32 $0xFFFF8000  }
0x5f: {  	[hbm4b:s29+s5] =	stream.strided.scatter [tilespmem:s24], [sflag:$0x3], $0x8000, s6, s5, $0x38;
	[tilespmem:$0x1A000] =	vst v63  }
0x60: {  	_ =	swait.ge [sflag:s7], $0x8000  }
0x61: {  	s30 =	sld [smem:$0x7D4];
	_ =	sdelay $0x2  }
0x62: {  	s31 =	rddreg [dreg:$0xc];
	s5 =	sadd.s32 $0x1, s30  }
0x63: {  	p0 =	sne.s32 s5, s31  }
.Ltmp1:
0x64: {  	_ = 	snop;
	(pc) =	sbr.rel @!p0 .LBB2_19-.Ltmp1, $3  }
0x65: {  	_ =	sdelay $0x1  }
0x66: {  	[sflag:s7] =	ssyncset.done $0x0  }
0x67: {  	[sflag:s7] =	ssyncadd.s32 $0xFFFF8000  }
.LBB2_1:
0x68: {  	s1 =	simm.s32 $0x20  }
0x69: {  	[tilespmem:s1+$0xFFFFFFE0] =	vst v0  }
0x6a: {  	[tilespmem:s1+$0x10] =	vst v0  }
0x6b: {  	[smem:$0x7D4] =	sst s5;
	s26 =	simm.s32 $0x0;
	[tilespmem:s1+$0x0] =	vst v0  }
.LBB2_2:
0x6c: {  	s26 =	sadd.s32 $0x4, s26  }
0x6d: {  	[tilespmem:s1+$0xFFFFFFF0] =	vst v0;
	s1 =	sadd.s32 $0x40, s1;
	s5 =	simm.s32 $0x4020;
	p0 =	slt.u32 s26, $0x3FC  }
.Ltmp2:
0x6e: {  	[tilespmem:s1+$0xFFFFFFE0] =	vst v0;
	(pc) =	sbr.rel @p0 .LBB2_2-.Ltmp2, $3  }
0x6f: {  	_ =	sdelay $0x1  }
0x70: {  	[tilespmem:s1+$0x10] =	vst v0  }
0x71: {  	[tilespmem:s1+$0x0] =	vst v0  }
0x72: {  	[tilespmem:s1+$0xFFFFFFF0] =	vst v0  }
0x73: {  	[tilespmem:s5+$0xFFFFFFE0] =	vst v0  }
0x74: {  	[tilespmem:s5+$0x10] =	vst v0  }
0x75: {  	s26 =	simm.s32 $0x0;
	s1 =	simm.s32 $0x8020;
	[tilespmem:s5+$0x0] =	vst v0  }
.LBB2_4:
0x76: {  	s26 =	sadd.s32 $0x4, s26  }
0x77: {  	[tilespmem:s5+$0xFFFFFFF0] =	vst v0;
	s5 =	sadd.s32 $0x40, s5;
	p0 =	slt.u32 s26, $0x3FC  }
.Ltmp3:
0x78: {  	[tilespmem:s5+$0xFFFFFFE0] =	vst v0;
	(pc) =	sbr.rel @p0 .LBB2_4-.Ltmp3, $3  }
0x79: {  	_ =	sdelay $0x1  }
0x7a: {  	[tilespmem:s5+$0x10] =	vst v0  }
0x7b: {  	[tilespmem:s5+$0x0] =	vst v0  }
0x7c: {  	[tilespmem:s5+$0xFFFFFFF0] =	vst v0  }
0x7d: {  	[tilespmem:s1+$0xFFFFFFE0] =	vst v0  }
0x7e: {  	[tilespmem:s1+$0x10] =	vst v0  }
0x7f: {  	s26 =	simm.s32 $0x0;
	[tilespmem:s1+$0x0] =	vst v0  }
.LBB2_6:
0x80: {  	s26 =	sadd.s32 $0x4, s26  }
0x81: {  	[tilespmem:s1+$0xFFFFFFF0] =	vst v0;
	s1 =	sadd.s32 $0x40, s1;
	s5 =	simm.s32 $0x10020;
	p0 =	slt.u32 s26, $0x7FC  }
.Ltmp4:
0x82: {  	[tilespmem:s1+$0xFFFFFFE0] =	vst v0;
	(pc) =	sbr.rel @p0 .LBB2_6-.Ltmp4, $3  }
0x83: {  	_ =	sdelay $0x1  }
0x84: {  	[tilespmem:s1+$0x10] =	vst v0  }
0x85: {  	[tilespmem:s1+$0x0] =	vst v0  }
0x86: {  	[tilespmem:s1+$0xFFFFFFF0] =	vst v0  }
0x87: {  	[tilespmem:s5+$0xFFFFFFE0] =	vst v0  }
0x88: {  	[tilespmem:s5+$0x10] =	vst v0  }
0x89: {  	s1 =	simm.s32 $0x0;
	[tilespmem:s5+$0x0] =	vst v0  }
.LBB2_8:
0x8a: {  	s1 =	sadd.s32 $0x4, s1  }
0x8b: {  	[tilespmem:s5+$0xFFFFFFF0] =	vst v0;
	s5 =	sadd.s32 $0x40, s5;
	p0 =	slt.u32 s1, $0x7FC  }
.Ltmp5:
0x8c: {  	[tilespmem:s5+$0xFFFFFFE0] =	vst v0;
	(pc) =	sbr.rel @p0 .LBB2_8-.Ltmp5, $3  }
0x8d: {  	_ =	sdelay $0x1  }
0x8e: {  	[tilespmem:s5+$0x10] =	vst v0  }
0x8f: {  	[tilespmem:s5+$0x0] =	vst v0  }
0x90: {  	s1 =	rddreg [dreg:$0x3]  }
0x91: {  	[tilespmem:s5+$0xFFFFFFF0] =	vst v0;
	s26 =	simm.s32 $0x0;
	s31 =	simm.s32 $0x18000;
	s5 =	rddreg [dreg:$0xd]  }
0x92: {  	[tilespmem:s31], [sflag:$0x1] =	stream.linear.gather [hbm4b:s1+s26], $0x80, $0x38;
	[tilespmem:$0x1A000] =	vst v63  }
0x93: {  	s6 =	simm.s32 $0x18100;
	s7 =	rddreg [dreg:$0xe]  }
0x94: {  	[tilespmem:s6], [sflag:$0x1] =	stream.linear.gather [hbm4b:s5+s26], $0x80, $0x38;
	[tilespmem:$0x1A000] =	vst v63  }
0x95: {  	s29 =	simm.s32 $0x18200;
	s30 =	rddreg [dreg:$0xf]  }
0x96: {  	[tilespmem:s29], [sflag:$0x1] =	stream.linear.gather [hbm4b:s7+s26], $0x80, $0x38;
	[tilespmem:$0x1A000] =	vst v63  }
0x97: {  	s31 =	simm.s32 $0x18300;
	s5 =	rddreg [dreg:$0x10]  }
0x98: {  	[tilespmem:s31], [sflag:$0x1] =	stream.linear.gather [hbm4b:s30+s26], $0x80, $0x38;
	[tilespmem:$0x1A000] =	vst v63  }
0x99: {  	s6 =	simm.s32 $0x18400;
	s7 =	rddreg [dreg:$0x11]  }
0x9a: {  	[tilespmem:s6], [sflag:$0x1] =	stream.linear.gather [hbm4b:s5+s26], $0x80, $0x38;
	[tilespmem:$0x1A000] =	vst v63  }
0x9b: {  	s29 =	simm.s32 $0x18500;
	s30 =	rddreg [dreg:$0x12]  }
0x9c: {  	[tilespmem:s29], [sflag:$0x1] =	stream.linear.gather [hbm4b:s7+s26], $0x80, $0x38;
	[tilespmem:$0x1A000] =	vst v63  }
0x9d: {  	s31 =	simm.s32 $0x18600;
	s5 =	rddreg [dreg:$0x13]  }
0x9e: {  	[tilespmem:s31], [sflag:$0x1] =	stream.linear.gather [hbm4b:s30+s26], $0x80, $0x38;
	[tilespmem:$0x1A000] =	vst v63  }
0x9f: {  	s6 =	simm.s32 $0x18700;
	s7 =	rddreg [dreg:$0x14]  }
0xa0: {  	[tilespmem:s6], [sflag:$0x1] =	stream.linear.gather [hbm4b:s5+s26], $0x80, $0x38;
	[tilespmem:$0x1A000] =	vst v63  }
0xa1: {  	s29 =	simm.s32 $0x18800;
	s30 =	rddreg [dreg:$0x15]  }
0xa2: {  	[tilespmem:s29], [sflag:$0x1] =	stream.linear.gather [hbm4b:s7+s26], $0x80, $0x38;
	[tilespmem:$0x1A000] =	vst v63  }
0xa3: {  	s31 =	simm.s32 $0x18900;
	s5 =	rddreg [dreg:$0x16]  }
0xa4: {  	[tilespmem:s31], [sflag:$0x1] =	stream.linear.gather [hbm4b:s30+s26], $0x80, $0x38;
	[tilespmem:$0x1A000] =	vst v63  }
0xa5: {  	s6 =	simm.s32 $0x18A00;
	s7 =	rddreg [dreg:$0x17]  }
0xa6: {  	[tilespmem:s6], [sflag:$0x1] =	stream.linear.gather [hbm4b:s5+s26], $0x80, $0x38;
	[tilespmem:$0x1A000] =	vst v63  }
0xa7: {  	s29 =	simm.s32 $0x18B00;
	s30 =	rddreg [dreg:$0x18]  }
0xa8: {  	[tilespmem:s29], [sflag:$0x1] =	stream.linear.gather [hbm4b:s7+s26], $0x80, $0x38;
	[tilespmem:$0x1A000] =	vst v63  }
0xa9: {  	s31 =	simm.s32 $0x18C00;
	s5 =	rddreg [dreg:$0x19]  }
0xaa: {  	[tilespmem:s31], [sflag:$0x1] =	stream.linear.gather [hbm4b:s30+s26], $0x80, $0x38;
	[tilespmem:$0x1A000] =	vst v63  }
0xab: {  	s6 =	simm.s32 $0x18D00;
	s7 =	rddreg [dreg:$0x1a]  }
0xac: {  	[tilespmem:s6], [sflag:$0x1] =	stream.linear.gather [hbm4b:s5+s26], $0x80, $0x38;
	[tilespmem:$0x1A000] =	vst v63  }
0xad: {  	s29 =	simm.s32 $0x18E00;
	s30 =	rddreg [dreg:$0x1b]  }
0xae: {  	[tilespmem:s29], [sflag:$0x1] =	stream.linear.gather [hbm4b:s7+s26], $0x80, $0x38;
	[tilespmem:$0x1A000] =	vst v63  }
0xaf: {  	s31 =	simm.s32 $0x18F00;
	s5 =	rddreg [dreg:$0x4]  }
0xb0: {  	[tilespmem:s31], [sflag:$0x1] =	stream.linear.gather [hbm4b:s30+s26], $0x80, $0x38;
	[tilespmem:$0x1A000] =	vst v63  }
0xb1: {  	s6 =	simm.s32 $0x19000;
	s7 =	rddreg [dreg:$0x1c]  }
0xb2: {  	[tilespmem:s6], [sflag:$0x1] =	stream.linear.gather [hbm4b:s5+s26], $0x80, $0x38;
	[tilespmem:$0x1A000] =	vst v63  }
0xb3: {  	s29 =	simm.s32 $0x19100;
	s30 =	rddreg [dreg:$0x1d]  }
0xb4: {  	[tilespmem:s29], [sflag:$0x1] =	stream.linear.gather [hbm4b:s7+s26], $0x80, $0x38;
	[tilespmem:$0x1A000] =	vst v63  }
0xb5: {  	s31 =	simm.s32 $0x19200;
	s5 =	rddreg [dreg:$0x1e]  }
0xb6: {  	[tilespmem:s31], [sflag:$0x1] =	stream.linear.gather [hbm4b:s30+s26], $0x80, $0x38;
	[tilespmem:$0x1A000] =	vst v63  }
0xb7: {  	s6 =	simm.s32 $0x19300;
	s7 =	rddreg [dreg:$0x1f]  }
0xb8: {  	[tilespmem:s6], [sflag:$0x1] =	stream.linear.gather [hbm4b:s5+s26], $0x80, $0x38;
	[tilespmem:$0x1A000] =	vst v63  }
0xb9: {  	s29 =	simm.s32 $0x19400;
	s30 =	sld [smem:$0x7D5]  }
0xba: {  	[tilespmem:s29], [sflag:$0x1] =	stream.linear.gather [hbm4b:s7+s26], $0x80, $0x38;
	[tilespmem:$0x1A000] =	vst v63  }
0xbb: {  	s31 =	simm.s32 $0x19500;
	s5 =	sld [smem:$0x7D6]  }
0xbc: {  	[tilespmem:s31], [sflag:$0x1] =	stream.linear.gather [hbm4b:s30+s26], $0x80, $0x38;
	[tilespmem:$0x1A000] =	vst v63  }
0xbd: {  	s6 =	simm.s32 $0x19600;
	s7 =	sld [smem:$0x7D7]  }
0xbe: {  	[tilespmem:s6], [sflag:$0x1] =	stream.linear.gather [hbm4b:s5+s26], $0x80, $0x38;
	[tilespmem:$0x1A000] =	vst v63  }
0xbf: {  	s29 =	simm.s32 $0x19700;
	s30 =	sld [smem:$0x7D8]  }
0xc0: {  	[tilespmem:s29], [sflag:$0x1] =	stream.linear.gather [hbm4b:s7+s26], $0x80, $0x38;
	[tilespmem:$0x1A000] =	vst v63  }
0xc1: {  	s31 =	simm.s32 $0x19800;
	s5 =	sld [smem:$0x7D9]  }
0xc2: {  	[tilespmem:s31], [sflag:$0x1] =	stream.linear.gather [hbm4b:s30+s26], $0x80, $0x38;
	[tilespmem:$0x1A000] =	vst v63  }
0xc3: {  	s6 =	simm.s32 $0x19900;
	s7 =	sld [smem:$0x7DA]  }
0xc4: {  	[tilespmem:s6], [sflag:$0x1] =	stream.linear.gather [hbm4b:s5+s26], $0x80, $0x38;
	[tilespmem:$0x1A000] =	vst v63  }
0xc5: {  	s29 =	simm.s32 $0x19A00;
	s30 =	sld [smem:$0x7DB]  }
0xc6: {  	[tilespmem:s29], [sflag:$0x1] =	stream.linear.gather [hbm4b:s7+s26], $0x80, $0x38;
	[tilespmem:$0x1A000] =	vst v63  }
0xc7: {  	s31 =	simm.s32 $0x19B00;
	s5 =	sld [smem:$0x7DC]  }
0xc8: {  	[tilespmem:s31], [sflag:$0x1] =	stream.linear.gather [hbm4b:s30+s26], $0x80, $0x38;
	[tilespmem:$0x1A000] =	vst v63  }
0xc9: {  	s6 =	simm.s32 $0x19C00;
	s7 =	sld [smem:$0x7DD]  }
0xca: {  	[tilespmem:s6], [sflag:$0x1] =	stream.linear.gather [hbm4b:s5+s26], $0x80, $0x38;
	[tilespmem:$0x1A000] =	vst v63  }
0xcb: {  	s29 =	simm.s32 $0x19D00;
	s30 =	sld [smem:$0x7DE]  }
0xcc: {  	[tilespmem:s29], [sflag:$0x1] =	stream.linear.gather [hbm4b:s7+s26], $0x80, $0x38;
	[tilespmem:$0x1A000] =	vst v63  }
0xcd: {  	s31 =	simm.s32 $0x19E00;
	s5 =	sld [smem:$0x7DF]  }
0xce: {  	[tilespmem:s31], [sflag:$0x1] =	stream.linear.gather [hbm4b:s30+s26], $0x80, $0x38;
	[tilespmem:$0x1A000] =	vst v63  }
0xcf: {  	s6 =	simm.s32 $0x19F00;
	s7 =	rddreg [dreg:$0x5]  }
0xd0: {  	[tilespmem:s6], [sflag:$0x1] =	stream.linear.gather [hbm4b:s5+s26], $0x80, $0x38;
	[tilespmem:$0x1A000] =	vst v63  }
0xd1: {  	s29 =	simm.s32 $0x18080;
	s30 =	sld [smem:$0x7E0]  }
0xd2: {  	[tilespmem:s29], [sflag:$0x2] =	stream.linear.gather [hbm4b:s7+s26], $0x80, $0x38;
	[tilespmem:$0x1A000] =	vst v63  }
0xd3: {  	s31 =	simm.s32 $0x18180;
	s5 =	sld [smem:$0x7E1]  }
0xd4: {  	[tilespmem:s31], [sflag:$0x2] =	stream.linear.gather [hbm4b:s30+s26], $0x80, $0x38;
	[tilespmem:$0x1A000] =	vst v63  }
0xd5: {  	s6 =	simm.s32 $0x18280;
	s7 =	sld [smem:$0x7E2]  }
0xd6: {  	[tilespmem:s6], [sflag:$0x2] =	stream.linear.gather [hbm4b:s5+s26], $0x80, $0x38;
	[tilespmem:$0x1A000] =	vst v63  }
0xd7: {  	s29 =	simm.s32 $0x18380;
	s30 =	sld [smem:$0x7E3]  }
0xd8: {  	[tilespmem:s29], [sflag:$0x2] =	stream.linear.gather [hbm4b:s7+s26], $0x80, $0x38;
	[tilespmem:$0x1A000] =	vst v63  }
0xd9: {  	s31 =	simm.s32 $0x18480;
	s5 =	sld [smem:$0x7E4]  }
0xda: {  	[tilespmem:s31], [sflag:$0x2] =	stream.linear.gather [hbm4b:s30+s26], $0x80, $0x38;
	[tilespmem:$0x1A000] =	vst v63  }
0xdb: {  	s6 =	simm.s32 $0x18580;
	s7 =	sld [smem:$0x7E5]  }
0xdc: {  	[tilespmem:s6], [sflag:$0x2] =	stream.linear.gather [hbm4b:s5+s26], $0x80, $0x38;
	[tilespmem:$0x1A000] =	vst v63  }
0xdd: {  	s29 =	simm.s32 $0x18680;
	s30 =	sld [smem:$0x7E6]  }
0xde: {  	[tilespmem:s29], [sflag:$0x2] =	stream.linear.gather [hbm4b:s7+s26], $0x80, $0x38;
	[tilespmem:$0x1A000] =	vst v63  }
0xdf: {  	s31 =	simm.s32 $0x18780;
	s5 =	sld [smem:$0x7E7]  }
0xe0: {  	[tilespmem:s31], [sflag:$0x2] =	stream.linear.gather [hbm4b:s30+s26], $0x80, $0x38;
	[tilespmem:$0x1A000] =	vst v63  }
0xe1: {  	s6 =	simm.s32 $0x18880;
	s7 =	sld [smem:$0x7E8]  }
0xe2: {  	[tilespmem:s6], [sflag:$0x2] =	stream.linear.gather [hbm4b:s5+s26], $0x80, $0x38;
	[tilespmem:$0x1A000] =	vst v63  }
0xe3: {  	s29 =	simm.s32 $0x18980;
	s30 =	sld [smem:$0x7E9]  }
0xe4: {  	[tilespmem:s29], [sflag:$0x2] =	stream.linear.gather [hbm4b:s7+s26], $0x80, $0x38;
	[tilespmem:$0x1A000] =	vst v63  }
0xe5: {  	s31 =	simm.s32 $0x18A80;
	s5 =	sld [smem:$0x7EA]  }
0xe6: {  	[tilespmem:s31], [sflag:$0x2] =	stream.linear.gather [hbm4b:s30+s26], $0x80, $0x38;
	[tilespmem:$0x1A000] =	vst v63  }
0xe7: {  	s6 =	simm.s32 $0x18B80;
	s7 =	sld [smem:$0x7EB]  }
0xe8: {  	[tilespmem:s6], [sflag:$0x2] =	stream.linear.gather [hbm4b:s5+s26], $0x80, $0x38;
	[tilespmem:$0x1A000] =	vst v63  }
0xe9: {  	s29 =	simm.s32 $0x18C80;
	s30 =	sld [smem:$0x7EC]  }
0xea: {  	[tilespmem:s29], [sflag:$0x2] =	stream.linear.gather [hbm4b:s7+s26], $0x80, $0x38;
	[tilespmem:$0x1A000] =	vst v63  }
0xeb: {  	s31 =	simm.s32 $0x18D80;
	s5 =	sld [smem:$0x7ED]  }
0xec: {  	[tilespmem:s31], [sflag:$0x2] =	stream.linear.gather [hbm4b:s30+s26], $0x80, $0x38;
	[tilespmem:$0x1A000] =	vst v63  }
0xed: {  	s6 =	simm.s32 $0x18E80;
	s7 =	sld [smem:$0x7EE]  }
0xee: {  	[tilespmem:s6], [sflag:$0x2] =	stream.linear.gather [hbm4b:s5+s26], $0x80, $0x38;
	[tilespmem:$0x1A000] =	vst v63  }
0xef: {  	s29 =	simm.s32 $0x18F80;
	s30 =	rddreg [dreg:$0x6]  }
0xf0: {  	[tilespmem:s29], [sflag:$0x2] =	stream.linear.gather [hbm4b:s7+s26], $0x80, $0x38;
	[tilespmem:$0x1A000] =	vst v63  }
0xf1: {  	s31 =	simm.s32 $0x19080;
	s6 =	sld [smem:$0x7EF]  }
0xf2: {  	[tilespmem:s31], [sflag:$0x2] =	stream.linear.gather [hbm4b:s30+s26], $0x80, $0x38;
	[tilespmem:$0x1A000] =	vst v63  }
0xf3: {  	s7 =	simm.s32 $0x19180;
	s29 =	sld [smem:$0x7F0]  }
0xf4: {  	[tilespmem:s7], [sflag:$0x2] =	stream.linear.gather [hbm4b:s6+s26], $0x80, $0x38;
	[tilespmem:$0x1A000] =	vst v63  }
0xf5: {  	s30 =	simm.s32 $0x19280;
	s31 =	sld [smem:$0x7F1]  }
0xf6: {  	[tilespmem:s30], [sflag:$0x2] =	stream.linear.gather [hbm4b:s29+s26], $0x80, $0x38;
	[tilespmem:$0x1A000] =	vst v63  }
0xf7: {  	s5 =	sld [smem:$0x7F2]  }
0xf8: {  	[tilespmem:s8], [sflag:$0x2] =	stream.linear.gather [hbm4b:s31+s26], $0x80, $0x38;
	[tilespmem:$0x1A000] =	vst v63  }
0xf9: {  	s6 =	sld [smem:$0x7F3]  }
0xfa: {  	[tilespmem:s0], [sflag:$0x2] =	stream.linear.gather [hbm4b:s5+s26], $0x80, $0x38;
	[tilespmem:$0x1A000] =	vst v63  }
0xfb: {  	s7 =	sld [smem:$0x7F4]  }
0xfc: {  	[tilespmem:s11], [sflag:$0x2] =	stream.linear.gather [hbm4b:s6+s26], $0x80, $0x38;
	[tilespmem:$0x1A000] =	vst v63  }
0xfd: {  	s29 =	sld [smem:$0x7F5]  }
0xfe: {  	[tilespmem:s12], [sflag:$0x2] =	stream.linear.gather [hbm4b:s7+s26], $0x80, $0x38;
	[tilespmem:$0x1A000] =	vst v63  }
0xff: {  	s30 =	sld [smem:$0x7F6]  }
0x100: {  	[tilespmem:s13], [sflag:$0x2] =	stream.linear.gather [hbm4b:s29+s26], $0x80, $0x38;
	[tilespmem:$0x1A000] =	vst v63  }
0x101: {  	s31 =	sld [smem:$0x7F7]  }
0x102: {  	[tilespmem:s14], [sflag:$0x2] =	stream.linear.gather [hbm4b:s30+s26], $0x80, $0x38;
	[tilespmem:$0x1A000] =	vst v63  }
0x103: {  	s5 =	sld [smem:$0x7F8]  }
0x104: {  	[tilespmem:s15], [sflag:$0x2] =	stream.linear.gather [hbm4b:s31+s26], $0x80, $0x38;
	[tilespmem:$0x1A000] =	vst v63  }
0x105: {  	s6 =	sld [smem:$0x7F9]  }
0x106: {  	[tilespmem:s9], [sflag:$0x2] =	stream.linear.gather [hbm4b:s5+s26], $0x80, $0x38;
	[tilespmem:$0x1A000] =	vst v63  }
0x107: {  	s7 =	sld [smem:$0x7FA]  }
0x108: {  	[tilespmem:s16], [sflag:$0x2] =	stream.linear.gather [hbm4b:s6+s26], $0x80, $0x38;
	[tilespmem:$0x1A000] =	vst v63  }
0x109: {  	s29 =	sld [smem:$0x7FB]  }
0x10a: {  	[tilespmem:s17], [sflag:$0x2] =	stream.linear.gather [hbm4b:s7+s26], $0x80, $0x38;
	[tilespmem:$0x1A000] =	vst v63  }
0x10b: {  	s30 =	sld [smem:$0x7FC]  }
0x10c: {  	[tilespmem:s18], [sflag:$0x2] =	stream.linear.gather [hbm4b:s29+s26], $0x80, $0x38;
	[tilespmem:$0x1A000] =	vst v63  }
0x10d: {  	s31 =	sld [smem:$0x7FD]  }
0x10e: {  	[tilespmem:s19], [sflag:$0x2] =	stream.linear.gather [hbm4b:s30+s26], $0x80, $0x38;
	[tilespmem:$0x1A000] =	vst v63  }
0x10f: {  	s28 =	simm.s32 $0x0  }
0x110: {  	[tilespmem:s20], [sflag:$0x2] =	stream.linear.gather [hbm4b:s31+s26], $0x80, $0x38;
	[tilespmem:$0x1A000] =	vst v63  }
.LBB2_10:
0x111: {  	_ =	swait.ge [sflag:s21], $0x800  }
0x112: {  	[sflag:s21] =	ssyncset.done $0x0  }
0x113: {  	[sflag:s21] =	ssyncadd.s32 $0xFFFFF800  }
0x114: {  	_ =	swait.ge [sflag:s21], $0x800  }
0x115: {  	s1 =	sand.u32 $0x40, s26;
	s5 =	sand.u32 $0xF00, s26;
	[sflag:s21] =	ssyncset.done $0x0  }
0x116: {  	s1 =	sor.u32 s1, s5;
	[sflag:s21] =	ssyncadd.s32 $0xFFFFF800  }
0x117: {  	v2 =	vld [tilespmem:s1+$0x19000]  }
0x118: {  	v3 =	vld [tilespmem:s1+$0x19020]  }
0x119: {  	v4 =	vld [tilespmem:s1+$0x19030];
	_ =	sdelay $0x1  }
0x11a: {  	v9 =	vld [tilespmem:s1+$0x19010];
	_ =	sdelay $0x1  }
0x11b: {  	v6 =	vld [tilespmem:s1+$0x18020];
	v5 =	vmul.f32 $3.276800000e+04, v2;
	v2 =	vmul.f32 $6.931471820e-01, v2  }
0x11c: {  	v7 =	vmul.f32 $6.931471820e-01, v3;
	v8 =	vmul.f32 $3.276800000e+04, v4  }
0x11d: {  	v4 =	vmul.f32 $6.931471820e-01, v4;
	v3 =	vmul.f32 $3.276800000e+04, v3  }
0x11e: {  	v10 =	vmul.f32 $3.276800000e+04, v9;
	v9 =	vmul.f32 $6.931471820e-01, v9  }
0x11f: {  	v11 =	vld [tilespmem:s1+$0x18000];
	v7 =	vmul.f32 $1.442695020e+00, v7;
	v8 =	vtrunc.f32 v8  }
0x120: {  	vm0 =	vlt.s32 v6, $0x0;
	v4 =	vmul.f32 $1.442695020e+00, v4;
	v3 =	vtrunc.f32 v3  }
0x121: {  	v2 =	vmul.f32 $1.442695020e+00, v2;
	(erf) = vpow2.f32 v7;
	v7 =	vandn.u32 $0x7FFC0000, v6  }
0x122: {  	v10 =	vtrunc.f32 v10;
	v8 =	vcvt.f32.s32 v8;
	v6 =	vsel vm0, v6, v7;
	v7 =	vld [tilespmem:s1+$0x18030]  }
0x123: {  	v3 =	vcvt.f32.s32 v3;
	(erf) = vpow2.f32 v4  }
0x124: {  	s7 =	simm.s32 $0x80;
	s31 =	simm.s32 $0x40;
	vm7 =	vlt.s32 v11, $0x0;
	v9 =	vmul.f32 $1.442695020e+00, v9;
	v10 =	vcvt.f32.s32 v10  }
0x125: {  	s5 =	sand.u32 $0x40, s31;
	v4 =	vld [tilespmem:s1+$0x18010];
	vm4 =	vgt.s32 v8, $0x0;
	vm1 =	vgt.s32 v3, $0x0;
	s1 =	sand.u32 $0xF00, s7;
	v6 =	vshrl.u32 v6, $0x12  }
0x126: {  	v8 =	vnsel vm4, $0x0, v8;
	(erf) = vpow2.f32 v2;
	v2 =	vtrunc.f32 v5;
	s1 =	sor.u32 s5, s1  }
0x127: {  	v3 =	vnsel vm1, $0x0, v3;
	v14 =	vld [tilespmem:s1+$0x19010];
	vm5 =	vlt.s32 v7, $0x0;
	v5 =	vandn.u32 $0x7FFC0000, v7  }
0x128: {  	v8 =	vmin.u32 v8, $0x7FFF;
	v2 =	vcvt.f32.s32 v2;
	v15 =	vld [tilespmem:s1+$0x19020];
	v5 =	vsel vm5, v7, v5  }
0x129: {  	v3 =	vmin.u32 v3, $0x7FFF;
	v8 =	vxor.u32 $0x7FFF, v8;
	v7 =	vld [tilespmem:s1+$0x19000];
	v5 =	vshrl.u32 v5, $0x12  }
0x12a: {  	v17 =	vld [tilespmem:s1+$0x19030];
	vm8 =	vgt.s32 v2, $0x0;
	vm6 =	vlt.s32 v4, $0x0;
	v12 =	vandn.u32 $0x7FFC0000, v4;
	v13 =	vpop (erf)  }
0x12b: {  	v63 =	vld [tilespmem:s1+$0x18000];
	v4 =	vsel vm6, v4, v12;
	v12 =	vandn.u32 $0x7FFC0000, v11;
	v13 =	vadd.f32 $-1.000000000e+00, v13  }
0x12c: {  	[tilespmem:v6+s3+$0x0] =	vst.idx.add.f32.msk $0xffff, v1;
	v61 =	vmul.f32 $3.276800000e+04, v14;
	(erf) = vpow2.f32 v9;
	v9 =	vsel vm7, v11, v12;
	v16 =	vpop (erf)  }
0x12d: {  	v12 =	vnsel vm8, $0x0, v2;
	v2 =	vmul.f32 $6.931471820e-01, v14;
	[tilespmem:v6+s22+$0x0] =	vst.idx.add.f32.msk $0xffff, v13;
	v6 =	vadd.f32 $-1.000000000e+00, v16  }
0x12e: {  	v3 =	vxor.u32 $0x7FFF, v3;
	v14 =	vmul.f32 $6.931471820e-01, v15;
	v11 =	vmul.f32 $3.276800000e+04, v7;
	[tilespmem:v5+s3+$0x0] =	vst.idx.add.f32.msk $0xffff, v1  }
0x12f: {  	v4 =	vshrl.u32 v4, $0x12;
	v7 =	vmul.f32 $6.931471820e-01, v7;
	[tilespmem:v5+s22+$0x0] =	vst.idx.add.f32.msk $0xffff, v6;
	v5 =	vmul.f32 $3.276800000e+04, v15  }
0x130: {  	vm9 =	vgt.s32 v10, $0x0;
	v15 =	vmul.f32 $3.276800000e+04, v17;
	v17 =	vmul.f32 $6.931471820e-01, v17;
	[tilespmem:v8+s23+$0x0] =	vst.idx.add.f32.msk $0xffff, v1  }
0x131: {  	v7 =	vmul.f32 $1.442695020e+00, v7;
	[tilespmem:v8+s24+$0x0] =	vst.idx.add.f32.msk $0xffff, v6;
	v6 =	vmul.f32 $1.442695020e+00, v14;
	v14 =	vshrl.u32 v9, $0x12  }
0x132: {  	v8 =	vnsel vm9, $0x0, v10;
	v10 =	vld [tilespmem:s1+$0x18020];
	v9 =	vtrunc.f32 v15;
	v15 =	vmul.f32 $1.442695020e+00, v17  }
0x133: {  	[tilespmem:v3+s23+$0x0] =	vst.idx.add.f32.msk $0xffff, v1;
	v8 =	vmin.u32 v8, $0x7FFF;
	v62 =	vcvt.f32.s32 v9;
	(erf) = vpow2.f32 v6  }
0x134: {  	vm14 =	vlt.s32 v63, $0x0;
	[tilespmem:v4+s3+$0x0] =	vst.idx.add.f32.msk $0xffff, v1;
	v5 =	vtrunc.f32 v5;
	(erf) = vpow2.f32 v15  }
0x135: {  	[tilespmem:v3+s24+$0x0] =	vst.idx.add.f32.msk $0xffff, v13;
	v13 =	vpop (erf);
	v5 =	vcvt.f32.s32 v5;
	v6 =	vmin.u32 v12, $0x7FFF;
	vm10 =	vgt.s32 v62, $0x0  }
0x136: {  	v3 =	vxor.u32 $0x7FFF, v8;
	v15 =	vld [tilespmem:s1+$0x18010];
	v18 =	vxor.u32 $0x7FFF, v6;
	v8 =	vpop (erf);
	v6 =	vnsel vm10, $0x0, v62  }
0x137: {  	v12 =	vld [tilespmem:s1+$0x18030];
	v9 =	vadd.f32 $-1.000000000e+00, v8;
	vm12 =	vlt.s32 v10, $0x0;
	v8 =	vandn.u32 $0x7FFC0000, v10  }
0x138: {  	(erf) = vpow2.f32 v7;
	[tilespmem:v14+s3+$0x0] =	vst.idx.add.f32.msk $0xffff, v1;
	v8 =	vsel vm12, v10, v8;
	v10 =	vadd.f32 $-1.000000000e+00, v13  }
0x139: {  	vm11 =	vgt.s32 v5, $0x0;
	v6 =	vmin.u32 v6, $0x7FFF;
	[tilespmem:v4+s22+$0x0] =	vst.idx.add.f32.msk $0xffff, v9;
	v4 =	vtrunc.f32 v11  }
0x13a: {  	v13 =	vtrunc.f32 v61;
	v8 =	vshrl.u32 v8, $0x12;
	v4 =	vcvt.f32.s32 v4;
	[tilespmem:v14+s22+$0x0] =	vst.idx.add.f32.msk $0xffff, v10  }
0x13b: {  	v11 =	vnsel vm11, $0x0, v5;
	vm13 =	vlt.s32 v15, $0x0;
	v7 =	vandn.u32 $0x7FFC0000, v15;
	[tilespmem:v3+s23+$0x0] =	vst.idx.add.f32.msk $0xffff, v1  }
0x13c: {  	v5 =	vandn.u32 $0x7FFC0000, v63;
	v7 =	vsel vm13, v15, v7;
	[tilespmem:v18+s23+$0x0] =	vst.idx.add.f32.msk $0xffff, v1;
	vm15 =	vgt.s32 v4, $0x0;
	v14 =	vpop (erf)  }
0x13d: {  	s29 =	simm.s32 $0x100;
	s30 =	simm.s32 $0x80;
	s1 =	simm.s32 $0x4;
	[tilespmem:v18+s24+$0x0] =	vst.idx.add.f32.msk $0xffff, v10;
	v10 =	vsel vm14, v63, v5;
	v4 =	vnsel vm15, $0x0, v4;
	v5 =	vadd.f32 $-1.000000000e+00, v14;
	v14 =	vpop (erf)  }
.LBB2_11:
0x13e: {  	s5 =	sand.u32 $0x40, s30;
	s31 =	sand.u32 $0xF00, s29;
	s1 =	sadd.s32 $0x4, s1;
	v13 =	vcvt.f32.s32 v13;
	vm0 =	vlt.s32 v12, $0x0;
	v15 =	vandn.u32 $0x7FFC0000, v12;
	[tilespmem:v3+s24+$0x0] =	vst.idx.add.f32.msk $0xffff, v9  }
0x13f: {  	s31 =	sor.u32 s5, s31;
	p0 =	slt.u32 s1, $0x7C;
	[tilespmem:v8+s3+$0x0] =	vst.idx.add.f32.msk $0xffff, v1;
	v3 =	vsel vm0, v12, v15  }
0x140: {  	v9 =	vld [tilespmem:s31+$0x19000];
	vm0 =	vgt.s32 v13, $0x0;
	v3 =	vshrl.u32 v3, $0x12  }
0x141: {  	v12 =	vld [tilespmem:s31+$0x19010];
	v13 =	vnsel vm0, $0x0, v13;
	v15 =	vpop (erf)  }
0x142: {  	v2 =	vmul.f32 $1.442695020e+00, v2;
	v6 =	vxor.u32 $0x7FFF, v6;
	v16 =	vld [tilespmem:s31+$0x19020];
	v13 =	vmin.u32 v13, $0x7FFF  }
0x143: {  	v11 =	vmin.u32 v11, $0x7FFF;
	v17 =	vld [tilespmem:s31+$0x19030]  }
0x144: {  	[tilespmem:v8+s22+$0x0] =	vst.idx.add.f32.msk $0xffff, v5;
	v8 =	vxor.u32 $0x7FFF, v11;
	v11 =	vadd.f32 $-1.000000000e+00, v14;
	(erf) = vpow2.f32 v2  }
0x145: {  	v14 =	vmul.f32 $3.276800000e+04, v9;
	v9 =	vmul.f32 $6.931471820e-01, v9;
	[tilespmem:v3+s3+$0x0] =	vst.idx.add.f32.msk $0xffff, v1  }
0x146: {  	v18 =	vmul.f32 $3.276800000e+04, v12;
	v2 =	vmul.f32 $6.931471820e-01, v12;
	[tilespmem:v3+s22+$0x0] =	vst.idx.add.f32.msk $0xffff, v11  }
0x147: {  	v7 =	vshrl.u32 v7, $0x12;
	v3 =	vmul.f32 $3.276800000e+04, v16;
	v12 =	vmul.f32 $6.931471820e-01, v16;
	[tilespmem:v6+s23+$0x0] =	vst.idx.add.f32.msk $0xffff, v1  }
0x148: {  	v16 =	vmul.f32 $3.276800000e+04, v17;
	v17 =	vmul.f32 $6.931471820e-01, v17;
	[tilespmem:v6+s24+$0x0] =	vst.idx.add.f32.msk $0xffff, v11  }
0x149: {  	v10 =	vshrl.u32 v10, $0x12;
	v6 =	vtrunc.f32 v3;
	v3 =	vmul.f32 $1.442695020e+00, v12;
	[tilespmem:v8+s23+$0x0] =	vst.idx.add.f32.msk $0xffff, v1  }
0x14a: {  	v11 =	vld [tilespmem:s31+$0x18020];
	v12 =	vtrunc.f32 v16;
	v16 =	vmul.f32 $1.442695020e+00, v17  }
0x14b: {  	v12 =	vcvt.f32.s32 v12;
	(erf) = vpow2.f32 v3;
	v3 =	vxor.u32 $0x7FFF, v13;
	[tilespmem:v8+s24+$0x0] =	vst.idx.add.f32.msk $0xffff, v5  }
0x14c: {  	v4 =	vmin.u32 v4, $0x7FFF;
	v5 =	vcvt.f32.s32 v6;
	(erf) = vpow2.f32 v16;
	[tilespmem:v7+s3+$0x0] =	vst.idx.add.f32.msk $0xffff, v1  }
0x14d: {  	v4 =	vxor.u32 $0x7FFF, v4;
	v8 =	vmul.f32 $1.442695020e+00, v9;
	v13 =	vld [tilespmem:s31+$0x18010];
	vm0 =	vgt.s32 v12, $0x0;
	v6 =	vpop (erf)  }
0x14e: {  	vm1 =	vgt.s32 v5, $0x0;
	v12 =	vnsel vm0, $0x0, v12;
	[tilespmem:v10+s3+$0x0] =	vst.idx.add.f32.msk $0xffff, v1;
	v9 =	vadd.f32 $-1.000000000e+00, v6  }
0x14f: {  	v16 =	vld [tilespmem:s31+$0x18000];
	vm0 =	vlt.s32 v11, $0x0;
	v17 =	vandn.u32 $0x7FFC0000, v11;
	v6 =	vmin.u32 v12, $0x7FFF  }
0x150: {  	v15 =	vadd.f32 $-1.000000000e+00, v15;
	v11 =	vsel vm0, v11, v17;
	(erf) = vpow2.f32 v8;
	[tilespmem:v7+s22+$0x0] =	vst.idx.add.f32.msk $0xffff, v9  }
.Ltmp6:
0x151: {  	v7 =	vtrunc.f32 v14;
	v8 =	vshrl.u32 v11, $0x12;
	v11 =	vnsel vm1, $0x0, v5;
	v12 =	vld [tilespmem:s31+$0x18030];
	(pc) =	sbr.rel @p0 .LBB2_11-.Ltmp6, $4  }
0x152: {  	v5 =	vcvt.f32.s32 v7;
	vm0 =	vlt.s32 v13, $0x0;
	v7 =	vandn.u32 $0x7FFC0000, v13;
	[tilespmem:v10+s22+$0x0] =	vst.idx.add.f32.msk $0xffff, v15  }
0x153: {  	v7 =	vsel vm0, v13, v7;
	v13 =	vtrunc.f32 v18;
	[tilespmem:v4+s23+$0x0] =	vst.idx.add.f32.msk $0xffff, v1  }
0x154: {  	vm1 =	vgt.s32 v5, $0x0;
	vm0 =	vlt.s32 v16, $0x0;
	v10 =	vandn.u32 $0x7FFC0000, v16;
	v14 =	vpop (erf);
	[tilespmem:v4+s24+$0x0] =	vst.idx.add.f32.msk $0xffff, v15  }
0x155: {  	s29 =	sadd.s32 $0x80, s29;
	s30 =	sadd.s32 $0x40, s30;
	v4 =	vnsel vm1, $0x0, v5;
	v10 =	vsel vm0, v16, v10;
	v5 =	vadd.f32 $-1.000000000e+00, v14;
	v14 =	vpop (erf);
	[tilespmem:v3+s23+$0x0] =	vst.idx.add.f32.msk $0xffff, v1  }
0x156: {  	_ =	sdelay $0x3  }
0x157: {  	vm0 =	vlt.s32 v12, $0x0;
	v15 =	vandn.u32 $0x7FFC0000, v12;
	[tilespmem:v3+s24+$0x0] =	vst.idx.add.f32.msk $0xffff, v9;
	v3 =	vmin.u32 v11, $0x7FFF  }
0x158: {  	v2 =	vmul.f32 $1.442695020e+00, v2;
	v12 =	vsel vm0, v12, v15;
	v3 =	vxor.u32 $0x7FFF, v3  }
0x159: {  	v12 =	vshrl.u32 v12, $0x12  }
0x15a: {  	(erf) = vpow2.f32 v2  }
0x15b: {  	[tilespmem:v8+s3+$0x0] =	vst.idx.add.f32.msk $0xffff, v1  }
0x15c: {  	[tilespmem:v8+s22+$0x0] =	vst.idx.add.f32.msk $0xffff, v5;
	v2 =	vxor.u32 $0x7FFF, v6  }
0x15d: {  	[tilespmem:v3+s23+$0x0] =	vst.idx.add.f32.msk $0xffff, v1  }
0x15e: {  	v58 =	vadd.f32 $-1.000000000e+00, v14;
	v7 =	vshrl.u32 v7, $0x12;
	[tilespmem:v12+s3+$0x0] =	vst.idx.add.f32.msk $0xffff, v1  }
0x15f: {  	v59 =	vcvt.f32.s32 v13;
	v60 =	vshrl.u32 v10, $0x12;
	[tilespmem:v3+s24+$0x0] =	vst.idx.add.f32.msk $0xffff, v5  }
0x160: {  	[tilespmem:v12+s22+$0x0] =	vst.idx.add.f32.msk $0xffff, v58  }
0x161: {  	v4 =	vmin.u32 v4, $0x7FFF;
	vm15 =	vgt.s32 v59, $0x0;
	[tilespmem:v2+s23+$0x0] =	vst.idx.add.f32.msk $0xffff, v1  }
0x162: {  	v61 =	vnsel vm15, $0x0, v59;
	v3 =	vxor.u32 $0x7FFF, v4;
	[tilespmem:v2+s24+$0x0] =	vst.idx.add.f32.msk $0xffff, v58;
	v2 =	vpop (erf)  }
0x163: {  	v63 =	vmin.u32 v61, $0x7FFF;
	[tilespmem:v7+s3+$0x0] =	vst.idx.add.f32.msk $0xffff, v1;
	v62 =	vpop (erf);
	v2 =	vadd.f32 $-1.000000000e+00, v2  }
0x164: {  	[tilespmem:v60+s3+$0x0] =	vst.idx.add.f32.msk $0xffff, v1;
	v5 =	vxor.u32 $0x7FFF, v63;
	v4 =	vadd.f32 $-1.000000000e+00, v62  }
0x165: {  	p0 =	seq.s32 s28, $0x18;
	[tilespmem:v60+s22+$0x0] =	vst.idx.add.f32.msk $0xffff, v2  }
.Ltmp7:
0x166: {  	[tilespmem:v7+s22+$0x0] =	vst.idx.add.f32.msk $0xffff, v4;
	(pc) =	sbr.rel @p0 .LBB2_14-.Ltmp7, $4  }
0x167: {  	[tilespmem:v3+s23+$0x0] =	vst.idx.add.f32.msk $0xffff, v1  }
0x168: {  	[tilespmem:v3+s24+$0x0] =	vst.idx.add.f32.msk $0xffff, v2  }
0x169: {  	[tilespmem:v5+s23+$0x0] =	vst.idx.add.f32.msk $0xffff, v1  }
0x16a: {  	s29 =	sshll.u32 s28, $0xC;
	[tilespmem:v5+s24+$0x0] =	vst.idx.add.f32.msk $0xffff, v4  }
0x16b: {  	s1 =	rddreg [dreg:$0x7]  }
0x16c: {  	s1 =	sadd.s32 s29, s1  }
0x16d: {  	s1 =	sshrl.u32 s1, $0x3  }
0x16e: {  	s6 =	simm.s32 $0x18000;
	s5 =	sadd.s32 s4, s1  }
0x16f: {  	[tilespmem:s6], [sflag:$0x1] =	stream.linear.gather [hbm4b:s5+s3], $0x80, $0x38;
	[tilespmem:$0x1A000] =	vst v63  }
0x170: {  	s31 =	simm.s32 $0x18100;
	s30 =	sadd.s32 $0x10, s5  }
0x171: {  	[tilespmem:s31], [sflag:$0x1] =	stream.linear.gather [hbm4b:s30+s3], $0x80, $0x38;
	[tilespmem:$0x1A000] =	vst v63  }
0x172: {  	s7 =	sadd.s32 $0x20, s5;
	s31 =	simm.s32 $0x18200  }
0x173: {  	[tilespmem:s31], [sflag:$0x1] =	stream.linear.gather [hbm4b:s7+s3], $0x80, $0x38;
	[tilespmem:$0x1A000] =	vst v63  }
0x174: {  	s7 =	sadd.s32 $0x30, s5;
	s31 =	simm.s32 $0x18300  }
0x175: {  	[tilespmem:s31], [sflag:$0x1] =	stream.linear.gather [hbm4b:s7+s3], $0x80, $0x38;
	[tilespmem:$0x1A000] =	vst v63  }
0x176: {  	s7 =	sadd.s32 $0x40, s5;
	s31 =	simm.s32 $0x18400  }
0x177: {  	[tilespmem:s31], [sflag:$0x1] =	stream.linear.gather [hbm4b:s7+s3], $0x80, $0x38;
	[tilespmem:$0x1A000] =	vst v63  }
0x178: {  	s7 =	sadd.s32 $0x50, s5;
	s31 =	simm.s32 $0x18500  }
0x179: {  	[tilespmem:s31], [sflag:$0x1] =	stream.linear.gather [hbm4b:s7+s3], $0x80, $0x38;
	[tilespmem:$0x1A000] =	vst v63  }
0x17a: {  	s7 =	sadd.s32 $0x60, s5;
	s31 =	simm.s32 $0x18600  }
0x17b: {  	[tilespmem:s31], [sflag:$0x1] =	stream.linear.gather [hbm4b:s7+s3], $0x80, $0x38;
	[tilespmem:$0x1A000] =	vst v63  }
0x17c: {  	s7 =	sadd.s32 $0x70, s5;
	s31 =	simm.s32 $0x18700  }
0x17d: {  	[tilespmem:s31], [sflag:$0x1] =	stream.linear.gather [hbm4b:s7+s3], $0x80, $0x38;
	[tilespmem:$0x1A000] =	vst v63  }
0x17e: {  	s7 =	sadd.s32 $0x80, s5;
	s31 =	simm.s32 $0x18800  }
0x17f: {  	[tilespmem:s31], [sflag:$0x1] =	stream.linear.gather [hbm4b:s7+s3], $0x80, $0x38;
	[tilespmem:$0x1A000] =	vst v63  }
0x180: {  	s7 =	sadd.s32 $0x90, s5;
	s31 =	simm.s32 $0x18900  }
0x181: {  	[tilespmem:s31], [sflag:$0x1] =	stream.linear.gather [hbm4b:s7+s3], $0x80, $0x38;
	[tilespmem:$0x1A000] =	vst v63  }
0x182: {  	s7 =	sadd.s32 $0xA0, s5;
	s31 =	simm.s32 $0x18A00  }
0x183: {  	[tilespmem:s31], [sflag:$0x1] =	stream.linear.gather [hbm4b:s7+s3], $0x80, $0x38;
	[tilespmem:$0x1A000] =	vst v63  }
0x184: {  	s7 =	sadd.s32 $0xB0, s5;
	s31 =	simm.s32 $0x18B00  }
0x185: {  	[tilespmem:s31], [sflag:$0x1] =	stream.linear.gather [hbm4b:s7+s3], $0x80, $0x38;
	[tilespmem:$0x1A000] =	vst v63  }
0x186: {  	s7 =	sadd.s32 $0xC0, s5;
	s31 =	simm.s32 $0x18C00  }
0x187: {  	[tilespmem:s31], [sflag:$0x1] =	stream.linear.gather [hbm4b:s7+s3], $0x80, $0x38;
	[tilespmem:$0x1A000] =	vst v63  }
0x188: {  	s7 =	sadd.s32 $0xD0, s5;
	s31 =	simm.s32 $0x18D00  }
0x189: {  	[tilespmem:s31], [sflag:$0x1] =	stream.linear.gather [hbm4b:s7+s3], $0x80, $0x38;
	[tilespmem:$0x1A000] =	vst v63  }
0x18a: {  	s6 =	sadd.s32 $0xE0, s5;
	s7 =	simm.s32 $0x18E00  }
0x18b: {  	[tilespmem:s7], [sflag:$0x1] =	stream.linear.gather [hbm4b:s6+s3], $0x80, $0x38;
	[tilespmem:$0x1A000] =	vst v63  }
0x18c: {  	s5 =	sadd.s32 $0xF0, s5;
	s31 =	simm.s32 $0x18F00  }
0x18d: {  	[tilespmem:s31], [sflag:$0x1] =	stream.linear.gather [hbm4b:s5+s3], $0x80, $0x38;
	[tilespmem:$0x1A000] =	vst v63  }
0x18e: {  	s1 =	sadd.s32 s2, s1;
	s7 =	simm.s32 $0x19000  }
0x18f: {  	[tilespmem:s7], [sflag:$0x1] =	stream.linear.gather [hbm4b:s1+s3], $0x80, $0x38;
	[tilespmem:$0x1A000] =	vst v63  }
0x190: {  	s30 =	sadd.s32 $0x10, s1;
	s31 =	simm.s32 $0x19100  }
0x191: {  	[tilespmem:s31], [sflag:$0x1] =	stream.linear.gather [hbm4b:s30+s3], $0x80, $0x38;
	[tilespmem:$0x1A000] =	vst v63  }
0x192: {  	s6 =	sadd.s32 $0x20, s1;
	s7 =	simm.s32 $0x19200  }
0x193: {  	[tilespmem:s7], [sflag:$0x1] =	stream.linear.gather [hbm4b:s6+s3], $0x80, $0x38;
	[tilespmem:$0x1A000] =	vst v63  }
0x194: {  	s30 =	sadd.s32 $0x30, s1;
	s31 =	simm.s32 $0x19300  }
0x195: {  	[tilespmem:s31], [sflag:$0x1] =	stream.linear.gather [hbm4b:s30+s3], $0x80, $0x38;
	[tilespmem:$0x1A000] =	vst v63  }
0x196: {  	s6 =	sadd.s32 $0x40, s1;
	s7 =	simm.s32 $0x19400  }
0x197: {  	[tilespmem:s7], [sflag:$0x1] =	stream.linear.gather [hbm4b:s6+s3], $0x80, $0x38;
	[tilespmem:$0x1A000] =	vst v63  }
0x198: {  	s30 =	sadd.s32 $0x50, s1;
	s31 =	simm.s32 $0x19500  }
0x199: {  	[tilespmem:s31], [sflag:$0x1] =	stream.linear.gather [hbm4b:s30+s3], $0x80, $0x38;
	[tilespmem:$0x1A000] =	vst v63  }
0x19a: {  	s6 =	sadd.s32 $0x60, s1;
	s7 =	simm.s32 $0x19600  }
0x19b: {  	[tilespmem:s7], [sflag:$0x1] =	stream.linear.gather [hbm4b:s6+s3], $0x80, $0x38;
	[tilespmem:$0x1A000] =	vst v63  }
0x19c: {  	s30 =	sadd.s32 $0x70, s1;
	s31 =	simm.s32 $0x19700  }
0x19d: {  	[tilespmem:s31], [sflag:$0x1] =	stream.linear.gather [hbm4b:s30+s3], $0x80, $0x38;
	[tilespmem:$0x1A000] =	vst v63  }
0x19e: {  	s6 =	sadd.s32 $0x80, s1;
	s7 =	simm.s32 $0x19800  }
0x19f: {  	[tilespmem:s7], [sflag:$0x1] =	stream.linear.gather [hbm4b:s6+s3], $0x80, $0x38;
	[tilespmem:$0x1A000] =	vst v63  }
0x1a0: {  	s30 =	sadd.s32 $0x90, s1;
	s31 =	simm.s32 $0x19900  }
0x1a1: {  	[tilespmem:s31], [sflag:$0x1] =	stream.linear.gather [hbm4b:s30+s3], $0x80, $0x38;
	[tilespmem:$0x1A000] =	vst v63  }
0x1a2: {  	s6 =	sadd.s32 $0xA0, s1;
	s7 =	simm.s32 $0x19A00  }
0x1a3: {  	[tilespmem:s7], [sflag:$0x1] =	stream.linear.gather [hbm4b:s6+s3], $0x80, $0x38;
	[tilespmem:$0x1A000] =	vst v63  }
0x1a4: {  	s30 =	sadd.s32 $0xB0, s1;
	s31 =	simm.s32 $0x19B00  }
0x1a5: {  	[tilespmem:s31], [sflag:$0x1] =	stream.linear.gather [hbm4b:s30+s3], $0x80, $0x38;
	[tilespmem:$0x1A000] =	vst v63  }
0x1a6: {  	s6 =	sadd.s32 $0xC0, s1;
	s7 =	simm.s32 $0x19C00  }
0x1a7: {  	[tilespmem:s7], [sflag:$0x1] =	stream.linear.gather [hbm4b:s6+s3], $0x80, $0x38;
	[tilespmem:$0x1A000] =	vst v63  }
0x1a8: {  	s30 =	sadd.s32 $0xD0, s1;
	s31 =	simm.s32 $0x19D00  }
0x1a9: {  	[tilespmem:s31], [sflag:$0x1] =	stream.linear.gather [hbm4b:s30+s3], $0x80, $0x38;
	[tilespmem:$0x1A000] =	vst v63  }
0x1aa: {  	s7 =	sadd.s32 $0xE0, s1;
	s30 =	simm.s32 $0x19E00  }
0x1ab: {  	[tilespmem:s30], [sflag:$0x1] =	stream.linear.gather [hbm4b:s7+s3], $0x80, $0x38;
	[tilespmem:$0x1A000] =	vst v63  }
0x1ac: {  	s1 =	sadd.s32 $0xF0, s1;
	s31 =	simm.s32 $0x19F00  }
0x1ad: {  	[tilespmem:s31], [sflag:$0x1] =	stream.linear.gather [hbm4b:s1+s3], $0x80, $0x38;
	[tilespmem:$0x1A000] =	vst v63  }
.LBB2_14:
0x1ae: {  	_ =	swait.ge [sflag:s25], $0x800  }
0x1af: {  	p1 =	por $0x0, $0x0;
	s1 =	simm.s32 $0x1;
	[sflag:s25] =	ssyncset.done $0x0  }
0x1b0: {  	s1 =	simm.s32 @!p1 $0x0;
	[sflag:s25] =	ssyncadd.s32 $0xFFFFF800  }
0x1b1: {  	s1 =	sshll.u32 s1, $0x6;
	_ =	swait.ge [sflag:s25], $0x800  }
0x1b2: {  	s1 =	sadd.s32 $0x0, s1;
	[sflag:s25] =	ssyncset.done $0x0  }
0x1b3: {  	s5 =	sor.u32 $0x90, s1;
	[sflag:s25] =	ssyncadd.s32 $0xFFFFF800  }
0x1b4: {  	s30 =	sor.u32 $0x80, s1;
	v2 =	vld [tilespmem:s5+$0x19000]  }
0x1b5: {  	v3 =	vld [tilespmem:s30+$0x19000]  }
0x1b6: {  	s31 =	sor.u32 $0xA0, s1  }
0x1b7: {  	s6 =	sor.u32 $0xB0, s1;
	v4 =	vld [tilespmem:s31+$0x19000]  }
0x1b8: {  	v5 =	vld [tilespmem:s6+$0x19000]  }
0x1b9: {  	v8 =	vmul.f32 $3.276800000e+04, v2;
	v2 =	vmul.f32 $6.931471820e-01, v2  }
0x1ba: {  	v6 =	vmul.f32 $3.276800000e+04, v3  }
0x1bb: {  	v3 =	vmul.f32 $6.931471820e-01, v3;
	v2 =	vmul.f32 $1.442695020e+00, v2  }
0x1bc: {  	v10 =	vld [tilespmem:s5+$0x18000];
	v7 =	vmul.f32 $6.931471820e-01, v4;
	v4 =	vmul.f32 $3.276800000e+04, v4  }
0x1bd: {  	v9 =	vmul.f32 $6.931471820e-01, v5;
	(erf) = vpow2.f32 v2  }
0x1be: {  	v5 =	vmul.f32 $3.276800000e+04, v5;
	v7 =	vmul.f32 $1.442695020e+00, v7  }
0x1bf: {  	v11 =	vld [tilespmem:s31+$0x18000];
	v2 =	vtrunc.f32 v4;
	v4 =	vmul.f32 $1.442695020e+00, v9  }
0x1c0: {  	v2 =	vcvt.f32.s32 v2;
	(erf) = vpow2.f32 v7  }
0x1c1: {  	vm1 =	vlt.s32 v10, $0x0;
	v3 =	vmul.f32 $1.442695020e+00, v3;
	(erf) = vpow2.f32 v4  }
0x1c2: {  	v5 =	vtrunc.f32 v5;
	v4 =	vtrunc.f32 v6;
	vm0 =	vgt.s32 v2, $0x0  }
0x1c3: {  	v6 =	vandn.u32 $0x7FFC0000, v10;
	(erf) = vpow2.f32 v3;
	v7 =	vnsel vm0, $0x0, v2  }
0x1c4: {  	v2 =	vsel vm1, v10, v6;
	vm0 =	vlt.s32 v11, $0x0;
	v6 =	vandn.u32 $0x7FFC0000, v11  }
0x1c5: {  	v2 =	vshrl.u32 v2, $0x12;
	v9 =	vsel vm0, v11, v6;
	v6 =	vcvt.f32.s32 v5  }
0x1c6: {  	v4 =	vcvt.f32.s32 v4;
	v3 =	vtrunc.f32 v8;
	v5 =	vshrl.u32 v9, $0x12;
	v9 =	vld [tilespmem:s6+$0x18000];
	v10 =	vpop (erf)  }
0x1c7: {  	p1 =	por !p1, !p1;
	s1 =	simm.s32 $0x0;
	s31 =	simm.s32 $0x0;
	v8 =	vcvt.f32.s32 v3;
	vm0 =	vgt.s32 v6, $0x0;
	v3 =	vadd.f32 $-1.000000000e+00, v10  }
.LBB2_15:
0x1c8: {  	s5 =	simm.s32 $0x1  }
0x1c9: {  	s1 =	sadd.s32 $0x4, s1;
	v10 =	vld [tilespmem:s30+$0x18000];
	v11 =	vpop (erf);
	s5 =	simm.s32 @!p1 $0x0  }
0x1ca: {  	s31 =	sadd.s32 $0x80, s31;
	p2 =	slt.u32 s1, $0x7C;
	vm1 =	vgt.s32 v8, $0x0;
	v11 =	vadd.f32 $-1.000000000e+00, v11;
	s5 =	sshll.u32 s5, $0x6;
	[tilespmem:v2+s3+$0x0] =	vst.idx.add.f32.msk $0xffff, v1;
	v12 =	vpop (erf)  }
0x1cb: {  	v7 =	vmin.u32 v7, $0x7FFF;
	vm2 =	vlt.s32 v9, $0x0;
	v13 =	vandn.u32 $0x7FFC0000, v9;
	s5 =	sadd.s32 s5, s31;
	[tilespmem:v5+s3+$0x0] =	vst.idx.add.f32.msk $0xffff, v1  }
0x1cc: {  	v8 =	vnsel vm1, $0x0, v8;
	s30 =	sor.u32 $0x80, s5;
	s6 =	sor.u32 $0x90, s5;
	[tilespmem:v5+s22+$0x0] =	vst.idx.add.f32.msk $0xffff, v11;
	v5 =	vxor.u32 $0x7FFF, v7;
	v7 =	vsel vm2, v9, v13  }
0x1cd: {  	v17 =	vnsel vm0, $0x0, v6;
	v8 =	vmin.u32 v8, $0x7FFF;
	v9 =	vld [tilespmem:s6+$0x19000];
	v7 =	vshrl.u32 v7, $0x12  }
0x1ce: {  	v16 =	vmin.u32 v17, $0x7FFF;
	s7 =	sor.u32 $0xA0, s5;
	vm0 =	vlt.s32 v10, $0x0;
	v14 =	vandn.u32 $0x7FFC0000, v10;
	v13 =	vld [tilespmem:s30+$0x19000]  }
0x1cf: {  	s5 =	sor.u32 $0xB0, s5;
	v10 =	vsel vm0, v10, v14;
	v14 =	vxor.u32 $0x7FFF, v16;
	v15 =	vld [tilespmem:s7+$0x19000];
	v6 =	vpop (erf)  }
0x1d0: {  	v10 =	vshrl.u32 v10, $0x12;
	v16 =	vld [tilespmem:s5+$0x19000]  }
0x1d1: {  	v12 =	vadd.f32 $-1.000000000e+00, v12;
	[tilespmem:v5+s23+$0x0] =	vst.idx.add.f32.msk $0xffff, v1  }
0x1d2: {  	vm0 =	vgt.s32 v4, $0x0;
	v17 =	vmul.f32 $3.276800000e+04, v9;
	v9 =	vmul.f32 $6.931471820e-01, v9;
	[tilespmem:v7+s3+$0x0] =	vst.idx.add.f32.msk $0xffff, v1  }
0x1d3: {  	v4 =	vnsel vm0, $0x0, v4;
	v18 =	vmul.f32 $3.276800000e+04, v13;
	v13 =	vmul.f32 $6.931471820e-01, v13;
	[tilespmem:v7+s22+$0x0] =	vst.idx.add.f32.msk $0xffff, v12  }
0x1d4: {  	v4 =	vmin.u32 v4, $0x7FFF;
	v7 =	vmul.f32 $1.442695020e+00, v9;
	v9 =	vmul.f32 $6.931471820e-01, v15;
	[tilespmem:v14+s23+$0x0] =	vst.idx.add.f32.msk $0xffff, v1  }
0x1d5: {  	v4 =	vxor.u32 $0x7FFF, v4;
	v15 =	vmul.f32 $3.276800000e+04, v15;
	v19 =	vmul.f32 $6.931471820e-01, v16;
	[tilespmem:v10+s3+$0x0] =	vst.idx.add.f32.msk $0xffff, v1  }
0x1d6: {  	v20 =	vld [tilespmem:s6+$0x18000];
	v9 =	vmul.f32 $1.442695020e+00, v9;
	(erf) = vpow2.f32 v7  }
0x1d7: {  	v6 =	vadd.f32 $-1.000000000e+00, v6;
	v7 =	vtrunc.f32 v15;
	v21 =	vld [tilespmem:s7+$0x18000];
	v15 =	vmul.f32 $1.442695020e+00, v19  }
0x1d8: {  	v8 =	vxor.u32 $0x7FFF, v8;
	v7 =	vcvt.f32.s32 v7;
	(erf) = vpow2.f32 v9;
	[tilespmem:v5+s24+$0x0] =	vst.idx.add.f32.msk $0xffff, v11  }
0x1d9: {  	v5 =	vmul.f32 $3.276800000e+04, v16;
	(erf) = vpow2.f32 v15;
	[tilespmem:v10+s22+$0x0] =	vst.idx.add.f32.msk $0xffff, v6  }
0x1da: {  	v11 =	vmul.f32 $1.442695020e+00, v13;
	v10 =	vtrunc.f32 v18;
	vm0 =	vgt.s32 v7, $0x0;
	[tilespmem:v4+s23+$0x0] =	vst.idx.add.f32.msk $0xffff, v1  }
0x1db: {  	v7 =	vnsel vm0, $0x0, v7;
	vm1 =	vlt.s32 v20, $0x0;
	v9 =	vandn.u32 $0x7FFC0000, v20;
	[tilespmem:v4+s24+$0x0] =	vst.idx.add.f32.msk $0xffff, v6  }
.Ltmp8:
0x1dc: {  	v4 =	vsel vm1, v20, v9;
	vm0 =	vlt.s32 v21, $0x0;
	v6 =	vandn.u32 $0x7FFC0000, v21;
	[tilespmem:v2+s22+$0x0] =	vst.idx.add.f32.msk $0xffff, v3;
	(pc) =	sbr.rel @p2 .LBB2_15-.Ltmp8, $4  }
0x1dd: {  	v2 =	vshrl.u32 v4, $0x12;
	v4 =	vsel vm0, v21, v6;
	v6 =	vtrunc.f32 v5;
	[tilespmem:v8+s23+$0x0] =	vst.idx.add.f32.msk $0xffff, v1  }
0x1de: {  	v5 =	vshrl.u32 v4, $0x12;
	v9 =	vld [tilespmem:s5+$0x18000];
	v6 =	vcvt.f32.s32 v6;
	(erf) = vpow2.f32 v11  }
0x1df: {  	v4 =	vcvt.f32.s32 v10;
	v10 =	vtrunc.f32 v17;
	v11 =	vpop (erf);
	[tilespmem:v8+s24+$0x0] =	vst.idx.add.f32.msk $0xffff, v3  }
0x1e0: {  	p1 =	por !p1, !p1;
	v8 =	vcvt.f32.s32 v10;
	v3 =	vadd.f32 $-1.000000000e+00, v11;
	vm0 =	vgt.s32 v6, $0x0;
	[tilespmem:v14+s24+$0x0] =	vst.idx.add.f32.msk $0xffff, v12  }
0x1e1: {  	_ = 	snop  }
0x1e2: {  	v7 =	vmin.u32 v7, $0x7FFF  }
0x1e3: {  	v7 =	vxor.u32 $0x7FFF, v7  }
0x1e4: {  	v10 =	vld [tilespmem:s30+$0x18000];
	vm15 =	vgt.s32 v8, $0x0;
	vm1 =	vlt.s32 v9, $0x0;
	v11 =	vandn.u32 $0x7FFC0000, v9  }
0x1e5: {  	v12 =	vpop (erf);
	[tilespmem:v2+s3+$0x0] =	vst.idx.add.f32.msk $0xffff, v1;
	v8 =	vnsel vm15, $0x0, v8;
	v9 =	vsel vm1, v9, v11  }
0x1e6: {  	[tilespmem:v5+s3+$0x0] =	vst.idx.add.f32.msk $0xffff, v1;
	v58 =	vadd.f32 $-1.000000000e+00, v12;
	v8 =	vmin.u32 v8, $0x7FFF;
	v9 =	vshrl.u32 v9, $0x12  }
0x1e7: {  	[tilespmem:v2+s22+$0x0] =	vst.idx.add.f32.msk $0xffff, v3;
	v8 =	vxor.u32 $0x7FFF, v8  }
0x1e8: {  	v6 =	vnsel vm0, $0x0, v6;
	[tilespmem:v5+s22+$0x0] =	vst.idx.add.f32.msk $0xffff, v58  }
0x1e9: {  	v6 =	vmin.u32 v6, $0x7FFF;
	vm13 =	vlt.s32 v10, $0x0;
	v59 =	vandn.u32 $0x7FFC0000, v10;
	[tilespmem:v7+s23+$0x0] =	vst.idx.add.f32.msk $0xffff, v1  }
0x1ea: {  	v60 =	vpop (erf);
	v6 =	vxor.u32 $0x7FFF, v6;
	v10 =	vsel vm13, v10, v59;
	[tilespmem:v7+s24+$0x0] =	vst.idx.add.f32.msk $0xffff, v58  }
0x1eb: {  	vm14 =	vgt.s32 v4, $0x0;
	v62 =	vadd.f32 $-1.000000000e+00, v60;
	v61 =	vshrl.u32 v10, $0x12;
	[tilespmem:v9+s3+$0x0] =	vst.idx.add.f32.msk $0xffff, v1  }
0x1ec: {  	v4 =	vnsel vm14, $0x0, v4;
	[tilespmem:v8+s23+$0x0] =	vst.idx.add.f32.msk $0xffff, v1  }
0x1ed: {  	v4 =	vmin.u32 v4, $0x7FFF;
	[tilespmem:v9+s22+$0x0] =	vst.idx.add.f32.msk $0xffff, v62  }
0x1ee: {  	v4 =	vxor.u32 $0x7FFF, v4;
	[tilespmem:v8+s24+$0x0] =	vst.idx.add.f32.msk $0xffff, v3  }
0x1ef: {  	v63 =	vpop (erf);
	[tilespmem:v6+s23+$0x0] =	vst.idx.add.f32.msk $0xffff, v1  }
.Ltmp9:
0x1f0: {  	v9 =	vadd.f32 $-1.000000000e+00, v63;
	[tilespmem:v61+s3+$0x0] =	vst.idx.add.f32.msk $0xffff, v1;
	(pc) =	sbr.rel @p0 .LBB2_18-.Ltmp9, $4  }
0x1f1: {  	[tilespmem:v6+s24+$0x0] =	vst.idx.add.f32.msk $0xffff, v62  }
0x1f2: {  	[tilespmem:v61+s22+$0x0] =	vst.idx.add.f32.msk $0xffff, v9  }
0x1f3: {  	[tilespmem:v4+s23+$0x0] =	vst.idx.add.f32.msk $0xffff, v1  }
0x1f4: {  	[tilespmem:v4+s24+$0x0] =	vst.idx.add.f32.msk $0xffff, v9  }
0x1f5: {  	s1 =	sadd.s32 s29, s10  }
0x1f6: {  	s1 =	sshrl.u32 s1, $0x3  }
0x1f7: {  	s6 =	simm.s32 $0x18080;
	s5 =	sadd.s32 s4, s1  }
0x1f8: {  	[tilespmem:s6], [sflag:$0x2] =	stream.linear.gather [hbm4b:s5+s3], $0x80, $0x38;
	[tilespmem:$0x1A000] =	vst v63  }
0x1f9: {  	s7 =	simm.s32 $0x18180;
	s29 =	sadd.s32 $0x10, s5  }
0x1fa: {  	[tilespmem:s7], [sflag:$0x2] =	stream.linear.gather [hbm4b:s29+s3], $0x80, $0x38;
	[tilespmem:$0x1A000] =	vst v63  }
0x1fb: {  	s31 =	simm.s32 $0x18280;
	s30 =	sadd.s32 $0x20, s5  }
0x1fc: {  	[tilespmem:s31], [sflag:$0x2] =	stream.linear.gather [hbm4b:s30+s3], $0x80, $0x38;
	[tilespmem:$0x1A000] =	vst v63  }
0x1fd: {  	s7 =	sadd.s32 $0x30, s5;
	s29 =	simm.s32 $0x18380  }
0x1fe: {  	[tilespmem:s29], [sflag:$0x2] =	stream.linear.gather [hbm4b:s7+s3], $0x80, $0x38;
	[tilespmem:$0x1A000] =	vst v63  }
0x1ff: {  	s30 =	sadd.s32 $0x40, s5;
	s31 =	simm.s32 $0x18480  }
0x200: {  	[tilespmem:s31], [sflag:$0x2] =	stream.linear.gather [hbm4b:s30+s3], $0x80, $0x38;
	[tilespmem:$0x1A000] =	vst v63  }
0x201: {  	s7 =	sadd.s32 $0x50, s5;
	s29 =	simm.s32 $0x18580  }
0x202: {  	[tilespmem:s29], [sflag:$0x2] =	stream.linear.gather [hbm4b:s7+s3], $0x80, $0x38;
	[tilespmem:$0x1A000] =	vst v63  }
0x203: {  	s30 =	sadd.s32 $0x60, s5;
	s31 =	simm.s32 $0x18680  }
0x204: {  	[tilespmem:s31], [sflag:$0x2] =	stream.linear.gather [hbm4b:s30+s3], $0x80, $0x38;
	[tilespmem:$0x1A000] =	vst v63  }
0x205: {  	s7 =	sadd.s32 $0x70, s5;
	s29 =	simm.s32 $0x18780  }
0x206: {  	[tilespmem:s29], [sflag:$0x2] =	stream.linear.gather [hbm4b:s7+s3], $0x80, $0x38;
	[tilespmem:$0x1A000] =	vst v63  }
0x207: {  	s30 =	sadd.s32 $0x80, s5;
	s31 =	simm.s32 $0x18880  }
0x208: {  	[tilespmem:s31], [sflag:$0x2] =	stream.linear.gather [hbm4b:s30+s3], $0x80, $0x38;
	[tilespmem:$0x1A000] =	vst v63  }
0x209: {  	s7 =	sadd.s32 $0x90, s5;
	s29 =	simm.s32 $0x18980  }
0x20a: {  	[tilespmem:s29], [sflag:$0x2] =	stream.linear.gather [hbm4b:s7+s3], $0x80, $0x38;
	[tilespmem:$0x1A000] =	vst v63  }
0x20b: {  	s30 =	sadd.s32 $0xA0, s5;
	s31 =	simm.s32 $0x18A80  }
0x20c: {  	[tilespmem:s31], [sflag:$0x2] =	stream.linear.gather [hbm4b:s30+s3], $0x80, $0x38;
	[tilespmem:$0x1A000] =	vst v63  }
0x20d: {  	s7 =	sadd.s32 $0xB0, s5;
	s29 =	simm.s32 $0x18B80  }
0x20e: {  	[tilespmem:s29], [sflag:$0x2] =	stream.linear.gather [hbm4b:s7+s3], $0x80, $0x38;
	[tilespmem:$0x1A000] =	vst v63  }
0x20f: {  	s30 =	sadd.s32 $0xC0, s5;
	s31 =	simm.s32 $0x18C80  }
0x210: {  	[tilespmem:s31], [sflag:$0x2] =	stream.linear.gather [hbm4b:s30+s3], $0x80, $0x38;
	[tilespmem:$0x1A000] =	vst v63  }
0x211: {  	s7 =	sadd.s32 $0xD0, s5;
	s29 =	simm.s32 $0x18D80  }
0x212: {  	[tilespmem:s29], [sflag:$0x2] =	stream.linear.gather [hbm4b:s7+s3], $0x80, $0x38;
	[tilespmem:$0x1A000] =	vst v63  }
0x213: {  	s30 =	sadd.s32 $0xE0, s5;
	s31 =	simm.s32 $0x18E80  }
0x214: {  	[tilespmem:s31], [sflag:$0x2] =	stream.linear.gather [hbm4b:s30+s3], $0x80, $0x38;
	[tilespmem:$0x1A000] =	vst v63  }
0x215: {  	s5 =	sadd.s32 $0xF0, s5;
	s7 =	simm.s32 $0x18F80  }
0x216: {  	[tilespmem:s7], [sflag:$0x2] =	stream.linear.gather [hbm4b:s5+s3], $0x80, $0x38;
	[tilespmem:$0x1A000] =	vst v63  }
0x217: {  	s1 =	sadd.s32 s2, s1;
	s29 =	simm.s32 $0x19080  }
0x218: {  	[tilespmem:s29], [sflag:$0x2] =	stream.linear.gather [hbm4b:s1+s3], $0x80, $0x38;
	[tilespmem:$0x1A000] =	vst v63  }
0x219: {  	s30 =	sadd.s32 $0x10, s1;
	s31 =	simm.s32 $0x19180  }
0x21a: {  	[tilespmem:s31], [sflag:$0x2] =	stream.linear.gather [hbm4b:s30+s3], $0x80, $0x38;
	[tilespmem:$0x1A000] =	vst v63  }
0x21b: {  	s7 =	sadd.s32 $0x20, s1;
	s29 =	simm.s32 $0x19280  }
0x21c: {  	[tilespmem:s29], [sflag:$0x2] =	stream.linear.gather [hbm4b:s7+s3], $0x80, $0x38;
	[tilespmem:$0x1A000] =	vst v63  }
0x21d: {  	s30 =	sadd.s32 $0x30, s1  }
0x21e: {  	[tilespmem:s8], [sflag:$0x2] =	stream.linear.gather [hbm4b:s30+s3], $0x80, $0x38;
	[tilespmem:$0x1A000] =	vst v63  }
0x21f: {  	s31 =	sadd.s32 $0x40, s1  }
0x220: {  	[tilespmem:s0], [sflag:$0x2] =	stream.linear.gather [hbm4b:s31+s3], $0x80, $0x38;
	[tilespmem:$0x1A000] =	vst v63  }
0x221: {  	s6 =	sadd.s32 $0x50, s1  }
0x222: {  	[tilespmem:s11], [sflag:$0x2] =	stream.linear.gather [hbm4b:s6+s3], $0x80, $0x38;
	[tilespmem:$0x1A000] =	vst v63  }
0x223: {  	s7 =	sadd.s32 $0x60, s1  }
0x224: {  	[tilespmem:s12], [sflag:$0x2] =	stream.linear.gather [hbm4b:s7+s3], $0x80, $0x38;
	[tilespmem:$0x1A000] =	vst v63  }
0x225: {  	s29 =	sadd.s32 $0x70, s1  }
0x226: {  	[tilespmem:s13], [sflag:$0x2] =	stream.linear.gather [hbm4b:s29+s3], $0x80, $0x38;
	[tilespmem:$0x1A000] =	vst v63  }
0x227: {  	s30 =	sadd.s32 $0x80, s1  }
0x228: {  	[tilespmem:s14], [sflag:$0x2] =	stream.linear.gather [hbm4b:s30+s3], $0x80, $0x38;
	[tilespmem:$0x1A000] =	vst v63  }
0x229: {  	s31 =	sadd.s32 $0x90, s1  }
0x22a: {  	[tilespmem:s15], [sflag:$0x2] =	stream.linear.gather [hbm4b:s31+s3], $0x80, $0x38;
	[tilespmem:$0x1A000] =	vst v63  }
0x22b: {  	s6 =	sadd.s32 $0xA0, s1  }
0x22c: {  	[tilespmem:s9], [sflag:$0x2] =	stream.linear.gather [hbm4b:s6+s3], $0x80, $0x38;
	[tilespmem:$0x1A000] =	vst v63  }
0x22d: {  	s7 =	sadd.s32 $0xB0, s1  }
0x22e: {  	[tilespmem:s16], [sflag:$0x2] =	stream.linear.gather [hbm4b:s7+s3], $0x80, $0x38;
	[tilespmem:$0x1A000] =	vst v63  }
0x22f: {  	s29 =	sadd.s32 $0xC0, s1  }
0x230: {  	[tilespmem:s17], [sflag:$0x2] =	stream.linear.gather [hbm4b:s29+s3], $0x80, $0x38;
	[tilespmem:$0x1A000] =	vst v63  }
0x231: {  	s30 =	sadd.s32 $0xD0, s1  }
0x232: {  	[tilespmem:s18], [sflag:$0x2] =	stream.linear.gather [hbm4b:s30+s3], $0x80, $0x38;
	[tilespmem:$0x1A000] =	vst v63  }
.Ltmp10:
0x233: {  	_ = 	snop;
	(pc) =	sbr.rel .LBB2_10-.Ltmp10, $4  }
0x234: {  	s31 =	sadd.s32 $0xE0, s1  }
0x235: {  	[tilespmem:s19], [sflag:$0x2] =	stream.linear.gather [hbm4b:s31+s3], $0x80, $0x38;
	[tilespmem:$0x1A000] =	vst v63  }
0x236: {  	s28 =	sadd.s32 $0x1, s28;
	s1 =	sadd.s32 $0xF0, s1  }
0x237: {  	[tilespmem:s20], [sflag:$0x2] =	stream.linear.gather [hbm4b:s1+s3], $0x80, $0x38;
	[tilespmem:$0x1A000] =	vst v63  }
.LBB2_19:
0x238: {  	_ =	sfence.sel $0x180000  }
0x239: {  	[bflag:$0x0] =	sbarrier.arrive $0xFFFF  }
0x23a: {  	_ =	strace $0x90000047  }
0x23b: {  	s0 =	stileid.u32;
	[bflag:$0x2] =	sbarrier.arrive $0xFFFF  }
0x23c: {  	p0 =	sne.s32 s0, $0x0;
	s0 =	rddreg [dreg:$0x2]  }
0x23d: {  	s0 =	sadd.s32 @!p0 $0x100000, s0  }
0x23e: {  	[sflag:s0] =	ssyncadd.tile.s32 @!p0 $0x1;
	_ =	shalt  }
.Lfunc_end2:
_tile_overlayer_lowered:
.L_overlay_start_2:
0x23f: {  	(tag) =	ssettag $0x2  }
0x240: {  	s0 =	rddreg [dreg:$0x0];
	s2 =	stileid.u32  }
0x241: {  	s1 =	rddreg [dreg:$0x1];
	p0 =	sne.s32 s2, $0x0  }
0x242: {  	s3 =	rddreg [dreg:$0x2];
	[bflag:$0x3] =	sbarrier.arrive $0xFFFF;
	s2 =	simm.s32 @!p0 $0x1C03  }
0x243: {  	[timem:s3], [sflag:s2] =	dma.local @!p0 [hbm:s0], s1  }
0x244: {  	s0 =	simm.s32 @!p0 $0x3  }
0x245: {  	_ =	swait.ge @!p0 [sflag:s0], s1  }
0x246: {  	s1 =	ssub.s32 @!p0 $0x0, s1;
	[sflag:s0] =	ssyncset.done @!p0 $0x0  }
0x247: {  	[sflag:s0] =	ssyncadd.s32 @!p0 s1  }
0x248: {  	[bflag:$0x3] =	sbarrier.arrive $0xFFFF  }
0x249: {  	_ =	shalt  }

</sc_bundles>
